<compile_context>
chip_gen: v7x
topology: tpu7x:2x2x1
jax: 0.10.2.dev20260603
libtpu: 0.0.44.dev20260713+nightly
codegen_flags: <defaults>
</compile_context>

<pallas_src>
import dataclasses
import functools

import jax
import jax.numpy as jnp
from jax import lax
from jax.experimental import pallas as pl
from jax.experimental.pallas import tpu as pltpu
from jax.experimental.pallas import tpu_sc as plsc

N = 10000
E = 320000
D = 128
NC = 2
NS = 16
NW = NC * NS
CHD = 128
CD = 80
HP = 4
NB = 4
CHA = 64
ZB = 64
EPAD = NW * CD * CHD
NPAD = 10240
HR = NPAD // D
RPW = NPAD // NS


def _mesh():
    return plsc.VectorSubcoreMesh(core_axis_name="c", subcore_axis_name="s")


def _no_layout_params():
    cp = pltpu.CompilerParams()
    if "needs_layout_passes" in pltpu.CompilerParams.__dataclass_fields__:
        cp = dataclasses.replace(cp, needs_layout_passes=False)
    return cp


def _sc_degree(dst_rows):

    @functools.partial(
        pl.kernel,
        out_type=jax.ShapeDtypeStruct((NC * HR, D), jnp.float32),
        mesh=_mesh(),
        compiler_params=_no_layout_params(),
        scratch_types=[
            pltpu.VMEM((CD, CHD), jnp.int32),
            pltpu.VMEM((HR, D), jnp.float32),
            pltpu.VMEM((8, D), jnp.float32),
            pltpu.VMEM((HR,), jnp.int32),
            pltpu.VMEM_SHARED((HR, D), jnp.float32),
            pltpu.SemaphoreType.DMA,
        ],
    )
    def deg_kernel(dst_hbm, out_hbm, dstv, hist, zerov, rowidx, sph, sem):
        c = lax.axis_index("c")
        s = lax.axis_index("s")
        w = c * NS + s

        pltpu.async_copy(dst_hbm.at[pl.ds(w * CD, CD)], dstv, sem)

        @pl.loop(0, HR)
        def _(i):
            @pl.loop(0, D, step=16)
            def _(k):
                hist[i, pl.ds(k, 16)] = jnp.zeros((16,), jnp.float32)

        @pl.loop(0, 8)
        def _(i):
            @pl.loop(0, D, step=16)
            def _(k):
                zerov[i, pl.ds(k, 16)] = jnp.zeros((16,), jnp.float32)

        @pl.loop(0, HR, step=16)
        def _(k):
            rowidx[pl.ds(k, 16)] = lax.iota(jnp.int32, 16) + k

        @pl.when(s < HR // 8)
        def _():
            pltpu.sync_copy(zerov, sph.at[pl.ds(s * 8, 8)])

        pltpu.make_async_copy(dst_hbm.at[pl.ds(w * CD, CD)], dstv, sem).wait()
        plsc.subcore_barrier()

        @pl.loop(0, CD)
        def _(j):
            @pl.loop(0, CHD, step=16)
            def _(k):
                v = dstv[j, pl.ds(k, 16)]
                cnt, last = plsc.scan_count(v)
                plsc.addupdate_scatter(
                    hist,
                    [v >> 7, v & 127],
                    cnt.astype(jnp.float32),
                    mask=last,
                )

        pltpu.sync_copy(hist, sph.at[rowidx], add=True)
        plsc.subcore_barrier()

        @pl.when(s < HR // 8)
        def _():
            pltpu.sync_copy(
                sph.at[pl.ds(s * 8, 8)],
                out_hbm.at[pl.ds(c * HR + s * 8, 8)],
            )

    return deg_kernel(dst_rows)


def _sc_aggregate(y, zeros_hbm, src_rows, dst_rows):
    CP = (CD * CHD) // (HP * CHA)

    @functools.partial(
        pl.kernel,
        out_type=jax.ShapeDtypeStruct((NC * NPAD, D), jnp.float32),
        mesh=_mesh(),
        scratch_types=[
            pltpu.VMEM((CP, CHA), jnp.int32),
            pltpu.VMEM((CP, CHA), jnp.int32),
        ]
        + [pltpu.VMEM((CHA, D), jnp.float32) for _ in range(NB)]
        + [
            pltpu.VMEM_SHARED((NPAD, D), jnp.float32),
            pltpu.SemaphoreType.DMA,
        ]
        + [pltpu.SemaphoreType.DMA for _ in range(NB)]
        + [pltpu.SemaphoreType.DMA for _ in range(NB)],
    )
    def agg_kernel(y_hbm, z_hbm, src_hbm, dst_hbm, out_hbm, srcv, dstv, *rest):
        rows = rest[:NB]
        aggs = rest[NB]
        zsem = rest[NB + 1]
        gsems = rest[NB + 2 : NB + 2 + NB]
        ssems = rest[NB + 2 + NB :]
        c = lax.axis_index("c")
        s = lax.axis_index("s")
        w = c * NS + s

        base0 = w * CP * HP
        pltpu.async_copy(src_hbm.at[pl.ds(base0, CP)], srcv, ssems[0])
        pltpu.async_copy(dst_hbm.at[pl.ds(base0, CP)], dstv, ssems[1])

        @pl.loop(0, RPW // ZB)
        def _(i):
            pltpu.async_copy(z_hbm, aggs.at[pl.ds(s * RPW + i * ZB, ZB)], zsem)

        pltpu.make_async_copy(src_hbm.at[pl.ds(base0, CP)], srcv, ssems[0]).wait()
        pltpu.make_async_copy(dst_hbm.at[pl.ds(base0, CP)], dstv, ssems[1]).wait()
        for b in range(NB):
            pltpu.async_copy(y_hbm.at[srcv.at[b]], rows[b], gsems[b])

        @pl.loop(0, RPW // ZB)
        def _(i):
            pltpu.make_async_copy(
                z_hbm, aggs.at[pl.ds(s * RPW + i * ZB, ZB)], zsem
            ).wait()

        plsc.subcore_barrier()

        for p in range(HP):
            if p > 0:
                base = w * CP * HP + p * CP
                pltpu.sync_copy(src_hbm.at[pl.ds(base, CP)], srcv)
                pltpu.sync_copy(dst_hbm.at[pl.ds(base, CP)], dstv)

                for b in range(NB):
                    pltpu.async_copy(y_hbm.at[srcv.at[b]], rows[b], gsems[b])

            @pl.loop(0, CP, step=NB)
            def _(j):
                for b in range(NB):
                    pltpu.make_async_copy(
                        y_hbm.at[srcv.at[j + b]], rows[b], gsems[b]
                    ).wait()
                    pltpu.async_copy(
                        rows[b], aggs.at[dstv.at[j + b]], ssems[b], add=True
                    )
                for b in range(NB):
                    pltpu.make_async_copy(
                        rows[b], aggs.at[dstv.at[j + b]], ssems[b]
                    ).wait()

                    @pl.when(j + NB + b < CP)
                    def _():
                        pltpu.async_copy(
                            y_hbm.at[srcv.at[j + NB + b]], rows[b], gsems[b]
                        )

        plsc.subcore_barrier()
        pltpu.sync_copy(
            aggs.at[pl.ds(s * RPW, RPW)],
            out_hbm.at[pl.ds(c * NPAD + s * RPW, RPW)],
        )

    return agg_kernel(y, zeros_hbm, src_rows, dst_rows)


def _tc_matmul(x, W):
    def body(x_ref, w_ref, o_ref):
        o_ref[...] = jnp.dot(
            x_ref[...], w_ref[...], preferred_element_type=jnp.float32
        )

    return pl.pallas_call(
        body, out_shape=jax.ShapeDtypeStruct((N, D), jnp.float32)
    )(x, W)


def _tc_norm_scale(d0, d1, xw):

    def body(d0_ref, d1_ref, xw_ref, dis_ref, y_ref):
        deg = 1.0 + d0_ref[...] + d1_ref[...]
        dis = lax.rsqrt(deg)
        dis_ref[...] = dis
        y_ref[...] = jnp.broadcast_to(dis, (N, D)) * xw_ref[...]

    return pl.pallas_call(
        body,
        out_shape=[
            jax.ShapeDtypeStruct((N, 1), jnp.float32),
            jax.ShapeDtypeStruct((N, D), jnp.float32),
        ],
    )(d0, d1, xw)


def _tc_layer(agg_parts, y, dis_b, b, W):

    def body(a_ref, y_ref, d_ref, b_ref, w_ref, o_ref):
        d = jnp.broadcast_to(d_ref[...], (N, D))
        a = a_ref[:N, :] + a_ref[NPAD:NPAD + N, :]
        h = jnp.maximum(d * (a + y_ref[...]) + b_ref[...], 0.0)
        o_ref[...] = d * jnp.dot(h, w_ref[...], preferred_element_type=jnp.float32)

    return pl.pallas_call(
        body, out_shape=jax.ShapeDtypeStruct((N, D), jnp.float32)
    )(agg_parts, y, dis_b, b, W)


def _tc_final(agg_parts, y, dis_b, b, Whp, bhp):

    def body(a_ref, y_ref, d_ref, b_ref, w_ref, bo_ref, o_ref):
        a = a_ref[:N, :] + a_ref[NPAD:NPAD + N, :]
        h = jnp.maximum(
            jnp.broadcast_to(d_ref[...], (N, D)) * (a + y_ref[...]) + b_ref[...],
            0.0,
        )
        o_ref[...] = (
            jnp.dot(h, w_ref[...], preferred_element_type=jnp.float32) + bo_ref[...]
        )

    return pl.pallas_call(
        body, out_shape=jax.ShapeDtypeStruct((N, 2), jnp.float32)
    )(agg_parts, y, dis_b, b, Whp, bhp)


def kernel(x, edge_index, W1, b1, W2, b2, Wd, bd, Wp, bp):
    ei = edge_index.astype(jnp.int32)
    src = ei[0]
    dst = ei[1]
    pad = EPAD - E
    fill = jnp.arange(pad, dtype=jnp.int32)
    srcp = jnp.concatenate([src, fill % N]).reshape(NW * CD, CHD)
    dstp = jnp.concatenate([dst, N + fill % (NPAD - N)]).reshape(NW * CD, CHD)
    zblk = jnp.zeros((ZB, D), jnp.float32)

    deg_parts = _sc_degree(dstp)
    d0 = deg_parts[:HR].reshape(NPAD, 1)[:N]
    d1 = deg_parts[HR:].reshape(NPAD, 1)[:N]
    xw1 = _tc_matmul(x, W1)
    dis_b, y1 = _tc_norm_scale(d0, d1, xw1)

    srcpa = srcp.reshape(-1, CHA)
    dstpa = dstp.reshape(-1, CHA)
    a1 = _sc_aggregate(y1, zblk, srcpa, dstpa)
    y2 = _tc_layer(a1, y1, dis_b, b1.reshape(1, D), W2)

    a2 = _sc_aggregate(y2, zblk, srcpa, dstpa)
    whp = jnp.concatenate([Wd, Wp], axis=1)
    bhp = jnp.concatenate([bd, bp]).reshape(1, 2)
    out = _tc_final(a2, y2, dis_b, b2.reshape(1, D), whp, bhp)
    return out[:, :1], out[:, 1:2]

# --- scband reference (transcript-rebuilt; emitter-appended) ---
"""Pipeline reference for scband-gnn-84061099917639 (READ-ONLY COPY).

The authoritative reference and input builder live on the scoring server;
editing this copy changes nothing except your own understanding.
"""

import jax, jax.numpy as jnp
import numpy as np

N_NODES = 10000
N_EDGES = 320000
D_IN = 128
D_HID = 128
D_OUT = 128


def gcn_conv(x, edge_index, W, b):
    N = x.shape[0]
    src = edge_index[0]
    dst = edge_index[1]
    loop = jnp.arange(N, dtype=edge_index.dtype)
    src = jnp.concatenate([src, loop])
    dst = jnp.concatenate([dst, loop])
    # symmetric normalization D^{-1/2} (A+I) D^{-1/2}
    deg = jnp.zeros((N,), dtype=x.dtype).at[dst].add(1.0)
    deg_inv_sqrt = jnp.where(deg > 0, jax.lax.rsqrt(jnp.maximum(deg, 1e-12)), 0.0)
    norm = deg_inv_sqrt[src] * deg_inv_sqrt[dst]
    xw = x @ W
    msgs = xw[src] * norm[:, None]
    out = jnp.zeros_like(xw).at[dst].add(msgs)
    return out + b


def setup_inputs(seed: int = 0) -> dict:
    key = jax.random.key(seed)
    ks = jax.random.split(key, 10)
    x = jax.random.normal(ks[0], (N_NODES, D_IN), dtype=jnp.float32)
    edge_index = jax.random.randint(ks[1], (2, N_EDGES), 0, N_NODES, dtype=jnp.int64)
    s1 = 1.0 / np.sqrt(D_IN)
    s2 = 1.0 / np.sqrt(D_HID)
    s3 = 1.0 / np.sqrt(D_OUT)
    W1 = jax.random.uniform(ks[2], (D_IN, D_HID), jnp.float32, -s1, s1)
    b1 = jnp.zeros((D_HID,), dtype=jnp.float32)
    W2 = jax.random.uniform(ks[3], (D_HID, D_OUT), jnp.float32, -s2, s2)
    b2 = jnp.zeros((D_OUT,), dtype=jnp.float32)
    Wd = jax.random.uniform(ks[4], (D_OUT, 1), jnp.float32, -s3, s3)
    bd = jax.random.uniform(ks[5], (1,), jnp.float32, -s3, s3)
    Wp = jax.random.uniform(ks[6], (D_OUT, 1), jnp.float32, -s3, s3)
    bp = jax.random.uniform(ks[7], (1,), jnp.float32, -s3, s3)
    return {"x": x, "edge_index": edge_index, "W1": W1, "b1": b1, "W2": W2, "b2": b2, "Wd": Wd, "bd": bd, "Wp": Wp, "bp": bp}


def reference(x, edge_index, W1, b1, W2, b2, Wd, bd, Wp, bp):
    h = gcn_conv(x, edge_index, W1, b1)
    h = jax.nn.relu(h)
    h = gcn_conv(h, edge_index, W2, b2)
    h = jax.nn.relu(h)
    duration_out = h @ Wd + bd
    phase_out = h @ Wp + bp
    return (duration_out, phase_out)

if __name__ == "__main__":
    import jax
    _d = setup_inputs()
    print(jax.jit(kernel)(*tuple(_d.values())))

</pallas_src>

<mosaic_0001>
#map = affine_map<(d0, d1) -> (0, 0)>
module attributes {stable_mosaic.version = 14 : i64} {
  func.func @deg_kernel(%arg0: i32, %arg1: i32, %arg2: memref<2560x128xi32, #tpu.memory_space<hbm>>, %arg3: memref<160x128xf32, #tpu.memory_space<hbm>>, %arg4: memref<80x128xi32, #tpu.memory_space<vmem>>, %arg5: memref<80x128xf32, #tpu.memory_space<vmem>>, %arg6: memref<8x128xf32, #tpu.memory_space<vmem>>, %arg7: memref<80xi32, #tpu.memory_space<vmem>>, %arg8: memref<80x128xf32, #tpu.memory_space<vmem_shared>>, %arg9: memref<!tpu.dma_semaphore, #tpu.memory_space<semaphore_mem>>) attributes {dimension_semantics = [#tpu.dimension_semantics<core_parallel>, #tpu.dimension_semantics<subcore_parallel>], iteration_bounds = array<i64: 2, 16>, scalar_prefetch = 0 : i64, scratch_operands = 6 : i64, tpu.core_type = #tpu.core_type<sc_vector_subcore>, window_params = [{transform_indices = #map}, {transform_indices = #map}]} {
    %mul3A = arith.constant 16 : i32
    %mul3A_0 = arith.muli %arg0, %mul3A : i32
    %add3A = arith.addi %mul3A_0, %arg1 : i32
    %mul3A_1 = arith.constant 80 : i32
    %mul3A_2 = arith.muli %add3A, %mul3A_1 : i32
    %dma_start3A = arith.constant 0 : i32
    %dma_start3A_3 = tpu.memref_slice %arg2[%mul3A_2, %dma_start3A] : memref<2560x128xi32, #tpu.memory_space<hbm>> -> memref<80x128xi32, #tpu.memory_space<hbm>>
    %dma_start3A_4 = arith.constant 0 : i32
    %dma_start3A_5 = tpu.memref_slice %arg2[%mul3A_2, %dma_start3A_4] : memref<2560x128xi32, #tpu.memory_space<hbm>> -> memref<80x128xi32, #tpu.memory_space<hbm>>
    tpu.enqueue_dma source(%dma_start3A_5 : memref<80x128xi32, #tpu.memory_space<hbm>>) target(%arg4 : memref<80x128xi32, #tpu.memory_space<vmem>>) target_semaphore(%arg9 : memref<!tpu.dma_semaphore, #tpu.memory_space<semaphore_mem>>)
    %scan3A = arith.constant 0 : i32
    %scan3A_6 = arith.constant 80 : i32
    %scan3A_7 = arith.addi %scan3A, %scan3A_6 : i32
    %scan3A_8 = arith.constant 1 : i32
    scf.for %scan3A_38 = %scan3A to %scan3A_7 step %scan3A_8  : i32 {
      %mul3A_39 = arith.constant 1 : i32
      %mul3A_40 = arith.muli %scan3A_38, %mul3A_39 : i32
      %add3A_41 = arith.constant 0 : i32
      %add3A_42 = arith.addi %add3A_41, %mul3A_40 : i32
      %scan3A_43 = arith.constant 0 : i32
      %scan3A_44 = arith.constant 8 : i32
      %scan3A_45 = arith.addi %scan3A_43, %scan3A_44 : i32
      %scan3A_46 = arith.constant 1 : i32
      scf.for %scan3A_48 = %scan3A_43 to %scan3A_45 step %scan3A_46  : i32 {
        %mul3A_49 = arith.constant 16 : i32
        %mul3A_50 = arith.muli %scan3A_48, %mul3A_49 : i32
        %add3A_51 = arith.constant 0 : i32
        %add3A_52 = arith.addi %add3A_51, %mul3A_50 : i32
        %broadcast_in_dim3A = arith.constant 0.000000e+00 : f32
        %broadcast_in_dim3A_53 = vector.broadcast %broadcast_in_dim3A : f32 to vector<16xf32>
        %swap3A = arith.index_cast %add3A_42 : i32 to index
        %swap3A_54 = arith.index_cast %add3A_52 : i32 to index
        %swap3A_55 = tpu.vector_load %arg5[%swap3A, %swap3A_54] {strides = array<i32>} : memref<80x128xf32, #tpu.memory_space<vmem>>, vector<16xf32>,
        tpu.vector_store %arg5[%swap3A, %swap3A_54], %broadcast_in_dim3A_53 {strides = array<i32>} : memref<80x128xf32, #tpu.memory_space<vmem>>, vector<16xf32>,
      }
      %scan3A_47 = arith.constant 8 : i32
    }
    %scan3A_9 = arith.constant 80 : i32
    %scan3A_10 = arith.constant 0 : i32
    %scan3A_11 = arith.constant 8 : i32
    %scan3A_12 = arith.addi %scan3A_10, %scan3A_11 : i32
    %scan3A_13 = arith.constant 1 : i32
    scf.for %scan3A_38 = %scan3A_10 to %scan3A_12 step %scan3A_13  : i32 {
      %mul3A_39 = arith.constant 1 : i32
      %mul3A_40 = arith.muli %scan3A_38, %mul3A_39 : i32
      %add3A_41 = arith.constant 0 : i32
      %add3A_42 = arith.addi %add3A_41, %mul3A_40 : i32
      %scan3A_43 = arith.constant 0 : i32
      %scan3A_44 = arith.constant 8 : i32
      %scan3A_45 = arith.addi %scan3A_43, %scan3A_44 : i32
      %scan3A_46 = arith.constant 1 : i32
      scf.for %scan3A_48 = %scan3A_43 to %scan3A_45 step %scan3A_46  : i32 {
        %mul3A_49 = arith.constant 16 : i32
        %mul3A_50 = arith.muli %scan3A_48, %mul3A_49 : i32
        %add3A_51 = arith.constant 0 : i32
        %add3A_52 = arith.addi %add3A_51, %mul3A_50 : i32
        %broadcast_in_dim3A = arith.constant 0.000000e+00 : f32
        %broadcast_in_dim3A_53 = vector.broadcast %broadcast_in_dim3A : f32 to vector<16xf32>
        %swap3A = arith.index_cast %add3A_42 : i32 to index
        %swap3A_54 = arith.index_cast %add3A_52 : i32 to index
        %swap3A_55 = tpu.vector_load %arg6[%swap3A, %swap3A_54] {strides = array<i32>} : memref<8x128xf32, #tpu.memory_space<vmem>>, vector<16xf32>,
        tpu.vector_store %arg6[%swap3A, %swap3A_54], %broadcast_in_dim3A_53 {strides = array<i32>} : memref<8x128xf32, #tpu.memory_space<vmem>>, vector<16xf32>,
      }
      %scan3A_47 = arith.constant 8 : i32
    }
    %scan3A_14 = arith.constant 8 : i32
    %scan3A_15 = arith.constant 0 : i32
    %scan3A_16 = arith.constant 5 : i32
    %scan3A_17 = arith.addi %scan3A_15, %scan3A_16 : i32
    %scan3A_18 = arith.constant 1 : i32
    scf.for %scan3A_38 = %scan3A_15 to %scan3A_17 step %scan3A_18  : i32 {
      %mul3A_39 = arith.constant 16 : i32
      %mul3A_40 = arith.muli %scan3A_38, %mul3A_39 : i32
      %add3A_41 = arith.constant 0 : i32
      %add3A_42 = arith.addi %add3A_41, %mul3A_40 : i32
      %iota3A = tpu.iota {dimensions = array<i32: 0>} : vector<16xi32>
      %add3A_43 = vector.broadcast %add3A_42 : i32 to vector<16xi32>
      %add3A_44 = arith.addi %iota3A, %add3A_43 : vector<16xi32>
      %swap3A = arith.index_cast %add3A_42 : i32 to index
      %swap3A_45 = tpu.vector_load %arg7[%swap3A] {strides = array<i32>} : memref<80xi32, #tpu.memory_space<vmem>>, vector<16xi32>,
      tpu.vector_store %arg7[%swap3A], %add3A_44 {strides = array<i32>} : memref<80xi32, #tpu.memory_space<vmem>>, vector<16xi32>,
    }
    %scan3A_19 = arith.constant 5 : i32
    %lt3A = arith.constant 10 : i32
    %lt3A_20 = arith.cmpi slt, %arg1, %lt3A : i32
    %convert_element_type3A = arith.extui %lt3A_20 : i1 to i32
    %cond3A = arith.constant 0 : i32
    %cond3A_21 = arith.cmpi ne, %convert_element_type3A, %cond3A : i32
    scf.if %cond3A_21 {
      %mul3A_38 = arith.constant 8 : i32
      %mul3A_39 = arith.muli %arg1, %mul3A_38 : i32
      "tpu.region"() ({
        %run_scoped3A = tpu.sem_alloc : memref<!tpu.dma_semaphore, #tpu.memory_space<semaphore_mem>>
        %dma_start3A_40 = arith.constant 0 : i32
        %dma_start3A_41 = tpu.memref_slice %arg8[%mul3A_39, %dma_start3A_40] : memref<80x128xf32, #tpu.memory_space<vmem_shared>> -> memref<8x128xf32, #tpu.memory_space<vmem_shared>>
        %dma_start3A_42 = arith.constant 0 : i32
        %dma_start3A_43 = tpu.memref_slice %arg8[%mul3A_39, %dma_start3A_42] : memref<80x128xf32, #tpu.memory_space<vmem_shared>> -> memref<8x128xf32, #tpu.memory_space<vmem_shared>>
        tpu.enqueue_dma source(%arg6 : memref<8x128xf32, #tpu.memory_space<vmem>>) target(%dma_start3A_43 : memref<8x128xf32, #tpu.memory_space<vmem_shared>>) target_semaphore(%run_scoped3A : memref<!tpu.dma_semaphore, #tpu.memory_space<semaphore_mem>>)
        %dma_wait3A_44 = arith.constant 0 : i32
        %dma_wait3A_45 = tpu.memref_slice %arg8[%mul3A_39, %dma_wait3A_44] : memref<80x128xf32, #tpu.memory_space<vmem_shared>> -> memref<8x128xf32, #tpu.memory_space<vmem_shared>>
        %dma_wait3A_46 = arith.constant 0 : i32
        %dma_wait3A_47 = tpu.memref_slice %arg8[%mul3A_39, %dma_wait3A_46] : memref<80x128xf32, #tpu.memory_space<vmem_shared>> -> memref<8x128xf32, #tpu.memory_space<vmem_shared>>
        tpu.wait_dma2 semaphore(%run_scoped3A : memref<!tpu.dma_semaphore, #tpu.memory_space<semaphore_mem>>) src(%arg6 : memref<8x128xf32, #tpu.memory_space<vmem>>) dst(%dma_wait3A_47 : memref<8x128xf32, #tpu.memory_space<vmem_shared>>)
        tpu.yield
      }) : () -> ()
    } else {
    }
    %mul3A_22 = arith.constant 80 : i32
    %mul3A_23 = arith.muli %add3A, %mul3A_22 : i32
    %dma_wait3A = arith.constant 0 : i32
    %dma_wait3A_24 = tpu.memref_slice %arg2[%mul3A_23, %dma_wait3A] : memref<2560x128xi32, #tpu.memory_space<hbm>> -> memref<80x128xi32, #tpu.memory_space<hbm>>
    %dma_wait3A_25 = arith.constant 0 : i32
    %dma_wait3A_26 = tpu.memref_slice %arg2[%mul3A_23, %dma_wait3A_25] : memref<2560x128xi32, #tpu.memory_space<hbm>> -> memref<80x128xi32, #tpu.memory_space<hbm>>
    tpu.wait_dma2 semaphore(%arg9 : memref<!tpu.dma_semaphore, #tpu.memory_space<semaphore_mem>>) src(%dma_wait3A_26 : memref<80x128xi32, #tpu.memory_space<hbm>>) dst(%arg4 : memref<80x128xi32, #tpu.memory_space<vmem>>)
    %barrier3A = arith.constant 0 : index
    tpu.barrier barrier_id(%barrier3A)
    %scan3A_27 = arith.constant 0 : i32
    %scan3A_28 = arith.constant 80 : i32
    %scan3A_29 = arith.addi %scan3A_27, %scan3A_28 : i32
    %scan3A_30 = arith.constant 1 : i32
    scf.for %scan3A_38 = %scan3A_27 to %scan3A_29 step %scan3A_30  : i32 {
      %mul3A_39 = arith.constant 1 : i32
      %mul3A_40 = arith.muli %scan3A_38, %mul3A_39 : i32
      %add3A_41 = arith.constant 0 : i32
      %add3A_42 = arith.addi %add3A_41, %mul3A_40 : i32
      %scan3A_43 = arith.constant 0 : i32
      %scan3A_44 = arith.constant 8 : i32
      %scan3A_45 = arith.addi %scan3A_43, %scan3A_44 : i32
      %scan3A_46 = arith.constant 1 : i32
      scf.for %scan3A_48 = %scan3A_43 to %scan3A_45 step %scan3A_46  : i32 {
        %mul3A_49 = arith.constant 16 : i32
        %mul3A_50 = arith.muli %scan3A_48, %mul3A_49 : i32
        %add3A_51 = arith.constant 0 : i32
        %add3A_52 = arith.addi %add3A_51, %mul3A_50 : i32
        %get3A = arith.index_cast %add3A_42 : i32 to index
        %get3A_53 = arith.index_cast %add3A_52 : i32 to index
        %get3A_54 = tpu.vector_load %arg4[%get3A, %get3A_53] {strides = array<i32>} : memref<80x128xi32, #tpu.memory_space<vmem>>, vector<16xi32>,
        %broadcast_in_dim3A = arith.constant true
        %broadcast_in_dim3A_55 = vector.broadcast %broadcast_in_dim3A : i1 to vector<16xi1>
        %unique3A, %unique3A_56 = tpu.scan_count mask(%broadcast_in_dim3A_55 : vector<16xi1>) value(%get3A_54 : vector<16xi32>) : vector<16xi1>, vector<16xi32>
        %shift_right_arithmetic3A = arith.constant 7 : i32
        %shift_right_arithmetic3A_57 = vector.broadcast %shift_right_arithmetic3A : i32 to vector<16xi32>
        %shift_right_arithmetic3A_58 = arith.shrsi %get3A_54, %shift_right_arithmetic3A_57 : vector<16xi32>
        %and3A = arith.constant 127 : i32
        %and3A_59 = vector.broadcast %and3A : i32 to vector<16xi32>
        %and3A_60 = arith.andi %get3A_54, %and3A_59 : vector<16xi32>
        %convert_element_type3A_61 = arith.sitofp %unique3A_56 : vector<16xi32> to vector<16xf32>
        tpu.vector_store_idx %arg5[%shift_right_arithmetic3A_58, %and3A_60], %convert_element_type3A_61 masked %unique3A {add = true} : memref<80x128xf32, #tpu.memory_space<vmem>>[vector<16xi32>, vector<16xi32>], vector<16xf32>, vector<16xi1>
      }
      %scan3A_47 = arith.constant 8 : i32
    }
    %scan3A_31 = arith.constant 80 : i32
    "tpu.region"() ({
      %run_scoped3A = tpu.sem_alloc : memref<!tpu.dma_semaphore, #tpu.memory_space<semaphore_mem>>
      %dma_start3A_38 = arith.constant 0 : i32
      %dma_start3A_39 = arith.constant 0 : i32
      %dma_start3A_40 = tpu.memref_slice %arg8[%dma_start3A_38, %dma_start3A_39] : memref<80x128xf32, #tpu.memory_space<vmem_shared>> -> memref<80x128xf32, #tpu.memory_space<vmem_shared>>
      tpu.enqueue_indirect_dma source(%arg5 : memref<80x128xf32, #tpu.memory_space<vmem>>) target(%dma_start3A_40 : memref<80x128xf32, #tpu.memory_space<vmem_shared>>) offsets(%arg7 : memref<80xi32, #tpu.memory_space<vmem>>) semaphore(%run_scoped3A : memref<!tpu.dma_semaphore, #tpu.memory_space<semaphore_mem>>) {add = true}
      %dma_wait3A_41 = arith.constant 0 : i32
      %dma_wait3A_42 = arith.constant 0 : i32
      %dma_wait3A_43 = tpu.memref_slice %arg8[%dma_wait3A_41, %dma_wait3A_42] : memref<80x128xf32, #tpu.memory_space<vmem_shared>> -> memref<80x128xf32, #tpu.memory_space<vmem_shared>>
      tpu.wait_indirect_dma semaphore(%run_scoped3A : memref<!tpu.dma_semaphore, #tpu.memory_space<semaphore_mem>>) src(%arg5 : memref<80x128xf32, #tpu.memory_space<vmem>>) dst(%dma_wait3A_43 : memref<80x128xf32, #tpu.memory_space<vmem_shared>>)
      tpu.yield
    }) : () -> ()
    %barrier3A_32 = arith.constant 0 : index
    tpu.barrier barrier_id(%barrier3A_32)
    %lt3A_33 = arith.constant 10 : i32
    %lt3A_34 = arith.cmpi slt, %arg1, %lt3A_33 : i32
    %convert_element_type3A_35 = arith.extui %lt3A_34 : i1 to i32
    %cond3A_36 = arith.constant 0 : i32
    %cond3A_37 = arith.cmpi ne, %convert_element_type3A_35, %cond3A_36 : i32
    scf.if %cond3A_37 {
      %mul3A_38 = arith.constant 8 : i32
      %mul3A_39 = arith.muli %arg1, %mul3A_38 : i32
      %mul3A_40 = arith.constant 80 : i32
      %mul3A_41 = arith.muli %arg0, %mul3A_40 : i32
      %mul3A_42 = arith.constant 8 : i32
      %mul3A_43 = arith.muli %arg1, %mul3A_42 : i32
      %add3A_44 = arith.addi %mul3A_41, %mul3A_43 : i32
      "tpu.region"() ({
        %run_scoped3A = tpu.sem_alloc : memref<!tpu.dma_semaphore, #tpu.memory_space<semaphore_mem>>
        %dma_start3A_45 = arith.constant 0 : i32
        %dma_start3A_46 = tpu.memref_slice %arg3[%add3A_44, %dma_start3A_45] : memref<160x128xf32, #tpu.memory_space<hbm>> -> memref<8x128xf32, #tpu.memory_space<hbm>>
        %dma_start3A_47 = arith.constant 0 : i32
        %dma_start3A_48 = tpu.memref_slice %arg8[%mul3A_39, %dma_start3A_47] : memref<80x128xf32, #tpu.memory_space<vmem_shared>> -> memref<8x128xf32, #tpu.memory_space<vmem_shared>>
        tpu.enqueue_dma source(%dma_start3A_48 : memref<8x128xf32, #tpu.memory_space<vmem_shared>>) target(%dma_start3A_46 : memref<8x128xf32, #tpu.memory_space<hbm>>) target_semaphore(%run_scoped3A : memref<!tpu.dma_semaphore, #tpu.memory_space<semaphore_mem>>)
        %dma_wait3A_49 = arith.constant 0 : i32
        %dma_wait3A_50 = tpu.memref_slice %arg3[%add3A_44, %dma_wait3A_49] : memref<160x128xf32, #tpu.memory_space<hbm>> -> memref<8x128xf32, #tpu.memory_space<hbm>>
        %dma_wait3A_51 = arith.constant 0 : i32
        %dma_wait3A_52 = tpu.memref_slice %arg8[%mul3A_39, %dma_wait3A_51] : memref<80x128xf32, #tpu.memory_space<vmem_shared>> -> memref<8x128xf32, #tpu.memory_space<vmem_shared>>
        tpu.wait_dma2 semaphore(%run_scoped3A : memref<!tpu.dma_semaphore, #tpu.memory_space<semaphore_mem>>) src(%dma_wait3A_52 : memref<8x128xf32, #tpu.memory_space<vmem_shared>>) dst(%dma_wait3A_50 : memref<8x128xf32, #tpu.memory_space<hbm>>)
        tpu.yield
      }) : () -> ()
    } else {
    }
    return
  }
}

#map = affine_map<(d0, d1) -> (0, 0)>
module attributes {stable_mosaic.version = 14 : i64} {
  func.func @agg_kernel(%arg0: i32, %arg1: i32, %arg2: memref<10000x128xf32, #tpu.memory_space<hbm>>, %arg3: memref<64x128xf32, #tpu.memory_space<hbm>>, %arg4: memref<5120x64xi32, #tpu.memory_space<hbm>>, %arg5: memref<5120x64xi32, #tpu.memory_space<hbm>>, %arg6: memref<20480x128xf32, #tpu.memory_space<hbm>>, %arg7: memref<40x64xi32, #tpu.memory_space<vmem>>, %arg8: memref<40x64xi32, #tpu.memory_space<vmem>>, %arg9: memref<64x128xf32, #tpu.memory_space<vmem>>, %arg10: memref<64x128xf32, #tpu.memory_space<vmem>>, %arg11: memref<64x128xf32, #tpu.memory_space<vmem>>, %arg12: memref<64x128xf32, #tpu.memory_space<vmem>>, %arg13: memref<10240x128xf32, #tpu.memory_space<vmem_shared>>, %arg14: memref<!tpu.dma_semaphore, #tpu.memory_space<semaphore_mem>>, %arg15: memref<!tpu.dma_semaphore, #tpu.memory_space<semaphore_mem>>, %arg16: memref<!tpu.dma_semaphore, #tpu.memory_space<semaphore_mem>>, %arg17: memref<!tpu.dma_semaphore, #tpu.memory_space<semaphore_mem>>, %arg18: memref<!tpu.dma_semaphore, #tpu.memory_space<semaphore_mem>>, %arg19: memref<!tpu.dma_semaphore, #tpu.memory_space<semaphore_mem>>, %arg20: memref<!tpu.dma_semaphore, #tpu.memory_space<semaphore_mem>>, %arg21: memref<!tpu.dma_semaphore, #tpu.memory_space<semaphore_mem>>, %arg22: memref<!tpu.dma_semaphore, #tpu.memory_space<semaphore_mem>>) attributes {dimension_semantics = [#tpu.dimension_semantics<core_parallel>, #tpu.dimension_semantics<subcore_parallel>], iteration_bounds = array<i64: 2, 16>, scalar_prefetch = 0 : i64, scratch_operands = 16 : i64, tpu.core_type = #tpu.core_type<sc_vector_subcore>, window_params = [{transform_indices = #map}, {transform_indices = #map}, {transform_indices = #map}, {transform_indices = #map}, {transform_indices = #map}]} {
    %mul3A = arith.constant 16 : i32
    %mul3A_0 = arith.muli %arg0, %mul3A : i32
    %add3A = arith.addi %mul3A_0, %arg1 : i32
    %mul3A_1 = arith.constant 40 : i32
    %mul3A_2 = arith.muli %add3A, %mul3A_1 : i32
    %mul3A_3 = arith.constant 4 : i32
    %mul3A_4 = arith.muli %mul3A_2, %mul3A_3 : i32
    %dma_start3A = arith.constant 0 : i32
    %dma_start3A_5 = tpu.memref_slice %arg4[%mul3A_4, %dma_start3A] : memref<5120x64xi32, #tpu.memory_space<hbm>> -> memref<40x64xi32, #tpu.memory_space<hbm>>
    %dma_start3A_6 = arith.constant 0 : i32
    %dma_start3A_7 = tpu.memref_slice %arg4[%mul3A_4, %dma_start3A_6] : memref<5120x64xi32, #tpu.memory_space<hbm>> -> memref<40x64xi32, #tpu.memory_space<hbm>>
    tpu.enqueue_dma source(%dma_start3A_7 : memref<40x64xi32, #tpu.memory_space<hbm>>) target(%arg7 : memref<40x64xi32, #tpu.memory_space<vmem>>) target_semaphore(%arg19 : memref<!tpu.dma_semaphore, #tpu.memory_space<semaphore_mem>>)
    %dma_start3A_8 = arith.constant 0 : i32
    %dma_start3A_9 = tpu.memref_slice %arg5[%mul3A_4, %dma_start3A_8] : memref<5120x64xi32, #tpu.memory_space<hbm>> -> memref<40x64xi32, #tpu.memory_space<hbm>>
    %dma_start3A_10 = arith.constant 0 : i32
    %dma_start3A_11 = tpu.memref_slice %arg5[%mul3A_4, %dma_start3A_10] : memref<5120x64xi32, #tpu.memory_space<hbm>> -> memref<40x64xi32, #tpu.memory_space<hbm>>
    tpu.enqueue_dma source(%dma_start3A_11 : memref<40x64xi32, #tpu.memory_space<hbm>>) target(%arg8 : memref<40x64xi32, #tpu.memory_space<vmem>>) target_semaphore(%arg20 : memref<!tpu.dma_semaphore, #tpu.memory_space<semaphore_mem>>)
    %scan3A = arith.constant 0 : i32
    %scan3A_12 = arith.constant 10 : i32
    %scan3A_13 = arith.addi %scan3A, %scan3A_12 : i32
    %scan3A_14 = arith.constant 1 : i32
    scf.for %scan3A_186 = %scan3A to %scan3A_13 step %scan3A_14  : i32 {
      %mul3A_187 = arith.constant 1 : i32
      %mul3A_188 = arith.muli %scan3A_186, %mul3A_187 : i32
      %add3A_189 = arith.constant 0 : i32
      %add3A_190 = arith.addi %add3A_189, %mul3A_188 : i32
      %mul3A_191 = arith.constant 640 : i32
      %mul3A_192 = arith.muli %arg1, %mul3A_191 : i32
      %mul3A_193 = arith.constant 64 : i32
      %mul3A_194 = arith.muli %add3A_190, %mul3A_193 : i32
      %add3A_195 = arith.addi %mul3A_192, %mul3A_194 : i32
      %dma_start3A_196 = arith.constant 0 : i32
      %dma_start3A_197 = tpu.memref_slice %arg13[%add3A_195, %dma_start3A_196] : memref<10240x128xf32, #tpu.memory_space<vmem_shared>> -> memref<64x128xf32, #tpu.memory_space<vmem_shared>>
      tpu.enqueue_dma source(%arg3 : memref<64x128xf32, #tpu.memory_space<hbm>>) target(%dma_start3A_197 : memref<64x128xf32, #tpu.memory_space<vmem_shared>>) target_semaphore(%arg14 : memref<!tpu.dma_semaphore, #tpu.memory_space<semaphore_mem>>)
    }
    %scan3A_15 = arith.constant 10 : i32
    %dma_wait3A = arith.constant 0 : i32
    %dma_wait3A_16 = tpu.memref_slice %arg4[%mul3A_4, %dma_wait3A] : memref<5120x64xi32, #tpu.memory_space<hbm>> -> memref<40x64xi32, #tpu.memory_space<hbm>>
    %dma_wait3A_17 = arith.constant 0 : i32
    %dma_wait3A_18 = tpu.memref_slice %arg4[%mul3A_4, %dma_wait3A_17] : memref<5120x64xi32, #tpu.memory_space<hbm>> -> memref<40x64xi32, #tpu.memory_space<hbm>>
    tpu.wait_dma2 semaphore(%arg19 : memref<!tpu.dma_semaphore, #tpu.memory_space<semaphore_mem>>) src(%dma_wait3A_18 : memref<40x64xi32, #tpu.memory_space<hbm>>) dst(%arg7 : memref<40x64xi32, #tpu.memory_space<vmem>>)
    %dma_wait3A_19 = arith.constant 0 : i32
    %dma_wait3A_20 = tpu.memref_slice %arg5[%mul3A_4, %dma_wait3A_19] : memref<5120x64xi32, #tpu.memory_space<hbm>> -> memref<40x64xi32, #tpu.memory_space<hbm>>
    %dma_wait3A_21 = arith.constant 0 : i32
    %dma_wait3A_22 = tpu.memref_slice %arg5[%mul3A_4, %dma_wait3A_21] : memref<5120x64xi32, #tpu.memory_space<hbm>> -> memref<40x64xi32, #tpu.memory_space<hbm>>
    tpu.wait_dma2 semaphore(%arg20 : memref<!tpu.dma_semaphore, #tpu.memory_space<semaphore_mem>>) src(%dma_wait3A_22 : memref<40x64xi32, #tpu.memory_space<hbm>>) dst(%arg8 : memref<40x64xi32, #tpu.memory_space<vmem>>)
    %dma_start3A_23 = arith.constant 0 : i32
    %dma_start3A_24 = arith.constant 0 : i32
    %dma_start3A_25 = tpu.memref_slice %arg7[%dma_start3A_23, %dma_start3A_24] : memref<40x64xi32, #tpu.memory_space<vmem>> -> memref<1x64xi32, #tpu.memory_space<vmem>>
    %dma_start3A_26 = tpu.memref_squeeze %dma_start3A_25 : memref<1x64xi32, #tpu.memory_space<vmem>> -> memref<64xi32, #tpu.memory_space<vmem>>
    %dma_start3A_27 = arith.constant 0 : i32
    %dma_start3A_28 = arith.constant 0 : i32
    %dma_start3A_29 = tpu.memref_slice %arg2[%dma_start3A_27, %dma_start3A_28] : memref<10000x128xf32, #tpu.memory_space<hbm>> -> memref<10000x128xf32, #tpu.memory_space<hbm>>
    tpu.enqueue_indirect_dma source(%dma_start3A_29 : memref<10000x128xf32, #tpu.memory_space<hbm>>) target(%arg9 : memref<64x128xf32, #tpu.memory_space<vmem>>) offsets(%dma_start3A_26 : memref<64xi32, #tpu.memory_space<vmem>>) semaphore(%arg15 : memref<!tpu.dma_semaphore, #tpu.memory_space<semaphore_mem>>)
    %dma_start3A_30 = arith.constant 1 : i32
    %dma_start3A_31 = arith.constant 0 : i32
    %dma_start3A_32 = tpu.memref_slice %arg7[%dma_start3A_30, %dma_start3A_31] : memref<40x64xi32, #tpu.memory_space<vmem>> -> memref<1x64xi32, #tpu.memory_space<vmem>>
    %dma_start3A_33 = tpu.memref_squeeze %dma_start3A_32 : memref<1x64xi32, #tpu.memory_space<vmem>> -> memref<64xi32, #tpu.memory_space<vmem>>
    %dma_start3A_34 = arith.constant 0 : i32
    %dma_start3A_35 = arith.constant 0 : i32
    %dma_start3A_36 = tpu.memref_slice %arg2[%dma_start3A_34, %dma_start3A_35] : memref<10000x128xf32, #tpu.memory_space<hbm>> -> memref<10000x128xf32, #tpu.memory_space<hbm>>
    tpu.enqueue_indirect_dma source(%dma_start3A_36 : memref<10000x128xf32, #tpu.memory_space<hbm>>) target(%arg10 : memref<64x128xf32, #tpu.memory_space<vmem>>) offsets(%dma_start3A_33 : memref<64xi32, #tpu.memory_space<vmem>>) semaphore(%arg16 : memref<!tpu.dma_semaphore, #tpu.memory_space<semaphore_mem>>)
    %dma_start3A_37 = arith.constant 2 : i32
    %dma_start3A_38 = arith.constant 0 : i32
    %dma_start3A_39 = tpu.memref_slice %arg7[%dma_start3A_37, %dma_start3A_38] : memref<40x64xi32, #tpu.memory_space<vmem>> -> memref<1x64xi32, #tpu.memory_space<vmem>>
    %dma_start3A_40 = tpu.memref_squeeze %dma_start3A_39 : memref<1x64xi32, #tpu.memory_space<vmem>> -> memref<64xi32, #tpu.memory_space<vmem>>
    %dma_start3A_41 = arith.constant 0 : i32
    %dma_start3A_42 = arith.constant 0 : i32
    %dma_start3A_43 = tpu.memref_slice %arg2[%dma_start3A_41, %dma_start3A_42] : memref<10000x128xf32, #tpu.memory_space<hbm>> -> memref<10000x128xf32, #tpu.memory_space<hbm>>
    tpu.enqueue_indirect_dma source(%dma_start3A_43 : memref<10000x128xf32, #tpu.memory_space<hbm>>) target(%arg11 : memref<64x128xf32, #tpu.memory_space<vmem>>) offsets(%dma_start3A_40 : memref<64xi32, #tpu.memory_space<vmem>>) semaphore(%arg17 : memref<!tpu.dma_semaphore, #tpu.memory_space<semaphore_mem>>)
    %dma_start3A_44 = arith.constant 3 : i32
    %dma_start3A_45 = arith.constant 0 : i32
    %dma_start3A_46 = tpu.memref_slice %arg7[%dma_start3A_44, %dma_start3A_45] : memref<40x64xi32, #tpu.memory_space<vmem>> -> memref<1x64xi32, #tpu.memory_space<vmem>>
    %dma_start3A_47 = tpu.memref_squeeze %dma_start3A_46 : memref<1x64xi32, #tpu.memory_space<vmem>> -> memref<64xi32, #tpu.memory_space<vmem>>
    %dma_start3A_48 = arith.constant 0 : i32
    %dma_start3A_49 = arith.constant 0 : i32
    %dma_start3A_50 = tpu.memref_slice %arg2[%dma_start3A_48, %dma_start3A_49] : memref<10000x128xf32, #tpu.memory_space<hbm>> -> memref<10000x128xf32, #tpu.memory_space<hbm>>
    tpu.enqueue_indirect_dma source(%dma_start3A_50 : memref<10000x128xf32, #tpu.memory_space<hbm>>) target(%arg12 : memref<64x128xf32, #tpu.memory_space<vmem>>) offsets(%dma_start3A_47 : memref<64xi32, #tpu.memory_space<vmem>>) semaphore(%arg18 : memref<!tpu.dma_semaphore, #tpu.memory_space<semaphore_mem>>)
    %scan3A_51 = arith.constant 0 : i32
    %scan3A_52 = arith.constant 10 : i32
    %scan3A_53 = arith.addi %scan3A_51, %scan3A_52 : i32
    %scan3A_54 = arith.constant 1 : i32
    scf.for %scan3A_186 = %scan3A_51 to %scan3A_53 step %scan3A_54  : i32 {
      %mul3A_187 = arith.constant 1 : i32
      %mul3A_188 = arith.muli %scan3A_186, %mul3A_187 : i32
      %add3A_189 = arith.constant 0 : i32
      %add3A_190 = arith.addi %add3A_189, %mul3A_188 : i32
      %mul3A_191 = arith.constant 640 : i32
      %mul3A_192 = arith.muli %arg1, %mul3A_191 : i32
      %mul3A_193 = arith.constant 64 : i32
      %mul3A_194 = arith.muli %add3A_190, %mul3A_193 : i32
      %add3A_195 = arith.addi %mul3A_192, %mul3A_194 : i32
      %dma_wait3A_196 = arith.constant 0 : i32
      %dma_wait3A_197 = tpu.memref_slice %arg13[%add3A_195, %dma_wait3A_196] : memref<10240x128xf32, #tpu.memory_space<vmem_shared>> -> memref<64x128xf32, #tpu.memory_space<vmem_shared>>
      tpu.wait_dma2 semaphore(%arg14 : memref<!tpu.dma_semaphore, #tpu.memory_space<semaphore_mem>>) src(%arg3 : memref<64x128xf32, #tpu.memory_space<hbm>>) dst(%dma_wait3A_197 : memref<64x128xf32, #tpu.memory_space<vmem_shared>>)
    }
    %scan3A_55 = arith.constant 10 : i32
    %barrier3A = arith.constant 0 : index
    tpu.barrier barrier_id(%barrier3A)
    %scan3A_56 = arith.constant 0 : i32
    %scan3A_57 = arith.constant 10 : i32
    %scan3A_58 = arith.addi %scan3A_56, %scan3A_57 : i32
    %scan3A_59 = arith.constant 1 : i32
    scf.for %scan3A_186 = %scan3A_56 to %scan3A_58 step %scan3A_59  : i32 {
      %mul3A_187 = arith.constant 4 : i32
      %mul3A_188 = arith.muli %scan3A_186, %mul3A_187 : i32
      %add3A_189 = arith.constant 0 : i32
      %add3A_190 = arith.addi %add3A_189, %mul3A_188 : i32
      %add3A_191 = arith.constant 0 : i32
      %add3A_192 = arith.addi %add3A_190, %add3A_191 : i32
      %dma_wait3A_193 = arith.constant 0 : i32
      %dma_wait3A_194 = tpu.memref_slice %arg7[%add3A_192, %dma_wait3A_193] : memref<40x64xi32, #tpu.memory_space<vmem>> -> memref<1x64xi32, #tpu.memory_space<vmem>>
      %dma_wait3A_195 = tpu.memref_squeeze %dma_wait3A_194 : memref<1x64xi32, #tpu.memory_space<vmem>> -> memref<64xi32, #tpu.memory_space<vmem>>
      %dma_wait3A_196 = arith.constant 0 : i32
      %dma_wait3A_197 = arith.constant 0 : i32
      %dma_wait3A_198 = tpu.memref_slice %arg2[%dma_wait3A_196, %dma_wait3A_197] : memref<10000x128xf32, #tpu.memory_space<hbm>> -> memref<10000x128xf32, #tpu.memory_space<hbm>>
      tpu.wait_indirect_dma semaphore(%arg15 : memref<!tpu.dma_semaphore, #tpu.memory_space<semaphore_mem>>) src(%dma_wait3A_198 : memref<10000x128xf32, #tpu.memory_space<hbm>>) dst(%arg9 : memref<64x128xf32, #tpu.memory_space<vmem>>)
      %add3A_199 = arith.constant 0 : i32
      %add3A_200 = arith.addi %add3A_190, %add3A_199 : i32
      %dma_start3A_201 = arith.constant 0 : i32
      %dma_start3A_202 = tpu.memref_slice %arg8[%add3A_200, %dma_start3A_201] : memref<40x64xi32, #tpu.memory_space<vmem>> -> memref<1x64xi32, #tpu.memory_space<vmem>>
      %dma_start3A_203 = tpu.memref_squeeze %dma_start3A_202 : memref<1x64xi32, #tpu.memory_space<vmem>> -> memref<64xi32, #tpu.memory_space<vmem>>
      %dma_start3A_204 = arith.constant 0 : i32
      %dma_start3A_205 = arith.constant 0 : i32
      %dma_start3A_206 = tpu.memref_slice %arg13[%dma_start3A_204, %dma_start3A_205] : memref<10240x128xf32, #tpu.memory_space<vmem_shared>> -> memref<10240x128xf32, #tpu.memory_space<vmem_shared>>
      tpu.enqueue_indirect_dma source(%arg9 : memref<64x128xf32, #tpu.memory_space<vmem>>) target(%dma_start3A_206 : memref<10240x128xf32, #tpu.memory_space<vmem_shared>>) offsets(%dma_start3A_203 : memref<64xi32, #tpu.memory_space<vmem>>) semaphore(%arg19 : memref<!tpu.dma_semaphore, #tpu.memory_space<semaphore_mem>>) {add = true}
      %add3A_207 = arith.constant 1 : i32
      %add3A_208 = arith.addi %add3A_190, %add3A_207 : i32
      %dma_wait3A_209 = arith.constant 0 : i32
      %dma_wait3A_210 = tpu.memref_slice %arg7[%add3A_208, %dma_wait3A_209] : memref<40x64xi32, #tpu.memory_space<vmem>> -> memref<1x64xi32, #tpu.memory_space<vmem>>
      %dma_wait3A_211 = tpu.memref_squeeze %dma_wait3A_210 : memref<1x64xi32, #tpu.memory_space<vmem>> -> memref<64xi32, #tpu.memory_space<vmem>>
      %dma_wait3A_212 = arith.constant 0 : i32
      %dma_wait3A_213 = arith.constant 0 : i32
      %dma_wait3A_214 = tpu.memref_slice %arg2[%dma_wait3A_212, %dma_wait3A_213] : memref<10000x128xf32, #tpu.memory_space<hbm>> -> memref<10000x128xf32, #tpu.memory_space<hbm>>
      tpu.wait_indirect_dma semaphore(%arg16 : memref<!tpu.dma_semaphore, #tpu.memory_space<semaphore_mem>>) src(%dma_wait3A_214 : memref<10000x128xf32, #tpu.memory_space<hbm>>) dst(%arg10 : memref<64x128xf32, #tpu.memory_space<vmem>>)
      %add3A_215 = arith.constant 1 : i32
      %add3A_216 = arith.addi %add3A_190, %add3A_215 : i32
      %dma_start3A_217 = arith.constant 0 : i32
      %dma_start3A_218 = tpu.memref_slice %arg8[%add3A_216, %dma_start3A_217] : memref<40x64xi32, #tpu.memory_space<vmem>> -> memref<1x64xi32, #tpu.memory_space<vmem>>
      %dma_start3A_219 = tpu.memref_squeeze %dma_start3A_218 : memref<1x64xi32, #tpu.memory_space<vmem>> -> memref<64xi32, #tpu.memory_space<vmem>>
      %dma_start3A_220 = arith.constant 0 : i32
      %dma_start3A_221 = arith.constant 0 : i32
      %dma_start3A_222 = tpu.memref_slice %arg13[%dma_start3A_220, %dma_start3A_221] : memref<10240x128xf32, #tpu.memory_space<vmem_shared>> -> memref<10240x128xf32, #tpu.memory_space<vmem_shared>>
      tpu.enqueue_indirect_dma source(%arg10 : memref<64x128xf32, #tpu.memory_space<vmem>>) target(%dma_start3A_222 : memref<10240x128xf32, #tpu.memory_space<vmem_shared>>) offsets(%dma_start3A_219 : memref<64xi32, #tpu.memory_space<vmem>>) semaphore(%arg20 : memref<!tpu.dma_semaphore, #tpu.memory_space<semaphore_mem>>) {add = true}
      %add3A_223 = arith.constant 2 : i32
      %add3A_224 = arith.addi %add3A_190, %add3A_223 : i32
      %dma_wait3A_225 = arith.constant 0 : i32
      %dma_wait3A_226 = tpu.memref_slice %arg7[%add3A_224, %dma_wait3A_225] : memref<40x64xi32, #tpu.memory_space<vmem>> -> memref<1x64xi32, #tpu.memory_space<vmem>>
      %dma_wait3A_227 = tpu.memref_squeeze %dma_wait3A_226 : memref<1x64xi32, #tpu.memory_space<vmem>> -> memref<64xi32, #tpu.memory_space<vmem>>
      %dma_wait3A_228 = arith.constant 0 : i32
      %dma_wait3A_229 = arith.constant 0 : i32
      %dma_wait3A_230 = tpu.memref_slice %arg2[%dma_wait3A_228, %dma_wait3A_229] : memref<10000x128xf32, #tpu.memory_space<hbm>> -> memref<10000x128xf32, #tpu.memory_space<hbm>>
      tpu.wait_indirect_dma semaphore(%arg17 : memref<!tpu.dma_semaphore, #tpu.memory_space<semaphore_mem>>) src(%dma_wait3A_230 : memref<10000x128xf32, #tpu.memory_space<hbm>>) dst(%arg11 : memref<64x128xf32, #tpu.memory_space<vmem>>)
      %add3A_231 = arith.constant 2 : i32
      %add3A_232 = arith.addi %add3A_190, %add3A_231 : i32
      %dma_start3A_233 = arith.constant 0 : i32
      %dma_start3A_234 = tpu.memref_slice %arg8[%add3A_232, %dma_start3A_233] : memref<40x64xi32, #tpu.memory_space<vmem>> -> memref<1x64xi32, #tpu.memory_space<vmem>>
      %dma_start3A_235 = tpu.memref_squeeze %dma_start3A_234 : memref<1x64xi32, #tpu.memory_space<vmem>> -> memref<64xi32, #tpu.memory_space<vmem>>
      %dma_start3A_236 = arith.constant 0 : i32
      %dma_start3A_237 = arith.constant 0 : i32
      %dma_start3A_238 = tpu.memref_slice %arg13[%dma_start3A_236, %dma_start3A_237] : memref<10240x128xf32, #tpu.memory_space<vmem_shared>> -> memref<10240x128xf32, #tpu.memory_space<vmem_shared>>
      tpu.enqueue_indirect_dma source(%arg11 : memref<64x128xf32, #tpu.memory_space<vmem>>) target(%dma_start3A_238 : memref<10240x128xf32, #tpu.memory_space<vmem_shared>>) offsets(%dma_start3A_235 : memref<64xi32, #tpu.memory_space<vmem>>) semaphore(%arg21 : memref<!tpu.dma_semaphore, #tpu.memory_space<semaphore_mem>>) {add = true}
      %add3A_239 = arith.constant 3 : i32
      %add3A_240 = arith.addi %add3A_190, %add3A_239 : i32
      %dma_wait3A_241 = arith.constant 0 : i32
      %dma_wait3A_242 = tpu.memref_slice %arg7[%add3A_240, %dma_wait3A_241] : memref<40x64xi32, #tpu.memory_space<vmem>> -> memref<1x64xi32, #tpu.memory_space<vmem>>
      %dma_wait3A_243 = tpu.memref_squeeze %dma_wait3A_242 : memref<1x64xi32, #tpu.memory_space<vmem>> -> memref<64xi32, #tpu.memory_space<vmem>>
      %dma_wait3A_244 = arith.constant 0 : i32
      %dma_wait3A_245 = arith.constant 0 : i32
      %dma_wait3A_246 = tpu.memref_slice %arg2[%dma_wait3A_244, %dma_wait3A_245] : memref<10000x128xf32, #tpu.memory_space<hbm>> -> memref<10000x128xf32, #tpu.memory_space<hbm>>
      tpu.wait_indirect_dma semaphore(%arg18 : memref<!tpu.dma_semaphore, #tpu.memory_space<semaphore_mem>>) src(%dma_wait3A_246 : memref<10000x128xf32, #tpu.memory_space<hbm>>) dst(%arg12 : memref<64x128xf32, #tpu.memory_space<vmem>>)
      %add3A_247 = arith.constant 3 : i32
      %add3A_248 = arith.addi %add3A_190, %add3A_247 : i32
      %dma_start3A_249 = arith.constant 0 : i32
      %dma_start3A_250 = tpu.memref_slice %arg8[%add3A_248, %dma_start3A_249] : memref<40x64xi32, #tpu.memory_space<vmem>> -> memref<1x64xi32, #tpu.memory_space<vmem>>
      %dma_start3A_251 = tpu.memref_squeeze %dma_start3A_250 : memref<1x64xi32, #tpu.memory_space<vmem>> -> memref<64xi32, #tpu.memory_space<vmem>>
      %dma_start3A_252 = arith.constant 0 : i32
      %dma_start3A_253 = arith.constant 0 : i32
      %dma_start3A_254 = tpu.memref_slice %arg13[%dma_start3A_252, %dma_start3A_253] : memref<10240x128xf32, #tpu.memory_space<vmem_shared>> -> memref<10240x128xf32, #tpu.memory_space<vmem_shared>>
      tpu.enqueue_indirect_dma source(%arg12 : memref<64x128xf32, #tpu.memory_space<vmem>>) target(%dma_start3A_254 : memref<10240x128xf32, #tpu.memory_space<vmem_shared>>) offsets(%dma_start3A_251 : memref<64xi32, #tpu.memory_space<vmem>>) semaphore(%arg22 : memref<!tpu.dma_semaphore, #tpu.memory_space<semaphore_mem>>) {add = true}
      %add3A_255 = arith.constant 0 : i32
      %add3A_256 = arith.addi %add3A_190, %add3A_255 : i32
      %dma_wait3A_257 = arith.constant 0 : i32
      %dma_wait3A_258 = tpu.memref_slice %arg8[%add3A_256, %dma_wait3A_257] : memref<40x64xi32, #tpu.memory_space<vmem>> -> memref<1x64xi32, #tpu.memory_space<vmem>>
      %dma_wait3A_259 = tpu.memref_squeeze %dma_wait3A_258 : memref<1x64xi32, #tpu.memory_space<vmem>> -> memref<64xi32, #tpu.memory_space<vmem>>
      %dma_wait3A_260 = arith.constant 0 : i32
      %dma_wait3A_261 = arith.constant 0 : i32
      %dma_wait3A_262 = tpu.memref_slice %arg13[%dma_wait3A_260, %dma_wait3A_261] : memref<10240x128xf32, #tpu.memory_space<vmem_shared>> -> memref<10240x128xf32, #tpu.memory_space<vmem_shared>>
      tpu.wait_indirect_dma semaphore(%arg19 : memref<!tpu.dma_semaphore, #tpu.memory_space<semaphore_mem>>) src(%arg9 : memref<64x128xf32, #tpu.memory_space<vmem>>) dst(%dma_wait3A_262 : memref<10240x128xf32, #tpu.memory_space<vmem_shared>>)
      %add3A_263 = arith.constant 4 : i32
      %add3A_264 = arith.addi %add3A_190, %add3A_263 : i32
      %add3A_265 = arith.constant 0 : i32
      %add3A_266 = arith.addi %add3A_264, %add3A_265 : i32
      %lt3A = arith.constant 40 : i32
      %lt3A_267 = arith.cmpi slt, %add3A_266, %lt3A : i32
      %convert_element_type3A = arith.extui %lt3A_267 : i1 to i32
      %cond3A = arith.constant 0 : i32
      %cond3A_268 = arith.cmpi ne, %convert_element_type3A, %cond3A : i32
      scf.if %cond3A_268 {
        %add3A_320 = arith.constant 4 : i32
        %add3A_321 = arith.addi %add3A_190, %add3A_320 : i32
        %add3A_322 = arith.constant 0 : i32
        %add3A_323 = arith.addi %add3A_321, %add3A_322 : i32
        %dma_start3A_324 = arith.constant 0 : i32
        %dma_start3A_325 = tpu.memref_slice %arg7[%add3A_323, %dma_start3A_324] : memref<40x64xi32, #tpu.memory_space<vmem>> -> memref<1x64xi32, #tpu.memory_space<vmem>>
        %dma_start3A_326 = tpu.memref_squeeze %dma_start3A_325 : memref<1x64xi32, #tpu.memory_space<vmem>> -> memref<64xi32, #tpu.memory_space<vmem>>
        %dma_start3A_327 = arith.constant 0 : i32
        %dma_start3A_328 = arith.constant 0 : i32
        %dma_start3A_329 = tpu.memref_slice %arg2[%dma_start3A_327, %dma_start3A_328] : memref<10000x128xf32, #tpu.memory_space<hbm>> -> memref<10000x128xf32, #tpu.memory_space<hbm>>
        tpu.enqueue_indirect_dma source(%dma_start3A_329 : memref<10000x128xf32, #tpu.memory_space<hbm>>) target(%arg9 : memref<64x128xf32, #tpu.memory_space<vmem>>) offsets(%dma_start3A_326 : memref<64xi32, #tpu.memory_space<vmem>>) semaphore(%arg15 : memref<!tpu.dma_semaphore, #tpu.memory_space<semaphore_mem>>)
      } else {
      }
      %add3A_269 = arith.constant 1 : i32
      %add3A_270 = arith.addi %add3A_190, %add3A_269 : i32
      %dma_wait3A_271 = arith.constant 0 : i32
      %dma_wait3A_272 = tpu.memref_slice %arg8[%add3A_270, %dma_wait3A_271] : memref<40x64xi32, #tpu.memory_space<vmem>> -> memref<1x64xi32, #tpu.memory_space<vmem>>
      %dma_wait3A_273 = tpu.memref_squeeze %dma_wait3A_272 : memref<1x64xi32, #tpu.memory_space<vmem>> -> memref<64xi32, #tpu.memory_space<vmem>>
      %dma_wait3A_274 = arith.constant 0 : i32
      %dma_wait3A_275 = arith.constant 0 : i32
      %dma_wait3A_276 = tpu.memref_slice %arg13[%dma_wait3A_274, %dma_wait3A_275] : memref<10240x128xf32, #tpu.memory_space<vmem_shared>> -> memref<10240x128xf32, #tpu.memory_space<vmem_shared>>
      tpu.wait_indirect_dma semaphore(%arg20 : memref<!tpu.dma_semaphore, #tpu.memory_space<semaphore_mem>>) src(%arg10 : memref<64x128xf32, #tpu.memory_space<vmem>>) dst(%dma_wait3A_276 : memref<10240x128xf32, #tpu.memory_space<vmem_shared>>)
      %add3A_277 = arith.constant 4 : i32
      %add3A_278 = arith.addi %add3A_190, %add3A_277 : i32
      %add3A_279 = arith.constant 1 : i32
      %add3A_280 = arith.addi %add3A_278, %add3A_279 : i32
      %lt3A_281 = arith.constant 40 : i32
      %lt3A_282 = arith.cmpi slt, %add3A_280, %lt3A_281 : i32
      %convert_element_type3A_283 = arith.extui %lt3A_282 : i1 to i32
      %cond3A_284 = arith.constant 0 : i32
      %cond3A_285 = arith.cmpi ne, %convert_element_type3A_283, %cond3A_284 : i32
      scf.if %cond3A_285 {
        %add3A_320 = arith.constant 4 : i32
        %add3A_321 = arith.addi %add3A_190, %add3A_320 : i32
        %add3A_322 = arith.constant 1 : i32
        %add3A_323 = arith.addi %add3A_321, %add3A_322 : i32
        %dma_start3A_324 = arith.constant 0 : i32
        %dma_start3A_325 = tpu.memref_slice %arg7[%add3A_323, %dma_start3A_324] : memref<40x64xi32, #tpu.memory_space<vmem>> -> memref<1x64xi32, #tpu.memory_space<vmem>>
        %dma_start3A_326 = tpu.memref_squeeze %dma_start3A_325 : memref<1x64xi32, #tpu.memory_space<vmem>> -> memref<64xi32, #tpu.memory_space<vmem>>
        %dma_start3A_327 = arith.constant 0 : i32
        %dma_start3A_328 = arith.constant 0 : i32
        %dma_start3A_329 = tpu.memref_slice %arg2[%dma_start3A_327, %dma_start3A_328] : memref<10000x128xf32, #tpu.memory_space<hbm>> -> memref<10000x128xf32, #tpu.memory_space<hbm>>
        tpu.enqueue_indirect_dma source(%dma_start3A_329 : memref<10000x128xf32, #tpu.memory_space<hbm>>) target(%arg10 : memref<64x128xf32, #tpu.memory_space<vmem>>) offsets(%dma_start3A_326 : memref<64xi32, #tpu.memory_space<vmem>>) semaphore(%arg16 : memref<!tpu.dma_semaphore, #tpu.memory_space<semaphore_mem>>)
      } else {
      }
      %add3A_286 = arith.constant 2 : i32
      %add3A_287 = arith.addi %add3A_190, %add3A_286 : i32
      %dma_wait3A_288 = arith.constant 0 : i32
      %dma_wait3A_289 = tpu.memref_slice %arg8[%add3A_287, %dma_wait3A_288] : memref<40x64xi32, #tpu.memory_space<vmem>> -> memref<1x64xi32, #tpu.memory_space<vmem>>
      %dma_wait3A_290 = tpu.memref_squeeze %dma_wait3A_289 : memref<1x64xi32, #tpu.memory_space<vmem>> -> memref<64xi32, #tpu.memory_space<vmem>>
      %dma_wait3A_291 = arith.constant 0 : i32
      %dma_wait3A_292 = arith.constant 0 : i32
      %dma_wait3A_293 = tpu.memref_slice %arg13[%dma_wait3A_291, %dma_wait3A_292] : memref<10240x128xf32, #tpu.memory_space<vmem_shared>> -> memref<10240x128xf32, #tpu.memory_space<vmem_shared>>
      tpu.wait_indirect_dma semaphore(%arg21 : memref<!tpu.dma_semaphore, #tpu.memory_space<semaphore_mem>>) src(%arg11 : memref<64x128xf32, #tpu.memory_space<vmem>>) dst(%dma_wait3A_293 : memref<10240x128xf32, #tpu.memory_space<vmem_shared>>)
      %add3A_294 = arith.constant 4 : i32
      %add3A_295 = arith.addi %add3A_190, %add3A_294 : i32
      %add3A_296 = arith.constant 2 : i32
      %add3A_297 = arith.addi %add3A_295, %add3A_296 : i32
      %lt3A_298 = arith.constant 40 : i32
      %lt3A_299 = arith.cmpi slt, %add3A_297, %lt3A_298 : i32
      %convert_element_type3A_300 = arith.extui %lt3A_299 : i1 to i32
      %cond3A_301 = arith.constant 0 : i32
      %cond3A_302 = arith.cmpi ne, %convert_element_type3A_300, %cond3A_301 : i32
      scf.if %cond3A_302 {
        %add3A_320 = arith.constant 4 : i32
        %add3A_321 = arith.addi %add3A_190, %add3A_320 : i32
        %add3A_322 = arith.constant 2 : i32
        %add3A_323 = arith.addi %add3A_321, %add3A_322 : i32
        %dma_start3A_324 = arith.constant 0 : i32
        %dma_start3A_325 = tpu.memref_slice %arg7[%add3A_323, %dma_start3A_324] : memref<40x64xi32, #tpu.memory_space<vmem>> -> memref<1x64xi32, #tpu.memory_space<vmem>>
        %dma_start3A_326 = tpu.memref_squeeze %dma_start3A_325 : memref<1x64xi32, #tpu.memory_space<vmem>> -> memref<64xi32, #tpu.memory_space<vmem>>
        %dma_start3A_327 = arith.constant 0 : i32
        %dma_start3A_328 = arith.constant 0 : i32
        %dma_start3A_329 = tpu.memref_slice %arg2[%dma_start3A_327, %dma_start3A_328] : memref<10000x128xf32, #tpu.memory_space<hbm>> -> memref<10000x128xf32, #tpu.memory_space<hbm>>
        tpu.enqueue_indirect_dma source(%dma_start3A_329 : memref<10000x128xf32, #tpu.memory_space<hbm>>) target(%arg11 : memref<64x128xf32, #tpu.memory_space<vmem>>) offsets(%dma_start3A_326 : memref<64xi32, #tpu.memory_space<vmem>>) semaphore(%arg17 : memref<!tpu.dma_semaphore, #tpu.memory_space<semaphore_mem>>)
      } else {
      }
      %add3A_303 = arith.constant 3 : i32
      %add3A_304 = arith.addi %add3A_190, %add3A_303 : i32
      %dma_wait3A_305 = arith.constant 0 : i32
      %dma_wait3A_306 = tpu.memref_slice %arg8[%add3A_304, %dma_wait3A_305] : memref<40x64xi32, #tpu.memory_space<vmem>> -> memref<1x64xi32, #tpu.memory_space<vmem>>
      %dma_wait3A_307 = tpu.memref_squeeze %dma_wait3A_306 : memref<1x64xi32, #tpu.memory_space<vmem>> -> memref<64xi32, #tpu.memory_space<vmem>>
      %dma_wait3A_308 = arith.constant 0 : i32
      %dma_wait3A_309 = arith.constant 0 : i32
      %dma_wait3A_310 = tpu.memref_slice %arg13[%dma_wait3A_308, %dma_wait3A_309] : memref<10240x128xf32, #tpu.memory_space<vmem_shared>> -> memref<10240x128xf32, #tpu.memory_space<vmem_shared>>
      tpu.wait_indirect_dma semaphore(%arg22 : memref<!tpu.dma_semaphore, #tpu.memory_space<semaphore_mem>>) src(%arg12 : memref<64x128xf32, #tpu.memory_space<vmem>>) dst(%dma_wait3A_310 : memref<10240x128xf32, #tpu.memory_space<vmem_shared>>)
      %add3A_311 = arith.constant 4 : i32
      %add3A_312 = arith.addi %add3A_190, %add3A_311 : i32
      %add3A_313 = arith.constant 3 : i32
      %add3A_314 = arith.addi %add3A_312, %add3A_313 : i32
      %lt3A_315 = arith.constant 40 : i32
      %lt3A_316 = arith.cmpi slt, %add3A_314, %lt3A_315 : i32
      %convert_element_type3A_317 = arith.extui %lt3A_316 : i1 to i32
      %cond3A_318 = arith.constant 0 : i32
      %cond3A_319 = arith.cmpi ne, %convert_element_type3A_317, %cond3A_318 : i32
      scf.if %cond3A_319 {
        %add3A_320 = arith.constant 4 : i32
        %add3A_321 = arith.addi %add3A_190, %add3A_320 : i32
        %add3A_322 = arith.constant 3 : i32
        %add3A_323 = arith.addi %add3A_321, %add3A_322 : i32
        %dma_start3A_324 = arith.constant 0 : i32
        %dma_start3A_325 = tpu.memref_slice %arg7[%add3A_323, %dma_start3A_324] : memref<40x64xi32, #tpu.memory_space<vmem>> -> memref<1x64xi32, #tpu.memory_space<vmem>>
        %dma_start3A_326 = tpu.memref_squeeze %dma_start3A_325 : memref<1x64xi32, #tpu.memory_space<vmem>> -> memref<64xi32, #tpu.memory_space<vmem>>
        %dma_start3A_327 = arith.constant 0 : i32
        %dma_start3A_328 = arith.constant 0 : i32
        %dma_start3A_329 = tpu.memref_slice %arg2[%dma_start3A_327, %dma_start3A_328] : memref<10000x128xf32, #tpu.memory_space<hbm>> -> memref<10000x128xf32, #tpu.memory_space<hbm>>
        tpu.enqueue_indirect_dma source(%dma_start3A_329 : memref<10000x128xf32, #tpu.memory_space<hbm>>) target(%arg12 : memref<64x128xf32, #tpu.memory_space<vmem>>) offsets(%dma_start3A_326 : memref<64xi32, #tpu.memory_space<vmem>>) semaphore(%arg18 : memref<!tpu.dma_semaphore, #tpu.memory_space<semaphore_mem>>)
      } else {
      }
    }
    %scan3A_60 = arith.constant 10 : i32
    %mul3A_61 = arith.constant 40 : i32
    %mul3A_62 = arith.muli %add3A, %mul3A_61 : i32
    %mul3A_63 = arith.constant 4 : i32
    %mul3A_64 = arith.muli %mul3A_62, %mul3A_63 : i32
    %add3A_65 = arith.constant 40 : i32
    %add3A_66 = arith.addi %mul3A_64, %add3A_65 : i32
    "tpu.region"() ({
      %run_scoped3A = tpu.sem_alloc : memref<!tpu.dma_semaphore, #tpu.memory_space<semaphore_mem>>
      %dma_start3A_186 = arith.constant 0 : i32
      %dma_start3A_187 = tpu.memref_slice %arg4[%add3A_66, %dma_start3A_186] : memref<5120x64xi32, #tpu.memory_space<hbm>> -> memref<40x64xi32, #tpu.memory_space<hbm>>
      %dma_start3A_188 = arith.constant 0 : i32
      %dma_start3A_189 = tpu.memref_slice %arg4[%add3A_66, %dma_start3A_188] : memref<5120x64xi32, #tpu.memory_space<hbm>> -> memref<40x64xi32, #tpu.memory_space<hbm>>
      tpu.enqueue_dma source(%dma_start3A_189 : memref<40x64xi32, #tpu.memory_space<hbm>>) target(%arg7 : memref<40x64xi32, #tpu.memory_space<vmem>>) target_semaphore(%run_scoped3A : memref<!tpu.dma_semaphore, #tpu.memory_space<semaphore_mem>>)
      %dma_wait3A_190 = arith.constant 0 : i32
      %dma_wait3A_191 = tpu.memref_slice %arg4[%add3A_66, %dma_wait3A_190] : memref<5120x64xi32, #tpu.memory_space<hbm>> -> memref<40x64xi32, #tpu.memory_space<hbm>>
      %dma_wait3A_192 = arith.constant 0 : i32
      %dma_wait3A_193 = tpu.memref_slice %arg4[%add3A_66, %dma_wait3A_192] : memref<5120x64xi32, #tpu.memory_space<hbm>> -> memref<40x64xi32, #tpu.memory_space<hbm>>
      tpu.wait_dma2 semaphore(%run_scoped3A : memref<!tpu.dma_semaphore, #tpu.memory_space<semaphore_mem>>) src(%dma_wait3A_193 : memref<40x64xi32, #tpu.memory_space<hbm>>) dst(%arg7 : memref<40x64xi32, #tpu.memory_space<vmem>>)
      tpu.yield
    }) : () -> ()
    "tpu.region"() ({
      %run_scoped3A = tpu.sem_alloc : memref<!tpu.dma_semaphore, #tpu.memory_space<semaphore_mem>>
      %dma_start3A_186 = arith.constant 0 : i32
      %dma_start3A_187 = tpu.memref_slice %arg5[%add3A_66, %dma_start3A_186] : memref<5120x64xi32, #tpu.memory_space<hbm>> -> memref<40x64xi32, #tpu.memory_space<hbm>>
      %dma_start3A_188 = arith.constant 0 : i32
      %dma_start3A_189 = tpu.memref_slice %arg5[%add3A_66, %dma_start3A_188] : memref<5120x64xi32, #tpu.memory_space<hbm>> -> memref<40x64xi32, #tpu.memory_space<hbm>>
      tpu.enqueue_dma source(%dma_start3A_189 : memref<40x64xi32, #tpu.memory_space<hbm>>) target(%arg8 : memref<40x64xi32, #tpu.memory_space<vmem>>) target_semaphore(%run_scoped3A : memref<!tpu.dma_semaphore, #tpu.memory_space<semaphore_mem>>)
      %dma_wait3A_190 = arith.constant 0 : i32
      %dma_wait3A_191 = tpu.memref_slice %arg5[%add3A_66, %dma_wait3A_190] : memref<5120x64xi32, #tpu.memory_space<hbm>> -> memref<40x64xi32, #tpu.memory_space<hbm>>
      %dma_wait3A_192 = arith.constant 0 : i32
      %dma_wait3A_193 = tpu.memref_slice %arg5[%add3A_66, %dma_wait3A_192] : memref<5120x64xi32, #tpu.memory_space<hbm>> -> memref<40x64xi32, #tpu.memory_space<hbm>>
      tpu.wait_dma2 semaphore(%run_scoped3A : memref<!tpu.dma_semaphore, #tpu.memory_space<semaphore_mem>>) src(%dma_wait3A_193 : memref<40x64xi32, #tpu.memory_space<hbm>>) dst(%arg8 : memref<40x64xi32, #tpu.memory_space<vmem>>)
      tpu.yield
    }) : () -> ()
    %dma_start3A_67 = arith.constant 0 : i32
    %dma_start3A_68 = arith.constant 0 : i32
    %dma_start3A_69 = tpu.memref_slice %arg7[%dma_start3A_67, %dma_start3A_68] : memref<40x64xi32, #tpu.memory_space<vmem>> -> memref<1x64xi32, #tpu.memory_space<vmem>>
    %dma_start3A_70 = tpu.memref_squeeze %dma_start3A_69 : memref<1x64xi32, #tpu.memory_space<vmem>> -> memref<64xi32, #tpu.memory_space<vmem>>
    %dma_start3A_71 = arith.constant 0 : i32
    %dma_start3A_72 = arith.constant 0 : i32
    %dma_start3A_73 = tpu.memref_slice %arg2[%dma_start3A_71, %dma_start3A_72] : memref<10000x128xf32, #tpu.memory_space<hbm>> -> memref<10000x128xf32, #tpu.memory_space<hbm>>
    tpu.enqueue_indirect_dma source(%dma_start3A_73 : memref<10000x128xf32, #tpu.memory_space<hbm>>) target(%arg9 : memref<64x128xf32, #tpu.memory_space<vmem>>) offsets(%dma_start3A_70 : memref<64xi32, #tpu.memory_space<vmem>>) semaphore(%arg15 : memref<!tpu.dma_semaphore, #tpu.memory_space<semaphore_mem>>)
    %dma_start3A_74 = arith.constant 1 : i32
    %dma_start3A_75 = arith.constant 0 : i32
    %dma_start3A_76 = tpu.memref_slice %arg7[%dma_start3A_74, %dma_start3A_75] : memref<40x64xi32, #tpu.memory_space<vmem>> -> memref<1x64xi32, #tpu.memory_space<vmem>>
    %dma_start3A_77 = tpu.memref_squeeze %dma_start3A_76 : memref<1x64xi32, #tpu.memory_space<vmem>> -> memref<64xi32, #tpu.memory_space<vmem>>
    %dma_start3A_78 = arith.constant 0 : i32
    %dma_start3A_79 = arith.constant 0 : i32
    %dma_start3A_80 = tpu.memref_slice %arg2[%dma_start3A_78, %dma_start3A_79] : memref<10000x128xf32, #tpu.memory_space<hbm>> -> memref<10000x128xf32, #tpu.memory_space<hbm>>
    tpu.enqueue_indirect_dma source(%dma_start3A_80 : memref<10000x128xf32, #tpu.memory_space<hbm>>) target(%arg10 : memref<64x128xf32, #tpu.memory_space<vmem>>) offsets(%dma_start3A_77 : memref<64xi32, #tpu.memory_space<vmem>>) semaphore(%arg16 : memref<!tpu.dma_semaphore, #tpu.memory_space<semaphore_mem>>)
    %dma_start3A_81 = arith.constant 2 : i32
    %dma_start3A_82 = arith.constant 0 : i32
    %dma_start3A_83 = tpu.memref_slice %arg7[%dma_start3A_81, %dma_start3A_82] : memref<40x64xi32, #tpu.memory_space<vmem>> -> memref<1x64xi32, #tpu.memory_space<vmem>>
    %dma_start3A_84 = tpu.memref_squeeze %dma_start3A_83 : memref<1x64xi32, #tpu.memory_space<vmem>> -> memref<64xi32, #tpu.memory_space<vmem>>
    %dma_start3A_85 = arith.constant 0 : i32
    %dma_start3A_86 = arith.constant 0 : i32
    %dma_start3A_87 = tpu.memref_slice %arg2[%dma_start3A_85, %dma_start3A_86] : memref<10000x128xf32, #tpu.memory_space<hbm>> -> memref<10000x128xf32, #tpu.memory_space<hbm>>
    tpu.enqueue_indirect_dma source(%dma_start3A_87 : memref<10000x128xf32, #tpu.memory_space<hbm>>) target(%arg11 : memref<64x128xf32, #tpu.memory_space<vmem>>) offsets(%dma_start3A_84 : memref<64xi32, #tpu.memory_space<vmem>>) semaphore(%arg17 : memref<!tpu.dma_semaphore, #tpu.memory_space<semaphore_mem>>)
    %dma_start3A_88 = arith.constant 3 : i32
    %dma_start3A_89 = arith.constant 0 : i32
    %dma_start3A_90 = tpu.memref_slice %arg7[%dma_start3A_88, %dma_start3A_89] : memref<40x64xi32, #tpu.memory_space<vmem>> -> memref<1x64xi32, #tpu.memory_space<vmem>>
    %dma_start3A_91 = tpu.memref_squeeze %dma_start3A_90 : memref<1x64xi32, #tpu.memory_space<vmem>> -> memref<64xi32, #tpu.memory_space<vmem>>
    %dma_start3A_92 = arith.constant 0 : i32
    %dma_start3A_93 = arith.constant 0 : i32
    %dma_start3A_94 = tpu.memref_slice %arg2[%dma_start3A_92, %dma_start3A_93] : memref<10000x128xf32, #tpu.memory_space<hbm>> -> memref<10000x128xf32, #tpu.memory_space<hbm>>
    tpu.enqueue_indirect_dma source(%dma_start3A_94 : memref<10000x128xf32, #tpu.memory_space<hbm>>) target(%arg12 : memref<64x128xf32, #tpu.memory_space<vmem>>) offsets(%dma_start3A_91 : memref<64xi32, #tpu.memory_space<vmem>>) semaphore(%arg18 : memref<!tpu.dma_semaphore, #tpu.memory_space<semaphore_mem>>)
    %scan3A_95 = arith.constant 0 : i32
    %scan3A_96 = arith.constant 10 : i32
    %scan3A_97 = arith.addi %scan3A_95, %scan3A_96 : i32
    %scan3A_98 = arith.constant 1 : i32
    scf.for %scan3A_186 = %scan3A_95 to %scan3A_97 step %scan3A_98  : i32 {
      %mul3A_187 = arith.constant 4 : i32
      %mul3A_188 = arith.muli %scan3A_186, %mul3A_187 : i32
      %add3A_189 = arith.constant 0 : i32
      %add3A_190 = arith.addi %add3A_189, %mul3A_188 : i32
      %add3A_191 = arith.constant 0 : i32
      %add3A_192 = arith.addi %add3A_190, %add3A_191 : i32
      %dma_wait3A_193 = arith.constant 0 : i32
      %dma_wait3A_194 = tpu.memref_slice %arg7[%add3A_192, %dma_wait3A_193] : memref<40x64xi32, #tpu.memory_space<vmem>> -> memref<1x64xi32, #tpu.memory_space<vmem>>
      %dma_wait3A_195 = tpu.memref_squeeze %dma_wait3A_194 : memref<1x64xi32, #tpu.memory_space<vmem>> -> memref<64xi32, #tpu.memory_space<vmem>>
      %dma_wait3A_196 = arith.constant 0 : i32
      %dma_wait3A_197 = arith.constant 0 : i32
      %dma_wait3A_198 = tpu.memref_slice %arg2[%dma_wait3A_196, %dma_wait3A_197] : memref<10000x128xf32, #tpu.memory_space<hbm>> -> memref<10000x128xf32, #tpu.memory_space<hbm>>
      tpu.wait_indirect_dma semaphore(%arg15 : memref<!tpu.dma_semaphore, #tpu.memory_space<semaphore_mem>>) src(%dma_wait3A_198 : memref<10000x128xf32, #tpu.memory_space<hbm>>) dst(%arg9 : memref<64x128xf32, #tpu.memory_space<vmem>>)
      %add3A_199 = arith.constant 0 : i32
      %add3A_200 = arith.addi %add3A_190, %add3A_199 : i32
      %dma_start3A_201 = arith.constant 0 : i32
      %dma_start3A_202 = tpu.memref_slice %arg8[%add3A_200, %dma_start3A_201] : memref<40x64xi32, #tpu.memory_space<vmem>> -> memref<1x64xi32, #tpu.memory_space<vmem>>
      %dma_start3A_203 = tpu.memref_squeeze %dma_start3A_202 : memref<1x64xi32, #tpu.memory_space<vmem>> -> memref<64xi32, #tpu.memory_space<vmem>>
      %dma_start3A_204 = arith.constant 0 : i32
      %dma_start3A_205 = arith.constant 0 : i32
      %dma_start3A_206 = tpu.memref_slice %arg13[%dma_start3A_204, %dma_start3A_205] : memref<10240x128xf32, #tpu.memory_space<vmem_shared>> -> memref<10240x128xf32, #tpu.memory_space<vmem_shared>>
      tpu.enqueue_indirect_dma source(%arg9 : memref<64x128xf32, #tpu.memory_space<vmem>>) target(%dma_start3A_206 : memref<10240x128xf32, #tpu.memory_space<vmem_shared>>) offsets(%dma_start3A_203 : memref<64xi32, #tpu.memory_space<vmem>>) semaphore(%arg19 : memref<!tpu.dma_semaphore, #tpu.memory_space<semaphore_mem>>) {add = true}
      %add3A_207 = arith.constant 1 : i32
      %add3A_208 = arith.addi %add3A_190, %add3A_207 : i32
      %dma_wait3A_209 = arith.constant 0 : i32
      %dma_wait3A_210 = tpu.memref_slice %arg7[%add3A_208, %dma_wait3A_209] : memref<40x64xi32, #tpu.memory_space<vmem>> -> memref<1x64xi32, #tpu.memory_space<vmem>>
      %dma_wait3A_211 = tpu.memref_squeeze %dma_wait3A_210 : memref<1x64xi32, #tpu.memory_space<vmem>> -> memref<64xi32, #tpu.memory_space<vmem>>
      %dma_wait3A_212 = arith.constant 0 : i32
      %dma_wait3A_213 = arith.constant 0 : i32
      %dma_wait3A_214 = tpu.memref_slice %arg2[%dma_wait3A_212, %dma_wait3A_213] : memref<10000x128xf32, #tpu.memory_space<hbm>> -> memref<10000x128xf32, #tpu.memory_space<hbm>>
      tpu.wait_indirect_dma semaphore(%arg16 : memref<!tpu.dma_semaphore, #tpu.memory_space<semaphore_mem>>) src(%dma_wait3A_214 : memref<10000x128xf32, #tpu.memory_space<hbm>>) dst(%arg10 : memref<64x128xf32, #tpu.memory_space<vmem>>)
      %add3A_215 = arith.constant 1 : i32
      %add3A_216 = arith.addi %add3A_190, %add3A_215 : i32
      %dma_start3A_217 = arith.constant 0 : i32
      %dma_start3A_218 = tpu.memref_slice %arg8[%add3A_216, %dma_start3A_217] : memref<40x64xi32, #tpu.memory_space<vmem>> -> memref<1x64xi32, #tpu.memory_space<vmem>>
      %dma_start3A_219 = tpu.memref_squeeze %dma_start3A_218 : memref<1x64xi32, #tpu.memory_space<vmem>> -> memref<64xi32, #tpu.memory_space<vmem>>
      %dma_start3A_220 = arith.constant 0 : i32
      %dma_start3A_221 = arith.constant 0 : i32
      %dma_start3A_222 = tpu.memref_slice %arg13[%dma_start3A_220, %dma_start3A_221] : memref<10240x128xf32, #tpu.memory_space<vmem_shared>> -> memref<10240x128xf32, #tpu.memory_space<vmem_shared>>
      tpu.enqueue_indirect_dma source(%arg10 : memref<64x128xf32, #tpu.memory_space<vmem>>) target(%dma_start3A_222 : memref<10240x128xf32, #tpu.memory_space<vmem_shared>>) offsets(%dma_start3A_219 : memref<64xi32, #tpu.memory_space<vmem>>) semaphore(%arg20 : memref<!tpu.dma_semaphore, #tpu.memory_space<semaphore_mem>>) {add = true}
      %add3A_223 = arith.constant 2 : i32
      %add3A_224 = arith.addi %add3A_190, %add3A_223 : i32
      %dma_wait3A_225 = arith.constant 0 : i32
      %dma_wait3A_226 = tpu.memref_slice %arg7[%add3A_224, %dma_wait3A_225] : memref<40x64xi32, #tpu.memory_space<vmem>> -> memref<1x64xi32, #tpu.memory_space<vmem>>
      %dma_wait3A_227 = tpu.memref_squeeze %dma_wait3A_226 : memref<1x64xi32, #tpu.memory_space<vmem>> -> memref<64xi32, #tpu.memory_space<vmem>>
      %dma_wait3A_228 = arith.constant 0 : i32
      %dma_wait3A_229 = arith.constant 0 : i32
      %dma_wait3A_230 = tpu.memref_slice %arg2[%dma_wait3A_228, %dma_wait3A_229] : memref<10000x128xf32, #tpu.memory_space<hbm>> -> memref<10000x128xf32, #tpu.memory_space<hbm>>
      tpu.wait_indirect_dma semaphore(%arg17 : memref<!tpu.dma_semaphore, #tpu.memory_space<semaphore_mem>>) src(%dma_wait3A_230 : memref<10000x128xf32, #tpu.memory_space<hbm>>) dst(%arg11 : memref<64x128xf32, #tpu.memory_space<vmem>>)
      %add3A_231 = arith.constant 2 : i32
      %add3A_232 = arith.addi %add3A_190, %add3A_231 : i32
      %dma_start3A_233 = arith.constant 0 : i32
      %dma_start3A_234 = tpu.memref_slice %arg8[%add3A_232, %dma_start3A_233] : memref<40x64xi32, #tpu.memory_space<vmem>> -> memref<1x64xi32, #tpu.memory_space<vmem>>
      %dma_start3A_235 = tpu.memref_squeeze %dma_start3A_234 : memref<1x64xi32, #tpu.memory_space<vmem>> -> memref<64xi32, #tpu.memory_space<vmem>>
      %dma_start3A_236 = arith.constant 0 : i32
      %dma_start3A_237 = arith.constant 0 : i32
      %dma_start3A_238 = tpu.memref_slice %arg13[%dma_start3A_236, %dma_start3A_237] : memref<10240x128xf32, #tpu.memory_space<vmem_shared>> -> memref<10240x128xf32, #tpu.memory_space<vmem_shared>>
      tpu.enqueue_indirect_dma source(%arg11 : memref<64x128xf32, #tpu.memory_space<vmem>>) target(%dma_start3A_238 : memref<10240x128xf32, #tpu.memory_space<vmem_shared>>) offsets(%dma_start3A_235 : memref<64xi32, #tpu.memory_space<vmem>>) semaphore(%arg21 : memref<!tpu.dma_semaphore, #tpu.memory_space<semaphore_mem>>) {add = true}
      %add3A_239 = arith.constant 3 : i32
      %add3A_240 = arith.addi %add3A_190, %add3A_239 : i32
      %dma_wait3A_241 = arith.constant 0 : i32
      %dma_wait3A_242 = tpu.memref_slice %arg7[%add3A_240, %dma_wait3A_241] : memref<40x64xi32, #tpu.memory_space<vmem>> -> memref<1x64xi32, #tpu.memory_space<vmem>>
      %dma_wait3A_243 = tpu.memref_squeeze %dma_wait3A_242 : memref<1x64xi32, #tpu.memory_space<vmem>> -> memref<64xi32, #tpu.memory_space<vmem>>
      %dma_wait3A_244 = arith.constant 0 : i32
      %dma_wait3A_245 = arith.constant 0 : i32
      %dma_wait3A_246 = tpu.memref_slice %arg2[%dma_wait3A_244, %dma_wait3A_245] : memref<10000x128xf32, #tpu.memory_space<hbm>> -> memref<10000x128xf32, #tpu.memory_space<hbm>>
      tpu.wait_indirect_dma semaphore(%arg18 : memref<!tpu.dma_semaphore, #tpu.memory_space<semaphore_mem>>) src(%dma_wait3A_246 : memref<10000x128xf32, #tpu.memory_space<hbm>>) dst(%arg12 : memref<64x128xf32, #tpu.memory_space<vmem>>)
      %add3A_247 = arith.constant 3 : i32
      %add3A_248 = arith.addi %add3A_190, %add3A_247 : i32
      %dma_start3A_249 = arith.constant 0 : i32
      %dma_start3A_250 = tpu.memref_slice %arg8[%add3A_248, %dma_start3A_249] : memref<40x64xi32, #tpu.memory_space<vmem>> -> memref<1x64xi32, #tpu.memory_space<vmem>>
      %dma_start3A_251 = tpu.memref_squeeze %dma_start3A_250 : memref<1x64xi32, #tpu.memory_space<vmem>> -> memref<64xi32, #tpu.memory_space<vmem>>
      %dma_start3A_252 = arith.constant 0 : i32
      %dma_start3A_253 = arith.constant 0 : i32
      %dma_start3A_254 = tpu.memref_slice %arg13[%dma_start3A_252, %dma_start3A_253] : memref<10240x128xf32, #tpu.memory_space<vmem_shared>> -> memref<10240x128xf32, #tpu.memory_space<vmem_shared>>
      tpu.enqueue_indirect_dma source(%arg12 : memref<64x128xf32, #tpu.memory_space<vmem>>) target(%dma_start3A_254 : memref<10240x128xf32, #tpu.memory_space<vmem_shared>>) offsets(%dma_start3A_251 : memref<64xi32, #tpu.memory_space<vmem>>) semaphore(%arg22 : memref<!tpu.dma_semaphore, #tpu.memory_space<semaphore_mem>>) {add = true}
      %add3A_255 = arith.constant 0 : i32
      %add3A_256 = arith.addi %add3A_190, %add3A_255 : i32
      %dma_wait3A_257 = arith.constant 0 : i32
      %dma_wait3A_258 = tpu.memref_slice %arg8[%add3A_256, %dma_wait3A_257] : memref<40x64xi32, #tpu.memory_space<vmem>> -> memref<1x64xi32, #tpu.memory_space<vmem>>
      %dma_wait3A_259 = tpu.memref_squeeze %dma_wait3A_258 : memref<1x64xi32, #tpu.memory_space<vmem>> -> memref<64xi32, #tpu.memory_space<vmem>>
      %dma_wait3A_260 = arith.constant 0 : i32
      %dma_wait3A_261 = arith.constant 0 : i32
      %dma_wait3A_262 = tpu.memref_slice %arg13[%dma_wait3A_260, %dma_wait3A_261] : memref<10240x128xf32, #tpu.memory_space<vmem_shared>> -> memref<10240x128xf32, #tpu.memory_space<vmem_shared>>
      tpu.wait_indirect_dma semaphore(%arg19 : memref<!tpu.dma_semaphore, #tpu.memory_space<semaphore_mem>>) src(%arg9 : memref<64x128xf32, #tpu.memory_space<vmem>>) dst(%dma_wait3A_262 : memref<10240x128xf32, #tpu.memory_space<vmem_shared>>)
      %add3A_263 = arith.constant 4 : i32
      %add3A_264 = arith.addi %add3A_190, %add3A_263 : i32
      %add3A_265 = arith.constant 0 : i32
      %add3A_266 = arith.addi %add3A_264, %add3A_265 : i32
      %lt3A = arith.constant 40 : i32
      %lt3A_267 = arith.cmpi slt, %add3A_266, %lt3A : i32
      %convert_element_type3A = arith.extui %lt3A_267 : i1 to i32
      %cond3A = arith.constant 0 : i32
      %cond3A_268 = arith.cmpi ne, %convert_element_type3A, %cond3A : i32
      scf.if %cond3A_268 {
        %add3A_320 = arith.constant 4 : i32
        %add3A_321 = arith.addi %add3A_190, %add3A_320 : i32
        %add3A_322 = arith.constant 0 : i32
        %add3A_323 = arith.addi %add3A_321, %add3A_322 : i32
        %dma_start3A_324 = arith.constant 0 : i32
        %dma_start3A_325 = tpu.memref_slice %arg7[%add3A_323, %dma_start3A_324] : memref<40x64xi32, #tpu.memory_space<vmem>> -> memref<1x64xi32, #tpu.memory_space<vmem>>
        %dma_start3A_326 = tpu.memref_squeeze %dma_start3A_325 : memref<1x64xi32, #tpu.memory_space<vmem>> -> memref<64xi32, #tpu.memory_space<vmem>>
        %dma_start3A_327 = arith.constant 0 : i32
        %dma_start3A_328 = arith.constant 0 : i32
        %dma_start3A_329 = tpu.memref_slice %arg2[%dma_start3A_327, %dma_start3A_328] : memref<10000x128xf32, #tpu.memory_space<hbm>> -> memref<10000x128xf32, #tpu.memory_space<hbm>>
        tpu.enqueue_indirect_dma source(%dma_start3A_329 : memref<10000x128xf32, #tpu.memory_space<hbm>>) target(%arg9 : memref<64x128xf32, #tpu.memory_space<vmem>>) offsets(%dma_start3A_326 : memref<64xi32, #tpu.memory_space<vmem>>) semaphore(%arg15 : memref<!tpu.dma_semaphore, #tpu.memory_space<semaphore_mem>>)
      } else {
      }
      %add3A_269 = arith.constant 1 : i32
      %add3A_270 = arith.addi %add3A_190, %add3A_269 : i32
      %dma_wait3A_271 = arith.constant 0 : i32
      %dma_wait3A_272 = tpu.memref_slice %arg8[%add3A_270, %dma_wait3A_271] : memref<40x64xi32, #tpu.memory_space<vmem>> -> memref<1x64xi32, #tpu.memory_space<vmem>>
      %dma_wait3A_273 = tpu.memref_squeeze %dma_wait3A_272 : memref<1x64xi32, #tpu.memory_space<vmem>> -> memref<64xi32, #tpu.memory_space<vmem>>
      %dma_wait3A_274 = arith.constant 0 : i32
      %dma_wait3A_275 = arith.constant 0 : i32
      %dma_wait3A_276 = tpu.memref_slice %arg13[%dma_wait3A_274, %dma_wait3A_275] : memref<10240x128xf32, #tpu.memory_space<vmem_shared>> -> memref<10240x128xf32, #tpu.memory_space<vmem_shared>>
      tpu.wait_indirect_dma semaphore(%arg20 : memref<!tpu.dma_semaphore, #tpu.memory_space<semaphore_mem>>) src(%arg10 : memref<64x128xf32, #tpu.memory_space<vmem>>) dst(%dma_wait3A_276 : memref<10240x128xf32, #tpu.memory_space<vmem_shared>>)
      %add3A_277 = arith.constant 4 : i32
      %add3A_278 = arith.addi %add3A_190, %add3A_277 : i32
      %add3A_279 = arith.constant 1 : i32
      %add3A_280 = arith.addi %add3A_278, %add3A_279 : i32
      %lt3A_281 = arith.constant 40 : i32
      %lt3A_282 = arith.cmpi slt, %add3A_280, %lt3A_281 : i32
      %convert_element_type3A_283 = arith.extui %lt3A_282 : i1 to i32
      %cond3A_284 = arith.constant 0 : i32
      %cond3A_285 = arith.cmpi ne, %convert_element_type3A_283, %cond3A_284 : i32
      scf.if %cond3A_285 {
        %add3A_320 = arith.constant 4 : i32
        %add3A_321 = arith.addi %add3A_190, %add3A_320 : i32
        %add3A_322 = arith.constant 1 : i32
        %add3A_323 = arith.addi %add3A_321, %add3A_322 : i32
        %dma_start3A_324 = arith.constant 0 : i32
        %dma_start3A_325 = tpu.memref_slice %arg7[%add3A_323, %dma_start3A_324] : memref<40x64xi32, #tpu.memory_space<vmem>> -> memref<1x64xi32, #tpu.memory_space<vmem>>
        %dma_start3A_326 = tpu.memref_squeeze %dma_start3A_325 : memref<1x64xi32, #tpu.memory_space<vmem>> -> memref<64xi32, #tpu.memory_space<vmem>>
        %dma_start3A_327 = arith.constant 0 : i32
        %dma_start3A_328 = arith.constant 0 : i32
        %dma_start3A_329 = tpu.memref_slice %arg2[%dma_start3A_327, %dma_start3A_328] : memref<10000x128xf32, #tpu.memory_space<hbm>> -> memref<10000x128xf32, #tpu.memory_space<hbm>>
        tpu.enqueue_indirect_dma source(%dma_start3A_329 : memref<10000x128xf32, #tpu.memory_space<hbm>>) target(%arg10 : memref<64x128xf32, #tpu.memory_space<vmem>>) offsets(%dma_start3A_326 : memref<64xi32, #tpu.memory_space<vmem>>) semaphore(%arg16 : memref<!tpu.dma_semaphore, #tpu.memory_space<semaphore_mem>>)
      } else {
      }
      %add3A_286 = arith.constant 2 : i32
      %add3A_287 = arith.addi %add3A_190, %add3A_286 : i32
      %dma_wait3A_288 = arith.constant 0 : i32
      %dma_wait3A_289 = tpu.memref_slice %arg8[%add3A_287, %dma_wait3A_288] : memref<40x64xi32, #tpu.memory_space<vmem>> -> memref<1x64xi32, #tpu.memory_space<vmem>>
      %dma_wait3A_290 = tpu.memref_squeeze %dma_wait3A_289 : memref<1x64xi32, #tpu.memory_space<vmem>> -> memref<64xi32, #tpu.memory_space<vmem>>
      %dma_wait3A_291 = arith.constant 0 : i32
      %dma_wait3A_292 = arith.constant 0 : i32
      %dma_wait3A_293 = tpu.memref_slice %arg13[%dma_wait3A_291, %dma_wait3A_292] : memref<10240x128xf32, #tpu.memory_space<vmem_shared>> -> memref<10240x128xf32, #tpu.memory_space<vmem_shared>>
      tpu.wait_indirect_dma semaphore(%arg21 : memref<!tpu.dma_semaphore, #tpu.memory_space<semaphore_mem>>) src(%arg11 : memref<64x128xf32, #tpu.memory_space<vmem>>) dst(%dma_wait3A_293 : memref<10240x128xf32, #tpu.memory_space<vmem_shared>>)
      %add3A_294 = arith.constant 4 : i32
      %add3A_295 = arith.addi %add3A_190, %add3A_294 : i32
      %add3A_296 = arith.constant 2 : i32
      %add3A_297 = arith.addi %add3A_295, %add3A_296 : i32
      %lt3A_298 = arith.constant 40 : i32
      %lt3A_299 = arith.cmpi slt, %add3A_297, %lt3A_298 : i32
      %convert_element_type3A_300 = arith.extui %lt3A_299 : i1 to i32
      %cond3A_301 = arith.constant 0 : i32
      %cond3A_302 = arith.cmpi ne, %convert_element_type3A_300, %cond3A_301 : i32
      scf.if %cond3A_302 {
        %add3A_320 = arith.constant 4 : i32
        %add3A_321 = arith.addi %add3A_190, %add3A_320 : i32
        %add3A_322 = arith.constant 2 : i32
        %add3A_323 = arith.addi %add3A_321, %add3A_322 : i32
        %dma_start3A_324 = arith.constant 0 : i32
        %dma_start3A_325 = tpu.memref_slice %arg7[%add3A_323, %dma_start3A_324] : memref<40x64xi32, #tpu.memory_space<vmem>> -> memref<1x64xi32, #tpu.memory_space<vmem>>
        %dma_start3A_326 = tpu.memref_squeeze %dma_start3A_325 : memref<1x64xi32, #tpu.memory_space<vmem>> -> memref<64xi32, #tpu.memory_space<vmem>>
        %dma_start3A_327 = arith.constant 0 : i32
        %dma_start3A_328 = arith.constant 0 : i32
        %dma_start3A_329 = tpu.memref_slice %arg2[%dma_start3A_327, %dma_start3A_328] : memref<10000x128xf32, #tpu.memory_space<hbm>> -> memref<10000x128xf32, #tpu.memory_space<hbm>>
        tpu.enqueue_indirect_dma source(%dma_start3A_329 : memref<10000x128xf32, #tpu.memory_space<hbm>>) target(%arg11 : memref<64x128xf32, #tpu.memory_space<vmem>>) offsets(%dma_start3A_326 : memref<64xi32, #tpu.memory_space<vmem>>) semaphore(%arg17 : memref<!tpu.dma_semaphore, #tpu.memory_space<semaphore_mem>>)
      } else {
      }
      %add3A_303 = arith.constant 3 : i32
      %add3A_304 = arith.addi %add3A_190, %add3A_303 : i32
      %dma_wait3A_305 = arith.constant 0 : i32
      %dma_wait3A_306 = tpu.memref_slice %arg8[%add3A_304, %dma_wait3A_305] : memref<40x64xi32, #tpu.memory_space<vmem>> -> memref<1x64xi32, #tpu.memory_space<vmem>>
      %dma_wait3A_307 = tpu.memref_squeeze %dma_wait3A_306 : memref<1x64xi32, #tpu.memory_space<vmem>> -> memref<64xi32, #tpu.memory_space<vmem>>
      %dma_wait3A_308 = arith.constant 0 : i32
      %dma_wait3A_309 = arith.constant 0 : i32
      %dma_wait3A_310 = tpu.memref_slice %arg13[%dma_wait3A_308, %dma_wait3A_309] : memref<10240x128xf32, #tpu.memory_space<vmem_shared>> -> memref<10240x128xf32, #tpu.memory_space<vmem_shared>>
      tpu.wait_indirect_dma semaphore(%arg22 : memref<!tpu.dma_semaphore, #tpu.memory_space<semaphore_mem>>) src(%arg12 : memref<64x128xf32, #tpu.memory_space<vmem>>) dst(%dma_wait3A_310 : memref<10240x128xf32, #tpu.memory_space<vmem_shared>>)
      %add3A_311 = arith.constant 4 : i32
      %add3A_312 = arith.addi %add3A_190, %add3A_311 : i32
      %add3A_313 = arith.constant 3 : i32
      %add3A_314 = arith.addi %add3A_312, %add3A_313 : i32
      %lt3A_315 = arith.constant 40 : i32
      %lt3A_316 = arith.cmpi slt, %add3A_314, %lt3A_315 : i32
      %convert_element_type3A_317 = arith.extui %lt3A_316 : i1 to i32
      %cond3A_318 = arith.constant 0 : i32
      %cond3A_319 = arith.cmpi ne, %convert_element_type3A_317, %cond3A_318 : i32
      scf.if %cond3A_319 {
        %add3A_320 = arith.constant 4 : i32
        %add3A_321 = arith.addi %add3A_190, %add3A_320 : i32
        %add3A_322 = arith.constant 3 : i32
        %add3A_323 = arith.addi %add3A_321, %add3A_322 : i32
        %dma_start3A_324 = arith.constant 0 : i32
        %dma_start3A_325 = tpu.memref_slice %arg7[%add3A_323, %dma_start3A_324] : memref<40x64xi32, #tpu.memory_space<vmem>> -> memref<1x64xi32, #tpu.memory_space<vmem>>
        %dma_start3A_326 = tpu.memref_squeeze %dma_start3A_325 : memref<1x64xi32, #tpu.memory_space<vmem>> -> memref<64xi32, #tpu.memory_space<vmem>>
        %dma_start3A_327 = arith.constant 0 : i32
        %dma_start3A_328 = arith.constant 0 : i32
        %dma_start3A_329 = tpu.memref_slice %arg2[%dma_start3A_327, %dma_start3A_328] : memref<10000x128xf32, #tpu.memory_space<hbm>> -> memref<10000x128xf32, #tpu.memory_space<hbm>>
        tpu.enqueue_indirect_dma source(%dma_start3A_329 : memref<10000x128xf32, #tpu.memory_space<hbm>>) target(%arg12 : memref<64x128xf32, #tpu.memory_space<vmem>>) offsets(%dma_start3A_326 : memref<64xi32, #tpu.memory_space<vmem>>) semaphore(%arg18 : memref<!tpu.dma_semaphore, #tpu.memory_space<semaphore_mem>>)
      } else {
      }
    }
    %scan3A_99 = arith.constant 10 : i32
    %mul3A_100 = arith.constant 40 : i32
    %mul3A_101 = arith.muli %add3A, %mul3A_100 : i32
    %mul3A_102 = arith.constant 4 : i32
    %mul3A_103 = arith.muli %mul3A_101, %mul3A_102 : i32
    %add3A_104 = arith.constant 80 : i32
    %add3A_105 = arith.addi %mul3A_103, %add3A_104 : i32
    "tpu.region"() ({
      %run_scoped3A = tpu.sem_alloc : memref<!tpu.dma_semaphore, #tpu.memory_space<semaphore_mem>>
      %dma_start3A_186 = arith.constant 0 : i32
      %dma_start3A_187 = tpu.memref_slice %arg4[%add3A_105, %dma_start3A_186] : memref<5120x64xi32, #tpu.memory_space<hbm>> -> memref<40x64xi32, #tpu.memory_space<hbm>>
      %dma_start3A_188 = arith.constant 0 : i32
      %dma_start3A_189 = tpu.memref_slice %arg4[%add3A_105, %dma_start3A_188] : memref<5120x64xi32, #tpu.memory_space<hbm>> -> memref<40x64xi32, #tpu.memory_space<hbm>>
      tpu.enqueue_dma source(%dma_start3A_189 : memref<40x64xi32, #tpu.memory_space<hbm>>) target(%arg7 : memref<40x64xi32, #tpu.memory_space<vmem>>) target_semaphore(%run_scoped3A : memref<!tpu.dma_semaphore, #tpu.memory_space<semaphore_mem>>)
      %dma_wait3A_190 = arith.constant 0 : i32
      %dma_wait3A_191 = tpu.memref_slice %arg4[%add3A_105, %dma_wait3A_190] : memref<5120x64xi32, #tpu.memory_space<hbm>> -> memref<40x64xi32, #tpu.memory_space<hbm>>
      %dma_wait3A_192 = arith.constant 0 : i32
      %dma_wait3A_193 = tpu.memref_slice %arg4[%add3A_105, %dma_wait3A_192] : memref<5120x64xi32, #tpu.memory_space<hbm>> -> memref<40x64xi32, #tpu.memory_space<hbm>>
      tpu.wait_dma2 semaphore(%run_scoped3A : memref<!tpu.dma_semaphore, #tpu.memory_space<semaphore_mem>>) src(%dma_wait3A_193 : memref<40x64xi32, #tpu.memory_space<hbm>>) dst(%arg7 : memref<40x64xi32, #tpu.memory_space<vmem>>)
      tpu.yield
    }) : () -> ()
    "tpu.region"() ({
      %run_scoped3A = tpu.sem_alloc : memref<!tpu.dma_semaphore, #tpu.memory_space<semaphore_mem>>
      %dma_start3A_186 = arith.constant 0 : i32
      %dma_start3A_187 = tpu.memref_slice %arg5[%add3A_105, %dma_start3A_186] : memref<5120x64xi32, #tpu.memory_space<hbm>> -> memref<40x64xi32, #tpu.memory_space<hbm>>
      %dma_start3A_188 = arith.constant 0 : i32
      %dma_start3A_189 = tpu.memref_slice %arg5[%add3A_105, %dma_start3A_188] : memref<5120x64xi32, #tpu.memory_space<hbm>> -> memref<40x64xi32, #tpu.memory_space<hbm>>
      tpu.enqueue_dma source(%dma_start3A_189 : memref<40x64xi32, #tpu.memory_space<hbm>>) target(%arg8 : memref<40x64xi32, #tpu.memory_space<vmem>>) target_semaphore(%run_scoped3A : memref<!tpu.dma_semaphore, #tpu.memory_space<semaphore_mem>>)
      %dma_wait3A_190 = arith.constant 0 : i32
      %dma_wait3A_191 = tpu.memref_slice %arg5[%add3A_105, %dma_wait3A_190] : memref<5120x64xi32, #tpu.memory_space<hbm>> -> memref<40x64xi32, #tpu.memory_space<hbm>>
      %dma_wait3A_192 = arith.constant 0 : i32
      %dma_wait3A_193 = tpu.memref_slice %arg5[%add3A_105, %dma_wait3A_192] : memref<5120x64xi32, #tpu.memory_space<hbm>> -> memref<40x64xi32, #tpu.memory_space<hbm>>
      tpu.wait_dma2 semaphore(%run_scoped3A : memref<!tpu.dma_semaphore, #tpu.memory_space<semaphore_mem>>) src(%dma_wait3A_193 : memref<40x64xi32, #tpu.memory_space<hbm>>) dst(%arg8 : memref<40x64xi32, #tpu.memory_space<vmem>>)
      tpu.yield
    }) : () -> ()
    %dma_start3A_106 = arith.constant 0 : i32
    %dma_start3A_107 = arith.constant 0 : i32
    %dma_start3A_108 = tpu.memref_slice %arg7[%dma_start3A_106, %dma_start3A_107] : memref<40x64xi32, #tpu.memory_space<vmem>> -> memref<1x64xi32, #tpu.memory_space<vmem>>
    %dma_start3A_109 = tpu.memref_squeeze %dma_start3A_108 : memref<1x64xi32, #tpu.memory_space<vmem>> -> memref<64xi32, #tpu.memory_space<vmem>>
    %dma_start3A_110 = arith.constant 0 : i32
    %dma_start3A_111 = arith.constant 0 : i32
    %dma_start3A_112 = tpu.memref_slice %arg2[%dma_start3A_110, %dma_start3A_111] : memref<10000x128xf32, #tpu.memory_space<hbm>> -> memref<10000x128xf32, #tpu.memory_space<hbm>>
    tpu.enqueue_indirect_dma source(%dma_start3A_112 : memref<10000x128xf32, #tpu.memory_space<hbm>>) target(%arg9 : memref<64x128xf32, #tpu.memory_space<vmem>>) offsets(%dma_start3A_109 : memref<64xi32, #tpu.memory_space<vmem>>) semaphore(%arg15 : memref<!tpu.dma_semaphore, #tpu.memory_space<semaphore_mem>>)
    %dma_start3A_113 = arith.constant 1 : i32
    %dma_start3A_114 = arith.constant 0 : i32
    %dma_start3A_115 = tpu.memref_slice %arg7[%dma_start3A_113, %dma_start3A_114] : memref<40x64xi32, #tpu.memory_space<vmem>> -> memref<1x64xi32, #tpu.memory_space<vmem>>
    %dma_start3A_116 = tpu.memref_squeeze %dma_start3A_115 : memref<1x64xi32, #tpu.memory_space<vmem>> -> memref<64xi32, #tpu.memory_space<vmem>>
    %dma_start3A_117 = arith.constant 0 : i32
    %dma_start3A_118 = arith.constant 0 : i32
    %dma_start3A_119 = tpu.memref_slice %arg2[%dma_start3A_117, %dma_start3A_118] : memref<10000x128xf32, #tpu.memory_space<hbm>> -> memref<10000x128xf32, #tpu.memory_space<hbm>>
    tpu.enqueue_indirect_dma source(%dma_start3A_119 : memref<10000x128xf32, #tpu.memory_space<hbm>>) target(%arg10 : memref<64x128xf32, #tpu.memory_space<vmem>>) offsets(%dma_start3A_116 : memref<64xi32, #tpu.memory_space<vmem>>) semaphore(%arg16 : memref<!tpu.dma_semaphore, #tpu.memory_space<semaphore_mem>>)
    %dma_start3A_120 = arith.constant 2 : i32
    %dma_start3A_121 = arith.constant 0 : i32
    %dma_start3A_122 = tpu.memref_slice %arg7[%dma_start3A_120, %dma_start3A_121] : memref<40x64xi32, #tpu.memory_space<vmem>> -> memref<1x64xi32, #tpu.memory_space<vmem>>
    %dma_start3A_123 = tpu.memref_squeeze %dma_start3A_122 : memref<1x64xi32, #tpu.memory_space<vmem>> -> memref<64xi32, #tpu.memory_space<vmem>>
    %dma_start3A_124 = arith.constant 0 : i32
    %dma_start3A_125 = arith.constant 0 : i32
    %dma_start3A_126 = tpu.memref_slice %arg2[%dma_start3A_124, %dma_start3A_125] : memref<10000x128xf32, #tpu.memory_space<hbm>> -> memref<10000x128xf32, #tpu.memory_space<hbm>>
    tpu.enqueue_indirect_dma source(%dma_start3A_126 : memref<10000x128xf32, #tpu.memory_space<hbm>>) target(%arg11 : memref<64x128xf32, #tpu.memory_space<vmem>>) offsets(%dma_start3A_123 : memref<64xi32, #tpu.memory_space<vmem>>) semaphore(%arg17 : memref<!tpu.dma_semaphore, #tpu.memory_space<semaphore_mem>>)
    %dma_start3A_127 = arith.constant 3 : i32
    %dma_start3A_128 = arith.constant 0 : i32
    %dma_start3A_129 = tpu.memref_slice %arg7[%dma_start3A_127, %dma_start3A_128] : memref<40x64xi32, #tpu.memory_space<vmem>> -> memref<1x64xi32, #tpu.memory_space<vmem>>
    %dma_start3A_130 = tpu.memref_squeeze %dma_start3A_129 : memref<1x64xi32, #tpu.memory_space<vmem>> -> memref<64xi32, #tpu.memory_space<vmem>>
    %dma_start3A_131 = arith.constant 0 : i32
    %dma_start3A_132 = arith.constant 0 : i32
    %dma_start3A_133 = tpu.memref_slice %arg2[%dma_start3A_131, %dma_start3A_132] : memref<10000x128xf32, #tpu.memory_space<hbm>> -> memref<10000x128xf32, #tpu.memory_space<hbm>>
    tpu.enqueue_indirect_dma source(%dma_start3A_133 : memref<10000x128xf32, #tpu.memory_space<hbm>>) target(%arg12 : memref<64x128xf32, #tpu.memory_space<vmem>>) offsets(%dma_start3A_130 : memref<64xi32, #tpu.memory_space<vmem>>) semaphore(%arg18 : memref<!tpu.dma_semaphore, #tpu.memory_space<semaphore_mem>>)
    %scan3A_134 = arith.constant 0 : i32
    %scan3A_135 = arith.constant 10 : i32
    %scan3A_136 = arith.addi %scan3A_134, %scan3A_135 : i32
    %scan3A_137 = arith.constant 1 : i32
    scf.for %scan3A_186 = %scan3A_134 to %scan3A_136 step %scan3A_137  : i32 {
      %mul3A_187 = arith.constant 4 : i32
      %mul3A_188 = arith.muli %scan3A_186, %mul3A_187 : i32
      %add3A_189 = arith.constant 0 : i32
      %add3A_190 = arith.addi %add3A_189, %mul3A_188 : i32
      %add3A_191 = arith.constant 0 : i32
      %add3A_192 = arith.addi %add3A_190, %add3A_191 : i32
      %dma_wait3A_193 = arith.constant 0 : i32
      %dma_wait3A_194 = tpu.memref_slice %arg7[%add3A_192, %dma_wait3A_193] : memref<40x64xi32, #tpu.memory_space<vmem>> -> memref<1x64xi32, #tpu.memory_space<vmem>>
      %dma_wait3A_195 = tpu.memref_squeeze %dma_wait3A_194 : memref<1x64xi32, #tpu.memory_space<vmem>> -> memref<64xi32, #tpu.memory_space<vmem>>
      %dma_wait3A_196 = arith.constant 0 : i32
      %dma_wait3A_197 = arith.constant 0 : i32
      %dma_wait3A_198 = tpu.memref_slice %arg2[%dma_wait3A_196, %dma_wait3A_197] : memref<10000x128xf32, #tpu.memory_space<hbm>> -> memref<10000x128xf32, #tpu.memory_space<hbm>>
      tpu.wait_indirect_dma semaphore(%arg15 : memref<!tpu.dma_semaphore, #tpu.memory_space<semaphore_mem>>) src(%dma_wait3A_198 : memref<10000x128xf32, #tpu.memory_space<hbm>>) dst(%arg9 : memref<64x128xf32, #tpu.memory_space<vmem>>)
      %add3A_199 = arith.constant 0 : i32
      %add3A_200 = arith.addi %add3A_190, %add3A_199 : i32
      %dma_start3A_201 = arith.constant 0 : i32
      %dma_start3A_202 = tpu.memref_slice %arg8[%add3A_200, %dma_start3A_201] : memref<40x64xi32, #tpu.memory_space<vmem>> -> memref<1x64xi32, #tpu.memory_space<vmem>>
      %dma_start3A_203 = tpu.memref_squeeze %dma_start3A_202 : memref<1x64xi32, #tpu.memory_space<vmem>> -> memref<64xi32, #tpu.memory_space<vmem>>
      %dma_start3A_204 = arith.constant 0 : i32
      %dma_start3A_205 = arith.constant 0 : i32
      %dma_start3A_206 = tpu.memref_slice %arg13[%dma_start3A_204, %dma_start3A_205] : memref<10240x128xf32, #tpu.memory_space<vmem_shared>> -> memref<10240x128xf32, #tpu.memory_space<vmem_shared>>
      tpu.enqueue_indirect_dma source(%arg9 : memref<64x128xf32, #tpu.memory_space<vmem>>) target(%dma_start3A_206 : memref<10240x128xf32, #tpu.memory_space<vmem_shared>>) offsets(%dma_start3A_203 : memref<64xi32, #tpu.memory_space<vmem>>) semaphore(%arg19 : memref<!tpu.dma_semaphore, #tpu.memory_space<semaphore_mem>>) {add = true}
      %add3A_207 = arith.constant 1 : i32
      %add3A_208 = arith.addi %add3A_190, %add3A_207 : i32
      %dma_wait3A_209 = arith.constant 0 : i32
      %dma_wait3A_210 = tpu.memref_slice %arg7[%add3A_208, %dma_wait3A_209] : memref<40x64xi32, #tpu.memory_space<vmem>> -> memref<1x64xi32, #tpu.memory_space<vmem>>
      %dma_wait3A_211 = tpu.memref_squeeze %dma_wait3A_210 : memref<1x64xi32, #tpu.memory_space<vmem>> -> memref<64xi32, #tpu.memory_space<vmem>>
      %dma_wait3A_212 = arith.constant 0 : i32
      %dma_wait3A_213 = arith.constant 0 : i32
      %dma_wait3A_214 = tpu.memref_slice %arg2[%dma_wait3A_212, %dma_wait3A_213] : memref<10000x128xf32, #tpu.memory_space<hbm>> -> memref<10000x128xf32, #tpu.memory_space<hbm>>
      tpu.wait_indirect_dma semaphore(%arg16 : memref<!tpu.dma_semaphore, #tpu.memory_space<semaphore_mem>>) src(%dma_wait3A_214 : memref<10000x128xf32, #tpu.memory_space<hbm>>) dst(%arg10 : memref<64x128xf32, #tpu.memory_space<vmem>>)
      %add3A_215 = arith.constant 1 : i32
      %add3A_216 = arith.addi %add3A_190, %add3A_215 : i32
      %dma_start3A_217 = arith.constant 0 : i32
      %dma_start3A_218 = tpu.memref_slice %arg8[%add3A_216, %dma_start3A_217] : memref<40x64xi32, #tpu.memory_space<vmem>> -> memref<1x64xi32, #tpu.memory_space<vmem>>
      %dma_start3A_219 = tpu.memref_squeeze %dma_start3A_218 : memref<1x64xi32, #tpu.memory_space<vmem>> -> memref<64xi32, #tpu.memory_space<vmem>>
      %dma_start3A_220 = arith.constant 0 : i32
      %dma_start3A_221 = arith.constant 0 : i32
      %dma_start3A_222 = tpu.memref_slice %arg13[%dma_start3A_220, %dma_start3A_221] : memref<10240x128xf32, #tpu.memory_space<vmem_shared>> -> memref<10240x128xf32, #tpu.memory_space<vmem_shared>>
      tpu.enqueue_indirect_dma source(%arg10 : memref<64x128xf32, #tpu.memory_space<vmem>>) target(%dma_start3A_222 : memref<10240x128xf32, #tpu.memory_space<vmem_shared>>) offsets(%dma_start3A_219 : memref<64xi32, #tpu.memory_space<vmem>>) semaphore(%arg20 : memref<!tpu.dma_semaphore, #tpu.memory_space<semaphore_mem>>) {add = true}
      %add3A_223 = arith.constant 2 : i32
      %add3A_224 = arith.addi %add3A_190, %add3A_223 : i32
      %dma_wait3A_225 = arith.constant 0 : i32
      %dma_wait3A_226 = tpu.memref_slice %arg7[%add3A_224, %dma_wait3A_225] : memref<40x64xi32, #tpu.memory_space<vmem>> -> memref<1x64xi32, #tpu.memory_space<vmem>>
      %dma_wait3A_227 = tpu.memref_squeeze %dma_wait3A_226 : memref<1x64xi32, #tpu.memory_space<vmem>> -> memref<64xi32, #tpu.memory_space<vmem>>
      %dma_wait3A_228 = arith.constant 0 : i32
      %dma_wait3A_229 = arith.constant 0 : i32
      %dma_wait3A_230 = tpu.memref_slice %arg2[%dma_wait3A_228, %dma_wait3A_229] : memref<10000x128xf32, #tpu.memory_space<hbm>> -> memref<10000x128xf32, #tpu.memory_space<hbm>>
      tpu.wait_indirect_dma semaphore(%arg17 : memref<!tpu.dma_semaphore, #tpu.memory_space<semaphore_mem>>) src(%dma_wait3A_230 : memref<10000x128xf32, #tpu.memory_space<hbm>>) dst(%arg11 : memref<64x128xf32, #tpu.memory_space<vmem>>)
      %add3A_231 = arith.constant 2 : i32
      %add3A_232 = arith.addi %add3A_190, %add3A_231 : i32
      %dma_start3A_233 = arith.constant 0 : i32
      %dma_start3A_234 = tpu.memref_slice %arg8[%add3A_232, %dma_start3A_233] : memref<40x64xi32, #tpu.memory_space<vmem>> -> memref<1x64xi32, #tpu.memory_space<vmem>>
      %dma_start3A_235 = tpu.memref_squeeze %dma_start3A_234 : memref<1x64xi32, #tpu.memory_space<vmem>> -> memref<64xi32, #tpu.memory_space<vmem>>
      %dma_start3A_236 = arith.constant 0 : i32
      %dma_start3A_237 = arith.constant 0 : i32
      %dma_start3A_238 = tpu.memref_slice %arg13[%dma_start3A_236, %dma_start3A_237] : memref<10240x128xf32, #tpu.memory_space<vmem_shared>> -> memref<10240x128xf32, #tpu.memory_space<vmem_shared>>
      tpu.enqueue_indirect_dma source(%arg11 : memref<64x128xf32, #tpu.memory_space<vmem>>) target(%dma_start3A_238 : memref<10240x128xf32, #tpu.memory_space<vmem_shared>>) offsets(%dma_start3A_235 : memref<64xi32, #tpu.memory_space<vmem>>) semaphore(%arg21 : memref<!tpu.dma_semaphore, #tpu.memory_space<semaphore_mem>>) {add = true}
      %add3A_239 = arith.constant 3 : i32
      %add3A_240 = arith.addi %add3A_190, %add3A_239 : i32
      %dma_wait3A_241 = arith.constant 0 : i32
      %dma_wait3A_242 = tpu.memref_slice %arg7[%add3A_240, %dma_wait3A_241] : memref<40x64xi32, #tpu.memory_space<vmem>> -> memref<1x64xi32, #tpu.memory_space<vmem>>
      %dma_wait3A_243 = tpu.memref_squeeze %dma_wait3A_242 : memref<1x64xi32, #tpu.memory_space<vmem>> -> memref<64xi32, #tpu.memory_space<vmem>>
      %dma_wait3A_244 = arith.constant 0 : i32
      %dma_wait3A_245 = arith.constant 0 : i32
      %dma_wait3A_246 = tpu.memref_slice %arg2[%dma_wait3A_244, %dma_wait3A_245] : memref<10000x128xf32, #tpu.memory_space<hbm>> -> memref<10000x128xf32, #tpu.memory_space<hbm>>
      tpu.wait_indirect_dma semaphore(%arg18 : memref<!tpu.dma_semaphore, #tpu.memory_space<semaphore_mem>>) src(%dma_wait3A_246 : memref<10000x128xf32, #tpu.memory_space<hbm>>) dst(%arg12 : memref<64x128xf32, #tpu.memory_space<vmem>>)
      %add3A_247 = arith.constant 3 : i32
      %add3A_248 = arith.addi %add3A_190, %add3A_247 : i32
      %dma_start3A_249 = arith.constant 0 : i32
      %dma_start3A_250 = tpu.memref_slice %arg8[%add3A_248, %dma_start3A_249] : memref<40x64xi32, #tpu.memory_space<vmem>> -> memref<1x64xi32, #tpu.memory_space<vmem>>
      %dma_start3A_251 = tpu.memref_squeeze %dma_start3A_250 : memref<1x64xi32, #tpu.memory_space<vmem>> -> memref<64xi32, #tpu.memory_space<vmem>>
      %dma_start3A_252 = arith.constant 0 : i32
      %dma_start3A_253 = arith.constant 0 : i32
      %dma_start3A_254 = tpu.memref_slice %arg13[%dma_start3A_252, %dma_start3A_253] : memref<10240x128xf32, #tpu.memory_space<vmem_shared>> -> memref<10240x128xf32, #tpu.memory_space<vmem_shared>>
      tpu.enqueue_indirect_dma source(%arg12 : memref<64x128xf32, #tpu.memory_space<vmem>>) target(%dma_start3A_254 : memref<10240x128xf32, #tpu.memory_space<vmem_shared>>) offsets(%dma_start3A_251 : memref<64xi32, #tpu.memory_space<vmem>>) semaphore(%arg22 : memref<!tpu.dma_semaphore, #tpu.memory_space<semaphore_mem>>) {add = true}
      %add3A_255 = arith.constant 0 : i32
      %add3A_256 = arith.addi %add3A_190, %add3A_255 : i32
      %dma_wait3A_257 = arith.constant 0 : i32
      %dma_wait3A_258 = tpu.memref_slice %arg8[%add3A_256, %dma_wait3A_257] : memref<40x64xi32, #tpu.memory_space<vmem>> -> memref<1x64xi32, #tpu.memory_space<vmem>>
      %dma_wait3A_259 = tpu.memref_squeeze %dma_wait3A_258 : memref<1x64xi32, #tpu.memory_space<vmem>> -> memref<64xi32, #tpu.memory_space<vmem>>
      %dma_wait3A_260 = arith.constant 0 : i32
      %dma_wait3A_261 = arith.constant 0 : i32
      %dma_wait3A_262 = tpu.memref_slice %arg13[%dma_wait3A_260, %dma_wait3A_261] : memref<10240x128xf32, #tpu.memory_space<vmem_shared>> -> memref<10240x128xf32, #tpu.memory_space<vmem_shared>>
      tpu.wait_indirect_dma semaphore(%arg19 : memref<!tpu.dma_semaphore, #tpu.memory_space<semaphore_mem>>) src(%arg9 : memref<64x128xf32, #tpu.memory_space<vmem>>) dst(%dma_wait3A_262 : memref<10240x128xf32, #tpu.memory_space<vmem_shared>>)
      %add3A_263 = arith.constant 4 : i32
      %add3A_264 = arith.addi %add3A_190, %add3A_263 : i32
      %add3A_265 = arith.constant 0 : i32
      %add3A_266 = arith.addi %add3A_264, %add3A_265 : i32
      %lt3A = arith.constant 40 : i32
      %lt3A_267 = arith.cmpi slt, %add3A_266, %lt3A : i32
      %convert_element_type3A = arith.extui %lt3A_267 : i1 to i32
      %cond3A = arith.constant 0 : i32
      %cond3A_268 = arith.cmpi ne, %convert_element_type3A, %cond3A : i32
      scf.if %cond3A_268 {
        %add3A_320 = arith.constant 4 : i32
        %add3A_321 = arith.addi %add3A_190, %add3A_320 : i32
        %add3A_322 = arith.constant 0 : i32
        %add3A_323 = arith.addi %add3A_321, %add3A_322 : i32
        %dma_start3A_324 = arith.constant 0 : i32
        %dma_start3A_325 = tpu.memref_slice %arg7[%add3A_323, %dma_start3A_324] : memref<40x64xi32, #tpu.memory_space<vmem>> -> memref<1x64xi32, #tpu.memory_space<vmem>>
        %dma_start3A_326 = tpu.memref_squeeze %dma_start3A_325 : memref<1x64xi32, #tpu.memory_space<vmem>> -> memref<64xi32, #tpu.memory_space<vmem>>
        %dma_start3A_327 = arith.constant 0 : i32
        %dma_start3A_328 = arith.constant 0 : i32
        %dma_start3A_329 = tpu.memref_slice %arg2[%dma_start3A_327, %dma_start3A_328] : memref<10000x128xf32, #tpu.memory_space<hbm>> -> memref<10000x128xf32, #tpu.memory_space<hbm>>
        tpu.enqueue_indirect_dma source(%dma_start3A_329 : memref<10000x128xf32, #tpu.memory_space<hbm>>) target(%arg9 : memref<64x128xf32, #tpu.memory_space<vmem>>) offsets(%dma_start3A_326 : memref<64xi32, #tpu.memory_space<vmem>>) semaphore(%arg15 : memref<!tpu.dma_semaphore, #tpu.memory_space<semaphore_mem>>)
      } else {
      }
      %add3A_269 = arith.constant 1 : i32
      %add3A_270 = arith.addi %add3A_190, %add3A_269 : i32
      %dma_wait3A_271 = arith.constant 0 : i32
      %dma_wait3A_272 = tpu.memref_slice %arg8[%add3A_270, %dma_wait3A_271] : memref<40x64xi32, #tpu.memory_space<vmem>> -> memref<1x64xi32, #tpu.memory_space<vmem>>
      %dma_wait3A_273 = tpu.memref_squeeze %dma_wait3A_272 : memref<1x64xi32, #tpu.memory_space<vmem>> -> memref<64xi32, #tpu.memory_space<vmem>>
      %dma_wait3A_274 = arith.constant 0 : i32
      %dma_wait3A_275 = arith.constant 0 : i32
      %dma_wait3A_276 = tpu.memref_slice %arg13[%dma_wait3A_274, %dma_wait3A_275] : memref<10240x128xf32, #tpu.memory_space<vmem_shared>> -> memref<10240x128xf32, #tpu.memory_space<vmem_shared>>
      tpu.wait_indirect_dma semaphore(%arg20 : memref<!tpu.dma_semaphore, #tpu.memory_space<semaphore_mem>>) src(%arg10 : memref<64x128xf32, #tpu.memory_space<vmem>>) dst(%dma_wait3A_276 : memref<10240x128xf32, #tpu.memory_space<vmem_shared>>)
      %add3A_277 = arith.constant 4 : i32
      %add3A_278 = arith.addi %add3A_190, %add3A_277 : i32
      %add3A_279 = arith.constant 1 : i32
      %add3A_280 = arith.addi %add3A_278, %add3A_279 : i32
      %lt3A_281 = arith.constant 40 : i32
      %lt3A_282 = arith.cmpi slt, %add3A_280, %lt3A_281 : i32
      %convert_element_type3A_283 = arith.extui %lt3A_282 : i1 to i32
      %cond3A_284 = arith.constant 0 : i32
      %cond3A_285 = arith.cmpi ne, %convert_element_type3A_283, %cond3A_284 : i32
      scf.if %cond3A_285 {
        %add3A_320 = arith.constant 4 : i32
        %add3A_321 = arith.addi %add3A_190, %add3A_320 : i32
        %add3A_322 = arith.constant 1 : i32
        %add3A_323 = arith.addi %add3A_321, %add3A_322 : i32
        %dma_start3A_324 = arith.constant 0 : i32
        %dma_start3A_325 = tpu.memref_slice %arg7[%add3A_323, %dma_start3A_324] : memref<40x64xi32, #tpu.memory_space<vmem>> -> memref<1x64xi32, #tpu.memory_space<vmem>>
        %dma_start3A_326 = tpu.memref_squeeze %dma_start3A_325 : memref<1x64xi32, #tpu.memory_space<vmem>> -> memref<64xi32, #tpu.memory_space<vmem>>
        %dma_start3A_327 = arith.constant 0 : i32
        %dma_start3A_328 = arith.constant 0 : i32
        %dma_start3A_329 = tpu.memref_slice %arg2[%dma_start3A_327, %dma_start3A_328] : memref<10000x128xf32, #tpu.memory_space<hbm>> -> memref<10000x128xf32, #tpu.memory_space<hbm>>
        tpu.enqueue_indirect_dma source(%dma_start3A_329 : memref<10000x128xf32, #tpu.memory_space<hbm>>) target(%arg10 : memref<64x128xf32, #tpu.memory_space<vmem>>) offsets(%dma_start3A_326 : memref<64xi32, #tpu.memory_space<vmem>>) semaphore(%arg16 : memref<!tpu.dma_semaphore, #tpu.memory_space<semaphore_mem>>)
      } else {
      }
      %add3A_286 = arith.constant 2 : i32
      %add3A_287 = arith.addi %add3A_190, %add3A_286 : i32
      %dma_wait3A_288 = arith.constant 0 : i32
      %dma_wait3A_289 = tpu.memref_slice %arg8[%add3A_287, %dma_wait3A_288] : memref<40x64xi32, #tpu.memory_space<vmem>> -> memref<1x64xi32, #tpu.memory_space<vmem>>
      %dma_wait3A_290 = tpu.memref_squeeze %dma_wait3A_289 : memref<1x64xi32, #tpu.memory_space<vmem>> -> memref<64xi32, #tpu.memory_space<vmem>>
      %dma_wait3A_291 = arith.constant 0 : i32
      %dma_wait3A_292 = arith.constant 0 : i32
      %dma_wait3A_293 = tpu.memref_slice %arg13[%dma_wait3A_291, %dma_wait3A_292] : memref<10240x128xf32, #tpu.memory_space<vmem_shared>> -> memref<10240x128xf32, #tpu.memory_space<vmem_shared>>
      tpu.wait_indirect_dma semaphore(%arg21 : memref<!tpu.dma_semaphore, #tpu.memory_space<semaphore_mem>>) src(%arg11 : memref<64x128xf32, #tpu.memory_space<vmem>>) dst(%dma_wait3A_293 : memref<10240x128xf32, #tpu.memory_space<vmem_shared>>)
      %add3A_294 = arith.constant 4 : i32
      %add3A_295 = arith.addi %add3A_190, %add3A_294 : i32
      %add3A_296 = arith.constant 2 : i32
      %add3A_297 = arith.addi %add3A_295, %add3A_296 : i32
      %lt3A_298 = arith.constant 40 : i32
      %lt3A_299 = arith.cmpi slt, %add3A_297, %lt3A_298 : i32
      %convert_element_type3A_300 = arith.extui %lt3A_299 : i1 to i32
      %cond3A_301 = arith.constant 0 : i32
      %cond3A_302 = arith.cmpi ne, %convert_element_type3A_300, %cond3A_301 : i32
      scf.if %cond3A_302 {
        %add3A_320 = arith.constant 4 : i32
        %add3A_321 = arith.addi %add3A_190, %add3A_320 : i32
        %add3A_322 = arith.constant 2 : i32
        %add3A_323 = arith.addi %add3A_321, %add3A_322 : i32
        %dma_start3A_324 = arith.constant 0 : i32
        %dma_start3A_325 = tpu.memref_slice %arg7[%add3A_323, %dma_start3A_324] : memref<40x64xi32, #tpu.memory_space<vmem>> -> memref<1x64xi32, #tpu.memory_space<vmem>>
        %dma_start3A_326 = tpu.memref_squeeze %dma_start3A_325 : memref<1x64xi32, #tpu.memory_space<vmem>> -> memref<64xi32, #tpu.memory_space<vmem>>
        %dma_start3A_327 = arith.constant 0 : i32
        %dma_start3A_328 = arith.constant 0 : i32
        %dma_start3A_329 = tpu.memref_slice %arg2[%dma_start3A_327, %dma_start3A_328] : memref<10000x128xf32, #tpu.memory_space<hbm>> -> memref<10000x128xf32, #tpu.memory_space<hbm>>
        tpu.enqueue_indirect_dma source(%dma_start3A_329 : memref<10000x128xf32, #tpu.memory_space<hbm>>) target(%arg11 : memref<64x128xf32, #tpu.memory_space<vmem>>) offsets(%dma_start3A_326 : memref<64xi32, #tpu.memory_space<vmem>>) semaphore(%arg17 : memref<!tpu.dma_semaphore, #tpu.memory_space<semaphore_mem>>)
      } else {
      }
      %add3A_303 = arith.constant 3 : i32
      %add3A_304 = arith.addi %add3A_190, %add3A_303 : i32
      %dma_wait3A_305 = arith.constant 0 : i32
      %dma_wait3A_306 = tpu.memref_slice %arg8[%add3A_304, %dma_wait3A_305] : memref<40x64xi32, #tpu.memory_space<vmem>> -> memref<1x64xi32, #tpu.memory_space<vmem>>
      %dma_wait3A_307 = tpu.memref_squeeze %dma_wait3A_306 : memref<1x64xi32, #tpu.memory_space<vmem>> -> memref<64xi32, #tpu.memory_space<vmem>>
      %dma_wait3A_308 = arith.constant 0 : i32
      %dma_wait3A_309 = arith.constant 0 : i32
      %dma_wait3A_310 = tpu.memref_slice %arg13[%dma_wait3A_308, %dma_wait3A_309] : memref<10240x128xf32, #tpu.memory_space<vmem_shared>> -> memref<10240x128xf32, #tpu.memory_space<vmem_shared>>
      tpu.wait_indirect_dma semaphore(%arg22 : memref<!tpu.dma_semaphore, #tpu.memory_space<semaphore_mem>>) src(%arg12 : memref<64x128xf32, #tpu.memory_space<vmem>>) dst(%dma_wait3A_310 : memref<10240x128xf32, #tpu.memory_space<vmem_shared>>)
      %add3A_311 = arith.constant 4 : i32
      %add3A_312 = arith.addi %add3A_190, %add3A_311 : i32
      %add3A_313 = arith.constant 3 : i32
      %add3A_314 = arith.addi %add3A_312, %add3A_313 : i32
      %lt3A_315 = arith.constant 40 : i32
      %lt3A_316 = arith.cmpi slt, %add3A_314, %lt3A_315 : i32
      %convert_element_type3A_317 = arith.extui %lt3A_316 : i1 to i32
      %cond3A_318 = arith.constant 0 : i32
      %cond3A_319 = arith.cmpi ne, %convert_element_type3A_317, %cond3A_318 : i32
      scf.if %cond3A_319 {
        %add3A_320 = arith.constant 4 : i32
        %add3A_321 = arith.addi %add3A_190, %add3A_320 : i32
        %add3A_322 = arith.constant 3 : i32
        %add3A_323 = arith.addi %add3A_321, %add3A_322 : i32
        %dma_start3A_324 = arith.constant 0 : i32
        %dma_start3A_325 = tpu.memref_slice %arg7[%add3A_323, %dma_start3A_324] : memref<40x64xi32, #tpu.memory_space<vmem>> -> memref<1x64xi32, #tpu.memory_space<vmem>>
        %dma_start3A_326 = tpu.memref_squeeze %dma_start3A_325 : memref<1x64xi32, #tpu.memory_space<vmem>> -> memref<64xi32, #tpu.memory_space<vmem>>
        %dma_start3A_327 = arith.constant 0 : i32
        %dma_start3A_328 = arith.constant 0 : i32
        %dma_start3A_329 = tpu.memref_slice %arg2[%dma_start3A_327, %dma_start3A_328] : memref<10000x128xf32, #tpu.memory_space<hbm>> -> memref<10000x128xf32, #tpu.memory_space<hbm>>
        tpu.enqueue_indirect_dma source(%dma_start3A_329 : memref<10000x128xf32, #tpu.memory_space<hbm>>) target(%arg12 : memref<64x128xf32, #tpu.memory_space<vmem>>) offsets(%dma_start3A_326 : memref<64xi32, #tpu.memory_space<vmem>>) semaphore(%arg18 : memref<!tpu.dma_semaphore, #tpu.memory_space<semaphore_mem>>)
      } else {
      }
    }
    %scan3A_138 = arith.constant 10 : i32
    %mul3A_139 = arith.constant 40 : i32
    %mul3A_140 = arith.muli %add3A, %mul3A_139 : i32
    %mul3A_141 = arith.constant 4 : i32
    %mul3A_142 = arith.muli %mul3A_140, %mul3A_141 : i32
    %add3A_143 = arith.constant 120 : i32
    %add3A_144 = arith.addi %mul3A_142, %add3A_143 : i32
    "tpu.region"() ({
      %run_scoped3A = tpu.sem_alloc : memref<!tpu.dma_semaphore, #tpu.memory_space<semaphore_mem>>
      %dma_start3A_186 = arith.constant 0 : i32
      %dma_start3A_187 = tpu.memref_slice %arg4[%add3A_144, %dma_start3A_186] : memref<5120x64xi32, #tpu.memory_space<hbm>> -> memref<40x64xi32, #tpu.memory_space<hbm>>
      %dma_start3A_188 = arith.constant 0 : i32
      %dma_start3A_189 = tpu.memref_slice %arg4[%add3A_144, %dma_start3A_188] : memref<5120x64xi32, #tpu.memory_space<hbm>> -> memref<40x64xi32, #tpu.memory_space<hbm>>
      tpu.enqueue_dma source(%dma_start3A_189 : memref<40x64xi32, #tpu.memory_space<hbm>>) target(%arg7 : memref<40x64xi32, #tpu.memory_space<vmem>>) target_semaphore(%run_scoped3A : memref<!tpu.dma_semaphore, #tpu.memory_space<semaphore_mem>>)
      %dma_wait3A_190 = arith.constant 0 : i32
      %dma_wait3A_191 = tpu.memref_slice %arg4[%add3A_144, %dma_wait3A_190] : memref<5120x64xi32, #tpu.memory_space<hbm>> -> memref<40x64xi32, #tpu.memory_space<hbm>>
      %dma_wait3A_192 = arith.constant 0 : i32
      %dma_wait3A_193 = tpu.memref_slice %arg4[%add3A_144, %dma_wait3A_192] : memref<5120x64xi32, #tpu.memory_space<hbm>> -> memref<40x64xi32, #tpu.memory_space<hbm>>
      tpu.wait_dma2 semaphore(%run_scoped3A : memref<!tpu.dma_semaphore, #tpu.memory_space<semaphore_mem>>) src(%dma_wait3A_193 : memref<40x64xi32, #tpu.memory_space<hbm>>) dst(%arg7 : memref<40x64xi32, #tpu.memory_space<vmem>>)
      tpu.yield
    }) : () -> ()
    "tpu.region"() ({
      %run_scoped3A = tpu.sem_alloc : memref<!tpu.dma_semaphore, #tpu.memory_space<semaphore_mem>>
      %dma_start3A_186 = arith.constant 0 : i32
      %dma_start3A_187 = tpu.memref_slice %arg5[%add3A_144, %dma_start3A_186] : memref<5120x64xi32, #tpu.memory_space<hbm>> -> memref<40x64xi32, #tpu.memory_space<hbm>>
      %dma_start3A_188 = arith.constant 0 : i32
      %dma_start3A_189 = tpu.memref_slice %arg5[%add3A_144, %dma_start3A_188] : memref<5120x64xi32, #tpu.memory_space<hbm>> -> memref<40x64xi32, #tpu.memory_space<hbm>>
      tpu.enqueue_dma source(%dma_start3A_189 : memref<40x64xi32, #tpu.memory_space<hbm>>) target(%arg8 : memref<40x64xi32, #tpu.memory_space<vmem>>) target_semaphore(%run_scoped3A : memref<!tpu.dma_semaphore, #tpu.memory_space<semaphore_mem>>)
      %dma_wait3A_190 = arith.constant 0 : i32
      %dma_wait3A_191 = tpu.memref_slice %arg5[%add3A_144, %dma_wait3A_190] : memref<5120x64xi32, #tpu.memory_space<hbm>> -> memref<40x64xi32, #tpu.memory_space<hbm>>
      %dma_wait3A_192 = arith.constant 0 : i32
      %dma_wait3A_193 = tpu.memref_slice %arg5[%add3A_144, %dma_wait3A_192] : memref<5120x64xi32, #tpu.memory_space<hbm>> -> memref<40x64xi32, #tpu.memory_space<hbm>>
      tpu.wait_dma2 semaphore(%run_scoped3A : memref<!tpu.dma_semaphore, #tpu.memory_space<semaphore_mem>>) src(%dma_wait3A_193 : memref<40x64xi32, #tpu.memory_space<hbm>>) dst(%arg8 : memref<40x64xi32, #tpu.memory_space<vmem>>)
      tpu.yield
    }) : () -> ()
    %dma_start3A_145 = arith.constant 0 : i32
    %dma_start3A_146 = arith.constant 0 : i32
    %dma_start3A_147 = tpu.memref_slice %arg7[%dma_start3A_145, %dma_start3A_146] : memref<40x64xi32, #tpu.memory_space<vmem>> -> memref<1x64xi32, #tpu.memory_space<vmem>>
    %dma_start3A_148 = tpu.memref_squeeze %dma_start3A_147 : memref<1x64xi32, #tpu.memory_space<vmem>> -> memref<64xi32, #tpu.memory_space<vmem>>
    %dma_start3A_149 = arith.constant 0 : i32
    %dma_start3A_150 = arith.constant 0 : i32
    %dma_start3A_151 = tpu.memref_slice %arg2[%dma_start3A_149, %dma_start3A_150] : memref<10000x128xf32, #tpu.memory_space<hbm>> -> memref<10000x128xf32, #tpu.memory_space<hbm>>
    tpu.enqueue_indirect_dma source(%dma_start3A_151 : memref<10000x128xf32, #tpu.memory_space<hbm>>) target(%arg9 : memref<64x128xf32, #tpu.memory_space<vmem>>) offsets(%dma_start3A_148 : memref<64xi32, #tpu.memory_space<vmem>>) semaphore(%arg15 : memref<!tpu.dma_semaphore, #tpu.memory_space<semaphore_mem>>)
    %dma_start3A_152 = arith.constant 1 : i32
    %dma_start3A_153 = arith.constant 0 : i32
    %dma_start3A_154 = tpu.memref_slice %arg7[%dma_start3A_152, %dma_start3A_153] : memref<40x64xi32, #tpu.memory_space<vmem>> -> memref<1x64xi32, #tpu.memory_space<vmem>>
    %dma_start3A_155 = tpu.memref_squeeze %dma_start3A_154 : memref<1x64xi32, #tpu.memory_space<vmem>> -> memref<64xi32, #tpu.memory_space<vmem>>
    %dma_start3A_156 = arith.constant 0 : i32
    %dma_start3A_157 = arith.constant 0 : i32
    %dma_start3A_158 = tpu.memref_slice %arg2[%dma_start3A_156, %dma_start3A_157] : memref<10000x128xf32, #tpu.memory_space<hbm>> -> memref<10000x128xf32, #tpu.memory_space<hbm>>
    tpu.enqueue_indirect_dma source(%dma_start3A_158 : memref<10000x128xf32, #tpu.memory_space<hbm>>) target(%arg10 : memref<64x128xf32, #tpu.memory_space<vmem>>) offsets(%dma_start3A_155 : memref<64xi32, #tpu.memory_space<vmem>>) semaphore(%arg16 : memref<!tpu.dma_semaphore, #tpu.memory_space<semaphore_mem>>)
    %dma_start3A_159 = arith.constant 2 : i32
    %dma_start3A_160 = arith.constant 0 : i32
    %dma_start3A_161 = tpu.memref_slice %arg7[%dma_start3A_159, %dma_start3A_160] : memref<40x64xi32, #tpu.memory_space<vmem>> -> memref<1x64xi32, #tpu.memory_space<vmem>>
    %dma_start3A_162 = tpu.memref_squeeze %dma_start3A_161 : memref<1x64xi32, #tpu.memory_space<vmem>> -> memref<64xi32, #tpu.memory_space<vmem>>
    %dma_start3A_163 = arith.constant 0 : i32
    %dma_start3A_164 = arith.constant 0 : i32
    %dma_start3A_165 = tpu.memref_slice %arg2[%dma_start3A_163, %dma_start3A_164] : memref<10000x128xf32, #tpu.memory_space<hbm>> -> memref<10000x128xf32, #tpu.memory_space<hbm>>
    tpu.enqueue_indirect_dma source(%dma_start3A_165 : memref<10000x128xf32, #tpu.memory_space<hbm>>) target(%arg11 : memref<64x128xf32, #tpu.memory_space<vmem>>) offsets(%dma_start3A_162 : memref<64xi32, #tpu.memory_space<vmem>>) semaphore(%arg17 : memref<!tpu.dma_semaphore, #tpu.memory_space<semaphore_mem>>)
    %dma_start3A_166 = arith.constant 3 : i32
    %dma_start3A_167 = arith.constant 0 : i32
    %dma_start3A_168 = tpu.memref_slice %arg7[%dma_start3A_166, %dma_start3A_167] : memref<40x64xi32, #tpu.memory_space<vmem>> -> memref<1x64xi32, #tpu.memory_space<vmem>>
    %dma_start3A_169 = tpu.memref_squeeze %dma_start3A_168 : memref<1x64xi32, #tpu.memory_space<vmem>> -> memref<64xi32, #tpu.memory_space<vmem>>
    %dma_start3A_170 = arith.constant 0 : i32
    %dma_start3A_171 = arith.constant 0 : i32
    %dma_start3A_172 = tpu.memref_slice %arg2[%dma_start3A_170, %dma_start3A_171] : memref<10000x128xf32, #tpu.memory_space<hbm>> -> memref<10000x128xf32, #tpu.memory_space<hbm>>
    tpu.enqueue_indirect_dma source(%dma_start3A_172 : memref<10000x128xf32, #tpu.memory_space<hbm>>) target(%arg12 : memref<64x128xf32, #tpu.memory_space<vmem>>) offsets(%dma_start3A_169 : memref<64xi32, #tpu.memory_space<vmem>>) semaphore(%arg18 : memref<!tpu.dma_semaphore, #tpu.memory_space<semaphore_mem>>)
    %scan3A_173 = arith.constant 0 : i32
    %scan3A_174 = arith.constant 10 : i32
    %scan3A_175 = arith.addi %scan3A_173, %scan3A_174 : i32
    %scan3A_176 = arith.constant 1 : i32
    scf.for %scan3A_186 = %scan3A_173 to %scan3A_175 step %scan3A_176  : i32 {
      %mul3A_187 = arith.constant 4 : i32
      %mul3A_188 = arith.muli %scan3A_186, %mul3A_187 : i32
      %add3A_189 = arith.constant 0 : i32
      %add3A_190 = arith.addi %add3A_189, %mul3A_188 : i32
      %add3A_191 = arith.constant 0 : i32
      %add3A_192 = arith.addi %add3A_190, %add3A_191 : i32
      %dma_wait3A_193 = arith.constant 0 : i32
      %dma_wait3A_194 = tpu.memref_slice %arg7[%add3A_192, %dma_wait3A_193] : memref<40x64xi32, #tpu.memory_space<vmem>> -> memref<1x64xi32, #tpu.memory_space<vmem>>
      %dma_wait3A_195 = tpu.memref_squeeze %dma_wait3A_194 : memref<1x64xi32, #tpu.memory_space<vmem>> -> memref<64xi32, #tpu.memory_space<vmem>>
      %dma_wait3A_196 = arith.constant 0 : i32
      %dma_wait3A_197 = arith.constant 0 : i32
      %dma_wait3A_198 = tpu.memref_slice %arg2[%dma_wait3A_196, %dma_wait3A_197] : memref<10000x128xf32, #tpu.memory_space<hbm>> -> memref<10000x128xf32, #tpu.memory_space<hbm>>
      tpu.wait_indirect_dma semaphore(%arg15 : memref<!tpu.dma_semaphore, #tpu.memory_space<semaphore_mem>>) src(%dma_wait3A_198 : memref<10000x128xf32, #tpu.memory_space<hbm>>) dst(%arg9 : memref<64x128xf32, #tpu.memory_space<vmem>>)
      %add3A_199 = arith.constant 0 : i32
      %add3A_200 = arith.addi %add3A_190, %add3A_199 : i32
      %dma_start3A_201 = arith.constant 0 : i32
      %dma_start3A_202 = tpu.memref_slice %arg8[%add3A_200, %dma_start3A_201] : memref<40x64xi32, #tpu.memory_space<vmem>> -> memref<1x64xi32, #tpu.memory_space<vmem>>
      %dma_start3A_203 = tpu.memref_squeeze %dma_start3A_202 : memref<1x64xi32, #tpu.memory_space<vmem>> -> memref<64xi32, #tpu.memory_space<vmem>>
      %dma_start3A_204 = arith.constant 0 : i32
      %dma_start3A_205 = arith.constant 0 : i32
      %dma_start3A_206 = tpu.memref_slice %arg13[%dma_start3A_204, %dma_start3A_205] : memref<10240x128xf32, #tpu.memory_space<vmem_shared>> -> memref<10240x128xf32, #tpu.memory_space<vmem_shared>>
      tpu.enqueue_indirect_dma source(%arg9 : memref<64x128xf32, #tpu.memory_space<vmem>>) target(%dma_start3A_206 : memref<10240x128xf32, #tpu.memory_space<vmem_shared>>) offsets(%dma_start3A_203 : memref<64xi32, #tpu.memory_space<vmem>>) semaphore(%arg19 : memref<!tpu.dma_semaphore, #tpu.memory_space<semaphore_mem>>) {add = true}
      %add3A_207 = arith.constant 1 : i32
      %add3A_208 = arith.addi %add3A_190, %add3A_207 : i32
      %dma_wait3A_209 = arith.constant 0 : i32
      %dma_wait3A_210 = tpu.memref_slice %arg7[%add3A_208, %dma_wait3A_209] : memref<40x64xi32, #tpu.memory_space<vmem>> -> memref<1x64xi32, #tpu.memory_space<vmem>>
      %dma_wait3A_211 = tpu.memref_squeeze %dma_wait3A_210 : memref<1x64xi32, #tpu.memory_space<vmem>> -> memref<64xi32, #tpu.memory_space<vmem>>
      %dma_wait3A_212 = arith.constant 0 : i32
      %dma_wait3A_213 = arith.constant 0 : i32
      %dma_wait3A_214 = tpu.memref_slice %arg2[%dma_wait3A_212, %dma_wait3A_213] : memref<10000x128xf32, #tpu.memory_space<hbm>> -> memref<10000x128xf32, #tpu.memory_space<hbm>>
      tpu.wait_indirect_dma semaphore(%arg16 : memref<!tpu.dma_semaphore, #tpu.memory_space<semaphore_mem>>) src(%dma_wait3A_214 : memref<10000x128xf32, #tpu.memory_space<hbm>>) dst(%arg10 : memref<64x128xf32, #tpu.memory_space<vmem>>)
      %add3A_215 = arith.constant 1 : i32
      %add3A_216 = arith.addi %add3A_190, %add3A_215 : i32
      %dma_start3A_217 = arith.constant 0 : i32
      %dma_start3A_218 = tpu.memref_slice %arg8[%add3A_216, %dma_start3A_217] : memref<40x64xi32, #tpu.memory_space<vmem>> -> memref<1x64xi32, #tpu.memory_space<vmem>>
      %dma_start3A_219 = tpu.memref_squeeze %dma_start3A_218 : memref<1x64xi32, #tpu.memory_space<vmem>> -> memref<64xi32, #tpu.memory_space<vmem>>
      %dma_start3A_220 = arith.constant 0 : i32
      %dma_start3A_221 = arith.constant 0 : i32
      %dma_start3A_222 = tpu.memref_slice %arg13[%dma_start3A_220, %dma_start3A_221] : memref<10240x128xf32, #tpu.memory_space<vmem_shared>> -> memref<10240x128xf32, #tpu.memory_space<vmem_shared>>
      tpu.enqueue_indirect_dma source(%arg10 : memref<64x128xf32, #tpu.memory_space<vmem>>) target(%dma_start3A_222 : memref<10240x128xf32, #tpu.memory_space<vmem_shared>>) offsets(%dma_start3A_219 : memref<64xi32, #tpu.memory_space<vmem>>) semaphore(%arg20 : memref<!tpu.dma_semaphore, #tpu.memory_space<semaphore_mem>>) {add = true}
      %add3A_223 = arith.constant 2 : i32
      %add3A_224 = arith.addi %add3A_190, %add3A_223 : i32
      %dma_wait3A_225 = arith.constant 0 : i32
      %dma_wait3A_226 = tpu.memref_slice %arg7[%add3A_224, %dma_wait3A_225] : memref<40x64xi32, #tpu.memory_space<vmem>> -> memref<1x64xi32, #tpu.memory_space<vmem>>
      %dma_wait3A_227 = tpu.memref_squeeze %dma_wait3A_226 : memref<1x64xi32, #tpu.memory_space<vmem>> -> memref<64xi32, #tpu.memory_space<vmem>>
      %dma_wait3A_228 = arith.constant 0 : i32
      %dma_wait3A_229 = arith.constant 0 : i32
      %dma_wait3A_230 = tpu.memref_slice %arg2[%dma_wait3A_228, %dma_wait3A_229] : memref<10000x128xf32, #tpu.memory_space<hbm>> -> memref<10000x128xf32, #tpu.memory_space<hbm>>
      tpu.wait_indirect_dma semaphore(%arg17 : memref<!tpu.dma_semaphore, #tpu.memory_space<semaphore_mem>>) src(%dma_wait3A_230 : memref<10000x128xf32, #tpu.memory_space<hbm>>) dst(%arg11 : memref<64x128xf32, #tpu.memory_space<vmem>>)
      %add3A_231 = arith.constant 2 : i32
      %add3A_232 = arith.addi %add3A_190, %add3A_231 : i32
      %dma_start3A_233 = arith.constant 0 : i32
      %dma_start3A_234 = tpu.memref_slice %arg8[%add3A_232, %dma_start3A_233] : memref<40x64xi32, #tpu.memory_space<vmem>> -> memref<1x64xi32, #tpu.memory_space<vmem>>
      %dma_start3A_235 = tpu.memref_squeeze %dma_start3A_234 : memref<1x64xi32, #tpu.memory_space<vmem>> -> memref<64xi32, #tpu.memory_space<vmem>>
      %dma_start3A_236 = arith.constant 0 : i32
      %dma_start3A_237 = arith.constant 0 : i32
      %dma_start3A_238 = tpu.memref_slice %arg13[%dma_start3A_236, %dma_start3A_237] : memref<10240x128xf32, #tpu.memory_space<vmem_shared>> -> memref<10240x128xf32, #tpu.memory_space<vmem_shared>>
      tpu.enqueue_indirect_dma source(%arg11 : memref<64x128xf32, #tpu.memory_space<vmem>>) target(%dma_start3A_238 : memref<10240x128xf32, #tpu.memory_space<vmem_shared>>) offsets(%dma_start3A_235 : memref<64xi32, #tpu.memory_space<vmem>>) semaphore(%arg21 : memref<!tpu.dma_semaphore, #tpu.memory_space<semaphore_mem>>) {add = true}
      %add3A_239 = arith.constant 3 : i32
      %add3A_240 = arith.addi %add3A_190, %add3A_239 : i32
      %dma_wait3A_241 = arith.constant 0 : i32
      %dma_wait3A_242 = tpu.memref_slice %arg7[%add3A_240, %dma_wait3A_241] : memref<40x64xi32, #tpu.memory_space<vmem>> -> memref<1x64xi32, #tpu.memory_space<vmem>>
      %dma_wait3A_243 = tpu.memref_squeeze %dma_wait3A_242 : memref<1x64xi32, #tpu.memory_space<vmem>> -> memref<64xi32, #tpu.memory_space<vmem>>
      %dma_wait3A_244 = arith.constant 0 : i32
      %dma_wait3A_245 = arith.constant 0 : i32
      %dma_wait3A_246 = tpu.memref_slice %arg2[%dma_wait3A_244, %dma_wait3A_245] : memref<10000x128xf32, #tpu.memory_space<hbm>> -> memref<10000x128xf32, #tpu.memory_space<hbm>>
      tpu.wait_indirect_dma semaphore(%arg18 : memref<!tpu.dma_semaphore, #tpu.memory_space<semaphore_mem>>) src(%dma_wait3A_246 : memref<10000x128xf32, #tpu.memory_space<hbm>>) dst(%arg12 : memref<64x128xf32, #tpu.memory_space<vmem>>)
      %add3A_247 = arith.constant 3 : i32
      %add3A_248 = arith.addi %add3A_190, %add3A_247 : i32
      %dma_start3A_249 = arith.constant 0 : i32
      %dma_start3A_250 = tpu.memref_slice %arg8[%add3A_248, %dma_start3A_249] : memref<40x64xi32, #tpu.memory_space<vmem>> -> memref<1x64xi32, #tpu.memory_space<vmem>>
      %dma_start3A_251 = tpu.memref_squeeze %dma_start3A_250 : memref<1x64xi32, #tpu.memory_space<vmem>> -> memref<64xi32, #tpu.memory_space<vmem>>
      %dma_start3A_252 = arith.constant 0 : i32
      %dma_start3A_253 = arith.constant 0 : i32
      %dma_start3A_254 = tpu.memref_slice %arg13[%dma_start3A_252, %dma_start3A_253] : memref<10240x128xf32, #tpu.memory_space<vmem_shared>> -> memref<10240x128xf32, #tpu.memory_space<vmem_shared>>
      tpu.enqueue_indirect_dma source(%arg12 : memref<64x128xf32, #tpu.memory_space<vmem>>) target(%dma_start3A_254 : memref<10240x128xf32, #tpu.memory_space<vmem_shared>>) offsets(%dma_start3A_251 : memref<64xi32, #tpu.memory_space<vmem>>) semaphore(%arg22 : memref<!tpu.dma_semaphore, #tpu.memory_space<semaphore_mem>>) {add = true}
      %add3A_255 = arith.constant 0 : i32
      %add3A_256 = arith.addi %add3A_190, %add3A_255 : i32
      %dma_wait3A_257 = arith.constant 0 : i32
      %dma_wait3A_258 = tpu.memref_slice %arg8[%add3A_256, %dma_wait3A_257] : memref<40x64xi32, #tpu.memory_space<vmem>> -> memref<1x64xi32, #tpu.memory_space<vmem>>
      %dma_wait3A_259 = tpu.memref_squeeze %dma_wait3A_258 : memref<1x64xi32, #tpu.memory_space<vmem>> -> memref<64xi32, #tpu.memory_space<vmem>>
      %dma_wait3A_260 = arith.constant 0 : i32
      %dma_wait3A_261 = arith.constant 0 : i32
      %dma_wait3A_262 = tpu.memref_slice %arg13[%dma_wait3A_260, %dma_wait3A_261] : memref<10240x128xf32, #tpu.memory_space<vmem_shared>> -> memref<10240x128xf32, #tpu.memory_space<vmem_shared>>
      tpu.wait_indirect_dma semaphore(%arg19 : memref<!tpu.dma_semaphore, #tpu.memory_space<semaphore_mem>>) src(%arg9 : memref<64x128xf32, #tpu.memory_space<vmem>>) dst(%dma_wait3A_262 : memref<10240x128xf32, #tpu.memory_space<vmem_shared>>)
      %add3A_263 = arith.constant 4 : i32
      %add3A_264 = arith.addi %add3A_190, %add3A_263 : i32
      %add3A_265 = arith.constant 0 : i32
      %add3A_266 = arith.addi %add3A_264, %add3A_265 : i32
      %lt3A = arith.constant 40 : i32
      %lt3A_267 = arith.cmpi slt, %add3A_266, %lt3A : i32
      %convert_element_type3A = arith.extui %lt3A_267 : i1 to i32
      %cond3A = arith.constant 0 : i32
      %cond3A_268 = arith.cmpi ne, %convert_element_type3A, %cond3A : i32
      scf.if %cond3A_268 {
        %add3A_320 = arith.constant 4 : i32
        %add3A_321 = arith.addi %add3A_190, %add3A_320 : i32
        %add3A_322 = arith.constant 0 : i32
        %add3A_323 = arith.addi %add3A_321, %add3A_322 : i32
        %dma_start3A_324 = arith.constant 0 : i32
        %dma_start3A_325 = tpu.memref_slice %arg7[%add3A_323, %dma_start3A_324] : memref<40x64xi32, #tpu.memory_space<vmem>> -> memref<1x64xi32, #tpu.memory_space<vmem>>
        %dma_start3A_326 = tpu.memref_squeeze %dma_start3A_325 : memref<1x64xi32, #tpu.memory_space<vmem>> -> memref<64xi32, #tpu.memory_space<vmem>>
        %dma_start3A_327 = arith.constant 0 : i32
        %dma_start3A_328 = arith.constant 0 : i32
        %dma_start3A_329 = tpu.memref_slice %arg2[%dma_start3A_327, %dma_start3A_328] : memref<10000x128xf32, #tpu.memory_space<hbm>> -> memref<10000x128xf32, #tpu.memory_space<hbm>>
        tpu.enqueue_indirect_dma source(%dma_start3A_329 : memref<10000x128xf32, #tpu.memory_space<hbm>>) target(%arg9 : memref<64x128xf32, #tpu.memory_space<vmem>>) offsets(%dma_start3A_326 : memref<64xi32, #tpu.memory_space<vmem>>) semaphore(%arg15 : memref<!tpu.dma_semaphore, #tpu.memory_space<semaphore_mem>>)
      } else {
      }
      %add3A_269 = arith.constant 1 : i32
      %add3A_270 = arith.addi %add3A_190, %add3A_269 : i32
      %dma_wait3A_271 = arith.constant 0 : i32
      %dma_wait3A_272 = tpu.memref_slice %arg8[%add3A_270, %dma_wait3A_271] : memref<40x64xi32, #tpu.memory_space<vmem>> -> memref<1x64xi32, #tpu.memory_space<vmem>>
      %dma_wait3A_273 = tpu.memref_squeeze %dma_wait3A_272 : memref<1x64xi32, #tpu.memory_space<vmem>> -> memref<64xi32, #tpu.memory_space<vmem>>
      %dma_wait3A_274 = arith.constant 0 : i32
      %dma_wait3A_275 = arith.constant 0 : i32
      %dma_wait3A_276 = tpu.memref_slice %arg13[%dma_wait3A_274, %dma_wait3A_275] : memref<10240x128xf32, #tpu.memory_space<vmem_shared>> -> memref<10240x128xf32, #tpu.memory_space<vmem_shared>>
      tpu.wait_indirect_dma semaphore(%arg20 : memref<!tpu.dma_semaphore, #tpu.memory_space<semaphore_mem>>) src(%arg10 : memref<64x128xf32, #tpu.memory_space<vmem>>) dst(%dma_wait3A_276 : memref<10240x128xf32, #tpu.memory_space<vmem_shared>>)
      %add3A_277 = arith.constant 4 : i32
      %add3A_278 = arith.addi %add3A_190, %add3A_277 : i32
      %add3A_279 = arith.constant 1 : i32
      %add3A_280 = arith.addi %add3A_278, %add3A_279 : i32
      %lt3A_281 = arith.constant 40 : i32
      %lt3A_282 = arith.cmpi slt, %add3A_280, %lt3A_281 : i32
      %convert_element_type3A_283 = arith.extui %lt3A_282 : i1 to i32
      %cond3A_284 = arith.constant 0 : i32
      %cond3A_285 = arith.cmpi ne, %convert_element_type3A_283, %cond3A_284 : i32
      scf.if %cond3A_285 {
        %add3A_320 = arith.constant 4 : i32
        %add3A_321 = arith.addi %add3A_190, %add3A_320 : i32
        %add3A_322 = arith.constant 1 : i32
        %add3A_323 = arith.addi %add3A_321, %add3A_322 : i32
        %dma_start3A_324 = arith.constant 0 : i32
        %dma_start3A_325 = tpu.memref_slice %arg7[%add3A_323, %dma_start3A_324] : memref<40x64xi32, #tpu.memory_space<vmem>> -> memref<1x64xi32, #tpu.memory_space<vmem>>
        %dma_start3A_326 = tpu.memref_squeeze %dma_start3A_325 : memref<1x64xi32, #tpu.memory_space<vmem>> -> memref<64xi32, #tpu.memory_space<vmem>>
        %dma_start3A_327 = arith.constant 0 : i32
        %dma_start3A_328 = arith.constant 0 : i32
        %dma_start3A_329 = tpu.memref_slice %arg2[%dma_start3A_327, %dma_start3A_328] : memref<10000x128xf32, #tpu.memory_space<hbm>> -> memref<10000x128xf32, #tpu.memory_space<hbm>>
        tpu.enqueue_indirect_dma source(%dma_start3A_329 : memref<10000x128xf32, #tpu.memory_space<hbm>>) target(%arg10 : memref<64x128xf32, #tpu.memory_space<vmem>>) offsets(%dma_start3A_326 : memref<64xi32, #tpu.memory_space<vmem>>) semaphore(%arg16 : memref<!tpu.dma_semaphore, #tpu.memory_space<semaphore_mem>>)
      } else {
      }
      %add3A_286 = arith.constant 2 : i32
      %add3A_287 = arith.addi %add3A_190, %add3A_286 : i32
      %dma_wait3A_288 = arith.constant 0 : i32
      %dma_wait3A_289 = tpu.memref_slice %arg8[%add3A_287, %dma_wait3A_288] : memref<40x64xi32, #tpu.memory_space<vmem>> -> memref<1x64xi32, #tpu.memory_space<vmem>>
      %dma_wait3A_290 = tpu.memref_squeeze %dma_wait3A_289 : memref<1x64xi32, #tpu.memory_space<vmem>> -> memref<64xi32, #tpu.memory_space<vmem>>
      %dma_wait3A_291 = arith.constant 0 : i32
      %dma_wait3A_292 = arith.constant 0 : i32
      %dma_wait3A_293 = tpu.memref_slice %arg13[%dma_wait3A_291, %dma_wait3A_292] : memref<10240x128xf32, #tpu.memory_space<vmem_shared>> -> memref<10240x128xf32, #tpu.memory_space<vmem_shared>>
      tpu.wait_indirect_dma semaphore(%arg21 : memref<!tpu.dma_semaphore, #tpu.memory_space<semaphore_mem>>) src(%arg11 : memref<64x128xf32, #tpu.memory_space<vmem>>) dst(%dma_wait3A_293 : memref<10240x128xf32, #tpu.memory_space<vmem_shared>>)
      %add3A_294 = arith.constant 4 : i32
      %add3A_295 = arith.addi %add3A_190, %add3A_294 : i32
      %add3A_296 = arith.constant 2 : i32
      %add3A_297 = arith.addi %add3A_295, %add3A_296 : i32
      %lt3A_298 = arith.constant 40 : i32
      %lt3A_299 = arith.cmpi slt, %add3A_297, %lt3A_298 : i32
      %convert_element_type3A_300 = arith.extui %lt3A_299 : i1 to i32
      %cond3A_301 = arith.constant 0 : i32
      %cond3A_302 = arith.cmpi ne, %convert_element_type3A_300, %cond3A_301 : i32
      scf.if %cond3A_302 {
        %add3A_320 = arith.constant 4 : i32
        %add3A_321 = arith.addi %add3A_190, %add3A_320 : i32
        %add3A_322 = arith.constant 2 : i32
        %add3A_323 = arith.addi %add3A_321, %add3A_322 : i32
        %dma_start3A_324 = arith.constant 0 : i32
        %dma_start3A_325 = tpu.memref_slice %arg7[%add3A_323, %dma_start3A_324] : memref<40x64xi32, #tpu.memory_space<vmem>> -> memref<1x64xi32, #tpu.memory_space<vmem>>
        %dma_start3A_326 = tpu.memref_squeeze %dma_start3A_325 : memref<1x64xi32, #tpu.memory_space<vmem>> -> memref<64xi32, #tpu.memory_space<vmem>>
        %dma_start3A_327 = arith.constant 0 : i32
        %dma_start3A_328 = arith.constant 0 : i32
        %dma_start3A_329 = tpu.memref_slice %arg2[%dma_start3A_327, %dma_start3A_328] : memref<10000x128xf32, #tpu.memory_space<hbm>> -> memref<10000x128xf32, #tpu.memory_space<hbm>>
        tpu.enqueue_indirect_dma source(%dma_start3A_329 : memref<10000x128xf32, #tpu.memory_space<hbm>>) target(%arg11 : memref<64x128xf32, #tpu.memory_space<vmem>>) offsets(%dma_start3A_326 : memref<64xi32, #tpu.memory_space<vmem>>) semaphore(%arg17 : memref<!tpu.dma_semaphore, #tpu.memory_space<semaphore_mem>>)
      } else {
      }
      %add3A_303 = arith.constant 3 : i32
      %add3A_304 = arith.addi %add3A_190, %add3A_303 : i32
      %dma_wait3A_305 = arith.constant 0 : i32
      %dma_wait3A_306 = tpu.memref_slice %arg8[%add3A_304, %dma_wait3A_305] : memref<40x64xi32, #tpu.memory_space<vmem>> -> memref<1x64xi32, #tpu.memory_space<vmem>>
      %dma_wait3A_307 = tpu.memref_squeeze %dma_wait3A_306 : memref<1x64xi32, #tpu.memory_space<vmem>> -> memref<64xi32, #tpu.memory_space<vmem>>
      %dma_wait3A_308 = arith.constant 0 : i32
      %dma_wait3A_309 = arith.constant 0 : i32
      %dma_wait3A_310 = tpu.memref_slice %arg13[%dma_wait3A_308, %dma_wait3A_309] : memref<10240x128xf32, #tpu.memory_space<vmem_shared>> -> memref<10240x128xf32, #tpu.memory_space<vmem_shared>>
      tpu.wait_indirect_dma semaphore(%arg22 : memref<!tpu.dma_semaphore, #tpu.memory_space<semaphore_mem>>) src(%arg12 : memref<64x128xf32, #tpu.memory_space<vmem>>) dst(%dma_wait3A_310 : memref<10240x128xf32, #tpu.memory_space<vmem_shared>>)
      %add3A_311 = arith.constant 4 : i32
      %add3A_312 = arith.addi %add3A_190, %add3A_311 : i32
      %add3A_313 = arith.constant 3 : i32
      %add3A_314 = arith.addi %add3A_312, %add3A_313 : i32
      %lt3A_315 = arith.constant 40 : i32
      %lt3A_316 = arith.cmpi slt, %add3A_314, %lt3A_315 : i32
      %convert_element_type3A_317 = arith.extui %lt3A_316 : i1 to i32
      %cond3A_318 = arith.constant 0 : i32
      %cond3A_319 = arith.cmpi ne, %convert_element_type3A_317, %cond3A_318 : i32
      scf.if %cond3A_319 {
        %add3A_320 = arith.constant 4 : i32
        %add3A_321 = arith.addi %add3A_190, %add3A_320 : i32
        %add3A_322 = arith.constant 3 : i32
        %add3A_323 = arith.addi %add3A_321, %add3A_322 : i32
        %dma_start3A_324 = arith.constant 0 : i32
        %dma_start3A_325 = tpu.memref_slice %arg7[%add3A_323, %dma_start3A_324] : memref<40x64xi32, #tpu.memory_space<vmem>> -> memref<1x64xi32, #tpu.memory_space<vmem>>
        %dma_start3A_326 = tpu.memref_squeeze %dma_start3A_325 : memref<1x64xi32, #tpu.memory_space<vmem>> -> memref<64xi32, #tpu.memory_space<vmem>>
        %dma_start3A_327 = arith.constant 0 : i32
        %dma_start3A_328 = arith.constant 0 : i32
        %dma_start3A_329 = tpu.memref_slice %arg2[%dma_start3A_327, %dma_start3A_328] : memref<10000x128xf32, #tpu.memory_space<hbm>> -> memref<10000x128xf32, #tpu.memory_space<hbm>>
        tpu.enqueue_indirect_dma source(%dma_start3A_329 : memref<10000x128xf32, #tpu.memory_space<hbm>>) target(%arg12 : memref<64x128xf32, #tpu.memory_space<vmem>>) offsets(%dma_start3A_326 : memref<64xi32, #tpu.memory_space<vmem>>) semaphore(%arg18 : memref<!tpu.dma_semaphore, #tpu.memory_space<semaphore_mem>>)
      } else {
      }
    }
    %scan3A_177 = arith.constant 10 : i32
    %barrier3A_178 = arith.constant 0 : index
    tpu.barrier barrier_id(%barrier3A_178)
    %mul3A_179 = arith.constant 640 : i32
    %mul3A_180 = arith.muli %arg1, %mul3A_179 : i32
    %mul3A_181 = arith.constant 10240 : i32
    %mul3A_182 = arith.muli %arg0, %mul3A_181 : i32
    %mul3A_183 = arith.constant 640 : i32
    %mul3A_184 = arith.muli %arg1, %mul3A_183 : i32
    %add3A_185 = arith.addi %mul3A_182, %mul3A_184 : i32
    "tpu.region"() ({
      %run_scoped3A = tpu.sem_alloc : memref<!tpu.dma_semaphore, #tpu.memory_space<semaphore_mem>>
      %dma_start3A_186 = arith.constant 0 : i32
      %dma_start3A_187 = tpu.memref_slice %arg6[%add3A_185, %dma_start3A_186] : memref<20480x128xf32, #tpu.memory_space<hbm>> -> memref<640x128xf32, #tpu.memory_space<hbm>>
      %dma_start3A_188 = arith.constant 0 : i32
      %dma_start3A_189 = tpu.memref_slice %arg13[%mul3A_180, %dma_start3A_188] : memref<10240x128xf32, #tpu.memory_space<vmem_shared>> -> memref<640x128xf32, #tpu.memory_space<vmem_shared>>
      tpu.enqueue_dma source(%dma_start3A_189 : memref<640x128xf32, #tpu.memory_space<vmem_shared>>) target(%dma_start3A_187 : memref<640x128xf32, #tpu.memory_space<hbm>>) target_semaphore(%run_scoped3A : memref<!tpu.dma_semaphore, #tpu.memory_space<semaphore_mem>>)
      %dma_wait3A_190 = arith.constant 0 : i32
      %dma_wait3A_191 = tpu.memref_slice %arg6[%add3A_185, %dma_wait3A_190] : memref<20480x128xf32, #tpu.memory_space<hbm>> -> memref<640x128xf32, #tpu.memory_space<hbm>>
      %dma_wait3A_192 = arith.constant 0 : i32
      %dma_wait3A_193 = tpu.memref_slice %arg13[%mul3A_180, %dma_wait3A_192] : memref<10240x128xf32, #tpu.memory_space<vmem_shared>> -> memref<640x128xf32, #tpu.memory_space<vmem_shared>>
      tpu.wait_dma2 semaphore(%run_scoped3A : memref<!tpu.dma_semaphore, #tpu.memory_space<semaphore_mem>>) src(%dma_wait3A_193 : memref<640x128xf32, #tpu.memory_space<vmem_shared>>) dst(%dma_wait3A_191 : memref<640x128xf32, #tpu.memory_space<hbm>>)
      tpu.yield
    }) : () -> ()
    return
  }
}

#map = affine_map<(d0, d1) -> (0, 0)>
module attributes {stable_mosaic.version = 14 : i64} {
  func.func @agg_kernel(%arg0: i32, %arg1: i32, %arg2: memref<10000x128xf32, #tpu.memory_space<hbm>>, %arg3: memref<64x128xf32, #tpu.memory_space<hbm>>, %arg4: memref<5120x64xi32, #tpu.memory_space<hbm>>, %arg5: memref<5120x64xi32, #tpu.memory_space<hbm>>, %arg6: memref<20480x128xf32, #tpu.memory_space<hbm>>, %arg7: memref<40x64xi32, #tpu.memory_space<vmem>>, %arg8: memref<40x64xi32, #tpu.memory_space<vmem>>, %arg9: memref<64x128xf32, #tpu.memory_space<vmem>>, %arg10: memref<64x128xf32, #tpu.memory_space<vmem>>, %arg11: memref<64x128xf32, #tpu.memory_space<vmem>>, %arg12: memref<64x128xf32, #tpu.memory_space<vmem>>, %arg13: memref<10240x128xf32, #tpu.memory_space<vmem_shared>>, %arg14: memref<!tpu.dma_semaphore, #tpu.memory_space<semaphore_mem>>, %arg15: memref<!tpu.dma_semaphore, #tpu.memory_space<semaphore_mem>>, %arg16: memref<!tpu.dma_semaphore, #tpu.memory_space<semaphore_mem>>, %arg17: memref<!tpu.dma_semaphore, #tpu.memory_space<semaphore_mem>>, %arg18: memref<!tpu.dma_semaphore, #tpu.memory_space<semaphore_mem>>, %arg19: memref<!tpu.dma_semaphore, #tpu.memory_space<semaphore_mem>>, %arg20: memref<!tpu.dma_semaphore, #tpu.memory_space<semaphore_mem>>, %arg21: memref<!tpu.dma_semaphore, #tpu.memory_space<semaphore_mem>>, %arg22: memref<!tpu.dma_semaphore, #tpu.memory_space<semaphore_mem>>) attributes {dimension_semantics = [#tpu.dimension_semantics<core_parallel>, #tpu.dimension_semantics<subcore_parallel>], iteration_bounds = array<i64: 2, 16>, scalar_prefetch = 0 : i64, scratch_operands = 16 : i64, tpu.core_type = #tpu.core_type<sc_vector_subcore>, window_params = [{transform_indices = #map}, {transform_indices = #map}, {transform_indices = #map}, {transform_indices = #map}, {transform_indices = #map}]} {
    %mul3A = arith.constant 16 : i32
    %mul3A_0 = arith.muli %arg0, %mul3A : i32
    %add3A = arith.addi %mul3A_0, %arg1 : i32
    %mul3A_1 = arith.constant 40 : i32
    %mul3A_2 = arith.muli %add3A, %mul3A_1 : i32
    %mul3A_3 = arith.constant 4 : i32
    %mul3A_4 = arith.muli %mul3A_2, %mul3A_3 : i32
    %dma_start3A = arith.constant 0 : i32
    %dma_start3A_5 = tpu.memref_slice %arg4[%mul3A_4, %dma_start3A] : memref<5120x64xi32, #tpu.memory_space<hbm>> -> memref<40x64xi32, #tpu.memory_space<hbm>>
    %dma_start3A_6 = arith.constant 0 : i32
    %dma_start3A_7 = tpu.memref_slice %arg4[%mul3A_4, %dma_start3A_6] : memref<5120x64xi32, #tpu.memory_space<hbm>> -> memref<40x64xi32, #tpu.memory_space<hbm>>
    tpu.enqueue_dma source(%dma_start3A_7 : memref<40x64xi32, #tpu.memory_space<hbm>>) target(%arg7 : memref<40x64xi32, #tpu.memory_space<vmem>>) target_semaphore(%arg19 : memref<!tpu.dma_semaphore, #tpu.memory_space<semaphore_mem>>)
    %dma_start3A_8 = arith.constant 0 : i32
    %dma_start3A_9 = tpu.memref_slice %arg5[%mul3A_4, %dma_start3A_8] : memref<5120x64xi32, #tpu.memory_space<hbm>> -> memref<40x64xi32, #tpu.memory_space<hbm>>
    %dma_start3A_10 = arith.constant 0 : i32
    %dma_start3A_11 = tpu.memref_slice %arg5[%mul3A_4, %dma_start3A_10] : memref<5120x64xi32, #tpu.memory_space<hbm>> -> memref<40x64xi32, #tpu.memory_space<hbm>>
    tpu.enqueue_dma source(%dma_start3A_11 : memref<40x64xi32, #tpu.memory_space<hbm>>) target(%arg8 : memref<40x64xi32, #tpu.memory_space<vmem>>) target_semaphore(%arg20 : memref<!tpu.dma_semaphore, #tpu.memory_space<semaphore_mem>>)
    %scan3A = arith.constant 0 : i32
    %scan3A_12 = arith.constant 10 : i32
    %scan3A_13 = arith.addi %scan3A, %scan3A_12 : i32
    %scan3A_14 = arith.constant 1 : i32
    scf.for %scan3A_186 = %scan3A to %scan3A_13 step %scan3A_14  : i32 {
      %mul3A_187 = arith.constant 1 : i32
      %mul3A_188 = arith.muli %scan3A_186, %mul3A_187 : i32
      %add3A_189 = arith.constant 0 : i32
      %add3A_190 = arith.addi %add3A_189, %mul3A_188 : i32
      %mul3A_191 = arith.constant 640 : i32
      %mul3A_192 = arith.muli %arg1, %mul3A_191 : i32
      %mul3A_193 = arith.constant 64 : i32
      %mul3A_194 = arith.muli %add3A_190, %mul3A_193 : i32
      %add3A_195 = arith.addi %mul3A_192, %mul3A_194 : i32
      %dma_start3A_196 = arith.constant 0 : i32
      %dma_start3A_197 = tpu.memref_slice %arg13[%add3A_195, %dma_start3A_196] : memref<10240x128xf32, #tpu.memory_space<vmem_shared>> -> memref<64x128xf32, #tpu.memory_space<vmem_shared>>
      tpu.enqueue_dma source(%arg3 : memref<64x128xf32, #tpu.memory_space<hbm>>) target(%dma_start3A_197 : memref<64x128xf32, #tpu.memory_space<vmem_shared>>) target_semaphore(%arg14 : memref<!tpu.dma_semaphore, #tpu.memory_space<semaphore_mem>>)
    }
    %scan3A_15 = arith.constant 10 : i32
    %dma_wait3A = arith.constant 0 : i32
    %dma_wait3A_16 = tpu.memref_slice %arg4[%mul3A_4, %dma_wait3A] : memref<5120x64xi32, #tpu.memory_space<hbm>> -> memref<40x64xi32, #tpu.memory_space<hbm>>
    %dma_wait3A_17 = arith.constant 0 : i32
    %dma_wait3A_18 = tpu.memref_slice %arg4[%mul3A_4, %dma_wait3A_17] : memref<5120x64xi32, #tpu.memory_space<hbm>> -> memref<40x64xi32, #tpu.memory_space<hbm>>
    tpu.wait_dma2 semaphore(%arg19 : memref<!tpu.dma_semaphore, #tpu.memory_space<semaphore_mem>>) src(%dma_wait3A_18 : memref<40x64xi32, #tpu.memory_space<hbm>>) dst(%arg7 : memref<40x64xi32, #tpu.memory_space<vmem>>)
    %dma_wait3A_19 = arith.constant 0 : i32
    %dma_wait3A_20 = tpu.memref_slice %arg5[%mul3A_4, %dma_wait3A_19] : memref<5120x64xi32, #tpu.memory_space<hbm>> -> memref<40x64xi32, #tpu.memory_space<hbm>>
    %dma_wait3A_21 = arith.constant 0 : i32
    %dma_wait3A_22 = tpu.memref_slice %arg5[%mul3A_4, %dma_wait3A_21] : memref<5120x64xi32, #tpu.memory_space<hbm>> -> memref<40x64xi32, #tpu.memory_space<hbm>>
    tpu.wait_dma2 semaphore(%arg20 : memref<!tpu.dma_semaphore, #tpu.memory_space<semaphore_mem>>) src(%dma_wait3A_22 : memref<40x64xi32, #tpu.memory_space<hbm>>) dst(%arg8 : memref<40x64xi32, #tpu.memory_space<vmem>>)
    %dma_start3A_23 = arith.constant 0 : i32
    %dma_start3A_24 = arith.constant 0 : i32
    %dma_start3A_25 = tpu.memref_slice %arg7[%dma_start3A_23, %dma_start3A_24] : memref<40x64xi32, #tpu.memory_space<vmem>> -> memref<1x64xi32, #tpu.memory_space<vmem>>
    %dma_start3A_26 = tpu.memref_squeeze %dma_start3A_25 : memref<1x64xi32, #tpu.memory_space<vmem>> -> memref<64xi32, #tpu.memory_space<vmem>>
    %dma_start3A_27 = arith.constant 0 : i32
    %dma_start3A_28 = arith.constant 0 : i32
    %dma_start3A_29 = tpu.memref_slice %arg2[%dma_start3A_27, %dma_start3A_28] : memref<10000x128xf32, #tpu.memory_space<hbm>> -> memref<10000x128xf32, #tpu.memory_space<hbm>>
    tpu.enqueue_indirect_dma source(%dma_start3A_29 : memref<10000x128xf32, #tpu.memory_space<hbm>>) target(%arg9 : memref<64x128xf32, #tpu.memory_space<vmem>>) offsets(%dma_start3A_26 : memref<64xi32, #tpu.memory_space<vmem>>) semaphore(%arg15 : memref<!tpu.dma_semaphore, #tpu.memory_space<semaphore_mem>>)
    %dma_start3A_30 = arith.constant 1 : i32
    %dma_start3A_31 = arith.constant 0 : i32
    %dma_start3A_32 = tpu.memref_slice %arg7[%dma_start3A_30, %dma_start3A_31] : memref<40x64xi32, #tpu.memory_space<vmem>> -> memref<1x64xi32, #tpu.memory_space<vmem>>
    %dma_start3A_33 = tpu.memref_squeeze %dma_start3A_32 : memref<1x64xi32, #tpu.memory_space<vmem>> -> memref<64xi32, #tpu.memory_space<vmem>>
    %dma_start3A_34 = arith.constant 0 : i32
    %dma_start3A_35 = arith.constant 0 : i32
    %dma_start3A_36 = tpu.memref_slice %arg2[%dma_start3A_34, %dma_start3A_35] : memref<10000x128xf32, #tpu.memory_space<hbm>> -> memref<10000x128xf32, #tpu.memory_space<hbm>>
    tpu.enqueue_indirect_dma source(%dma_start3A_36 : memref<10000x128xf32, #tpu.memory_space<hbm>>) target(%arg10 : memref<64x128xf32, #tpu.memory_space<vmem>>) offsets(%dma_start3A_33 : memref<64xi32, #tpu.memory_space<vmem>>) semaphore(%arg16 : memref<!tpu.dma_semaphore, #tpu.memory_space<semaphore_mem>>)
    %dma_start3A_37 = arith.constant 2 : i32
    %dma_start3A_38 = arith.constant 0 : i32
    %dma_start3A_39 = tpu.memref_slice %arg7[%dma_start3A_37, %dma_start3A_38] : memref<40x64xi32, #tpu.memory_space<vmem>> -> memref<1x64xi32, #tpu.memory_space<vmem>>
    %dma_start3A_40 = tpu.memref_squeeze %dma_start3A_39 : memref<1x64xi32, #tpu.memory_space<vmem>> -> memref<64xi32, #tpu.memory_space<vmem>>
    %dma_start3A_41 = arith.constant 0 : i32
    %dma_start3A_42 = arith.constant 0 : i32
    %dma_start3A_43 = tpu.memref_slice %arg2[%dma_start3A_41, %dma_start3A_42] : memref<10000x128xf32, #tpu.memory_space<hbm>> -> memref<10000x128xf32, #tpu.memory_space<hbm>>
    tpu.enqueue_indirect_dma source(%dma_start3A_43 : memref<10000x128xf32, #tpu.memory_space<hbm>>) target(%arg11 : memref<64x128xf32, #tpu.memory_space<vmem>>) offsets(%dma_start3A_40 : memref<64xi32, #tpu.memory_space<vmem>>) semaphore(%arg17 : memref<!tpu.dma_semaphore, #tpu.memory_space<semaphore_mem>>)
    %dma_start3A_44 = arith.constant 3 : i32
    %dma_start3A_45 = arith.constant 0 : i32
    %dma_start3A_46 = tpu.memref_slice %arg7[%dma_start3A_44, %dma_start3A_45] : memref<40x64xi32, #tpu.memory_space<vmem>> -> memref<1x64xi32, #tpu.memory_space<vmem>>
    %dma_start3A_47 = tpu.memref_squeeze %dma_start3A_46 : memref<1x64xi32, #tpu.memory_space<vmem>> -> memref<64xi32, #tpu.memory_space<vmem>>
    %dma_start3A_48 = arith.constant 0 : i32
    %dma_start3A_49 = arith.constant 0 : i32
    %dma_start3A_50 = tpu.memref_slice %arg2[%dma_start3A_48, %dma_start3A_49] : memref<10000x128xf32, #tpu.memory_space<hbm>> -> memref<10000x128xf32, #tpu.memory_space<hbm>>
    tpu.enqueue_indirect_dma source(%dma_start3A_50 : memref<10000x128xf32, #tpu.memory_space<hbm>>) target(%arg12 : memref<64x128xf32, #tpu.memory_space<vmem>>) offsets(%dma_start3A_47 : memref<64xi32, #tpu.memory_space<vmem>>) semaphore(%arg18 : memref<!tpu.dma_semaphore, #tpu.memory_space<semaphore_mem>>)
    %scan3A_51 = arith.constant 0 : i32
    %scan3A_52 = arith.constant 10 : i32
    %scan3A_53 = arith.addi %scan3A_51, %scan3A_52 : i32
    %scan3A_54 = arith.constant 1 : i32
    scf.for %scan3A_186 = %scan3A_51 to %scan3A_53 step %scan3A_54  : i32 {
      %mul3A_187 = arith.constant 1 : i32
      %mul3A_188 = arith.muli %scan3A_186, %mul3A_187 : i32
      %add3A_189 = arith.constant 0 : i32
      %add3A_190 = arith.addi %add3A_189, %mul3A_188 : i32
      %mul3A_191 = arith.constant 640 : i32
      %mul3A_192 = arith.muli %arg1, %mul3A_191 : i32
      %mul3A_193 = arith.constant 64 : i32
      %mul3A_194 = arith.muli %add3A_190, %mul3A_193 : i32
      %add3A_195 = arith.addi %mul3A_192, %mul3A_194 : i32
      %dma_wait3A_196 = arith.constant 0 : i32
      %dma_wait3A_197 = tpu.memref_slice %arg13[%add3A_195, %dma_wait3A_196] : memref<10240x128xf32, #tpu.memory_space<vmem_shared>> -> memref<64x128xf32, #tpu.memory_space<vmem_shared>>
      tpu.wait_dma2 semaphore(%arg14 : memref<!tpu.dma_semaphore, #tpu.memory_space<semaphore_mem>>) src(%arg3 : memref<64x128xf32, #tpu.memory_space<hbm>>) dst(%dma_wait3A_197 : memref<64x128xf32, #tpu.memory_space<vmem_shared>>)
    }
    %scan3A_55 = arith.constant 10 : i32
    %barrier3A = arith.constant 0 : index
    tpu.barrier barrier_id(%barrier3A)
    %scan3A_56 = arith.constant 0 : i32
    %scan3A_57 = arith.constant 10 : i32
    %scan3A_58 = arith.addi %scan3A_56, %scan3A_57 : i32
    %scan3A_59 = arith.constant 1 : i32
    scf.for %scan3A_186 = %scan3A_56 to %scan3A_58 step %scan3A_59  : i32 {
      %mul3A_187 = arith.constant 4 : i32
      %mul3A_188 = arith.muli %scan3A_186, %mul3A_187 : i32
      %add3A_189 = arith.constant 0 : i32
      %add3A_190 = arith.addi %add3A_189, %mul3A_188 : i32
      %add3A_191 = arith.constant 0 : i32
      %add3A_192 = arith.addi %add3A_190, %add3A_191 : i32
      %dma_wait3A_193 = arith.constant 0 : i32
      %dma_wait3A_194 = tpu.memref_slice %arg7[%add3A_192, %dma_wait3A_193] : memref<40x64xi32, #tpu.memory_space<vmem>> -> memref<1x64xi32, #tpu.memory_space<vmem>>
      %dma_wait3A_195 = tpu.memref_squeeze %dma_wait3A_194 : memref<1x64xi32, #tpu.memory_space<vmem>> -> memref<64xi32, #tpu.memory_space<vmem>>
      %dma_wait3A_196 = arith.constant 0 : i32
      %dma_wait3A_197 = arith.constant 0 : i32
      %dma_wait3A_198 = tpu.memref_slice %arg2[%dma_wait3A_196, %dma_wait3A_197] : memref<10000x128xf32, #tpu.memory_space<hbm>> -> memref<10000x128xf32, #tpu.memory_space<hbm>>
      tpu.wait_indirect_dma semaphore(%arg15 : memref<!tpu.dma_semaphore, #tpu.memory_space<semaphore_mem>>) src(%dma_wait3A_198 : memref<10000x128xf32, #tpu.memory_space<hbm>>) dst(%arg9 : memref<64x128xf32, #tpu.memory_space<vmem>>)
      %add3A_199 = arith.constant 0 : i32
      %add3A_200 = arith.addi %add3A_190, %add3A_199 : i32
      %dma_start3A_201 = arith.constant 0 : i32
      %dma_start3A_202 = tpu.memref_slice %arg8[%add3A_200, %dma_start3A_201] : memref<40x64xi32, #tpu.memory_space<vmem>> -> memref<1x64xi32, #tpu.memory_space<vmem>>
      %dma_start3A_203 = tpu.memref_squeeze %dma_start3A_202 : memref<1x64xi32, #tpu.memory_space<vmem>> -> memref<64xi32, #tpu.memory_space<vmem>>
      %dma_start3A_204 = arith.constant 0 : i32
      %dma_start3A_205 = arith.constant 0 : i32
      %dma_start3A_206 = tpu.memref_slice %arg13[%dma_start3A_204, %dma_start3A_205] : memref<10240x128xf32, #tpu.memory_space<vmem_shared>> -> memref<10240x128xf32, #tpu.memory_space<vmem_shared>>
      tpu.enqueue_indirect_dma source(%arg9 : memref<64x128xf32, #tpu.memory_space<vmem>>) target(%dma_start3A_206 : memref<10240x128xf32, #tpu.memory_space<vmem_shared>>) offsets(%dma_start3A_203 : memref<64xi32, #tpu.memory_space<vmem>>) semaphore(%arg19 : memref<!tpu.dma_semaphore, #tpu.memory_space<semaphore_mem>>) {add = true}
      %add3A_207 = arith.constant 1 : i32
      %add3A_208 = arith.addi %add3A_190, %add3A_207 : i32
      %dma_wait3A_209 = arith.constant 0 : i32
      %dma_wait3A_210 = tpu.memref_slice %arg7[%add3A_208, %dma_wait3A_209] : memref<40x64xi32, #tpu.memory_space<vmem>> -> memref<1x64xi32, #tpu.memory_space<vmem>>
      %dma_wait3A_211 = tpu.memref_squeeze %dma_wait3A_210 : memref<1x64xi32, #tpu.memory_space<vmem>> -> memref<64xi32, #tpu.memory_space<vmem>>
      %dma_wait3A_212 = arith.constant 0 : i32
      %dma_wait3A_213 = arith.constant 0 : i32
      %dma_wait3A_214 = tpu.memref_slice %arg2[%dma_wait3A_212, %dma_wait3A_213] : memref<10000x128xf32, #tpu.memory_space<hbm>> -> memref<10000x128xf32, #tpu.memory_space<hbm>>
      tpu.wait_indirect_dma semaphore(%arg16 : memref<!tpu.dma_semaphore, #tpu.memory_space<semaphore_mem>>) src(%dma_wait3A_214 : memref<10000x128xf32, #tpu.memory_space<hbm>>) dst(%arg10 : memref<64x128xf32, #tpu.memory_space<vmem>>)
      %add3A_215 = arith.constant 1 : i32
      %add3A_216 = arith.addi %add3A_190, %add3A_215 : i32
      %dma_start3A_217 = arith.constant 0 : i32
      %dma_start3A_218 = tpu.memref_slice %arg8[%add3A_216, %dma_start3A_217] : memref<40x64xi32, #tpu.memory_space<vmem>> -> memref<1x64xi32, #tpu.memory_space<vmem>>
      %dma_start3A_219 = tpu.memref_squeeze %dma_start3A_218 : memref<1x64xi32, #tpu.memory_space<vmem>> -> memref<64xi32, #tpu.memory_space<vmem>>
      %dma_start3A_220 = arith.constant 0 : i32
      %dma_start3A_221 = arith.constant 0 : i32
      %dma_start3A_222 = tpu.memref_slice %arg13[%dma_start3A_220, %dma_start3A_221] : memref<10240x128xf32, #tpu.memory_space<vmem_shared>> -> memref<10240x128xf32, #tpu.memory_space<vmem_shared>>
      tpu.enqueue_indirect_dma source(%arg10 : memref<64x128xf32, #tpu.memory_space<vmem>>) target(%dma_start3A_222 : memref<10240x128xf32, #tpu.memory_space<vmem_shared>>) offsets(%dma_start3A_219 : memref<64xi32, #tpu.memory_space<vmem>>) semaphore(%arg20 : memref<!tpu.dma_semaphore, #tpu.memory_space<semaphore_mem>>) {add = true}
      %add3A_223 = arith.constant 2 : i32
      %add3A_224 = arith.addi %add3A_190, %add3A_223 : i32
      %dma_wait3A_225 = arith.constant 0 : i32
      %dma_wait3A_226 = tpu.memref_slice %arg7[%add3A_224, %dma_wait3A_225] : memref<40x64xi32, #tpu.memory_space<vmem>> -> memref<1x64xi32, #tpu.memory_space<vmem>>
      %dma_wait3A_227 = tpu.memref_squeeze %dma_wait3A_226 : memref<1x64xi32, #tpu.memory_space<vmem>> -> memref<64xi32, #tpu.memory_space<vmem>>
      %dma_wait3A_228 = arith.constant 0 : i32
      %dma_wait3A_229 = arith.constant 0 : i32
      %dma_wait3A_230 = tpu.memref_slice %arg2[%dma_wait3A_228, %dma_wait3A_229] : memref<10000x128xf32, #tpu.memory_space<hbm>> -> memref<10000x128xf32, #tpu.memory_space<hbm>>
      tpu.wait_indirect_dma semaphore(%arg17 : memref<!tpu.dma_semaphore, #tpu.memory_space<semaphore_mem>>) src(%dma_wait3A_230 : memref<10000x128xf32, #tpu.memory_space<hbm>>) dst(%arg11 : memref<64x128xf32, #tpu.memory_space<vmem>>)
      %add3A_231 = arith.constant 2 : i32
      %add3A_232 = arith.addi %add3A_190, %add3A_231 : i32
      %dma_start3A_233 = arith.constant 0 : i32
      %dma_start3A_234 = tpu.memref_slice %arg8[%add3A_232, %dma_start3A_233] : memref<40x64xi32, #tpu.memory_space<vmem>> -> memref<1x64xi32, #tpu.memory_space<vmem>>
      %dma_start3A_235 = tpu.memref_squeeze %dma_start3A_234 : memref<1x64xi32, #tpu.memory_space<vmem>> -> memref<64xi32, #tpu.memory_space<vmem>>
      %dma_start3A_236 = arith.constant 0 : i32
      %dma_start3A_237 = arith.constant 0 : i32
      %dma_start3A_238 = tpu.memref_slice %arg13[%dma_start3A_236, %dma_start3A_237] : memref<10240x128xf32, #tpu.memory_space<vmem_shared>> -> memref<10240x128xf32, #tpu.memory_space<vmem_shared>>
      tpu.enqueue_indirect_dma source(%arg11 : memref<64x128xf32, #tpu.memory_space<vmem>>) target(%dma_start3A_238 : memref<10240x128xf32, #tpu.memory_space<vmem_shared>>) offsets(%dma_start3A_235 : memref<64xi32, #tpu.memory_space<vmem>>) semaphore(%arg21 : memref<!tpu.dma_semaphore, #tpu.memory_space<semaphore_mem>>) {add = true}
      %add3A_239 = arith.constant 3 : i32
      %add3A_240 = arith.addi %add3A_190, %add3A_239 : i32
      %dma_wait3A_241 = arith.constant 0 : i32
      %dma_wait3A_242 = tpu.memref_slice %arg7[%add3A_240, %dma_wait3A_241] : memref<40x64xi32, #tpu.memory_space<vmem>> -> memref<1x64xi32, #tpu.memory_space<vmem>>
      %dma_wait3A_243 = tpu.memref_squeeze %dma_wait3A_242 : memref<1x64xi32, #tpu.memory_space<vmem>> -> memref<64xi32, #tpu.memory_space<vmem>>
      %dma_wait3A_244 = arith.constant 0 : i32
      %dma_wait3A_245 = arith.constant 0 : i32
      %dma_wait3A_246 = tpu.memref_slice %arg2[%dma_wait3A_244, %dma_wait3A_245] : memref<10000x128xf32, #tpu.memory_space<hbm>> -> memref<10000x128xf32, #tpu.memory_space<hbm>>
      tpu.wait_indirect_dma semaphore(%arg18 : memref<!tpu.dma_semaphore, #tpu.memory_space<semaphore_mem>>) src(%dma_wait3A_246 : memref<10000x128xf32, #tpu.memory_space<hbm>>) dst(%arg12 : memref<64x128xf32, #tpu.memory_space<vmem>>)
      %add3A_247 = arith.constant 3 : i32
      %add3A_248 = arith.addi %add3A_190, %add3A_247 : i32
      %dma_start3A_249 = arith.constant 0 : i32
      %dma_start3A_250 = tpu.memref_slice %arg8[%add3A_248, %dma_start3A_249] : memref<40x64xi32, #tpu.memory_space<vmem>> -> memref<1x64xi32, #tpu.memory_space<vmem>>
      %dma_start3A_251 = tpu.memref_squeeze %dma_start3A_250 : memref<1x64xi32, #tpu.memory_space<vmem>> -> memref<64xi32, #tpu.memory_space<vmem>>
      %dma_start3A_252 = arith.constant 0 : i32
      %dma_start3A_253 = arith.constant 0 : i32
      %dma_start3A_254 = tpu.memref_slice %arg13[%dma_start3A_252, %dma_start3A_253] : memref<10240x128xf32, #tpu.memory_space<vmem_shared>> -> memref<10240x128xf32, #tpu.memory_space<vmem_shared>>
      tpu.enqueue_indirect_dma source(%arg12 : memref<64x128xf32, #tpu.memory_space<vmem>>) target(%dma_start3A_254 : memref<10240x128xf32, #tpu.memory_space<vmem_shared>>) offsets(%dma_start3A_251 : memref<64xi32, #tpu.memory_space<vmem>>) semaphore(%arg22 : memref<!tpu.dma_semaphore, #tpu.memory_space<semaphore_mem>>) {add = true}
      %add3A_255 = arith.constant 0 : i32
      %add3A_256 = arith.addi %add3A_190, %add3A_255 : i32
      %dma_wait3A_257 = arith.constant 0 : i32
      %dma_wait3A_258 = tpu.memref_slice %arg8[%add3A_256, %dma_wait3A_257] : memref<40x64xi32, #tpu.memory_space<vmem>> -> memref<1x64xi32, #tpu.memory_space<vmem>>
      %dma_wait3A_259 = tpu.memref_squeeze %dma_wait3A_258 : memref<1x64xi32, #tpu.memory_space<vmem>> -> memref<64xi32, #tpu.memory_space<vmem>>
      %dma_wait3A_260 = arith.constant 0 : i32
      %dma_wait3A_261 = arith.constant 0 : i32
      %dma_wait3A_262 = tpu.memref_slice %arg13[%dma_wait3A_260, %dma_wait3A_261] : memref<10240x128xf32, #tpu.memory_space<vmem_shared>> -> memref<10240x128xf32, #tpu.memory_space<vmem_shared>>
      tpu.wait_indirect_dma semaphore(%arg19 : memref<!tpu.dma_semaphore, #tpu.memory_space<semaphore_mem>>) src(%arg9 : memref<64x128xf32, #tpu.memory_space<vmem>>) dst(%dma_wait3A_262 : memref<10240x128xf32, #tpu.memory_space<vmem_shared>>)
      %add3A_263 = arith.constant 4 : i32
      %add3A_264 = arith.addi %add3A_190, %add3A_263 : i32
      %add3A_265 = arith.constant 0 : i32
      %add3A_266 = arith.addi %add3A_264, %add3A_265 : i32
      %lt3A = arith.constant 40 : i32
      %lt3A_267 = arith.cmpi slt, %add3A_266, %lt3A : i32
      %convert_element_type3A = arith.extui %lt3A_267 : i1 to i32
      %cond3A = arith.constant 0 : i32
      %cond3A_268 = arith.cmpi ne, %convert_element_type3A, %cond3A : i32
      scf.if %cond3A_268 {
        %add3A_320 = arith.constant 4 : i32
        %add3A_321 = arith.addi %add3A_190, %add3A_320 : i32
        %add3A_322 = arith.constant 0 : i32
        %add3A_323 = arith.addi %add3A_321, %add3A_322 : i32
        %dma_start3A_324 = arith.constant 0 : i32
        %dma_start3A_325 = tpu.memref_slice %arg7[%add3A_323, %dma_start3A_324] : memref<40x64xi32, #tpu.memory_space<vmem>> -> memref<1x64xi32, #tpu.memory_space<vmem>>
        %dma_start3A_326 = tpu.memref_squeeze %dma_start3A_325 : memref<1x64xi32, #tpu.memory_space<vmem>> -> memref<64xi32, #tpu.memory_space<vmem>>
        %dma_start3A_327 = arith.constant 0 : i32
        %dma_start3A_328 = arith.constant 0 : i32
        %dma_start3A_329 = tpu.memref_slice %arg2[%dma_start3A_327, %dma_start3A_328] : memref<10000x128xf32, #tpu.memory_space<hbm>> -> memref<10000x128xf32, #tpu.memory_space<hbm>>
        tpu.enqueue_indirect_dma source(%dma_start3A_329 : memref<10000x128xf32, #tpu.memory_space<hbm>>) target(%arg9 : memref<64x128xf32, #tpu.memory_space<vmem>>) offsets(%dma_start3A_326 : memref<64xi32, #tpu.memory_space<vmem>>) semaphore(%arg15 : memref<!tpu.dma_semaphore, #tpu.memory_space<semaphore_mem>>)
      } else {
      }
      %add3A_269 = arith.constant 1 : i32
      %add3A_270 = arith.addi %add3A_190, %add3A_269 : i32
      %dma_wait3A_271 = arith.constant 0 : i32
      %dma_wait3A_272 = tpu.memref_slice %arg8[%add3A_270, %dma_wait3A_271] : memref<40x64xi32, #tpu.memory_space<vmem>> -> memref<1x64xi32, #tpu.memory_space<vmem>>
      %dma_wait3A_273 = tpu.memref_squeeze %dma_wait3A_272 : memref<1x64xi32, #tpu.memory_space<vmem>> -> memref<64xi32, #tpu.memory_space<vmem>>
      %dma_wait3A_274 = arith.constant 0 : i32
      %dma_wait3A_275 = arith.constant 0 : i32
      %dma_wait3A_276 = tpu.memref_slice %arg13[%dma_wait3A_274, %dma_wait3A_275] : memref<10240x128xf32, #tpu.memory_space<vmem_shared>> -> memref<10240x128xf32, #tpu.memory_space<vmem_shared>>
      tpu.wait_indirect_dma semaphore(%arg20 : memref<!tpu.dma_semaphore, #tpu.memory_space<semaphore_mem>>) src(%arg10 : memref<64x128xf32, #tpu.memory_space<vmem>>) dst(%dma_wait3A_276 : memref<10240x128xf32, #tpu.memory_space<vmem_shared>>)
      %add3A_277 = arith.constant 4 : i32
      %add3A_278 = arith.addi %add3A_190, %add3A_277 : i32
      %add3A_279 = arith.constant 1 : i32
      %add3A_280 = arith.addi %add3A_278, %add3A_279 : i32
      %lt3A_281 = arith.constant 40 : i32
      %lt3A_282 = arith.cmpi slt, %add3A_280, %lt3A_281 : i32
      %convert_element_type3A_283 = arith.extui %lt3A_282 : i1 to i32
      %cond3A_284 = arith.constant 0 : i32
      %cond3A_285 = arith.cmpi ne, %convert_element_type3A_283, %cond3A_284 : i32
      scf.if %cond3A_285 {
        %add3A_320 = arith.constant 4 : i32
        %add3A_321 = arith.addi %add3A_190, %add3A_320 : i32
        %add3A_322 = arith.constant 1 : i32
        %add3A_323 = arith.addi %add3A_321, %add3A_322 : i32
        %dma_start3A_324 = arith.constant 0 : i32
        %dma_start3A_325 = tpu.memref_slice %arg7[%add3A_323, %dma_start3A_324] : memref<40x64xi32, #tpu.memory_space<vmem>> -> memref<1x64xi32, #tpu.memory_space<vmem>>
        %dma_start3A_326 = tpu.memref_squeeze %dma_start3A_325 : memref<1x64xi32, #tpu.memory_space<vmem>> -> memref<64xi32, #tpu.memory_space<vmem>>
        %dma_start3A_327 = arith.constant 0 : i32
        %dma_start3A_328 = arith.constant 0 : i32
        %dma_start3A_329 = tpu.memref_slice %arg2[%dma_start3A_327, %dma_start3A_328] : memref<10000x128xf32, #tpu.memory_space<hbm>> -> memref<10000x128xf32, #tpu.memory_space<hbm>>
        tpu.enqueue_indirect_dma source(%dma_start3A_329 : memref<10000x128xf32, #tpu.memory_space<hbm>>) target(%arg10 : memref<64x128xf32, #tpu.memory_space<vmem>>) offsets(%dma_start3A_326 : memref<64xi32, #tpu.memory_space<vmem>>) semaphore(%arg16 : memref<!tpu.dma_semaphore, #tpu.memory_space<semaphore_mem>>)
      } else {
      }
      %add3A_286 = arith.constant 2 : i32
      %add3A_287 = arith.addi %add3A_190, %add3A_286 : i32
      %dma_wait3A_288 = arith.constant 0 : i32
      %dma_wait3A_289 = tpu.memref_slice %arg8[%add3A_287, %dma_wait3A_288] : memref<40x64xi32, #tpu.memory_space<vmem>> -> memref<1x64xi32, #tpu.memory_space<vmem>>
      %dma_wait3A_290 = tpu.memref_squeeze %dma_wait3A_289 : memref<1x64xi32, #tpu.memory_space<vmem>> -> memref<64xi32, #tpu.memory_space<vmem>>
      %dma_wait3A_291 = arith.constant 0 : i32
      %dma_wait3A_292 = arith.constant 0 : i32
      %dma_wait3A_293 = tpu.memref_slice %arg13[%dma_wait3A_291, %dma_wait3A_292] : memref<10240x128xf32, #tpu.memory_space<vmem_shared>> -> memref<10240x128xf32, #tpu.memory_space<vmem_shared>>
      tpu.wait_indirect_dma semaphore(%arg21 : memref<!tpu.dma_semaphore, #tpu.memory_space<semaphore_mem>>) src(%arg11 : memref<64x128xf32, #tpu.memory_space<vmem>>) dst(%dma_wait3A_293 : memref<10240x128xf32, #tpu.memory_space<vmem_shared>>)
      %add3A_294 = arith.constant 4 : i32
      %add3A_295 = arith.addi %add3A_190, %add3A_294 : i32
      %add3A_296 = arith.constant 2 : i32
      %add3A_297 = arith.addi %add3A_295, %add3A_296 : i32
      %lt3A_298 = arith.constant 40 : i32
      %lt3A_299 = arith.cmpi slt, %add3A_297, %lt3A_298 : i32
      %convert_element_type3A_300 = arith.extui %lt3A_299 : i1 to i32
      %cond3A_301 = arith.constant 0 : i32
      %cond3A_302 = arith.cmpi ne, %convert_element_type3A_300, %cond3A_301 : i32
      scf.if %cond3A_302 {
        %add3A_320 = arith.constant 4 : i32
        %add3A_321 = arith.addi %add3A_190, %add3A_320 : i32
        %add3A_322 = arith.constant 2 : i32
        %add3A_323 = arith.addi %add3A_321, %add3A_322 : i32
        %dma_start3A_324 = arith.constant 0 : i32
        %dma_start3A_325 = tpu.memref_slice %arg7[%add3A_323, %dma_start3A_324] : memref<40x64xi32, #tpu.memory_space<vmem>> -> memref<1x64xi32, #tpu.memory_space<vmem>>
        %dma_start3A_326 = tpu.memref_squeeze %dma_start3A_325 : memref<1x64xi32, #tpu.memory_space<vmem>> -> memref<64xi32, #tpu.memory_space<vmem>>
        %dma_start3A_327 = arith.constant 0 : i32
        %dma_start3A_328 = arith.constant 0 : i32
        %dma_start3A_329 = tpu.memref_slice %arg2[%dma_start3A_327, %dma_start3A_328] : memref<10000x128xf32, #tpu.memory_space<hbm>> -> memref<10000x128xf32, #tpu.memory_space<hbm>>
        tpu.enqueue_indirect_dma source(%dma_start3A_329 : memref<10000x128xf32, #tpu.memory_space<hbm>>) target(%arg11 : memref<64x128xf32, #tpu.memory_space<vmem>>) offsets(%dma_start3A_326 : memref<64xi32, #tpu.memory_space<vmem>>) semaphore(%arg17 : memref<!tpu.dma_semaphore, #tpu.memory_space<semaphore_mem>>)
      } else {
      }
      %add3A_303 = arith.constant 3 : i32
      %add3A_304 = arith.addi %add3A_190, %add3A_303 : i32
      %dma_wait3A_305 = arith.constant 0 : i32
      %dma_wait3A_306 = tpu.memref_slice %arg8[%add3A_304, %dma_wait3A_305] : memref<40x64xi32, #tpu.memory_space<vmem>> -> memref<1x64xi32, #tpu.memory_space<vmem>>
      %dma_wait3A_307 = tpu.memref_squeeze %dma_wait3A_306 : memref<1x64xi32, #tpu.memory_space<vmem>> -> memref<64xi32, #tpu.memory_space<vmem>>
      %dma_wait3A_308 = arith.constant 0 : i32
      %dma_wait3A_309 = arith.constant 0 : i32
      %dma_wait3A_310 = tpu.memref_slice %arg13[%dma_wait3A_308, %dma_wait3A_309] : memref<10240x128xf32, #tpu.memory_space<vmem_shared>> -> memref<10240x128xf32, #tpu.memory_space<vmem_shared>>
      tpu.wait_indirect_dma semaphore(%arg22 : memref<!tpu.dma_semaphore, #tpu.memory_space<semaphore_mem>>) src(%arg12 : memref<64x128xf32, #tpu.memory_space<vmem>>) dst(%dma_wait3A_310 : memref<10240x128xf32, #tpu.memory_space<vmem_shared>>)
      %add3A_311 = arith.constant 4 : i32
      %add3A_312 = arith.addi %add3A_190, %add3A_311 : i32
      %add3A_313 = arith.constant 3 : i32
      %add3A_314 = arith.addi %add3A_312, %add3A_313 : i32
      %lt3A_315 = arith.constant 40 : i32
      %lt3A_316 = arith.cmpi slt, %add3A_314, %lt3A_315 : i32
      %convert_element_type3A_317 = arith.extui %lt3A_316 : i1 to i32
      %cond3A_318 = arith.constant 0 : i32
      %cond3A_319 = arith.cmpi ne, %convert_element_type3A_317, %cond3A_318 : i32
      scf.if %cond3A_319 {
        %add3A_320 = arith.constant 4 : i32
        %add3A_321 = arith.addi %add3A_190, %add3A_320 : i32
        %add3A_322 = arith.constant 3 : i32
        %add3A_323 = arith.addi %add3A_321, %add3A_322 : i32
        %dma_start3A_324 = arith.constant 0 : i32
        %dma_start3A_325 = tpu.memref_slice %arg7[%add3A_323, %dma_start3A_324] : memref<40x64xi32, #tpu.memory_space<vmem>> -> memref<1x64xi32, #tpu.memory_space<vmem>>
        %dma_start3A_326 = tpu.memref_squeeze %dma_start3A_325 : memref<1x64xi32, #tpu.memory_space<vmem>> -> memref<64xi32, #tpu.memory_space<vmem>>
        %dma_start3A_327 = arith.constant 0 : i32
        %dma_start3A_328 = arith.constant 0 : i32
        %dma_start3A_329 = tpu.memref_slice %arg2[%dma_start3A_327, %dma_start3A_328] : memref<10000x128xf32, #tpu.memory_space<hbm>> -> memref<10000x128xf32, #tpu.memory_space<hbm>>
        tpu.enqueue_indirect_dma source(%dma_start3A_329 : memref<10000x128xf32, #tpu.memory_space<hbm>>) target(%arg12 : memref<64x128xf32, #tpu.memory_space<vmem>>) offsets(%dma_start3A_326 : memref<64xi32, #tpu.memory_space<vmem>>) semaphore(%arg18 : memref<!tpu.dma_semaphore, #tpu.memory_space<semaphore_mem>>)
      } else {
      }
    }
    %scan3A_60 = arith.constant 10 : i32
    %mul3A_61 = arith.constant 40 : i32
    %mul3A_62 = arith.muli %add3A, %mul3A_61 : i32
    %mul3A_63 = arith.constant 4 : i32
    %mul3A_64 = arith.muli %mul3A_62, %mul3A_63 : i32
    %add3A_65 = arith.constant 40 : i32
    %add3A_66 = arith.addi %mul3A_64, %add3A_65 : i32
    "tpu.region"() ({
      %run_scoped3A = tpu.sem_alloc : memref<!tpu.dma_semaphore, #tpu.memory_space<semaphore_mem>>
      %dma_start3A_186 = arith.constant 0 : i32
      %dma_start3A_187 = tpu.memref_slice %arg4[%add3A_66, %dma_start3A_186] : memref<5120x64xi32, #tpu.memory_space<hbm>> -> memref<40x64xi32, #tpu.memory_space<hbm>>
      %dma_start3A_188 = arith.constant 0 : i32
      %dma_start3A_189 = tpu.memref_slice %arg4[%add3A_66, %dma_start3A_188] : memref<5120x64xi32, #tpu.memory_space<hbm>> -> memref<40x64xi32, #tpu.memory_space<hbm>>
      tpu.enqueue_dma source(%dma_start3A_189 : memref<40x64xi32, #tpu.memory_space<hbm>>) target(%arg7 : memref<40x64xi32, #tpu.memory_space<vmem>>) target_semaphore(%run_scoped3A : memref<!tpu.dma_semaphore, #tpu.memory_space<semaphore_mem>>)
      %dma_wait3A_190 = arith.constant 0 : i32
      %dma_wait3A_191 = tpu.memref_slice %arg4[%add3A_66, %dma_wait3A_190] : memref<5120x64xi32, #tpu.memory_space<hbm>> -> memref<40x64xi32, #tpu.memory_space<hbm>>
      %dma_wait3A_192 = arith.constant 0 : i32
      %dma_wait3A_193 = tpu.memref_slice %arg4[%add3A_66, %dma_wait3A_192] : memref<5120x64xi32, #tpu.memory_space<hbm>> -> memref<40x64xi32, #tpu.memory_space<hbm>>
      tpu.wait_dma2 semaphore(%run_scoped3A : memref<!tpu.dma_semaphore, #tpu.memory_space<semaphore_mem>>) src(%dma_wait3A_193 : memref<40x64xi32, #tpu.memory_space<hbm>>) dst(%arg7 : memref<40x64xi32, #tpu.memory_space<vmem>>)
      tpu.yield
    }) : () -> ()
    "tpu.region"() ({
      %run_scoped3A = tpu.sem_alloc : memref<!tpu.dma_semaphore, #tpu.memory_space<semaphore_mem>>
      %dma_start3A_186 = arith.constant 0 : i32
      %dma_start3A_187 = tpu.memref_slice %arg5[%add3A_66, %dma_start3A_186] : memref<5120x64xi32, #tpu.memory_space<hbm>> -> memref<40x64xi32, #tpu.memory_space<hbm>>
      %dma_start3A_188 = arith.constant 0 : i32
      %dma_start3A_189 = tpu.memref_slice %arg5[%add3A_66, %dma_start3A_188] : memref<5120x64xi32, #tpu.memory_space<hbm>> -> memref<40x64xi32, #tpu.memory_space<hbm>>
      tpu.enqueue_dma source(%dma_start3A_189 : memref<40x64xi32, #tpu.memory_space<hbm>>) target(%arg8 : memref<40x64xi32, #tpu.memory_space<vmem>>) target_semaphore(%run_scoped3A : memref<!tpu.dma_semaphore, #tpu.memory_space<semaphore_mem>>)
      %dma_wait3A_190 = arith.constant 0 : i32
      %dma_wait3A_191 = tpu.memref_slice %arg5[%add3A_66, %dma_wait3A_190] : memref<5120x64xi32, #tpu.memory_space<hbm>> -> memref<40x64xi32, #tpu.memory_space<hbm>>
      %dma_wait3A_192 = arith.constant 0 : i32
      %dma_wait3A_193 = tpu.memref_slice %arg5[%add3A_66, %dma_wait3A_192] : memref<5120x64xi32, #tpu.memory_space<hbm>> -> memref<40x64xi32, #tpu.memory_space<hbm>>
      tpu.wait_dma2 semaphore(%run_scoped3A : memref<!tpu.dma_semaphore, #tpu.memory_space<semaphore_mem>>) src(%dma_wait3A_193 : memref<40x64xi32, #tpu.memory_space<hbm>>) dst(%arg8 : memref<40x64xi32, #tpu.memory_space<vmem>>)
      tpu.yield
    }) : () -> ()
    %dma_start3A_67 = arith.constant 0 : i32
    %dma_start3A_68 = arith.constant 0 : i32
    %dma_start3A_69 = tpu.memref_slice %arg7[%dma_start3A_67, %dma_start3A_68] : memref<40x64xi32, #tpu.memory_space<vmem>> -> memref<1x64xi32, #tpu.memory_space<vmem>>
    %dma_start3A_70 = tpu.memref_squeeze %dma_start3A_69 : memref<1x64xi32, #tpu.memory_space<vmem>> -> memref<64xi32, #tpu.memory_space<vmem>>
    %dma_start3A_71 = arith.constant 0 : i32
    %dma_start3A_72 = arith.constant 0 : i32
    %dma_start3A_73 = tpu.memref_slice %arg2[%dma_start3A_71, %dma_start3A_72] : memref<10000x128xf32, #tpu.memory_space<hbm>> -> memref<10000x128xf32, #tpu.memory_space<hbm>>
    tpu.enqueue_indirect_dma source(%dma_start3A_73 : memref<10000x128xf32, #tpu.memory_space<hbm>>) target(%arg9 : memref<64x128xf32, #tpu.memory_space<vmem>>) offsets(%dma_start3A_70 : memref<64xi32, #tpu.memory_space<vmem>>) semaphore(%arg15 : memref<!tpu.dma_semaphore, #tpu.memory_space<semaphore_mem>>)
    %dma_start3A_74 = arith.constant 1 : i32
    %dma_start3A_75 = arith.constant 0 : i32
    %dma_start3A_76 = tpu.memref_slice %arg7[%dma_start3A_74, %dma_start3A_75] : memref<40x64xi32, #tpu.memory_space<vmem>> -> memref<1x64xi32, #tpu.memory_space<vmem>>
    %dma_start3A_77 = tpu.memref_squeeze %dma_start3A_76 : memref<1x64xi32, #tpu.memory_space<vmem>> -> memref<64xi32, #tpu.memory_space<vmem>>
    %dma_start3A_78 = arith.constant 0 : i32
    %dma_start3A_79 = arith.constant 0 : i32
    %dma_start3A_80 = tpu.memref_slice %arg2[%dma_start3A_78, %dma_start3A_79] : memref<10000x128xf32, #tpu.memory_space<hbm>> -> memref<10000x128xf32, #tpu.memory_space<hbm>>
    tpu.enqueue_indirect_dma source(%dma_start3A_80 : memref<10000x128xf32, #tpu.memory_space<hbm>>) target(%arg10 : memref<64x128xf32, #tpu.memory_space<vmem>>) offsets(%dma_start3A_77 : memref<64xi32, #tpu.memory_space<vmem>>) semaphore(%arg16 : memref<!tpu.dma_semaphore, #tpu.memory_space<semaphore_mem>>)
    %dma_start3A_81 = arith.constant 2 : i32
    %dma_start3A_82 = arith.constant 0 : i32
    %dma_start3A_83 = tpu.memref_slice %arg7[%dma_start3A_81, %dma_start3A_82] : memref<40x64xi32, #tpu.memory_space<vmem>> -> memref<1x64xi32, #tpu.memory_space<vmem>>
    %dma_start3A_84 = tpu.memref_squeeze %dma_start3A_83 : memref<1x64xi32, #tpu.memory_space<vmem>> -> memref<64xi32, #tpu.memory_space<vmem>>
    %dma_start3A_85 = arith.constant 0 : i32
    %dma_start3A_86 = arith.constant 0 : i32
    %dma_start3A_87 = tpu.memref_slice %arg2[%dma_start3A_85, %dma_start3A_86] : memref<10000x128xf32, #tpu.memory_space<hbm>> -> memref<10000x128xf32, #tpu.memory_space<hbm>>
    tpu.enqueue_indirect_dma source(%dma_start3A_87 : memref<10000x128xf32, #tpu.memory_space<hbm>>) target(%arg11 : memref<64x128xf32, #tpu.memory_space<vmem>>) offsets(%dma_start3A_84 : memref<64xi32, #tpu.memory_space<vmem>>) semaphore(%arg17 : memref<!tpu.dma_semaphore, #tpu.memory_space<semaphore_mem>>)
    %dma_start3A_88 = arith.constant 3 : i32
    %dma_start3A_89 = arith.constant 0 : i32
    %dma_start3A_90 = tpu.memref_slice %arg7[%dma_start3A_88, %dma_start3A_89] : memref<40x64xi32, #tpu.memory_space<vmem>> -> memref<1x64xi32, #tpu.memory_space<vmem>>
    %dma_start3A_91 = tpu.memref_squeeze %dma_start3A_90 : memref<1x64xi32, #tpu.memory_space<vmem>> -> memref<64xi32, #tpu.memory_space<vmem>>
    %dma_start3A_92 = arith.constant 0 : i32
    %dma_start3A_93 = arith.constant 0 : i32
    %dma_start3A_94 = tpu.memref_slice %arg2[%dma_start3A_92, %dma_start3A_93] : memref<10000x128xf32, #tpu.memory_space<hbm>> -> memref<10000x128xf32, #tpu.memory_space<hbm>>
    tpu.enqueue_indirect_dma source(%dma_start3A_94 : memref<10000x128xf32, #tpu.memory_space<hbm>>) target(%arg12 : memref<64x128xf32, #tpu.memory_space<vmem>>) offsets(%dma_start3A_91 : memref<64xi32, #tpu.memory_space<vmem>>) semaphore(%arg18 : memref<!tpu.dma_semaphore, #tpu.memory_space<semaphore_mem>>)
    %scan3A_95 = arith.constant 0 : i32
    %scan3A_96 = arith.constant 10 : i32
    %scan3A_97 = arith.addi %scan3A_95, %scan3A_96 : i32
    %scan3A_98 = arith.constant 1 : i32
    scf.for %scan3A_186 = %scan3A_95 to %scan3A_97 step %scan3A_98  : i32 {
      %mul3A_187 = arith.constant 4 : i32
      %mul3A_188 = arith.muli %scan3A_186, %mul3A_187 : i32
      %add3A_189 = arith.constant 0 : i32
      %add3A_190 = arith.addi %add3A_189, %mul3A_188 : i32
      %add3A_191 = arith.constant 0 : i32
      %add3A_192 = arith.addi %add3A_190, %add3A_191 : i32
      %dma_wait3A_193 = arith.constant 0 : i32
      %dma_wait3A_194 = tpu.memref_slice %arg7[%add3A_192, %dma_wait3A_193] : memref<40x64xi32, #tpu.memory_space<vmem>> -> memref<1x64xi32, #tpu.memory_space<vmem>>
      %dma_wait3A_195 = tpu.memref_squeeze %dma_wait3A_194 : memref<1x64xi32, #tpu.memory_space<vmem>> -> memref<64xi32, #tpu.memory_space<vmem>>
      %dma_wait3A_196 = arith.constant 0 : i32
      %dma_wait3A_197 = arith.constant 0 : i32
      %dma_wait3A_198 = tpu.memref_slice %arg2[%dma_wait3A_196, %dma_wait3A_197] : memref<10000x128xf32, #tpu.memory_space<hbm>> -> memref<10000x128xf32, #tpu.memory_space<hbm>>
      tpu.wait_indirect_dma semaphore(%arg15 : memref<!tpu.dma_semaphore, #tpu.memory_space<semaphore_mem>>) src(%dma_wait3A_198 : memref<10000x128xf32, #tpu.memory_space<hbm>>) dst(%arg9 : memref<64x128xf32, #tpu.memory_space<vmem>>)
      %add3A_199 = arith.constant 0 : i32
      %add3A_200 = arith.addi %add3A_190, %add3A_199 : i32
      %dma_start3A_201 = arith.constant 0 : i32
      %dma_start3A_202 = tpu.memref_slice %arg8[%add3A_200, %dma_start3A_201] : memref<40x64xi32, #tpu.memory_space<vmem>> -> memref<1x64xi32, #tpu.memory_space<vmem>>
      %dma_start3A_203 = tpu.memref_squeeze %dma_start3A_202 : memref<1x64xi32, #tpu.memory_space<vmem>> -> memref<64xi32, #tpu.memory_space<vmem>>
      %dma_start3A_204 = arith.constant 0 : i32
      %dma_start3A_205 = arith.constant 0 : i32
      %dma_start3A_206 = tpu.memref_slice %arg13[%dma_start3A_204, %dma_start3A_205] : memref<10240x128xf32, #tpu.memory_space<vmem_shared>> -> memref<10240x128xf32, #tpu.memory_space<vmem_shared>>
      tpu.enqueue_indirect_dma source(%arg9 : memref<64x128xf32, #tpu.memory_space<vmem>>) target(%dma_start3A_206 : memref<10240x128xf32, #tpu.memory_space<vmem_shared>>) offsets(%dma_start3A_203 : memref<64xi32, #tpu.memory_space<vmem>>) semaphore(%arg19 : memref<!tpu.dma_semaphore, #tpu.memory_space<semaphore_mem>>) {add = true}
      %add3A_207 = arith.constant 1 : i32
      %add3A_208 = arith.addi %add3A_190, %add3A_207 : i32
      %dma_wait3A_209 = arith.constant 0 : i32
      %dma_wait3A_210 = tpu.memref_slice %arg7[%add3A_208, %dma_wait3A_209] : memref<40x64xi32, #tpu.memory_space<vmem>> -> memref<1x64xi32, #tpu.memory_space<vmem>>
      %dma_wait3A_211 = tpu.memref_squeeze %dma_wait3A_210 : memref<1x64xi32, #tpu.memory_space<vmem>> -> memref<64xi32, #tpu.memory_space<vmem>>
      %dma_wait3A_212 = arith.constant 0 : i32
      %dma_wait3A_213 = arith.constant 0 : i32
      %dma_wait3A_214 = tpu.memref_slice %arg2[%dma_wait3A_212, %dma_wait3A_213] : memref<10000x128xf32, #tpu.memory_space<hbm>> -> memref<10000x128xf32, #tpu.memory_space<hbm>>
      tpu.wait_indirect_dma semaphore(%arg16 : memref<!tpu.dma_semaphore, #tpu.memory_space<semaphore_mem>>) src(%dma_wait3A_214 : memref<10000x128xf32, #tpu.memory_space<hbm>>) dst(%arg10 : memref<64x128xf32, #tpu.memory_space<vmem>>)
      %add3A_215 = arith.constant 1 : i32
      %add3A_216 = arith.addi %add3A_190, %add3A_215 : i32
      %dma_start3A_217 = arith.constant 0 : i32
      %dma_start3A_218 = tpu.memref_slice %arg8[%add3A_216, %dma_start3A_217] : memref<40x64xi32, #tpu.memory_space<vmem>> -> memref<1x64xi32, #tpu.memory_space<vmem>>
      %dma_start3A_219 = tpu.memref_squeeze %dma_start3A_218 : memref<1x64xi32, #tpu.memory_space<vmem>> -> memref<64xi32, #tpu.memory_space<vmem>>
      %dma_start3A_220 = arith.constant 0 : i32
      %dma_start3A_221 = arith.constant 0 : i32
      %dma_start3A_222 = tpu.memref_slice %arg13[%dma_start3A_220, %dma_start3A_221] : memref<10240x128xf32, #tpu.memory_space<vmem_shared>> -> memref<10240x128xf32, #tpu.memory_space<vmem_shared>>
      tpu.enqueue_indirect_dma source(%arg10 : memref<64x128xf32, #tpu.memory_space<vmem>>) target(%dma_start3A_222 : memref<10240x128xf32, #tpu.memory_space<vmem_shared>>) offsets(%dma_start3A_219 : memref<64xi32, #tpu.memory_space<vmem>>) semaphore(%arg20 : memref<!tpu.dma_semaphore, #tpu.memory_space<semaphore_mem>>) {add = true}
      %add3A_223 = arith.constant 2 : i32
      %add3A_224 = arith.addi %add3A_190, %add3A_223 : i32
      %dma_wait3A_225 = arith.constant 0 : i32
      %dma_wait3A_226 = tpu.memref_slice %arg7[%add3A_224, %dma_wait3A_225] : memref<40x64xi32, #tpu.memory_space<vmem>> -> memref<1x64xi32, #tpu.memory_space<vmem>>
      %dma_wait3A_227 = tpu.memref_squeeze %dma_wait3A_226 : memref<1x64xi32, #tpu.memory_space<vmem>> -> memref<64xi32, #tpu.memory_space<vmem>>
      %dma_wait3A_228 = arith.constant 0 : i32
      %dma_wait3A_229 = arith.constant 0 : i32
      %dma_wait3A_230 = tpu.memref_slice %arg2[%dma_wait3A_228, %dma_wait3A_229] : memref<10000x128xf32, #tpu.memory_space<hbm>> -> memref<10000x128xf32, #tpu.memory_space<hbm>>
      tpu.wait_indirect_dma semaphore(%arg17 : memref<!tpu.dma_semaphore, #tpu.memory_space<semaphore_mem>>) src(%dma_wait3A_230 : memref<10000x128xf32, #tpu.memory_space<hbm>>) dst(%arg11 : memref<64x128xf32, #tpu.memory_space<vmem>>)
      %add3A_231 = arith.constant 2 : i32
      %add3A_232 = arith.addi %add3A_190, %add3A_231 : i32
      %dma_start3A_233 = arith.constant 0 : i32
      %dma_start3A_234 = tpu.memref_slice %arg8[%add3A_232, %dma_start3A_233] : memref<40x64xi32, #tpu.memory_space<vmem>> -> memref<1x64xi32, #tpu.memory_space<vmem>>
      %dma_start3A_235 = tpu.memref_squeeze %dma_start3A_234 : memref<1x64xi32, #tpu.memory_space<vmem>> -> memref<64xi32, #tpu.memory_space<vmem>>
      %dma_start3A_236 = arith.constant 0 : i32
      %dma_start3A_237 = arith.constant 0 : i32
      %dma_start3A_238 = tpu.memref_slice %arg13[%dma_start3A_236, %dma_start3A_237] : memref<10240x128xf32, #tpu.memory_space<vmem_shared>> -> memref<10240x128xf32, #tpu.memory_space<vmem_shared>>
      tpu.enqueue_indirect_dma source(%arg11 : memref<64x128xf32, #tpu.memory_space<vmem>>) target(%dma_start3A_238 : memref<10240x128xf32, #tpu.memory_space<vmem_shared>>) offsets(%dma_start3A_235 : memref<64xi32, #tpu.memory_space<vmem>>) semaphore(%arg21 : memref<!tpu.dma_semaphore, #tpu.memory_space<semaphore_mem>>) {add = true}
      %add3A_239 = arith.constant 3 : i32
      %add3A_240 = arith.addi %add3A_190, %add3A_239 : i32
      %dma_wait3A_241 = arith.constant 0 : i32
      %dma_wait3A_242 = tpu.memref_slice %arg7[%add3A_240, %dma_wait3A_241] : memref<40x64xi32, #tpu.memory_space<vmem>> -> memref<1x64xi32, #tpu.memory_space<vmem>>
      %dma_wait3A_243 = tpu.memref_squeeze %dma_wait3A_242 : memref<1x64xi32, #tpu.memory_space<vmem>> -> memref<64xi32, #tpu.memory_space<vmem>>
      %dma_wait3A_244 = arith.constant 0 : i32
      %dma_wait3A_245 = arith.constant 0 : i32
      %dma_wait3A_246 = tpu.memref_slice %arg2[%dma_wait3A_244, %dma_wait3A_245] : memref<10000x128xf32, #tpu.memory_space<hbm>> -> memref<10000x128xf32, #tpu.memory_space<hbm>>
      tpu.wait_indirect_dma semaphore(%arg18 : memref<!tpu.dma_semaphore, #tpu.memory_space<semaphore_mem>>) src(%dma_wait3A_246 : memref<10000x128xf32, #tpu.memory_space<hbm>>) dst(%arg12 : memref<64x128xf32, #tpu.memory_space<vmem>>)
      %add3A_247 = arith.constant 3 : i32
      %add3A_248 = arith.addi %add3A_190, %add3A_247 : i32
      %dma_start3A_249 = arith.constant 0 : i32
      %dma_start3A_250 = tpu.memref_slice %arg8[%add3A_248, %dma_start3A_249] : memref<40x64xi32, #tpu.memory_space<vmem>> -> memref<1x64xi32, #tpu.memory_space<vmem>>
      %dma_start3A_251 = tpu.memref_squeeze %dma_start3A_250 : memref<1x64xi32, #tpu.memory_space<vmem>> -> memref<64xi32, #tpu.memory_space<vmem>>
      %dma_start3A_252 = arith.constant 0 : i32
      %dma_start3A_253 = arith.constant 0 : i32
      %dma_start3A_254 = tpu.memref_slice %arg13[%dma_start3A_252, %dma_start3A_253] : memref<10240x128xf32, #tpu.memory_space<vmem_shared>> -> memref<10240x128xf32, #tpu.memory_space<vmem_shared>>
      tpu.enqueue_indirect_dma source(%arg12 : memref<64x128xf32, #tpu.memory_space<vmem>>) target(%dma_start3A_254 : memref<10240x128xf32, #tpu.memory_space<vmem_shared>>) offsets(%dma_start3A_251 : memref<64xi32, #tpu.memory_space<vmem>>) semaphore(%arg22 : memref<!tpu.dma_semaphore, #tpu.memory_space<semaphore_mem>>) {add = true}
      %add3A_255 = arith.constant 0 : i32
      %add3A_256 = arith.addi %add3A_190, %add3A_255 : i32
      %dma_wait3A_257 = arith.constant 0 : i32
      %dma_wait3A_258 = tpu.memref_slice %arg8[%add3A_256, %dma_wait3A_257] : memref<40x64xi32, #tpu.memory_space<vmem>> -> memref<1x64xi32, #tpu.memory_space<vmem>>
      %dma_wait3A_259 = tpu.memref_squeeze %dma_wait3A_258 : memref<1x64xi32, #tpu.memory_space<vmem>> -> memref<64xi32, #tpu.memory_space<vmem>>
      %dma_wait3A_260 = arith.constant 0 : i32
      %dma_wait3A_261 = arith.constant 0 : i32
      %dma_wait3A_262 = tpu.memref_slice %arg13[%dma_wait3A_260, %dma_wait3A_261] : memref<10240x128xf32, #tpu.memory_space<vmem_shared>> -> memref<10240x128xf32, #tpu.memory_space<vmem_shared>>
      tpu.wait_indirect_dma semaphore(%arg19 : memref<!tpu.dma_semaphore, #tpu.memory_space<semaphore_mem>>) src(%arg9 : memref<64x128xf32, #tpu.memory_space<vmem>>) dst(%dma_wait3A_262 : memref<10240x128xf32, #tpu.memory_space<vmem_shared>>)
      %add3A_263 = arith.constant 4 : i32
      %add3A_264 = arith.addi %add3A_190, %add3A_263 : i32
      %add3A_265 = arith.constant 0 : i32
      %add3A_266 = arith.addi %add3A_264, %add3A_265 : i32
      %lt3A = arith.constant 40 : i32
      %lt3A_267 = arith.cmpi slt, %add3A_266, %lt3A : i32
      %convert_element_type3A = arith.extui %lt3A_267 : i1 to i32
      %cond3A = arith.constant 0 : i32
      %cond3A_268 = arith.cmpi ne, %convert_element_type3A, %cond3A : i32
      scf.if %cond3A_268 {
        %add3A_320 = arith.constant 4 : i32
        %add3A_321 = arith.addi %add3A_190, %add3A_320 : i32
        %add3A_322 = arith.constant 0 : i32
        %add3A_323 = arith.addi %add3A_321, %add3A_322 : i32
        %dma_start3A_324 = arith.constant 0 : i32
        %dma_start3A_325 = tpu.memref_slice %arg7[%add3A_323, %dma_start3A_324] : memref<40x64xi32, #tpu.memory_space<vmem>> -> memref<1x64xi32, #tpu.memory_space<vmem>>
        %dma_start3A_326 = tpu.memref_squeeze %dma_start3A_325 : memref<1x64xi32, #tpu.memory_space<vmem>> -> memref<64xi32, #tpu.memory_space<vmem>>
        %dma_start3A_327 = arith.constant 0 : i32
        %dma_start3A_328 = arith.constant 0 : i32
        %dma_start3A_329 = tpu.memref_slice %arg2[%dma_start3A_327, %dma_start3A_328] : memref<10000x128xf32, #tpu.memory_space<hbm>> -> memref<10000x128xf32, #tpu.memory_space<hbm>>
        tpu.enqueue_indirect_dma source(%dma_start3A_329 : memref<10000x128xf32, #tpu.memory_space<hbm>>) target(%arg9 : memref<64x128xf32, #tpu.memory_space<vmem>>) offsets(%dma_start3A_326 : memref<64xi32, #tpu.memory_space<vmem>>) semaphore(%arg15 : memref<!tpu.dma_semaphore, #tpu.memory_space<semaphore_mem>>)
      } else {
      }
      %add3A_269 = arith.constant 1 : i32
      %add3A_270 = arith.addi %add3A_190, %add3A_269 : i32
      %dma_wait3A_271 = arith.constant 0 : i32
      %dma_wait3A_272 = tpu.memref_slice %arg8[%add3A_270, %dma_wait3A_271] : memref<40x64xi32, #tpu.memory_space<vmem>> -> memref<1x64xi32, #tpu.memory_space<vmem>>
      %dma_wait3A_273 = tpu.memref_squeeze %dma_wait3A_272 : memref<1x64xi32, #tpu.memory_space<vmem>> -> memref<64xi32, #tpu.memory_space<vmem>>
      %dma_wait3A_274 = arith.constant 0 : i32
      %dma_wait3A_275 = arith.constant 0 : i32
      %dma_wait3A_276 = tpu.memref_slice %arg13[%dma_wait3A_274, %dma_wait3A_275] : memref<10240x128xf32, #tpu.memory_space<vmem_shared>> -> memref<10240x128xf32, #tpu.memory_space<vmem_shared>>
      tpu.wait_indirect_dma semaphore(%arg20 : memref<!tpu.dma_semaphore, #tpu.memory_space<semaphore_mem>>) src(%arg10 : memref<64x128xf32, #tpu.memory_space<vmem>>) dst(%dma_wait3A_276 : memref<10240x128xf32, #tpu.memory_space<vmem_shared>>)
      %add3A_277 = arith.constant 4 : i32
      %add3A_278 = arith.addi %add3A_190, %add3A_277 : i32
      %add3A_279 = arith.constant 1 : i32
      %add3A_280 = arith.addi %add3A_278, %add3A_279 : i32
      %lt3A_281 = arith.constant 40 : i32
      %lt3A_282 = arith.cmpi slt, %add3A_280, %lt3A_281 : i32
      %convert_element_type3A_283 = arith.extui %lt3A_282 : i1 to i32
      %cond3A_284 = arith.constant 0 : i32
      %cond3A_285 = arith.cmpi ne, %convert_element_type3A_283, %cond3A_284 : i32
      scf.if %cond3A_285 {
        %add3A_320 = arith.constant 4 : i32
        %add3A_321 = arith.addi %add3A_190, %add3A_320 : i32
        %add3A_322 = arith.constant 1 : i32
        %add3A_323 = arith.addi %add3A_321, %add3A_322 : i32
        %dma_start3A_324 = arith.constant 0 : i32
        %dma_start3A_325 = tpu.memref_slice %arg7[%add3A_323, %dma_start3A_324] : memref<40x64xi32, #tpu.memory_space<vmem>> -> memref<1x64xi32, #tpu.memory_space<vmem>>
        %dma_start3A_326 = tpu.memref_squeeze %dma_start3A_325 : memref<1x64xi32, #tpu.memory_space<vmem>> -> memref<64xi32, #tpu.memory_space<vmem>>
        %dma_start3A_327 = arith.constant 0 : i32
        %dma_start3A_328 = arith.constant 0 : i32
        %dma_start3A_329 = tpu.memref_slice %arg2[%dma_start3A_327, %dma_start3A_328] : memref<10000x128xf32, #tpu.memory_space<hbm>> -> memref<10000x128xf32, #tpu.memory_space<hbm>>
        tpu.enqueue_indirect_dma source(%dma_start3A_329 : memref<10000x128xf32, #tpu.memory_space<hbm>>) target(%arg10 : memref<64x128xf32, #tpu.memory_space<vmem>>) offsets(%dma_start3A_326 : memref<64xi32, #tpu.memory_space<vmem>>) semaphore(%arg16 : memref<!tpu.dma_semaphore, #tpu.memory_space<semaphore_mem>>)
      } else {
      }
      %add3A_286 = arith.constant 2 : i32
      %add3A_287 = arith.addi %add3A_190, %add3A_286 : i32
      %dma_wait3A_288 = arith.constant 0 : i32
      %dma_wait3A_289 = tpu.memref_slice %arg8[%add3A_287, %dma_wait3A_288] : memref<40x64xi32, #tpu.memory_space<vmem>> -> memref<1x64xi32, #tpu.memory_space<vmem>>
      %dma_wait3A_290 = tpu.memref_squeeze %dma_wait3A_289 : memref<1x64xi32, #tpu.memory_space<vmem>> -> memref<64xi32, #tpu.memory_space<vmem>>
      %dma_wait3A_291 = arith.constant 0 : i32
      %dma_wait3A_292 = arith.constant 0 : i32
      %dma_wait3A_293 = tpu.memref_slice %arg13[%dma_wait3A_291, %dma_wait3A_292] : memref<10240x128xf32, #tpu.memory_space<vmem_shared>> -> memref<10240x128xf32, #tpu.memory_space<vmem_shared>>
      tpu.wait_indirect_dma semaphore(%arg21 : memref<!tpu.dma_semaphore, #tpu.memory_space<semaphore_mem>>) src(%arg11 : memref<64x128xf32, #tpu.memory_space<vmem>>) dst(%dma_wait3A_293 : memref<10240x128xf32, #tpu.memory_space<vmem_shared>>)
      %add3A_294 = arith.constant 4 : i32
      %add3A_295 = arith.addi %add3A_190, %add3A_294 : i32
      %add3A_296 = arith.constant 2 : i32
      %add3A_297 = arith.addi %add3A_295, %add3A_296 : i32
      %lt3A_298 = arith.constant 40 : i32
      %lt3A_299 = arith.cmpi slt, %add3A_297, %lt3A_298 : i32
      %convert_element_type3A_300 = arith.extui %lt3A_299 : i1 to i32
      %cond3A_301 = arith.constant 0 : i32
      %cond3A_302 = arith.cmpi ne, %convert_element_type3A_300, %cond3A_301 : i32
      scf.if %cond3A_302 {
        %add3A_320 = arith.constant 4 : i32
        %add3A_321 = arith.addi %add3A_190, %add3A_320 : i32
        %add3A_322 = arith.constant 2 : i32
        %add3A_323 = arith.addi %add3A_321, %add3A_322 : i32
        %dma_start3A_324 = arith.constant 0 : i32
        %dma_start3A_325 = tpu.memref_slice %arg7[%add3A_323, %dma_start3A_324] : memref<40x64xi32, #tpu.memory_space<vmem>> -> memref<1x64xi32, #tpu.memory_space<vmem>>
        %dma_start3A_326 = tpu.memref_squeeze %dma_start3A_325 : memref<1x64xi32, #tpu.memory_space<vmem>> -> memref<64xi32, #tpu.memory_space<vmem>>
        %dma_start3A_327 = arith.constant 0 : i32
        %dma_start3A_328 = arith.constant 0 : i32
        %dma_start3A_329 = tpu.memref_slice %arg2[%dma_start3A_327, %dma_start3A_328] : memref<10000x128xf32, #tpu.memory_space<hbm>> -> memref<10000x128xf32, #tpu.memory_space<hbm>>
        tpu.enqueue_indirect_dma source(%dma_start3A_329 : memref<10000x128xf32, #tpu.memory_space<hbm>>) target(%arg11 : memref<64x128xf32, #tpu.memory_space<vmem>>) offsets(%dma_start3A_326 : memref<64xi32, #tpu.memory_space<vmem>>) semaphore(%arg17 : memref<!tpu.dma_semaphore, #tpu.memory_space<semaphore_mem>>)
      } else {
      }
      %add3A_303 = arith.constant 3 : i32
      %add3A_304 = arith.addi %add3A_190, %add3A_303 : i32
      %dma_wait3A_305 = arith.constant 0 : i32
      %dma_wait3A_306 = tpu.memref_slice %arg8[%add3A_304, %dma_wait3A_305] : memref<40x64xi32, #tpu.memory_space<vmem>> -> memref<1x64xi32, #tpu.memory_space<vmem>>
      %dma_wait3A_307 = tpu.memref_squeeze %dma_wait3A_306 : memref<1x64xi32, #tpu.memory_space<vmem>> -> memref<64xi32, #tpu.memory_space<vmem>>
      %dma_wait3A_308 = arith.constant 0 : i32
      %dma_wait3A_309 = arith.constant 0 : i32
      %dma_wait3A_310 = tpu.memref_slice %arg13[%dma_wait3A_308, %dma_wait3A_309] : memref<10240x128xf32, #tpu.memory_space<vmem_shared>> -> memref<10240x128xf32, #tpu.memory_space<vmem_shared>>
      tpu.wait_indirect_dma semaphore(%arg22 : memref<!tpu.dma_semaphore, #tpu.memory_space<semaphore_mem>>) src(%arg12 : memref<64x128xf32, #tpu.memory_space<vmem>>) dst(%dma_wait3A_310 : memref<10240x128xf32, #tpu.memory_space<vmem_shared>>)
      %add3A_311 = arith.constant 4 : i32
      %add3A_312 = arith.addi %add3A_190, %add3A_311 : i32
      %add3A_313 = arith.constant 3 : i32
      %add3A_314 = arith.addi %add3A_312, %add3A_313 : i32
      %lt3A_315 = arith.constant 40 : i32
      %lt3A_316 = arith.cmpi slt, %add3A_314, %lt3A_315 : i32
      %convert_element_type3A_317 = arith.extui %lt3A_316 : i1 to i32
      %cond3A_318 = arith.constant 0 : i32
      %cond3A_319 = arith.cmpi ne, %convert_element_type3A_317, %cond3A_318 : i32
      scf.if %cond3A_319 {
        %add3A_320 = arith.constant 4 : i32
        %add3A_321 = arith.addi %add3A_190, %add3A_320 : i32
        %add3A_322 = arith.constant 3 : i32
        %add3A_323 = arith.addi %add3A_321, %add3A_322 : i32
        %dma_start3A_324 = arith.constant 0 : i32
        %dma_start3A_325 = tpu.memref_slice %arg7[%add3A_323, %dma_start3A_324] : memref<40x64xi32, #tpu.memory_space<vmem>> -> memref<1x64xi32, #tpu.memory_space<vmem>>
        %dma_start3A_326 = tpu.memref_squeeze %dma_start3A_325 : memref<1x64xi32, #tpu.memory_space<vmem>> -> memref<64xi32, #tpu.memory_space<vmem>>
        %dma_start3A_327 = arith.constant 0 : i32
        %dma_start3A_328 = arith.constant 0 : i32
        %dma_start3A_329 = tpu.memref_slice %arg2[%dma_start3A_327, %dma_start3A_328] : memref<10000x128xf32, #tpu.memory_space<hbm>> -> memref<10000x128xf32, #tpu.memory_space<hbm>>
        tpu.enqueue_indirect_dma source(%dma_start3A_329 : memref<10000x128xf32, #tpu.memory_space<hbm>>) target(%arg12 : memref<64x128xf32, #tpu.memory_space<vmem>>) offsets(%dma_start3A_326 : memref<64xi32, #tpu.memory_space<vmem>>) semaphore(%arg18 : memref<!tpu.dma_semaphore, #tpu.memory_space<semaphore_mem>>)
      } else {
      }
    }
    %scan3A_99 = arith.constant 10 : i32
    %mul3A_100 = arith.constant 40 : i32
    %mul3A_101 = arith.muli %add3A, %mul3A_100 : i32
    %mul3A_102 = arith.constant 4 : i32
    %mul3A_103 = arith.muli %mul3A_101, %mul3A_102 : i32
    %add3A_104 = arith.constant 80 : i32
    %add3A_105 = arith.addi %mul3A_103, %add3A_104 : i32
    "tpu.region"() ({
      %run_scoped3A = tpu.sem_alloc : memref<!tpu.dma_semaphore, #tpu.memory_space<semaphore_mem>>
      %dma_start3A_186 = arith.constant 0 : i32
      %dma_start3A_187 = tpu.memref_slice %arg4[%add3A_105, %dma_start3A_186] : memref<5120x64xi32, #tpu.memory_space<hbm>> -> memref<40x64xi32, #tpu.memory_space<hbm>>
      %dma_start3A_188 = arith.constant 0 : i32
      %dma_start3A_189 = tpu.memref_slice %arg4[%add3A_105, %dma_start3A_188] : memref<5120x64xi32, #tpu.memory_space<hbm>> -> memref<40x64xi32, #tpu.memory_space<hbm>>
      tpu.enqueue_dma source(%dma_start3A_189 : memref<40x64xi32, #tpu.memory_space<hbm>>) target(%arg7 : memref<40x64xi32, #tpu.memory_space<vmem>>) target_semaphore(%run_scoped3A : memref<!tpu.dma_semaphore, #tpu.memory_space<semaphore_mem>>)
      %dma_wait3A_190 = arith.constant 0 : i32
      %dma_wait3A_191 = tpu.memref_slice %arg4[%add3A_105, %dma_wait3A_190] : memref<5120x64xi32, #tpu.memory_space<hbm>> -> memref<40x64xi32, #tpu.memory_space<hbm>>
      %dma_wait3A_192 = arith.constant 0 : i32
      %dma_wait3A_193 = tpu.memref_slice %arg4[%add3A_105, %dma_wait3A_192] : memref<5120x64xi32, #tpu.memory_space<hbm>> -> memref<40x64xi32, #tpu.memory_space<hbm>>
      tpu.wait_dma2 semaphore(%run_scoped3A : memref<!tpu.dma_semaphore, #tpu.memory_space<semaphore_mem>>) src(%dma_wait3A_193 : memref<40x64xi32, #tpu.memory_space<hbm>>) dst(%arg7 : memref<40x64xi32, #tpu.memory_space<vmem>>)
      tpu.yield
    }) : () -> ()
    "tpu.region"() ({
      %run_scoped3A = tpu.sem_alloc : memref<!tpu.dma_semaphore, #tpu.memory_space<semaphore_mem>>
      %dma_start3A_186 = arith.constant 0 : i32
      %dma_start3A_187 = tpu.memref_slice %arg5[%add3A_105, %dma_start3A_186] : memref<5120x64xi32, #tpu.memory_space<hbm>> -> memref<40x64xi32, #tpu.memory_space<hbm>>
      %dma_start3A_188 = arith.constant 0 : i32
      %dma_start3A_189 = tpu.memref_slice %arg5[%add3A_105, %dma_start3A_188] : memref<5120x64xi32, #tpu.memory_space<hbm>> -> memref<40x64xi32, #tpu.memory_space<hbm>>
      tpu.enqueue_dma source(%dma_start3A_189 : memref<40x64xi32, #tpu.memory_space<hbm>>) target(%arg8 : memref<40x64xi32, #tpu.memory_space<vmem>>) target_semaphore(%run_scoped3A : memref<!tpu.dma_semaphore, #tpu.memory_space<semaphore_mem>>)
      %dma_wait3A_190 = arith.constant 0 : i32
      %dma_wait3A_191 = tpu.memref_slice %arg5[%add3A_105, %dma_wait3A_190] : memref<5120x64xi32, #tpu.memory_space<hbm>> -> memref<40x64xi32, #tpu.memory_space<hbm>>
      %dma_wait3A_192 = arith.constant 0 : i32
      %dma_wait3A_193 = tpu.memref_slice %arg5[%add3A_105, %dma_wait3A_192] : memref<5120x64xi32, #tpu.memory_space<hbm>> -> memref<40x64xi32, #tpu.memory_space<hbm>>
      tpu.wait_dma2 semaphore(%run_scoped3A : memref<!tpu.dma_semaphore, #tpu.memory_space<semaphore_mem>>) src(%dma_wait3A_193 : memref<40x64xi32, #tpu.memory_space<hbm>>) dst(%arg8 : memref<40x64xi32, #tpu.memory_space<vmem>>)
      tpu.yield
    }) : () -> ()
    %dma_start3A_106 = arith.constant 0 : i32
    %dma_start3A_107 = arith.constant 0 : i32
    %dma_start3A_108 = tpu.memref_slice %arg7[%dma_start3A_106, %dma_start3A_107] : memref<40x64xi32, #tpu.memory_space<vmem>> -> memref<1x64xi32, #tpu.memory_space<vmem>>
    %dma_start3A_109 = tpu.memref_squeeze %dma_start3A_108 : memref<1x64xi32, #tpu.memory_space<vmem>> -> memref<64xi32, #tpu.memory_space<vmem>>
    %dma_start3A_110 = arith.constant 0 : i32
    %dma_start3A_111 = arith.constant 0 : i32
    %dma_start3A_112 = tpu.memref_slice %arg2[%dma_start3A_110, %dma_start3A_111] : memref<10000x128xf32, #tpu.memory_space<hbm>> -> memref<10000x128xf32, #tpu.memory_space<hbm>>
    tpu.enqueue_indirect_dma source(%dma_start3A_112 : memref<10000x128xf32, #tpu.memory_space<hbm>>) target(%arg9 : memref<64x128xf32, #tpu.memory_space<vmem>>) offsets(%dma_start3A_109 : memref<64xi32, #tpu.memory_space<vmem>>) semaphore(%arg15 : memref<!tpu.dma_semaphore, #tpu.memory_space<semaphore_mem>>)
    %dma_start3A_113 = arith.constant 1 : i32
    %dma_start3A_114 = arith.constant 0 : i32
    %dma_start3A_115 = tpu.memref_slice %arg7[%dma_start3A_113, %dma_start3A_114] : memref<40x64xi32, #tpu.memory_space<vmem>> -> memref<1x64xi32, #tpu.memory_space<vmem>>
    %dma_start3A_116 = tpu.memref_squeeze %dma_start3A_115 : memref<1x64xi32, #tpu.memory_space<vmem>> -> memref<64xi32, #tpu.memory_space<vmem>>
    %dma_start3A_117 = arith.constant 0 : i32
    %dma_start3A_118 = arith.constant 0 : i32
    %dma_start3A_119 = tpu.memref_slice %arg2[%dma_start3A_117, %dma_start3A_118] : memref<10000x128xf32, #tpu.memory_space<hbm>> -> memref<10000x128xf32, #tpu.memory_space<hbm>>
    tpu.enqueue_indirect_dma source(%dma_start3A_119 : memref<10000x128xf32, #tpu.memory_space<hbm>>) target(%arg10 : memref<64x128xf32, #tpu.memory_space<vmem>>) offsets(%dma_start3A_116 : memref<64xi32, #tpu.memory_space<vmem>>) semaphore(%arg16 : memref<!tpu.dma_semaphore, #tpu.memory_space<semaphore_mem>>)
    %dma_start3A_120 = arith.constant 2 : i32
    %dma_start3A_121 = arith.constant 0 : i32
    %dma_start3A_122 = tpu.memref_slice %arg7[%dma_start3A_120, %dma_start3A_121] : memref<40x64xi32, #tpu.memory_space<vmem>> -> memref<1x64xi32, #tpu.memory_space<vmem>>
    %dma_start3A_123 = tpu.memref_squeeze %dma_start3A_122 : memref<1x64xi32, #tpu.memory_space<vmem>> -> memref<64xi32, #tpu.memory_space<vmem>>
    %dma_start3A_124 = arith.constant 0 : i32
    %dma_start3A_125 = arith.constant 0 : i32
    %dma_start3A_126 = tpu.memref_slice %arg2[%dma_start3A_124, %dma_start3A_125] : memref<10000x128xf32, #tpu.memory_space<hbm>> -> memref<10000x128xf32, #tpu.memory_space<hbm>>
    tpu.enqueue_indirect_dma source(%dma_start3A_126 : memref<10000x128xf32, #tpu.memory_space<hbm>>) target(%arg11 : memref<64x128xf32, #tpu.memory_space<vmem>>) offsets(%dma_start3A_123 : memref<64xi32, #tpu.memory_space<vmem>>) semaphore(%arg17 : memref<!tpu.dma_semaphore, #tpu.memory_space<semaphore_mem>>)
    %dma_start3A_127 = arith.constant 3 : i32
    %dma_start3A_128 = arith.constant 0 : i32
    %dma_start3A_129 = tpu.memref_slice %arg7[%dma_start3A_127, %dma_start3A_128] : memref<40x64xi32, #tpu.memory_space<vmem>> -> memref<1x64xi32, #tpu.memory_space<vmem>>
    %dma_start3A_130 = tpu.memref_squeeze %dma_start3A_129 : memref<1x64xi32, #tpu.memory_space<vmem>> -> memref<64xi32, #tpu.memory_space<vmem>>
    %dma_start3A_131 = arith.constant 0 : i32
    %dma_start3A_132 = arith.constant 0 : i32
    %dma_start3A_133 = tpu.memref_slice %arg2[%dma_start3A_131, %dma_start3A_132] : memref<10000x128xf32, #tpu.memory_space<hbm>> -> memref<10000x128xf32, #tpu.memory_space<hbm>>
    tpu.enqueue_indirect_dma source(%dma_start3A_133 : memref<10000x128xf32, #tpu.memory_space<hbm>>) target(%arg12 : memref<64x128xf32, #tpu.memory_space<vmem>>) offsets(%dma_start3A_130 : memref<64xi32, #tpu.memory_space<vmem>>) semaphore(%arg18 : memref<!tpu.dma_semaphore, #tpu.memory_space<semaphore_mem>>)
    %scan3A_134 = arith.constant 0 : i32
    %scan3A_135 = arith.constant 10 : i32
    %scan3A_136 = arith.addi %scan3A_134, %scan3A_135 : i32
    %scan3A_137 = arith.constant 1 : i32
    scf.for %scan3A_186 = %scan3A_134 to %scan3A_136 step %scan3A_137  : i32 {
      %mul3A_187 = arith.constant 4 : i32
      %mul3A_188 = arith.muli %scan3A_186, %mul3A_187 : i32
      %add3A_189 = arith.constant 0 : i32
      %add3A_190 = arith.addi %add3A_189, %mul3A_188 : i32
      %add3A_191 = arith.constant 0 : i32
      %add3A_192 = arith.addi %add3A_190, %add3A_191 : i32
      %dma_wait3A_193 = arith.constant 0 : i32
      %dma_wait3A_194 = tpu.memref_slice %arg7[%add3A_192, %dma_wait3A_193] : memref<40x64xi32, #tpu.memory_space<vmem>> -> memref<1x64xi32, #tpu.memory_space<vmem>>
      %dma_wait3A_195 = tpu.memref_squeeze %dma_wait3A_194 : memref<1x64xi32, #tpu.memory_space<vmem>> -> memref<64xi32, #tpu.memory_space<vmem>>
      %dma_wait3A_196 = arith.constant 0 : i32
      %dma_wait3A_197 = arith.constant 0 : i32
      %dma_wait3A_198 = tpu.memref_slice %arg2[%dma_wait3A_196, %dma_wait3A_197] : memref<10000x128xf32, #tpu.memory_space<hbm>> -> memref<10000x128xf32, #tpu.memory_space<hbm>>
      tpu.wait_indirect_dma semaphore(%arg15 : memref<!tpu.dma_semaphore, #tpu.memory_space<semaphore_mem>>) src(%dma_wait3A_198 : memref<10000x128xf32, #tpu.memory_space<hbm>>) dst(%arg9 : memref<64x128xf32, #tpu.memory_space<vmem>>)
      %add3A_199 = arith.constant 0 : i32
      %add3A_200 = arith.addi %add3A_190, %add3A_199 : i32
      %dma_start3A_201 = arith.constant 0 : i32
      %dma_start3A_202 = tpu.memref_slice %arg8[%add3A_200, %dma_start3A_201] : memref<40x64xi32, #tpu.memory_space<vmem>> -> memref<1x64xi32, #tpu.memory_space<vmem>>
      %dma_start3A_203 = tpu.memref_squeeze %dma_start3A_202 : memref<1x64xi32, #tpu.memory_space<vmem>> -> memref<64xi32, #tpu.memory_space<vmem>>
      %dma_start3A_204 = arith.constant 0 : i32
      %dma_start3A_205 = arith.constant 0 : i32
      %dma_start3A_206 = tpu.memref_slice %arg13[%dma_start3A_204, %dma_start3A_205] : memref<10240x128xf32, #tpu.memory_space<vmem_shared>> -> memref<10240x128xf32, #tpu.memory_space<vmem_shared>>
      tpu.enqueue_indirect_dma source(%arg9 : memref<64x128xf32, #tpu.memory_space<vmem>>) target(%dma_start3A_206 : memref<10240x128xf32, #tpu.memory_space<vmem_shared>>) offsets(%dma_start3A_203 : memref<64xi32, #tpu.memory_space<vmem>>) semaphore(%arg19 : memref<!tpu.dma_semaphore, #tpu.memory_space<semaphore_mem>>) {add = true}
      %add3A_207 = arith.constant 1 : i32
      %add3A_208 = arith.addi %add3A_190, %add3A_207 : i32
      %dma_wait3A_209 = arith.constant 0 : i32
      %dma_wait3A_210 = tpu.memref_slice %arg7[%add3A_208, %dma_wait3A_209] : memref<40x64xi32, #tpu.memory_space<vmem>> -> memref<1x64xi32, #tpu.memory_space<vmem>>
      %dma_wait3A_211 = tpu.memref_squeeze %dma_wait3A_210 : memref<1x64xi32, #tpu.memory_space<vmem>> -> memref<64xi32, #tpu.memory_space<vmem>>
      %dma_wait3A_212 = arith.constant 0 : i32
      %dma_wait3A_213 = arith.constant 0 : i32
      %dma_wait3A_214 = tpu.memref_slice %arg2[%dma_wait3A_212, %dma_wait3A_213] : memref<10000x128xf32, #tpu.memory_space<hbm>> -> memref<10000x128xf32, #tpu.memory_space<hbm>>
      tpu.wait_indirect_dma semaphore(%arg16 : memref<!tpu.dma_semaphore, #tpu.memory_space<semaphore_mem>>) src(%dma_wait3A_214 : memref<10000x128xf32, #tpu.memory_space<hbm>>) dst(%arg10 : memref<64x128xf32, #tpu.memory_space<vmem>>)
      %add3A_215 = arith.constant 1 : i32
      %add3A_216 = arith.addi %add3A_190, %add3A_215 : i32
      %dma_start3A_217 = arith.constant 0 : i32
      %dma_start3A_218 = tpu.memref_slice %arg8[%add3A_216, %dma_start3A_217] : memref<40x64xi32, #tpu.memory_space<vmem>> -> memref<1x64xi32, #tpu.memory_space<vmem>>
      %dma_start3A_219 = tpu.memref_squeeze %dma_start3A_218 : memref<1x64xi32, #tpu.memory_space<vmem>> -> memref<64xi32, #tpu.memory_space<vmem>>
      %dma_start3A_220 = arith.constant 0 : i32
      %dma_start3A_221 = arith.constant 0 : i32
      %dma_start3A_222 = tpu.memref_slice %arg13[%dma_start3A_220, %dma_start3A_221] : memref<10240x128xf32, #tpu.memory_space<vmem_shared>> -> memref<10240x128xf32, #tpu.memory_space<vmem_shared>>
      tpu.enqueue_indirect_dma source(%arg10 : memref<64x128xf32, #tpu.memory_space<vmem>>) target(%dma_start3A_222 : memref<10240x128xf32, #tpu.memory_space<vmem_shared>>) offsets(%dma_start3A_219 : memref<64xi32, #tpu.memory_space<vmem>>) semaphore(%arg20 : memref<!tpu.dma_semaphore, #tpu.memory_space<semaphore_mem>>) {add = true}
      %add3A_223 = arith.constant 2 : i32
      %add3A_224 = arith.addi %add3A_190, %add3A_223 : i32
      %dma_wait3A_225 = arith.constant 0 : i32
      %dma_wait3A_226 = tpu.memref_slice %arg7[%add3A_224, %dma_wait3A_225] : memref<40x64xi32, #tpu.memory_space<vmem>> -> memref<1x64xi32, #tpu.memory_space<vmem>>
      %dma_wait3A_227 = tpu.memref_squeeze %dma_wait3A_226 : memref<1x64xi32, #tpu.memory_space<vmem>> -> memref<64xi32, #tpu.memory_space<vmem>>
      %dma_wait3A_228 = arith.constant 0 : i32
      %dma_wait3A_229 = arith.constant 0 : i32
      %dma_wait3A_230 = tpu.memref_slice %arg2[%dma_wait3A_228, %dma_wait3A_229] : memref<10000x128xf32, #tpu.memory_space<hbm>> -> memref<10000x128xf32, #tpu.memory_space<hbm>>
      tpu.wait_indirect_dma semaphore(%arg17 : memref<!tpu.dma_semaphore, #tpu.memory_space<semaphore_mem>>) src(%dma_wait3A_230 : memref<10000x128xf32, #tpu.memory_space<hbm>>) dst(%arg11 : memref<64x128xf32, #tpu.memory_space<vmem>>)
      %add3A_231 = arith.constant 2 : i32
      %add3A_232 = arith.addi %add3A_190, %add3A_231 : i32
      %dma_start3A_233 = arith.constant 0 : i32
      %dma_start3A_234 = tpu.memref_slice %arg8[%add3A_232, %dma_start3A_233] : memref<40x64xi32, #tpu.memory_space<vmem>> -> memref<1x64xi32, #tpu.memory_space<vmem>>
      %dma_start3A_235 = tpu.memref_squeeze %dma_start3A_234 : memref<1x64xi32, #tpu.memory_space<vmem>> -> memref<64xi32, #tpu.memory_space<vmem>>
      %dma_start3A_236 = arith.constant 0 : i32
      %dma_start3A_237 = arith.constant 0 : i32
      %dma_start3A_238 = tpu.memref_slice %arg13[%dma_start3A_236, %dma_start3A_237] : memref<10240x128xf32, #tpu.memory_space<vmem_shared>> -> memref<10240x128xf32, #tpu.memory_space<vmem_shared>>
      tpu.enqueue_indirect_dma source(%arg11 : memref<64x128xf32, #tpu.memory_space<vmem>>) target(%dma_start3A_238 : memref<10240x128xf32, #tpu.memory_space<vmem_shared>>) offsets(%dma_start3A_235 : memref<64xi32, #tpu.memory_space<vmem>>) semaphore(%arg21 : memref<!tpu.dma_semaphore, #tpu.memory_space<semaphore_mem>>) {add = true}
      %add3A_239 = arith.constant 3 : i32
      %add3A_240 = arith.addi %add3A_190, %add3A_239 : i32
      %dma_wait3A_241 = arith.constant 0 : i32
      %dma_wait3A_242 = tpu.memref_slice %arg7[%add3A_240, %dma_wait3A_241] : memref<40x64xi32, #tpu.memory_space<vmem>> -> memref<1x64xi32, #tpu.memory_space<vmem>>
      %dma_wait3A_243 = tpu.memref_squeeze %dma_wait3A_242 : memref<1x64xi32, #tpu.memory_space<vmem>> -> memref<64xi32, #tpu.memory_space<vmem>>
      %dma_wait3A_244 = arith.constant 0 : i32
      %dma_wait3A_245 = arith.constant 0 : i32
      %dma_wait3A_246 = tpu.memref_slice %arg2[%dma_wait3A_244, %dma_wait3A_245] : memref<10000x128xf32, #tpu.memory_space<hbm>> -> memref<10000x128xf32, #tpu.memory_space<hbm>>
      tpu.wait_indirect_dma semaphore(%arg18 : memref<!tpu.dma_semaphore, #tpu.memory_space<semaphore_mem>>) src(%dma_wait3A_246 : memref<10000x128xf32, #tpu.memory_space<hbm>>) dst(%arg12 : memref<64x128xf32, #tpu.memory_space<vmem>>)
      %add3A_247 = arith.constant 3 : i32
      %add3A_248 = arith.addi %add3A_190, %add3A_247 : i32
      %dma_start3A_249 = arith.constant 0 : i32
      %dma_start3A_250 = tpu.memref_slice %arg8[%add3A_248, %dma_start3A_249] : memref<40x64xi32, #tpu.memory_space<vmem>> -> memref<1x64xi32, #tpu.memory_space<vmem>>
      %dma_start3A_251 = tpu.memref_squeeze %dma_start3A_250 : memref<1x64xi32, #tpu.memory_space<vmem>> -> memref<64xi32, #tpu.memory_space<vmem>>
      %dma_start3A_252 = arith.constant 0 : i32
      %dma_start3A_253 = arith.constant 0 : i32
      %dma_start3A_254 = tpu.memref_slice %arg13[%dma_start3A_252, %dma_start3A_253] : memref<10240x128xf32, #tpu.memory_space<vmem_shared>> -> memref<10240x128xf32, #tpu.memory_space<vmem_shared>>
      tpu.enqueue_indirect_dma source(%arg12 : memref<64x128xf32, #tpu.memory_space<vmem>>) target(%dma_start3A_254 : memref<10240x128xf32, #tpu.memory_space<vmem_shared>>) offsets(%dma_start3A_251 : memref<64xi32, #tpu.memory_space<vmem>>) semaphore(%arg22 : memref<!tpu.dma_semaphore, #tpu.memory_space<semaphore_mem>>) {add = true}
      %add3A_255 = arith.constant 0 : i32
      %add3A_256 = arith.addi %add3A_190, %add3A_255 : i32
      %dma_wait3A_257 = arith.constant 0 : i32
      %dma_wait3A_258 = tpu.memref_slice %arg8[%add3A_256, %dma_wait3A_257] : memref<40x64xi32, #tpu.memory_space<vmem>> -> memref<1x64xi32, #tpu.memory_space<vmem>>
      %dma_wait3A_259 = tpu.memref_squeeze %dma_wait3A_258 : memref<1x64xi32, #tpu.memory_space<vmem>> -> memref<64xi32, #tpu.memory_space<vmem>>
      %dma_wait3A_260 = arith.constant 0 : i32
      %dma_wait3A_261 = arith.constant 0 : i32
      %dma_wait3A_262 = tpu.memref_slice %arg13[%dma_wait3A_260, %dma_wait3A_261] : memref<10240x128xf32, #tpu.memory_space<vmem_shared>> -> memref<10240x128xf32, #tpu.memory_space<vmem_shared>>
      tpu.wait_indirect_dma semaphore(%arg19 : memref<!tpu.dma_semaphore, #tpu.memory_space<semaphore_mem>>) src(%arg9 : memref<64x128xf32, #tpu.memory_space<vmem>>) dst(%dma_wait3A_262 : memref<10240x128xf32, #tpu.memory_space<vmem_shared>>)
      %add3A_263 = arith.constant 4 : i32
      %add3A_264 = arith.addi %add3A_190, %add3A_263 : i32
      %add3A_265 = arith.constant 0 : i32
      %add3A_266 = arith.addi %add3A_264, %add3A_265 : i32
      %lt3A = arith.constant 40 : i32
      %lt3A_267 = arith.cmpi slt, %add3A_266, %lt3A : i32
      %convert_element_type3A = arith.extui %lt3A_267 : i1 to i32
      %cond3A = arith.constant 0 : i32
      %cond3A_268 = arith.cmpi ne, %convert_element_type3A, %cond3A : i32
      scf.if %cond3A_268 {
        %add3A_320 = arith.constant 4 : i32
        %add3A_321 = arith.addi %add3A_190, %add3A_320 : i32
        %add3A_322 = arith.constant 0 : i32
        %add3A_323 = arith.addi %add3A_321, %add3A_322 : i32
        %dma_start3A_324 = arith.constant 0 : i32
        %dma_start3A_325 = tpu.memref_slice %arg7[%add3A_323, %dma_start3A_324] : memref<40x64xi32, #tpu.memory_space<vmem>> -> memref<1x64xi32, #tpu.memory_space<vmem>>
        %dma_start3A_326 = tpu.memref_squeeze %dma_start3A_325 : memref<1x64xi32, #tpu.memory_space<vmem>> -> memref<64xi32, #tpu.memory_space<vmem>>
        %dma_start3A_327 = arith.constant 0 : i32
        %dma_start3A_328 = arith.constant 0 : i32
        %dma_start3A_329 = tpu.memref_slice %arg2[%dma_start3A_327, %dma_start3A_328] : memref<10000x128xf32, #tpu.memory_space<hbm>> -> memref<10000x128xf32, #tpu.memory_space<hbm>>
        tpu.enqueue_indirect_dma source(%dma_start3A_329 : memref<10000x128xf32, #tpu.memory_space<hbm>>) target(%arg9 : memref<64x128xf32, #tpu.memory_space<vmem>>) offsets(%dma_start3A_326 : memref<64xi32, #tpu.memory_space<vmem>>) semaphore(%arg15 : memref<!tpu.dma_semaphore, #tpu.memory_space<semaphore_mem>>)
      } else {
      }
      %add3A_269 = arith.constant 1 : i32
      %add3A_270 = arith.addi %add3A_190, %add3A_269 : i32
      %dma_wait3A_271 = arith.constant 0 : i32
      %dma_wait3A_272 = tpu.memref_slice %arg8[%add3A_270, %dma_wait3A_271] : memref<40x64xi32, #tpu.memory_space<vmem>> -> memref<1x64xi32, #tpu.memory_space<vmem>>
      %dma_wait3A_273 = tpu.memref_squeeze %dma_wait3A_272 : memref<1x64xi32, #tpu.memory_space<vmem>> -> memref<64xi32, #tpu.memory_space<vmem>>
      %dma_wait3A_274 = arith.constant 0 : i32
      %dma_wait3A_275 = arith.constant 0 : i32
      %dma_wait3A_276 = tpu.memref_slice %arg13[%dma_wait3A_274, %dma_wait3A_275] : memref<10240x128xf32, #tpu.memory_space<vmem_shared>> -> memref<10240x128xf32, #tpu.memory_space<vmem_shared>>
      tpu.wait_indirect_dma semaphore(%arg20 : memref<!tpu.dma_semaphore, #tpu.memory_space<semaphore_mem>>) src(%arg10 : memref<64x128xf32, #tpu.memory_space<vmem>>) dst(%dma_wait3A_276 : memref<10240x128xf32, #tpu.memory_space<vmem_shared>>)
      %add3A_277 = arith.constant 4 : i32
      %add3A_278 = arith.addi %add3A_190, %add3A_277 : i32
      %add3A_279 = arith.constant 1 : i32
      %add3A_280 = arith.addi %add3A_278, %add3A_279 : i32
      %lt3A_281 = arith.constant 40 : i32
      %lt3A_282 = arith.cmpi slt, %add3A_280, %lt3A_281 : i32
      %convert_element_type3A_283 = arith.extui %lt3A_282 : i1 to i32
      %cond3A_284 = arith.constant 0 : i32
      %cond3A_285 = arith.cmpi ne, %convert_element_type3A_283, %cond3A_284 : i32
      scf.if %cond3A_285 {
        %add3A_320 = arith.constant 4 : i32
        %add3A_321 = arith.addi %add3A_190, %add3A_320 : i32
        %add3A_322 = arith.constant 1 : i32
        %add3A_323 = arith.addi %add3A_321, %add3A_322 : i32
        %dma_start3A_324 = arith.constant 0 : i32
        %dma_start3A_325 = tpu.memref_slice %arg7[%add3A_323, %dma_start3A_324] : memref<40x64xi32, #tpu.memory_space<vmem>> -> memref<1x64xi32, #tpu.memory_space<vmem>>
        %dma_start3A_326 = tpu.memref_squeeze %dma_start3A_325 : memref<1x64xi32, #tpu.memory_space<vmem>> -> memref<64xi32, #tpu.memory_space<vmem>>
        %dma_start3A_327 = arith.constant 0 : i32
        %dma_start3A_328 = arith.constant 0 : i32
        %dma_start3A_329 = tpu.memref_slice %arg2[%dma_start3A_327, %dma_start3A_328] : memref<10000x128xf32, #tpu.memory_space<hbm>> -> memref<10000x128xf32, #tpu.memory_space<hbm>>
        tpu.enqueue_indirect_dma source(%dma_start3A_329 : memref<10000x128xf32, #tpu.memory_space<hbm>>) target(%arg10 : memref<64x128xf32, #tpu.memory_space<vmem>>) offsets(%dma_start3A_326 : memref<64xi32, #tpu.memory_space<vmem>>) semaphore(%arg16 : memref<!tpu.dma_semaphore, #tpu.memory_space<semaphore_mem>>)
      } else {
      }
      %add3A_286 = arith.constant 2 : i32
      %add3A_287 = arith.addi %add3A_190, %add3A_286 : i32
      %dma_wait3A_288 = arith.constant 0 : i32
      %dma_wait3A_289 = tpu.memref_slice %arg8[%add3A_287, %dma_wait3A_288] : memref<40x64xi32, #tpu.memory_space<vmem>> -> memref<1x64xi32, #tpu.memory_space<vmem>>
      %dma_wait3A_290 = tpu.memref_squeeze %dma_wait3A_289 : memref<1x64xi32, #tpu.memory_space<vmem>> -> memref<64xi32, #tpu.memory_space<vmem>>
      %dma_wait3A_291 = arith.constant 0 : i32
      %dma_wait3A_292 = arith.constant 0 : i32
      %dma_wait3A_293 = tpu.memref_slice %arg13[%dma_wait3A_291, %dma_wait3A_292] : memref<10240x128xf32, #tpu.memory_space<vmem_shared>> -> memref<10240x128xf32, #tpu.memory_space<vmem_shared>>
      tpu.wait_indirect_dma semaphore(%arg21 : memref<!tpu.dma_semaphore, #tpu.memory_space<semaphore_mem>>) src(%arg11 : memref<64x128xf32, #tpu.memory_space<vmem>>) dst(%dma_wait3A_293 : memref<10240x128xf32, #tpu.memory_space<vmem_shared>>)
      %add3A_294 = arith.constant 4 : i32
      %add3A_295 = arith.addi %add3A_190, %add3A_294 : i32
      %add3A_296 = arith.constant 2 : i32
      %add3A_297 = arith.addi %add3A_295, %add3A_296 : i32
      %lt3A_298 = arith.constant 40 : i32
      %lt3A_299 = arith.cmpi slt, %add3A_297, %lt3A_298 : i32
      %convert_element_type3A_300 = arith.extui %lt3A_299 : i1 to i32
      %cond3A_301 = arith.constant 0 : i32
      %cond3A_302 = arith.cmpi ne, %convert_element_type3A_300, %cond3A_301 : i32
      scf.if %cond3A_302 {
        %add3A_320 = arith.constant 4 : i32
        %add3A_321 = arith.addi %add3A_190, %add3A_320 : i32
        %add3A_322 = arith.constant 2 : i32
        %add3A_323 = arith.addi %add3A_321, %add3A_322 : i32
        %dma_start3A_324 = arith.constant 0 : i32
        %dma_start3A_325 = tpu.memref_slice %arg7[%add3A_323, %dma_start3A_324] : memref<40x64xi32, #tpu.memory_space<vmem>> -> memref<1x64xi32, #tpu.memory_space<vmem>>
        %dma_start3A_326 = tpu.memref_squeeze %dma_start3A_325 : memref<1x64xi32, #tpu.memory_space<vmem>> -> memref<64xi32, #tpu.memory_space<vmem>>
        %dma_start3A_327 = arith.constant 0 : i32
        %dma_start3A_328 = arith.constant 0 : i32
        %dma_start3A_329 = tpu.memref_slice %arg2[%dma_start3A_327, %dma_start3A_328] : memref<10000x128xf32, #tpu.memory_space<hbm>> -> memref<10000x128xf32, #tpu.memory_space<hbm>>
        tpu.enqueue_indirect_dma source(%dma_start3A_329 : memref<10000x128xf32, #tpu.memory_space<hbm>>) target(%arg11 : memref<64x128xf32, #tpu.memory_space<vmem>>) offsets(%dma_start3A_326 : memref<64xi32, #tpu.memory_space<vmem>>) semaphore(%arg17 : memref<!tpu.dma_semaphore, #tpu.memory_space<semaphore_mem>>)
      } else {
      }
      %add3A_303 = arith.constant 3 : i32
      %add3A_304 = arith.addi %add3A_190, %add3A_303 : i32
      %dma_wait3A_305 = arith.constant 0 : i32
      %dma_wait3A_306 = tpu.memref_slice %arg8[%add3A_304, %dma_wait3A_305] : memref<40x64xi32, #tpu.memory_space<vmem>> -> memref<1x64xi32, #tpu.memory_space<vmem>>
      %dma_wait3A_307 = tpu.memref_squeeze %dma_wait3A_306 : memref<1x64xi32, #tpu.memory_space<vmem>> -> memref<64xi32, #tpu.memory_space<vmem>>
      %dma_wait3A_308 = arith.constant 0 : i32
      %dma_wait3A_309 = arith.constant 0 : i32
      %dma_wait3A_310 = tpu.memref_slice %arg13[%dma_wait3A_308, %dma_wait3A_309] : memref<10240x128xf32, #tpu.memory_space<vmem_shared>> -> memref<10240x128xf32, #tpu.memory_space<vmem_shared>>
      tpu.wait_indirect_dma semaphore(%arg22 : memref<!tpu.dma_semaphore, #tpu.memory_space<semaphore_mem>>) src(%arg12 : memref<64x128xf32, #tpu.memory_space<vmem>>) dst(%dma_wait3A_310 : memref<10240x128xf32, #tpu.memory_space<vmem_shared>>)
      %add3A_311 = arith.constant 4 : i32
      %add3A_312 = arith.addi %add3A_190, %add3A_311 : i32
      %add3A_313 = arith.constant 3 : i32
      %add3A_314 = arith.addi %add3A_312, %add3A_313 : i32
      %lt3A_315 = arith.constant 40 : i32
      %lt3A_316 = arith.cmpi slt, %add3A_314, %lt3A_315 : i32
      %convert_element_type3A_317 = arith.extui %lt3A_316 : i1 to i32
      %cond3A_318 = arith.constant 0 : i32
      %cond3A_319 = arith.cmpi ne, %convert_element_type3A_317, %cond3A_318 : i32
      scf.if %cond3A_319 {
        %add3A_320 = arith.constant 4 : i32
        %add3A_321 = arith.addi %add3A_190, %add3A_320 : i32
        %add3A_322 = arith.constant 3 : i32
        %add3A_323 = arith.addi %add3A_321, %add3A_322 : i32
        %dma_start3A_324 = arith.constant 0 : i32
        %dma_start3A_325 = tpu.memref_slice %arg7[%add3A_323, %dma_start3A_324] : memref<40x64xi32, #tpu.memory_space<vmem>> -> memref<1x64xi32, #tpu.memory_space<vmem>>
        %dma_start3A_326 = tpu.memref_squeeze %dma_start3A_325 : memref<1x64xi32, #tpu.memory_space<vmem>> -> memref<64xi32, #tpu.memory_space<vmem>>
        %dma_start3A_327 = arith.constant 0 : i32
        %dma_start3A_328 = arith.constant 0 : i32
        %dma_start3A_329 = tpu.memref_slice %arg2[%dma_start3A_327, %dma_start3A_328] : memref<10000x128xf32, #tpu.memory_space<hbm>> -> memref<10000x128xf32, #tpu.memory_space<hbm>>
        tpu.enqueue_indirect_dma source(%dma_start3A_329 : memref<10000x128xf32, #tpu.memory_space<hbm>>) target(%arg12 : memref<64x128xf32, #tpu.memory_space<vmem>>) offsets(%dma_start3A_326 : memref<64xi32, #tpu.memory_space<vmem>>) semaphore(%arg18 : memref<!tpu.dma_semaphore, #tpu.memory_space<semaphore_mem>>)
      } else {
      }
    }
    %scan3A_138 = arith.constant 10 : i32
    %mul3A_139 = arith.constant 40 : i32
    %mul3A_140 = arith.muli %add3A, %mul3A_139 : i32
    %mul3A_141 = arith.constant 4 : i32
    %mul3A_142 = arith.muli %mul3A_140, %mul3A_141 : i32
    %add3A_143 = arith.constant 120 : i32
    %add3A_144 = arith.addi %mul3A_142, %add3A_143 : i32
    "tpu.region"() ({
      %run_scoped3A = tpu.sem_alloc : memref<!tpu.dma_semaphore, #tpu.memory_space<semaphore_mem>>
      %dma_start3A_186 = arith.constant 0 : i32
      %dma_start3A_187 = tpu.memref_slice %arg4[%add3A_144, %dma_start3A_186] : memref<5120x64xi32, #tpu.memory_space<hbm>> -> memref<40x64xi32, #tpu.memory_space<hbm>>
      %dma_start3A_188 = arith.constant 0 : i32
      %dma_start3A_189 = tpu.memref_slice %arg4[%add3A_144, %dma_start3A_188] : memref<5120x64xi32, #tpu.memory_space<hbm>> -> memref<40x64xi32, #tpu.memory_space<hbm>>
      tpu.enqueue_dma source(%dma_start3A_189 : memref<40x64xi32, #tpu.memory_space<hbm>>) target(%arg7 : memref<40x64xi32, #tpu.memory_space<vmem>>) target_semaphore(%run_scoped3A : memref<!tpu.dma_semaphore, #tpu.memory_space<semaphore_mem>>)
      %dma_wait3A_190 = arith.constant 0 : i32
      %dma_wait3A_191 = tpu.memref_slice %arg4[%add3A_144, %dma_wait3A_190] : memref<5120x64xi32, #tpu.memory_space<hbm>> -> memref<40x64xi32, #tpu.memory_space<hbm>>
      %dma_wait3A_192 = arith.constant 0 : i32
      %dma_wait3A_193 = tpu.memref_slice %arg4[%add3A_144, %dma_wait3A_192] : memref<5120x64xi32, #tpu.memory_space<hbm>> -> memref<40x64xi32, #tpu.memory_space<hbm>>
      tpu.wait_dma2 semaphore(%run_scoped3A : memref<!tpu.dma_semaphore, #tpu.memory_space<semaphore_mem>>) src(%dma_wait3A_193 : memref<40x64xi32, #tpu.memory_space<hbm>>) dst(%arg7 : memref<40x64xi32, #tpu.memory_space<vmem>>)
      tpu.yield
    }) : () -> ()
    "tpu.region"() ({
      %run_scoped3A = tpu.sem_alloc : memref<!tpu.dma_semaphore, #tpu.memory_space<semaphore_mem>>
      %dma_start3A_186 = arith.constant 0 : i32
      %dma_start3A_187 = tpu.memref_slice %arg5[%add3A_144, %dma_start3A_186] : memref<5120x64xi32, #tpu.memory_space<hbm>> -> memref<40x64xi32, #tpu.memory_space<hbm>>
      %dma_start3A_188 = arith.constant 0 : i32
      %dma_start3A_189 = tpu.memref_slice %arg5[%add3A_144, %dma_start3A_188] : memref<5120x64xi32, #tpu.memory_space<hbm>> -> memref<40x64xi32, #tpu.memory_space<hbm>>
      tpu.enqueue_dma source(%dma_start3A_189 : memref<40x64xi32, #tpu.memory_space<hbm>>) target(%arg8 : memref<40x64xi32, #tpu.memory_space<vmem>>) target_semaphore(%run_scoped3A : memref<!tpu.dma_semaphore, #tpu.memory_space<semaphore_mem>>)
      %dma_wait3A_190 = arith.constant 0 : i32
      %dma_wait3A_191 = tpu.memref_slice %arg5[%add3A_144, %dma_wait3A_190] : memref<5120x64xi32, #tpu.memory_space<hbm>> -> memref<40x64xi32, #tpu.memory_space<hbm>>
      %dma_wait3A_192 = arith.constant 0 : i32
      %dma_wait3A_193 = tpu.memref_slice %arg5[%add3A_144, %dma_wait3A_192] : memref<5120x64xi32, #tpu.memory_space<hbm>> -> memref<40x64xi32, #tpu.memory_space<hbm>>
      tpu.wait_dma2 semaphore(%run_scoped3A : memref<!tpu.dma_semaphore, #tpu.memory_space<semaphore_mem>>) src(%dma_wait3A_193 : memref<40x64xi32, #tpu.memory_space<hbm>>) dst(%arg8 : memref<40x64xi32, #tpu.memory_space<vmem>>)
      tpu.yield
    }) : () -> ()
    %dma_start3A_145 = arith.constant 0 : i32
    %dma_start3A_146 = arith.constant 0 : i32
    %dma_start3A_147 = tpu.memref_slice %arg7[%dma_start3A_145, %dma_start3A_146] : memref<40x64xi32, #tpu.memory_space<vmem>> -> memref<1x64xi32, #tpu.memory_space<vmem>>
    %dma_start3A_148 = tpu.memref_squeeze %dma_start3A_147 : memref<1x64xi32, #tpu.memory_space<vmem>> -> memref<64xi32, #tpu.memory_space<vmem>>
    %dma_start3A_149 = arith.constant 0 : i32
    %dma_start3A_150 = arith.constant 0 : i32
    %dma_start3A_151 = tpu.memref_slice %arg2[%dma_start3A_149, %dma_start3A_150] : memref<10000x128xf32, #tpu.memory_space<hbm>> -> memref<10000x128xf32, #tpu.memory_space<hbm>>
    tpu.enqueue_indirect_dma source(%dma_start3A_151 : memref<10000x128xf32, #tpu.memory_space<hbm>>) target(%arg9 : memref<64x128xf32, #tpu.memory_space<vmem>>) offsets(%dma_start3A_148 : memref<64xi32, #tpu.memory_space<vmem>>) semaphore(%arg15 : memref<!tpu.dma_semaphore, #tpu.memory_space<semaphore_mem>>)
    %dma_start3A_152 = arith.constant 1 : i32
    %dma_start3A_153 = arith.constant 0 : i32
    %dma_start3A_154 = tpu.memref_slice %arg7[%dma_start3A_152, %dma_start3A_153] : memref<40x64xi32, #tpu.memory_space<vmem>> -> memref<1x64xi32, #tpu.memory_space<vmem>>
    %dma_start3A_155 = tpu.memref_squeeze %dma_start3A_154 : memref<1x64xi32, #tpu.memory_space<vmem>> -> memref<64xi32, #tpu.memory_space<vmem>>
    %dma_start3A_156 = arith.constant 0 : i32
    %dma_start3A_157 = arith.constant 0 : i32
    %dma_start3A_158 = tpu.memref_slice %arg2[%dma_start3A_156, %dma_start3A_157] : memref<10000x128xf32, #tpu.memory_space<hbm>> -> memref<10000x128xf32, #tpu.memory_space<hbm>>
    tpu.enqueue_indirect_dma source(%dma_start3A_158 : memref<10000x128xf32, #tpu.memory_space<hbm>>) target(%arg10 : memref<64x128xf32, #tpu.memory_space<vmem>>) offsets(%dma_start3A_155 : memref<64xi32, #tpu.memory_space<vmem>>) semaphore(%arg16 : memref<!tpu.dma_semaphore, #tpu.memory_space<semaphore_mem>>)
    %dma_start3A_159 = arith.constant 2 : i32
    %dma_start3A_160 = arith.constant 0 : i32
    %dma_start3A_161 = tpu.memref_slice %arg7[%dma_start3A_159, %dma_start3A_160] : memref<40x64xi32, #tpu.memory_space<vmem>> -> memref<1x64xi32, #tpu.memory_space<vmem>>
    %dma_start3A_162 = tpu.memref_squeeze %dma_start3A_161 : memref<1x64xi32, #tpu.memory_space<vmem>> -> memref<64xi32, #tpu.memory_space<vmem>>
    %dma_start3A_163 = arith.constant 0 : i32
    %dma_start3A_164 = arith.constant 0 : i32
    %dma_start3A_165 = tpu.memref_slice %arg2[%dma_start3A_163, %dma_start3A_164] : memref<10000x128xf32, #tpu.memory_space<hbm>> -> memref<10000x128xf32, #tpu.memory_space<hbm>>
    tpu.enqueue_indirect_dma source(%dma_start3A_165 : memref<10000x128xf32, #tpu.memory_space<hbm>>) target(%arg11 : memref<64x128xf32, #tpu.memory_space<vmem>>) offsets(%dma_start3A_162 : memref<64xi32, #tpu.memory_space<vmem>>) semaphore(%arg17 : memref<!tpu.dma_semaphore, #tpu.memory_space<semaphore_mem>>)
    %dma_start3A_166 = arith.constant 3 : i32
    %dma_start3A_167 = arith.constant 0 : i32
    %dma_start3A_168 = tpu.memref_slice %arg7[%dma_start3A_166, %dma_start3A_167] : memref<40x64xi32, #tpu.memory_space<vmem>> -> memref<1x64xi32, #tpu.memory_space<vmem>>
    %dma_start3A_169 = tpu.memref_squeeze %dma_start3A_168 : memref<1x64xi32, #tpu.memory_space<vmem>> -> memref<64xi32, #tpu.memory_space<vmem>>
    %dma_start3A_170 = arith.constant 0 : i32
    %dma_start3A_171 = arith.constant 0 : i32
    %dma_start3A_172 = tpu.memref_slice %arg2[%dma_start3A_170, %dma_start3A_171] : memref<10000x128xf32, #tpu.memory_space<hbm>> -> memref<10000x128xf32, #tpu.memory_space<hbm>>
    tpu.enqueue_indirect_dma source(%dma_start3A_172 : memref<10000x128xf32, #tpu.memory_space<hbm>>) target(%arg12 : memref<64x128xf32, #tpu.memory_space<vmem>>) offsets(%dma_start3A_169 : memref<64xi32, #tpu.memory_space<vmem>>) semaphore(%arg18 : memref<!tpu.dma_semaphore, #tpu.memory_space<semaphore_mem>>)
    %scan3A_173 = arith.constant 0 : i32
    %scan3A_174 = arith.constant 10 : i32
    %scan3A_175 = arith.addi %scan3A_173, %scan3A_174 : i32
    %scan3A_176 = arith.constant 1 : i32
    scf.for %scan3A_186 = %scan3A_173 to %scan3A_175 step %scan3A_176  : i32 {
      %mul3A_187 = arith.constant 4 : i32
      %mul3A_188 = arith.muli %scan3A_186, %mul3A_187 : i32
      %add3A_189 = arith.constant 0 : i32
      %add3A_190 = arith.addi %add3A_189, %mul3A_188 : i32
      %add3A_191 = arith.constant 0 : i32
      %add3A_192 = arith.addi %add3A_190, %add3A_191 : i32
      %dma_wait3A_193 = arith.constant 0 : i32
      %dma_wait3A_194 = tpu.memref_slice %arg7[%add3A_192, %dma_wait3A_193] : memref<40x64xi32, #tpu.memory_space<vmem>> -> memref<1x64xi32, #tpu.memory_space<vmem>>
      %dma_wait3A_195 = tpu.memref_squeeze %dma_wait3A_194 : memref<1x64xi32, #tpu.memory_space<vmem>> -> memref<64xi32, #tpu.memory_space<vmem>>
      %dma_wait3A_196 = arith.constant 0 : i32
      %dma_wait3A_197 = arith.constant 0 : i32
      %dma_wait3A_198 = tpu.memref_slice %arg2[%dma_wait3A_196, %dma_wait3A_197] : memref<10000x128xf32, #tpu.memory_space<hbm>> -> memref<10000x128xf32, #tpu.memory_space<hbm>>
      tpu.wait_indirect_dma semaphore(%arg15 : memref<!tpu.dma_semaphore, #tpu.memory_space<semaphore_mem>>) src(%dma_wait3A_198 : memref<10000x128xf32, #tpu.memory_space<hbm>>) dst(%arg9 : memref<64x128xf32, #tpu.memory_space<vmem>>)
      %add3A_199 = arith.constant 0 : i32
      %add3A_200 = arith.addi %add3A_190, %add3A_199 : i32
      %dma_start3A_201 = arith.constant 0 : i32
      %dma_start3A_202 = tpu.memref_slice %arg8[%add3A_200, %dma_start3A_201] : memref<40x64xi32, #tpu.memory_space<vmem>> -> memref<1x64xi32, #tpu.memory_space<vmem>>
      %dma_start3A_203 = tpu.memref_squeeze %dma_start3A_202 : memref<1x64xi32, #tpu.memory_space<vmem>> -> memref<64xi32, #tpu.memory_space<vmem>>
      %dma_start3A_204 = arith.constant 0 : i32
      %dma_start3A_205 = arith.constant 0 : i32
      %dma_start3A_206 = tpu.memref_slice %arg13[%dma_start3A_204, %dma_start3A_205] : memref<10240x128xf32, #tpu.memory_space<vmem_shared>> -> memref<10240x128xf32, #tpu.memory_space<vmem_shared>>
      tpu.enqueue_indirect_dma source(%arg9 : memref<64x128xf32, #tpu.memory_space<vmem>>) target(%dma_start3A_206 : memref<10240x128xf32, #tpu.memory_space<vmem_shared>>) offsets(%dma_start3A_203 : memref<64xi32, #tpu.memory_space<vmem>>) semaphore(%arg19 : memref<!tpu.dma_semaphore, #tpu.memory_space<semaphore_mem>>) {add = true}
      %add3A_207 = arith.constant 1 : i32
      %add3A_208 = arith.addi %add3A_190, %add3A_207 : i32
      %dma_wait3A_209 = arith.constant 0 : i32
      %dma_wait3A_210 = tpu.memref_slice %arg7[%add3A_208, %dma_wait3A_209] : memref<40x64xi32, #tpu.memory_space<vmem>> -> memref<1x64xi32, #tpu.memory_space<vmem>>
      %dma_wait3A_211 = tpu.memref_squeeze %dma_wait3A_210 : memref<1x64xi32, #tpu.memory_space<vmem>> -> memref<64xi32, #tpu.memory_space<vmem>>
      %dma_wait3A_212 = arith.constant 0 : i32
      %dma_wait3A_213 = arith.constant 0 : i32
      %dma_wait3A_214 = tpu.memref_slice %arg2[%dma_wait3A_212, %dma_wait3A_213] : memref<10000x128xf32, #tpu.memory_space<hbm>> -> memref<10000x128xf32, #tpu.memory_space<hbm>>
      tpu.wait_indirect_dma semaphore(%arg16 : memref<!tpu.dma_semaphore, #tpu.memory_space<semaphore_mem>>) src(%dma_wait3A_214 : memref<10000x128xf32, #tpu.memory_space<hbm>>) dst(%arg10 : memref<64x128xf32, #tpu.memory_space<vmem>>)
      %add3A_215 = arith.constant 1 : i32
      %add3A_216 = arith.addi %add3A_190, %add3A_215 : i32
      %dma_start3A_217 = arith.constant 0 : i32
      %dma_start3A_218 = tpu.memref_slice %arg8[%add3A_216, %dma_start3A_217] : memref<40x64xi32, #tpu.memory_space<vmem>> -> memref<1x64xi32, #tpu.memory_space<vmem>>
      %dma_start3A_219 = tpu.memref_squeeze %dma_start3A_218 : memref<1x64xi32, #tpu.memory_space<vmem>> -> memref<64xi32, #tpu.memory_space<vmem>>
      %dma_start3A_220 = arith.constant 0 : i32
      %dma_start3A_221 = arith.constant 0 : i32
      %dma_start3A_222 = tpu.memref_slice %arg13[%dma_start3A_220, %dma_start3A_221] : memref<10240x128xf32, #tpu.memory_space<vmem_shared>> -> memref<10240x128xf32, #tpu.memory_space<vmem_shared>>
      tpu.enqueue_indirect_dma source(%arg10 : memref<64x128xf32, #tpu.memory_space<vmem>>) target(%dma_start3A_222 : memref<10240x128xf32, #tpu.memory_space<vmem_shared>>) offsets(%dma_start3A_219 : memref<64xi32, #tpu.memory_space<vmem>>) semaphore(%arg20 : memref<!tpu.dma_semaphore, #tpu.memory_space<semaphore_mem>>) {add = true}
      %add3A_223 = arith.constant 2 : i32
      %add3A_224 = arith.addi %add3A_190, %add3A_223 : i32
      %dma_wait3A_225 = arith.constant 0 : i32
      %dma_wait3A_226 = tpu.memref_slice %arg7[%add3A_224, %dma_wait3A_225] : memref<40x64xi32, #tpu.memory_space<vmem>> -> memref<1x64xi32, #tpu.memory_space<vmem>>
      %dma_wait3A_227 = tpu.memref_squeeze %dma_wait3A_226 : memref<1x64xi32, #tpu.memory_space<vmem>> -> memref<64xi32, #tpu.memory_space<vmem>>
      %dma_wait3A_228 = arith.constant 0 : i32
      %dma_wait3A_229 = arith.constant 0 : i32
      %dma_wait3A_230 = tpu.memref_slice %arg2[%dma_wait3A_228, %dma_wait3A_229] : memref<10000x128xf32, #tpu.memory_space<hbm>> -> memref<10000x128xf32, #tpu.memory_space<hbm>>
      tpu.wait_indirect_dma semaphore(%arg17 : memref<!tpu.dma_semaphore, #tpu.memory_space<semaphore_mem>>) src(%dma_wait3A_230 : memref<10000x128xf32, #tpu.memory_space<hbm>>) dst(%arg11 : memref<64x128xf32, #tpu.memory_space<vmem>>)
      %add3A_231 = arith.constant 2 : i32
      %add3A_232 = arith.addi %add3A_190, %add3A_231 : i32
      %dma_start3A_233 = arith.constant 0 : i32
      %dma_start3A_234 = tpu.memref_slice %arg8[%add3A_232, %dma_start3A_233] : memref<40x64xi32, #tpu.memory_space<vmem>> -> memref<1x64xi32, #tpu.memory_space<vmem>>
      %dma_start3A_235 = tpu.memref_squeeze %dma_start3A_234 : memref<1x64xi32, #tpu.memory_space<vmem>> -> memref<64xi32, #tpu.memory_space<vmem>>
      %dma_start3A_236 = arith.constant 0 : i32
      %dma_start3A_237 = arith.constant 0 : i32
      %dma_start3A_238 = tpu.memref_slice %arg13[%dma_start3A_236, %dma_start3A_237] : memref<10240x128xf32, #tpu.memory_space<vmem_shared>> -> memref<10240x128xf32, #tpu.memory_space<vmem_shared>>
      tpu.enqueue_indirect_dma source(%arg11 : memref<64x128xf32, #tpu.memory_space<vmem>>) target(%dma_start3A_238 : memref<10240x128xf32, #tpu.memory_space<vmem_shared>>) offsets(%dma_start3A_235 : memref<64xi32, #tpu.memory_space<vmem>>) semaphore(%arg21 : memref<!tpu.dma_semaphore, #tpu.memory_space<semaphore_mem>>) {add = true}
      %add3A_239 = arith.constant 3 : i32
      %add3A_240 = arith.addi %add3A_190, %add3A_239 : i32
      %dma_wait3A_241 = arith.constant 0 : i32
      %dma_wait3A_242 = tpu.memref_slice %arg7[%add3A_240, %dma_wait3A_241] : memref<40x64xi32, #tpu.memory_space<vmem>> -> memref<1x64xi32, #tpu.memory_space<vmem>>
      %dma_wait3A_243 = tpu.memref_squeeze %dma_wait3A_242 : memref<1x64xi32, #tpu.memory_space<vmem>> -> memref<64xi32, #tpu.memory_space<vmem>>
      %dma_wait3A_244 = arith.constant 0 : i32
      %dma_wait3A_245 = arith.constant 0 : i32
      %dma_wait3A_246 = tpu.memref_slice %arg2[%dma_wait3A_244, %dma_wait3A_245] : memref<10000x128xf32, #tpu.memory_space<hbm>> -> memref<10000x128xf32, #tpu.memory_space<hbm>>
      tpu.wait_indirect_dma semaphore(%arg18 : memref<!tpu.dma_semaphore, #tpu.memory_space<semaphore_mem>>) src(%dma_wait3A_246 : memref<10000x128xf32, #tpu.memory_space<hbm>>) dst(%arg12 : memref<64x128xf32, #tpu.memory_space<vmem>>)
      %add3A_247 = arith.constant 3 : i32
      %add3A_248 = arith.addi %add3A_190, %add3A_247 : i32
      %dma_start3A_249 = arith.constant 0 : i32
      %dma_start3A_250 = tpu.memref_slice %arg8[%add3A_248, %dma_start3A_249] : memref<40x64xi32, #tpu.memory_space<vmem>> -> memref<1x64xi32, #tpu.memory_space<vmem>>
      %dma_start3A_251 = tpu.memref_squeeze %dma_start3A_250 : memref<1x64xi32, #tpu.memory_space<vmem>> -> memref<64xi32, #tpu.memory_space<vmem>>
      %dma_start3A_252 = arith.constant 0 : i32
      %dma_start3A_253 = arith.constant 0 : i32
      %dma_start3A_254 = tpu.memref_slice %arg13[%dma_start3A_252, %dma_start3A_253] : memref<10240x128xf32, #tpu.memory_space<vmem_shared>> -> memref<10240x128xf32, #tpu.memory_space<vmem_shared>>
      tpu.enqueue_indirect_dma source(%arg12 : memref<64x128xf32, #tpu.memory_space<vmem>>) target(%dma_start3A_254 : memref<10240x128xf32, #tpu.memory_space<vmem_shared>>) offsets(%dma_start3A_251 : memref<64xi32, #tpu.memory_space<vmem>>) semaphore(%arg22 : memref<!tpu.dma_semaphore, #tpu.memory_space<semaphore_mem>>) {add = true}
      %add3A_255 = arith.constant 0 : i32
      %add3A_256 = arith.addi %add3A_190, %add3A_255 : i32
      %dma_wait3A_257 = arith.constant 0 : i32
      %dma_wait3A_258 = tpu.memref_slice %arg8[%add3A_256, %dma_wait3A_257] : memref<40x64xi32, #tpu.memory_space<vmem>> -> memref<1x64xi32, #tpu.memory_space<vmem>>
      %dma_wait3A_259 = tpu.memref_squeeze %dma_wait3A_258 : memref<1x64xi32, #tpu.memory_space<vmem>> -> memref<64xi32, #tpu.memory_space<vmem>>
      %dma_wait3A_260 = arith.constant 0 : i32
      %dma_wait3A_261 = arith.constant 0 : i32
      %dma_wait3A_262 = tpu.memref_slice %arg13[%dma_wait3A_260, %dma_wait3A_261] : memref<10240x128xf32, #tpu.memory_space<vmem_shared>> -> memref<10240x128xf32, #tpu.memory_space<vmem_shared>>
      tpu.wait_indirect_dma semaphore(%arg19 : memref<!tpu.dma_semaphore, #tpu.memory_space<semaphore_mem>>) src(%arg9 : memref<64x128xf32, #tpu.memory_space<vmem>>) dst(%dma_wait3A_262 : memref<10240x128xf32, #tpu.memory_space<vmem_shared>>)
      %add3A_263 = arith.constant 4 : i32
      %add3A_264 = arith.addi %add3A_190, %add3A_263 : i32
      %add3A_265 = arith.constant 0 : i32
      %add3A_266 = arith.addi %add3A_264, %add3A_265 : i32
      %lt3A = arith.constant 40 : i32
      %lt3A_267 = arith.cmpi slt, %add3A_266, %lt3A : i32
      %convert_element_type3A = arith.extui %lt3A_267 : i1 to i32
      %cond3A = arith.constant 0 : i32
      %cond3A_268 = arith.cmpi ne, %convert_element_type3A, %cond3A : i32
      scf.if %cond3A_268 {
        %add3A_320 = arith.constant 4 : i32
        %add3A_321 = arith.addi %add3A_190, %add3A_320 : i32
        %add3A_322 = arith.constant 0 : i32
        %add3A_323 = arith.addi %add3A_321, %add3A_322 : i32
        %dma_start3A_324 = arith.constant 0 : i32
        %dma_start3A_325 = tpu.memref_slice %arg7[%add3A_323, %dma_start3A_324] : memref<40x64xi32, #tpu.memory_space<vmem>> -> memref<1x64xi32, #tpu.memory_space<vmem>>
        %dma_start3A_326 = tpu.memref_squeeze %dma_start3A_325 : memref<1x64xi32, #tpu.memory_space<vmem>> -> memref<64xi32, #tpu.memory_space<vmem>>
        %dma_start3A_327 = arith.constant 0 : i32
        %dma_start3A_328 = arith.constant 0 : i32
        %dma_start3A_329 = tpu.memref_slice %arg2[%dma_start3A_327, %dma_start3A_328] : memref<10000x128xf32, #tpu.memory_space<hbm>> -> memref<10000x128xf32, #tpu.memory_space<hbm>>
        tpu.enqueue_indirect_dma source(%dma_start3A_329 : memref<10000x128xf32, #tpu.memory_space<hbm>>) target(%arg9 : memref<64x128xf32, #tpu.memory_space<vmem>>) offsets(%dma_start3A_326 : memref<64xi32, #tpu.memory_space<vmem>>) semaphore(%arg15 : memref<!tpu.dma_semaphore, #tpu.memory_space<semaphore_mem>>)
      } else {
      }
      %add3A_269 = arith.constant 1 : i32
      %add3A_270 = arith.addi %add3A_190, %add3A_269 : i32
      %dma_wait3A_271 = arith.constant 0 : i32
      %dma_wait3A_272 = tpu.memref_slice %arg8[%add3A_270, %dma_wait3A_271] : memref<40x64xi32, #tpu.memory_space<vmem>> -> memref<1x64xi32, #tpu.memory_space<vmem>>
      %dma_wait3A_273 = tpu.memref_squeeze %dma_wait3A_272 : memref<1x64xi32, #tpu.memory_space<vmem>> -> memref<64xi32, #tpu.memory_space<vmem>>
      %dma_wait3A_274 = arith.constant 0 : i32
      %dma_wait3A_275 = arith.constant 0 : i32
      %dma_wait3A_276 = tpu.memref_slice %arg13[%dma_wait3A_274, %dma_wait3A_275] : memref<10240x128xf32, #tpu.memory_space<vmem_shared>> -> memref<10240x128xf32, #tpu.memory_space<vmem_shared>>
      tpu.wait_indirect_dma semaphore(%arg20 : memref<!tpu.dma_semaphore, #tpu.memory_space<semaphore_mem>>) src(%arg10 : memref<64x128xf32, #tpu.memory_space<vmem>>) dst(%dma_wait3A_276 : memref<10240x128xf32, #tpu.memory_space<vmem_shared>>)
      %add3A_277 = arith.constant 4 : i32
      %add3A_278 = arith.addi %add3A_190, %add3A_277 : i32
      %add3A_279 = arith.constant 1 : i32
      %add3A_280 = arith.addi %add3A_278, %add3A_279 : i32
      %lt3A_281 = arith.constant 40 : i32
      %lt3A_282 = arith.cmpi slt, %add3A_280, %lt3A_281 : i32
      %convert_element_type3A_283 = arith.extui %lt3A_282 : i1 to i32
      %cond3A_284 = arith.constant 0 : i32
      %cond3A_285 = arith.cmpi ne, %convert_element_type3A_283, %cond3A_284 : i32
      scf.if %cond3A_285 {
        %add3A_320 = arith.constant 4 : i32
        %add3A_321 = arith.addi %add3A_190, %add3A_320 : i32
        %add3A_322 = arith.constant 1 : i32
        %add3A_323 = arith.addi %add3A_321, %add3A_322 : i32
        %dma_start3A_324 = arith.constant 0 : i32
        %dma_start3A_325 = tpu.memref_slice %arg7[%add3A_323, %dma_start3A_324] : memref<40x64xi32, #tpu.memory_space<vmem>> -> memref<1x64xi32, #tpu.memory_space<vmem>>
        %dma_start3A_326 = tpu.memref_squeeze %dma_start3A_325 : memref<1x64xi32, #tpu.memory_space<vmem>> -> memref<64xi32, #tpu.memory_space<vmem>>
        %dma_start3A_327 = arith.constant 0 : i32
        %dma_start3A_328 = arith.constant 0 : i32
        %dma_start3A_329 = tpu.memref_slice %arg2[%dma_start3A_327, %dma_start3A_328] : memref<10000x128xf32, #tpu.memory_space<hbm>> -> memref<10000x128xf32, #tpu.memory_space<hbm>>
        tpu.enqueue_indirect_dma source(%dma_start3A_329 : memref<10000x128xf32, #tpu.memory_space<hbm>>) target(%arg10 : memref<64x128xf32, #tpu.memory_space<vmem>>) offsets(%dma_start3A_326 : memref<64xi32, #tpu.memory_space<vmem>>) semaphore(%arg16 : memref<!tpu.dma_semaphore, #tpu.memory_space<semaphore_mem>>)
      } else {
      }
      %add3A_286 = arith.constant 2 : i32
      %add3A_287 = arith.addi %add3A_190, %add3A_286 : i32
      %dma_wait3A_288 = arith.constant 0 : i32
      %dma_wait3A_289 = tpu.memref_slice %arg8[%add3A_287, %dma_wait3A_288] : memref<40x64xi32, #tpu.memory_space<vmem>> -> memref<1x64xi32, #tpu.memory_space<vmem>>
      %dma_wait3A_290 = tpu.memref_squeeze %dma_wait3A_289 : memref<1x64xi32, #tpu.memory_space<vmem>> -> memref<64xi32, #tpu.memory_space<vmem>>
      %dma_wait3A_291 = arith.constant 0 : i32
      %dma_wait3A_292 = arith.constant 0 : i32
      %dma_wait3A_293 = tpu.memref_slice %arg13[%dma_wait3A_291, %dma_wait3A_292] : memref<10240x128xf32, #tpu.memory_space<vmem_shared>> -> memref<10240x128xf32, #tpu.memory_space<vmem_shared>>
      tpu.wait_indirect_dma semaphore(%arg21 : memref<!tpu.dma_semaphore, #tpu.memory_space<semaphore_mem>>) src(%arg11 : memref<64x128xf32, #tpu.memory_space<vmem>>) dst(%dma_wait3A_293 : memref<10240x128xf32, #tpu.memory_space<vmem_shared>>)
      %add3A_294 = arith.constant 4 : i32
      %add3A_295 = arith.addi %add3A_190, %add3A_294 : i32
      %add3A_296 = arith.constant 2 : i32
      %add3A_297 = arith.addi %add3A_295, %add3A_296 : i32
      %lt3A_298 = arith.constant 40 : i32
      %lt3A_299 = arith.cmpi slt, %add3A_297, %lt3A_298 : i32
      %convert_element_type3A_300 = arith.extui %lt3A_299 : i1 to i32
      %cond3A_301 = arith.constant 0 : i32
      %cond3A_302 = arith.cmpi ne, %convert_element_type3A_300, %cond3A_301 : i32
      scf.if %cond3A_302 {
        %add3A_320 = arith.constant 4 : i32
        %add3A_321 = arith.addi %add3A_190, %add3A_320 : i32
        %add3A_322 = arith.constant 2 : i32
        %add3A_323 = arith.addi %add3A_321, %add3A_322 : i32
        %dma_start3A_324 = arith.constant 0 : i32
        %dma_start3A_325 = tpu.memref_slice %arg7[%add3A_323, %dma_start3A_324] : memref<40x64xi32, #tpu.memory_space<vmem>> -> memref<1x64xi32, #tpu.memory_space<vmem>>
        %dma_start3A_326 = tpu.memref_squeeze %dma_start3A_325 : memref<1x64xi32, #tpu.memory_space<vmem>> -> memref<64xi32, #tpu.memory_space<vmem>>
        %dma_start3A_327 = arith.constant 0 : i32
        %dma_start3A_328 = arith.constant 0 : i32
        %dma_start3A_329 = tpu.memref_slice %arg2[%dma_start3A_327, %dma_start3A_328] : memref<10000x128xf32, #tpu.memory_space<hbm>> -> memref<10000x128xf32, #tpu.memory_space<hbm>>
        tpu.enqueue_indirect_dma source(%dma_start3A_329 : memref<10000x128xf32, #tpu.memory_space<hbm>>) target(%arg11 : memref<64x128xf32, #tpu.memory_space<vmem>>) offsets(%dma_start3A_326 : memref<64xi32, #tpu.memory_space<vmem>>) semaphore(%arg17 : memref<!tpu.dma_semaphore, #tpu.memory_space<semaphore_mem>>)
      } else {
      }
      %add3A_303 = arith.constant 3 : i32
      %add3A_304 = arith.addi %add3A_190, %add3A_303 : i32
      %dma_wait3A_305 = arith.constant 0 : i32
      %dma_wait3A_306 = tpu.memref_slice %arg8[%add3A_304, %dma_wait3A_305] : memref<40x64xi32, #tpu.memory_space<vmem>> -> memref<1x64xi32, #tpu.memory_space<vmem>>
      %dma_wait3A_307 = tpu.memref_squeeze %dma_wait3A_306 : memref<1x64xi32, #tpu.memory_space<vmem>> -> memref<64xi32, #tpu.memory_space<vmem>>
      %dma_wait3A_308 = arith.constant 0 : i32
      %dma_wait3A_309 = arith.constant 0 : i32
      %dma_wait3A_310 = tpu.memref_slice %arg13[%dma_wait3A_308, %dma_wait3A_309] : memref<10240x128xf32, #tpu.memory_space<vmem_shared>> -> memref<10240x128xf32, #tpu.memory_space<vmem_shared>>
      tpu.wait_indirect_dma semaphore(%arg22 : memref<!tpu.dma_semaphore, #tpu.memory_space<semaphore_mem>>) src(%arg12 : memref<64x128xf32, #tpu.memory_space<vmem>>) dst(%dma_wait3A_310 : memref<10240x128xf32, #tpu.memory_space<vmem_shared>>)
      %add3A_311 = arith.constant 4 : i32
      %add3A_312 = arith.addi %add3A_190, %add3A_311 : i32
      %add3A_313 = arith.constant 3 : i32
      %add3A_314 = arith.addi %add3A_312, %add3A_313 : i32
      %lt3A_315 = arith.constant 40 : i32
      %lt3A_316 = arith.cmpi slt, %add3A_314, %lt3A_315 : i32
      %convert_element_type3A_317 = arith.extui %lt3A_316 : i1 to i32
      %cond3A_318 = arith.constant 0 : i32
      %cond3A_319 = arith.cmpi ne, %convert_element_type3A_317, %cond3A_318 : i32
      scf.if %cond3A_319 {
        %add3A_320 = arith.constant 4 : i32
        %add3A_321 = arith.addi %add3A_190, %add3A_320 : i32
        %add3A_322 = arith.constant 3 : i32
        %add3A_323 = arith.addi %add3A_321, %add3A_322 : i32
        %dma_start3A_324 = arith.constant 0 : i32
        %dma_start3A_325 = tpu.memref_slice %arg7[%add3A_323, %dma_start3A_324] : memref<40x64xi32, #tpu.memory_space<vmem>> -> memref<1x64xi32, #tpu.memory_space<vmem>>
        %dma_start3A_326 = tpu.memref_squeeze %dma_start3A_325 : memref<1x64xi32, #tpu.memory_space<vmem>> -> memref<64xi32, #tpu.memory_space<vmem>>
        %dma_start3A_327 = arith.constant 0 : i32
        %dma_start3A_328 = arith.constant 0 : i32
        %dma_start3A_329 = tpu.memref_slice %arg2[%dma_start3A_327, %dma_start3A_328] : memref<10000x128xf32, #tpu.memory_space<hbm>> -> memref<10000x128xf32, #tpu.memory_space<hbm>>
        tpu.enqueue_indirect_dma source(%dma_start3A_329 : memref<10000x128xf32, #tpu.memory_space<hbm>>) target(%arg12 : memref<64x128xf32, #tpu.memory_space<vmem>>) offsets(%dma_start3A_326 : memref<64xi32, #tpu.memory_space<vmem>>) semaphore(%arg18 : memref<!tpu.dma_semaphore, #tpu.memory_space<semaphore_mem>>)
      } else {
      }
    }
    %scan3A_177 = arith.constant 10 : i32
    %barrier3A_178 = arith.constant 0 : index
    tpu.barrier barrier_id(%barrier3A_178)
    %mul3A_179 = arith.constant 640 : i32
    %mul3A_180 = arith.muli %arg1, %mul3A_179 : i32
    %mul3A_181 = arith.constant 10240 : i32
    %mul3A_182 = arith.muli %arg0, %mul3A_181 : i32
    %mul3A_183 = arith.constant 640 : i32
    %mul3A_184 = arith.muli %arg1, %mul3A_183 : i32
    %add3A_185 = arith.addi %mul3A_182, %mul3A_184 : i32
    "tpu.region"() ({
      %run_scoped3A = tpu.sem_alloc : memref<!tpu.dma_semaphore, #tpu.memory_space<semaphore_mem>>
      %dma_start3A_186 = arith.constant 0 : i32
      %dma_start3A_187 = tpu.memref_slice %arg6[%add3A_185, %dma_start3A_186] : memref<20480x128xf32, #tpu.memory_space<hbm>> -> memref<640x128xf32, #tpu.memory_space<hbm>>
      %dma_start3A_188 = arith.constant 0 : i32
      %dma_start3A_189 = tpu.memref_slice %arg13[%mul3A_180, %dma_start3A_188] : memref<10240x128xf32, #tpu.memory_space<vmem_shared>> -> memref<640x128xf32, #tpu.memory_space<vmem_shared>>
      tpu.enqueue_dma source(%dma_start3A_189 : memref<640x128xf32, #tpu.memory_space<vmem_shared>>) target(%dma_start3A_187 : memref<640x128xf32, #tpu.memory_space<hbm>>) target_semaphore(%run_scoped3A : memref<!tpu.dma_semaphore, #tpu.memory_space<semaphore_mem>>)
      %dma_wait3A_190 = arith.constant 0 : i32
      %dma_wait3A_191 = tpu.memref_slice %arg6[%add3A_185, %dma_wait3A_190] : memref<20480x128xf32, #tpu.memory_space<hbm>> -> memref<640x128xf32, #tpu.memory_space<hbm>>
      %dma_wait3A_192 = arith.constant 0 : i32
      %dma_wait3A_193 = tpu.memref_slice %arg13[%mul3A_180, %dma_wait3A_192] : memref<10240x128xf32, #tpu.memory_space<vmem_shared>> -> memref<640x128xf32, #tpu.memory_space<vmem_shared>>
      tpu.wait_dma2 semaphore(%run_scoped3A : memref<!tpu.dma_semaphore, #tpu.memory_space<semaphore_mem>>) src(%dma_wait3A_193 : memref<640x128xf32, #tpu.memory_space<vmem_shared>>) dst(%dma_wait3A_191 : memref<640x128xf32, #tpu.memory_space<hbm>>)
      tpu.yield
    }) : () -> ()
    return
  }
}

module attributes {stable_mosaic.version = 14 : i64} {
  func.func @body(%arg0: memref<10000x128xf32, #tpu.memory_space<vmem>>, %arg1: memref<128x128xf32, #tpu.memory_space<vmem>>, %arg2: memref<10000x128xf32, #tpu.memory_space<vmem>>) attributes {dimension_semantics = [], scalar_prefetch = 0 : i64, scratch_operands = 0 : i64, tpu.core_type = #tpu.core_type<tc>} {
    %get3A = arith.constant 0 : index
    %get3A_0 = arith.constant 0 : index
    %get3A_1 = vector.load %arg0[%get3A, %get3A_0] : memref<10000x128xf32, #tpu.memory_space<vmem>>, vector<10000x128xf32>
    %get3A_2 = arith.constant 0 : index
    %get3A_3 = arith.constant 0 : index
    %get3A_4 = vector.load %arg1[%get3A_2, %get3A_3] : memref<128x128xf32, #tpu.memory_space<vmem>>, vector<128x128xf32>
    %dot_general3A = arith.constant dense<0.000000e+00> : vector<10000x128xf32>
    %dot_general3A_5 = tpu.matmul %get3A_1, %get3A_4, %dot_general3A {dimension_numbers = #tpu.dot_dimension_numbers<[1], [0], [0], [1], [0, 0, 1, 1], [], []>, transpose_lhs_hint = false} : vector<10000x128xf32>, vector<128x128xf32>, vector<10000x128xf32> -> vector<10000x128xf32>
    %swap3A = arith.constant 0 : index
    %swap3A_6 = arith.constant 0 : index
    %swap3A_7 = vector.load %arg2[%swap3A, %swap3A_6] : memref<10000x128xf32, #tpu.memory_space<vmem>>, vector<10000x128xf32>
    tpu.vector_store %arg2[%swap3A, %swap3A_6], %dot_general3A_5 {strides = array<i32>} : memref<10000x128xf32, #tpu.memory_space<vmem>>, vector<10000x128xf32>,
    return
  }
}

module attributes {stable_mosaic.version = 14 : i64} {
  func.func @body(%arg0: memref<10000x1xf32, #tpu.memory_space<vmem>>, %arg1: memref<10000x1xf32, #tpu.memory_space<vmem>>, %arg2: memref<10000x128xf32, #tpu.memory_space<vmem>>, %arg3: memref<10000x1xf32, #tpu.memory_space<vmem>>, %arg4: memref<10000x128xf32, #tpu.memory_space<vmem>>) attributes {dimension_semantics = [], scalar_prefetch = 0 : i64, scratch_operands = 0 : i64, tpu.core_type = #tpu.core_type<tc>} {
    %get3A = arith.constant 0 : index
    %get3A_0 = arith.constant 0 : index
    %get3A_1 = vector.load %arg0[%get3A, %get3A_0] : memref<10000x1xf32, #tpu.memory_space<vmem>>, vector<10000x1xf32>
    %add3A = arith.constant 1.000000e+00 : f32
    %add3A_2 = vector.broadcast %add3A : f32 to vector<10000x1xf32>
    %add3A_3 = arith.addf %add3A_2, %get3A_1 : vector<10000x1xf32>
    %get3A_4 = arith.constant 0 : index
    %get3A_5 = arith.constant 0 : index
    %get3A_6 = vector.load %arg1[%get3A_4, %get3A_5] : memref<10000x1xf32, #tpu.memory_space<vmem>>, vector<10000x1xf32>
    %add3A_7 = arith.addf %add3A_3, %get3A_6 : vector<10000x1xf32>
    %rsqrt3A = math.rsqrt %add3A_7 : vector<10000x1xf32>
    %swap3A = arith.constant 0 : index
    %swap3A_8 = arith.constant 0 : index
    %swap3A_9 = vector.load %arg3[%swap3A, %swap3A_8] : memref<10000x1xf32, #tpu.memory_space<vmem>>, vector<10000x1xf32>
    tpu.vector_store %arg3[%swap3A, %swap3A_8], %rsqrt3A {strides = array<i32>} : memref<10000x1xf32, #tpu.memory_space<vmem>>, vector<10000x1xf32>,
    %broadcast_in_dim3A = vector.shape_cast %rsqrt3A : vector<10000x1xf32> to vector<10000x1xf32>
    %broadcast_in_dim3A_10 = vector.broadcast %broadcast_in_dim3A : vector<10000x1xf32> to vector<10000x128xf32>
    %get3A_11 = arith.constant 0 : index
    %get3A_12 = arith.constant 0 : index
    %get3A_13 = vector.load %arg2[%get3A_11, %get3A_12] : memref<10000x128xf32, #tpu.memory_space<vmem>>, vector<10000x128xf32>
    %mul3A = arith.mulf %broadcast_in_dim3A_10, %get3A_13 : vector<10000x128xf32>
    %swap3A_14 = arith.constant 0 : index
    %swap3A_15 = arith.constant 0 : index
    %swap3A_16 = vector.load %arg4[%swap3A_14, %swap3A_15] : memref<10000x128xf32, #tpu.memory_space<vmem>>, vector<10000x128xf32>
    tpu.vector_store %arg4[%swap3A_14, %swap3A_15], %mul3A {strides = array<i32>} : memref<10000x128xf32, #tpu.memory_space<vmem>>, vector<10000x128xf32>,
    return
  }
}

module attributes {stable_mosaic.version = 14 : i64} {
  func.func @body(%arg0: memref<20480x128xf32, #tpu.memory_space<vmem>>, %arg1: memref<10000x128xf32, #tpu.memory_space<vmem>>, %arg2: memref<10000x1xf32, #tpu.memory_space<vmem>>, %arg3: memref<1x128xf32, #tpu.memory_space<vmem>>, %arg4: memref<128x128xf32, #tpu.memory_space<vmem>>, %arg5: memref<10000x128xf32, #tpu.memory_space<vmem>>) attributes {dimension_semantics = [], scalar_prefetch = 0 : i64, scratch_operands = 0 : i64, tpu.core_type = #tpu.core_type<tc>} {
    %get3A = arith.constant 0 : index
    %get3A_0 = arith.constant 0 : index
    %get3A_1 = vector.load %arg2[%get3A, %get3A_0] : memref<10000x1xf32, #tpu.memory_space<vmem>>, vector<10000x1xf32>
    %broadcast_in_dim3A = vector.shape_cast %get3A_1 : vector<10000x1xf32> to vector<10000x1xf32>
    %broadcast_in_dim3A_2 = vector.broadcast %broadcast_in_dim3A : vector<10000x1xf32> to vector<10000x128xf32>
    %get3A_3 = arith.constant 0 : index
    %get3A_4 = arith.constant 0 : index
    %get3A_5 = vector.load %arg0[%get3A_3, %get3A_4] : memref<20480x128xf32, #tpu.memory_space<vmem>>, vector<10000x128xf32>
    %get3A_6 = arith.constant 10240 : index
    %get3A_7 = arith.constant 0 : index
    %get3A_8 = vector.load %arg0[%get3A_6, %get3A_7] : memref<20480x128xf32, #tpu.memory_space<vmem>>, vector<10000x128xf32>
    %add3A = arith.addf %get3A_5, %get3A_8 : vector<10000x128xf32>
    %get3A_9 = arith.constant 0 : index
    %get3A_10 = arith.constant 0 : index
    %get3A_11 = vector.load %arg1[%get3A_9, %get3A_10] : memref<10000x128xf32, #tpu.memory_space<vmem>>, vector<10000x128xf32>
    %add3A_12 = arith.addf %add3A, %get3A_11 : vector<10000x128xf32>
    %mul3A = arith.mulf %broadcast_in_dim3A_2, %add3A_12 : vector<10000x128xf32>
    %get3A_13 = arith.constant 0 : index
    %get3A_14 = arith.constant 0 : index
    %get3A_15 = vector.load %arg3[%get3A_13, %get3A_14] : memref<1x128xf32, #tpu.memory_space<vmem>>, vector<1x128xf32>
    %add3A_16 = vector.broadcast %get3A_15 : vector<1x128xf32> to vector<10000x128xf32>
    %add3A_17 = arith.addf %mul3A, %add3A_16 : vector<10000x128xf32>
    %max3A = arith.constant 0.000000e+00 : f32
    %max3A_18 = vector.broadcast %max3A : f32 to vector<10000x128xf32>
    %max3A_19 = arith.maximumf %add3A_17, %max3A_18 : vector<10000x128xf32>
    %get3A_20 = arith.constant 0 : index
    %get3A_21 = arith.constant 0 : index
    %get3A_22 = vector.load %arg4[%get3A_20, %get3A_21] : memref<128x128xf32, #tpu.memory_space<vmem>>, vector<128x128xf32>
    %dot_general3A = arith.constant dense<0.000000e+00> : vector<10000x128xf32>
    %dot_general3A_23 = tpu.matmul %max3A_19, %get3A_22, %dot_general3A {dimension_numbers = #tpu.dot_dimension_numbers<[1], [0], [0], [1], [0, 0, 1, 1], [], []>, transpose_lhs_hint = false} : vector<10000x128xf32>, vector<128x128xf32>, vector<10000x128xf32> -> vector<10000x128xf32>
    %mul3A_24 = arith.mulf %broadcast_in_dim3A_2, %dot_general3A_23 : vector<10000x128xf32>
    %swap3A = arith.constant 0 : index
    %swap3A_25 = arith.constant 0 : index
    %swap3A_26 = vector.load %arg5[%swap3A, %swap3A_25] : memref<10000x128xf32, #tpu.memory_space<vmem>>, vector<10000x128xf32>
    tpu.vector_store %arg5[%swap3A, %swap3A_25], %mul3A_24 {strides = array<i32>} : memref<10000x128xf32, #tpu.memory_space<vmem>>, vector<10000x128xf32>,
    return
  }
}

module attributes {stable_mosaic.version = 14 : i64} {
  func.func @body(%arg0: memref<20480x128xf32, #tpu.memory_space<vmem>>, %arg1: memref<10000x128xf32, #tpu.memory_space<vmem>>, %arg2: memref<10000x1xf32, #tpu.memory_space<vmem>>, %arg3: memref<1x128xf32, #tpu.memory_space<vmem>>, %arg4: memref<128x2xf32, #tpu.memory_space<vmem>>, %arg5: memref<1x2xf32, #tpu.memory_space<vmem>>, %arg6: memref<10000x2xf32, #tpu.memory_space<vmem>>) attributes {dimension_semantics = [], scalar_prefetch = 0 : i64, scratch_operands = 0 : i64, tpu.core_type = #tpu.core_type<tc>} {
    %get3A = arith.constant 0 : index
    %get3A_0 = arith.constant 0 : index
    %get3A_1 = vector.load %arg0[%get3A, %get3A_0] : memref<20480x128xf32, #tpu.memory_space<vmem>>, vector<10000x128xf32>
    %get3A_2 = arith.constant 10240 : index
    %get3A_3 = arith.constant 0 : index
    %get3A_4 = vector.load %arg0[%get3A_2, %get3A_3] : memref<20480x128xf32, #tpu.memory_space<vmem>>, vector<10000x128xf32>
    %add3A = arith.addf %get3A_1, %get3A_4 : vector<10000x128xf32>
    %get3A_5 = arith.constant 0 : index
    %get3A_6 = arith.constant 0 : index
    %get3A_7 = vector.load %arg2[%get3A_5, %get3A_6] : memref<10000x1xf32, #tpu.memory_space<vmem>>, vector<10000x1xf32>
    %broadcast_in_dim3A = vector.shape_cast %get3A_7 : vector<10000x1xf32> to vector<10000x1xf32>
    %broadcast_in_dim3A_8 = vector.broadcast %broadcast_in_dim3A : vector<10000x1xf32> to vector<10000x128xf32>
    %get3A_9 = arith.constant 0 : index
    %get3A_10 = arith.constant 0 : index
    %get3A_11 = vector.load %arg1[%get3A_9, %get3A_10] : memref<10000x128xf32, #tpu.memory_space<vmem>>, vector<10000x128xf32>
    %add3A_12 = arith.addf %add3A, %get3A_11 : vector<10000x128xf32>
    %mul3A = arith.mulf %broadcast_in_dim3A_8, %add3A_12 : vector<10000x128xf32>
    %get3A_13 = arith.constant 0 : index
    %get3A_14 = arith.constant 0 : index
    %get3A_15 = vector.load %arg3[%get3A_13, %get3A_14] : memref<1x128xf32, #tpu.memory_space<vmem>>, vector<1x128xf32>
    %add3A_16 = vector.broadcast %get3A_15 : vector<1x128xf32> to vector<10000x128xf32>
    %add3A_17 = arith.addf %mul3A, %add3A_16 : vector<10000x128xf32>
    %max3A = arith.constant 0.000000e+00 : f32
    %max3A_18 = vector.broadcast %max3A : f32 to vector<10000x128xf32>
    %max3A_19 = arith.maximumf %add3A_17, %max3A_18 : vector<10000x128xf32>
    %get3A_20 = arith.constant 0 : index
    %get3A_21 = arith.constant 0 : index
    %get3A_22 = vector.load %arg4[%get3A_20, %get3A_21] : memref<128x2xf32, #tpu.memory_space<vmem>>, vector<128x2xf32>
    %dot_general3A = arith.constant dense<0.000000e+00> : vector<10000x2xf32>
    %dot_general3A_23 = tpu.matmul %max3A_19, %get3A_22, %dot_general3A {dimension_numbers = #tpu.dot_dimension_numbers<[1], [0], [0], [1], [0, 0, 1, 1], [], []>, transpose_lhs_hint = false} : vector<10000x128xf32>, vector<128x2xf32>, vector<10000x2xf32> -> vector<10000x2xf32>
    %get3A_24 = arith.constant 0 : index
    %get3A_25 = arith.constant 0 : index
    %get3A_26 = vector.load %arg5[%get3A_24, %get3A_25] : memref<1x2xf32, #tpu.memory_space<vmem>>, vector<1x2xf32>
    %add3A_27 = vector.broadcast %get3A_26 : vector<1x2xf32> to vector<10000x2xf32>
    %add3A_28 = arith.addf %dot_general3A_23, %add3A_27 : vector<10000x2xf32>
    %swap3A = arith.constant 0 : index
    %swap3A_29 = arith.constant 0 : index
    %swap3A_30 = vector.load %arg6[%swap3A, %swap3A_29] : memref<10000x2xf32, #tpu.memory_space<vmem>>, vector<10000x2xf32>
    tpu.vector_store %arg6[%swap3A, %swap3A_29], %add3A_28 {strides = array<i32>} : memref<10000x2xf32, #tpu.memory_space<vmem>>, vector<10000x2xf32>,
    return
  }
}

</mosaic_0001>

<sc_bundles>
// kernel: kernel.12.cloned.1.call-start
scs
__scs_entry_jumppad:
0x0: {  	(pc) =	sbr.rel $0x88, $3  }
0x1: {  	(tag) =	ssettag $0x0;
	lr =	simm.s32 $0x1  }
0x2: {  	[smem:$0x3F97] =	sst lr;
	_ =	strace $0xD0000000  }
0x3: {  	_ = 	snop  }
0x4: {  	_ = 	snop  }
0x5: {  	_ = 	snop  }
0x6: {  	_ = 	snop  }
0x7: {  	_ = 	snop  }
__scs_overlays_trampoline_lowered:
0x8: {  	[smem:$0x3FA6] =	sst s0  }
0x9: {  	[smem:$0x3FA7] =	sst s1  }
0xa: {  	[smem:$0x3FA8] =	sst s2  }
0xb: {  	[smem:$0x3FA9] =	sst s3  }
0xc: {  	[smem:$0x3FAA] =	sst s4  }
0xd: {  	[smem:$0x3FAB] =	sst s5  }
0xe: {  	[smem:$0x3FAC] =	sst s6  }
0xf: {  	[smem:$0x3FAD] =	sst s7  }
0x10: {  	[smem:$0x3FAE] =	sst s8  }
0x11: {  	[smem:$0x3FAF] =	sst s9;
	s0 =	simm.s32 @!p0 $0x0  }
0x12: {  	s1 =	sld [smem:$0x3F95];
	s0 =	simm.s32 @p0 $0x1  }
0x13: {  	[smem:$0x3FB0] =	sst s0;
	s0 =	simm.s32 @!p1 $0x0  }
0x14: {  	s2 =	sld [smem:$0x3F94];
	s0 =	simm.s32 @p1 $0x1  }
0x15: {  	[smem:$0x3FB1] =	sst s0;
	s0 =	simm.s32 @!p2 $0x0  }
0x16: {  	s3 =	sld [smem:$0x3FDB];
	s0 =	simm.s32 @p2 $0x1  }
0x17: {  	s4 =	simm.s32 $0x1BF5;
	[smem:$0x3FB3] =	sst s0  }
0x18: {  	s0 =	sld [smem:$0x3F96];
	_ =	swait.ge [sflag:s4], $0x0  }
0x19: {  	s7 =	sld [smem:$0x3F97]  }
0x1a: {  	s8 =	sadd.s32 $0xFFFFE003, lr  }
0x1b: {  	s9 =	sadd.s32 $0xFFFFFEF7, lr;
	s5 =	simm.s32 $0xFFFFFFFF;
	p2 =	slt.u32 s8, $0xFFFFF086  }
0x1c: {  	p1 =	slt.u32 s9, $0xF7A;
	s5 =	simm.s32 @!p2 $0x0  }
0x1d: {  	s5 =	simm.s32 @p1 $0x1;
	p0 =	seq.s32 s7, s2  }
0x1e: {  	s7 =	smul.u32 @!p0 $0xF7A, s2;
	p2 =	seq.s32 @!p0 s5, $0x0  }
0x1f: {  	s9 =	smul.u32 $0xF7A, s1;
	s8 =	simm.s32 @!p0 $0x1BF5;
	p2 =	por !p2, p0  }
0x20: {  	[sflag:s8] =	ssyncset.s32 @!p0 $0xFFFFF086;
	s6 =	sadd.s32 @!p0 s3, s7;
	s7 =	simm.s32 @!p0 $0x108  }
0x21: {  	s3 =	sadd.s32 s3, s9;
	s6 =	sadd.s32 @!p0 $0x88, s6;
	s7 =	simm.s32 @p2 $0x1082  }
0x22: {  	[simem:s7], [sflag:s8] =	dma.local @!p0 [hbm:s6], $0xF7A  }
0x23: {  	s9 =	sor.u32 $0xD0000000, s2;
	s6 =	simm.s32 $0x108;
	_ =	swait.ge @!p0 [sflag:s8], $0x0  }
0x24: {  	s3 =	sadd.s32 $0x88, s3;
	s6 =	simm.s32 @!p1 $0x1082;
	[sflag:s4] =	ssyncset.s32 $0xFFFFF086  }
0x25: {  	[simem:s6], [sflag:s4] =	dma.local [hbm:s3], $0xF7A  }
0x26: {  	[smem:$0x3F97] =	sst s1;
	(tag) =	ssettag s2;
	_ =	strace s9  }
0x27: {  	s1 =	sld [smem:$0x3FA7]  }
0x28: {  	s2 =	sld [smem:$0x3FA8]  }
0x29: {  	s4 =	sld [smem:$0x3FAA]  }
0x2a: {  	p0 =	seq.s32 s5, $0x0;
	s5 =	sld [smem:$0x3FAB]  }
0x2b: {  	s6 =	sld [smem:$0x3FAC]  }
0x2c: {  	s7 =	sld [smem:$0x3FAD]  }
0x2d: {  	s3 =	simm.s32 $0x108;
	s8 =	sld [smem:$0x3FAE]  }
0x2e: {  	s3 =	simm.s32 @!p0 $0x1082;
	s9 =	sld [smem:$0x3FAF]  }
0x2f: {  	lr =	sadd.s32 s0, s3;
	s0 =	sld [smem:$0x3FA6]  }
0x30: {  	s3 =	sld [smem:$0x3FA9]  }
0x31: {  	[smem:$0x3FB2] =	sst s10  }
0x32: {  	s10 =	sld [smem:$0x3FB0];
	_ =	sdelay $0x3  }
0x33: {  	p0 =	seq.s32 s10, $0x1;
	s10 =	sld [smem:$0x3FB2];
	_ =	sdelay $0x3  }
0x34: {  	[smem:$0x3FB2] =	sst s10  }
0x35: {  	s10 =	sld [smem:$0x3FB1];
	_ =	sdelay $0x3  }
0x36: {  	p1 =	seq.s32 s10, $0x1;
	s10 =	sld [smem:$0x3FB2];
	_ =	sdelay $0x3  }
0x37: {  	[smem:$0x3FB2] =	sst s10  }
0x38: {  	s10 =	sld [smem:$0x3FB3]  }
0x39: {  	_ = 	snop;
	(pc) =	sbr.ind lr, $3  }
0x3a: {  	_ = 	snop  }
0x3b: {  	_ = 	snop  }
0x3c: {  	p2 =	seq.s32 s10, $0x1;
	s10 =	sld [smem:$0x3FB2]  }
0x3d: {  	_ =	shalt  }
0x3e: {  	_ =	shalt  }
0x3f: {  	_ =	shalt  }
0x40: {  	_ =	shalt  }
0x41: {  	_ =	shalt  }
0x42: {  	_ =	shalt  }
0x43: {  	_ =	shalt  }
0x44: {  	_ =	shalt  }
0x45: {  	_ =	shalt  }
0x46: {  	_ =	shalt  }
0x47: {  	_ =	shalt  }
0x48: {  	_ =	shalt  }
0x49: {  	_ =	shalt  }
0x4a: {  	_ =	shalt  }
0x4b: {  	_ =	shalt  }
0x4c: {  	_ =	shalt  }
0x4d: {  	_ =	shalt  }
0x4e: {  	_ =	shalt  }
0x4f: {  	_ =	shalt  }
0x50: {  	_ =	shalt  }
0x51: {  	_ =	shalt  }
0x52: {  	_ =	shalt  }
0x53: {  	_ =	shalt  }
0x54: {  	_ =	shalt  }
0x55: {  	_ =	shalt  }
0x56: {  	_ =	shalt  }
0x57: {  	_ =	shalt  }
0x58: {  	_ =	shalt  }
0x59: {  	_ =	shalt  }
0x5a: {  	_ =	shalt  }
0x5b: {  	_ =	shalt  }
0x5c: {  	_ =	shalt  }
0x5d: {  	_ =	shalt  }
0x5e: {  	_ =	shalt  }
0x5f: {  	_ =	shalt  }
0x60: {  	_ =	shalt  }
0x61: {  	_ =	shalt  }
0x62: {  	_ =	shalt  }
0x63: {  	_ =	shalt  }
0x64: {  	_ =	shalt  }
0x65: {  	_ =	shalt  }
0x66: {  	_ =	shalt  }
0x67: {  	_ =	shalt  }
0x68: {  	_ =	shalt  }
0x69: {  	_ =	shalt  }
0x6a: {  	_ =	shalt  }
0x6b: {  	_ =	shalt  }
0x6c: {  	_ =	shalt  }
0x6d: {  	_ =	shalt  }
0x6e: {  	_ =	shalt  }
0x6f: {  	_ =	shalt  }
0x70: {  	_ =	shalt  }
0x71: {  	_ =	shalt  }
0x72: {  	_ =	shalt  }
0x73: {  	_ =	shalt  }
0x74: {  	_ =	shalt  }
0x75: {  	_ =	shalt  }
0x76: {  	_ =	shalt  }
0x77: {  	_ =	shalt  }
0x78: {  	_ =	shalt  }
0x79: {  	_ =	shalt  }
0x7a: {  	_ =	shalt  }
0x7b: {  	_ =	shalt  }
0x7c: {  	_ =	shalt  }
0x7d: {  	_ =	shalt  }
0x7e: {  	_ =	shalt  }
0x7f: {  	_ =	shalt  }
0x80: {  	_ =	shalt  }
0x81: {  	_ =	shalt  }
0x82: {  	_ =	shalt  }
0x83: {  	_ =	shalt  }
0x84: {  	_ =	shalt  }
0x85: {  	_ =	shalt  }
0x86: {  	_ =	shalt  }
0x87: {  	_ =	shalt  }
.Lfunc_end0:
.L_simem_size_0:
called_computation.1_lowered:
.L_overlay_start_0:
0x88: {  	s2 =	sld [smem:$0x3FD9]  }
0x89: {  	s3 =	sld [smem:$0x3FFE];
	_ =	sdelay $0x1  }
0x8a: {  	s1 =	srdreg.scid  }
0x8b: {  	s0 =	sand.u32 $0x1, s1  }
0x8c: {  	s14 =	sshll.u32 s0, $0xA;
	s2 =	sadd.s32 s3, s2  }
0x8d: {  	s2 =	sadd.s32 s2, s14  }
0x8e: {  	[smem:$0x3FBE] =	sst s2  }
0x8f: {  	_ = 	snop  }
0x90: {  	s2 =	sld [smem:$0x3FD0];
	_ =	sdelay $0x2  }
0x91: {  	s15 =	simm.s32 $0xA;
	s4 =	simm.s32 $0x10  }
0x92: {  	[smem:s4], [sflag:s15] =	dma.local [hbm:s2], $0x1  }
0x93: {  	_ =	swait.eq [sflag:s15], $0x1  }
0x94: {  	[sflag:s15] =	ssyncset.done $0x0  }
0x95: {  	[sflag:s15] =	ssyncadd.s32 $0xFFFFFFFF  }
0x96: {  	s16 =	sld [smem:$0x11];
	(tm) =	ssettm $0x1  }
0x97: {  	s17 =	sld [smem:$0x3FFB];
	_ =	sdelay $0x3  }
0x98: {  	_ =	strace s17  }
0x99: {  	s3 =	sld [smem:$0x3FFC];
	_ =	sdelay $0x3  }
0x9a: {  	_ =	strace s3  }
0x9b: {  	s3 =	sld [smem:$0x3FFD];
	_ =	sdelay $0x3  }
0x9c: {  	_ =	strace s3  }
0x9d: {  	_ =	strace $0x8FFFFFFF  }
0x9e: {  	s18 =	sld [smem:$0x3FDB];
	_ =	sdelay $0x1  }
0x9f: {  	s19 =	simm.s32 $_scs_section_size  }
0xa0: {  	s5 =	simm.s32 $_size__tile_overlayer_lowered;
	s6 =	simm.s32 $_tile_overlayer_lowered  }
0xa1: {  	s22 =	simm.s32 $0x1BFF;
	s21 =	sshll.u32 s6, $0x1;
	s3 =	sadd.s32 s19, s18  }
0xa2: {  	s7 =	simm.s32 $0x0;
	s20 =	sshll.u32 s5, $0x1;
	s5 =	sadd.s32 s21, s3  }
0xa3: {  	[timem:s7], [sflag:s22] =	dma.local [hbm:s5], s20  }
0xa4: {  	_ =	swait.ge [sflag:s22], s20  }
0xa5: {  	s4 =	ssub.s32 $0x0, s20;
	[sflag:s22] =	ssyncset.done $0x0  }
0xa6: {  	[sflag:s22] =	ssyncadd.s32 s4;
	_ =	sdelay $0x1  }
0xa7: {  	s23 =	simm.s32 $0x1B8B  }
0xa8: {  	_ =	swait.ge [sflag:s23], $0x1  }
0xa9: {  	[sflag:s23] =	ssyncset.done $0x0  }
0xaa: {  	s25 =	simm.s32 $0x1B8E;
	s24 =	sld [smem:$0x3FFE];
	[sflag:s23] =	ssyncadd.s32 $0xFFFFFFFF  }
0xab: {  	s26 =	simm.s32 $execute0_lowered;
	[smem:$0x3FD2] =	sst s25  }
0xac: {  	s5 =	sshll.u32 s26, $0x1;
	_ =	strace $0x80000049;
	[dreg:$0x1] =	wrdreg $0xFFFFFFFF  }
0xad: {  	s28 =	simm.s32 $_size_execute0_lowered;
	s3 =	sadd.s32 s3, s5;
	[dreg:$0x0] =	wrdreg $0x0  }
0xae: {  	s5 =	sshll.u32 s28, $0x1;
	[dreg:$0x2] =	wrdreg s3  }
0xaf: {  	[dreg:$0x3] =	wrdreg s5  }
0xb0: {  	[dreg:$0x4] =	wrdreg $0xC0  }
0xb1: {  	_ =	task [dreg:s7], $0x5FFFF  }
0xb2: {  	[dreg:$0x1] =	wrdreg $0xFFFFFFFF  }
0xb3: {  	[dreg:$0x0] =	wrdreg $0x60  }
0xb4: {  	[dreg:$0x2] =	wrdreg s24  }
0xb5: {  	[dreg:$0x3] =	wrdreg s16  }
0xb6: {  	[dreg:$0x4] =	wrdreg $0xA8000  }
0xb7: {  	[dreg:$0x5] =	wrdreg $0x9  }
0xb8: {  	_ =	task.clear_ibuf [dreg:s7], $0x6FFFF;
	_ =	strace $0x90000049  }
0xb9: {  	s29 =	simm.s32 $0x9;
	_ =	strace $0x8000004B  }
0xba: {  	_ =	swait.ge [sflag:s29], $0x1  }
0xbb: {  	[sflag:s29] =	ssyncadd.s32 $0xFFFFFFFF  }
0xbc: {  	_ =	strace $0x9000004B  }
0xbd: {  	_ =	sfence  }
0xbe: {  	s30 =	sld [smem:$0x0];
	_ =	sdelay $0x2  }
0xbf: {  	s31 =	sshll.u32 s1, $0xD;
	s1 =	sshrl.u32 s1, $0x2  }
0xc0: {  	s3 =	sand.u32 $0x4000, s31;
	s1 =	sadd.s32 s1, s30  }
0xc1: {  	s0 =	sor.u32 s3, s0;
	s1 =	sshll.u32 s1, $0x11  }
0xc2: {  	s0 =	sor.u32 s1, s0  }
0xc3: {  	s0 =	sadd.s32 $0x8F2B, s0  }
0xc4: {  	[sflag:s0] =	ssyncadd.remote.s32 $0x1  }
0xc5: {  	_ =	sfence.sel $0xFFFF  }
0xc6: {  	[dreg:$0x0] =	wrdreg $0xFFFFFFFF;
	(pc) =	sbr.abs _section_cstart, $3  }
0xc7: {  	[dreg:$0x1] =	wrdreg $0xFFFFFFFF  }
0xc8: {  	_ =	task.clear_ibuf [dreg:s7], $0x2FFFF;
	_ =	strace $0x9FFFFFFF  }
0xc9: {  	(tm) =	ssettm $0x7FFFFFFF  }
tec
execute0_lowered:
.L_overlay_start_1:
0x0: {  	(tag) =	ssettag $0x1  }
0x1: {  	s0 =	rddreg [dreg:$0x0]  }
0x2: {  	s1 =	rddreg [dreg:$0x1]  }
0x3: {  	s2 =	rddreg [dreg:$0x2];
	s3 =	srdreg.scid;
	s6 =	simm.s32 $0x0  }
0x4: {  	s12 =	stileid.u32;
	s30 =	simm.s32 $0x6;
	s31 =	simm.s32 $0x7  }
0x5: {  	s3 =	sand.u32 $0x1, s3;
	[smem:$0x7FF] =	sst s6;
	s17 =	smul.u32 $0x2800, s12  }
0x6: {  	s9 =	sadd.s32 $0x21C00, s0;
	s10 =	smul.u32 $0x50000, s12;
	s11 =	sadd.s32 $0xDC00, s0  }
0x7: {  	s6 =	simm.s32 $0x80;
	s4 =	smul.u32 $0x28000, s3;
	s5 =	sshll.u32 s3, $0x4  }
0x8: {  	_ =	strace $0x8000004A;
	s3 =	ssub.s32 $0x2, s3;
	s7 =	sor.u32 s12, s5  }
0x9: {  	s5 =	sadd.s32 $0x35C00, s0;
	s18 =	sshrl.u32 s3, $0x1;
	s20 =	sshrl.u32 s10, $0x2  }
0xa: {  	s12 =	sshll.u32 s12, $0x6;
	s8 =	smul.u32 $0xA00, s7;
	s4 =	sadd.s32 s17, s4  }
0xb: {  	s7 =	smul.u32 $0x5000, s7;
	s3 =	ssub.s32 s3, s18;
	s13 =	sadd.s32 s20, s2  }
0xc: {  	[dreg:$0x7] =	wrdreg s12;
	s28 =	sor.u32 $0x1C01, s12;
	s12 =	simm.s32 $0x180  }
0xd: {  	s0 =	sadd.s32 s4, s0;
	s10 =	sadd.s32 $0x2000, s13;
	s14 =	sadd.s32 $0x6000, s13  }
0xe: {  	s15 =	sadd.s32 $0x8000, s13;
	s16 =	sadd.s32 $0xA000, s13;
	s17 =	sadd.s32 $0xC000, s13  }
0xf: {  	s18 =	sadd.s32 $0xE000, s13;
	[dreg:$0x6] =	wrdreg s13;
	s19 =	sadd.s32 s9, s8  }
0x10: {  	s21 =	sshrl.u32 s7, $0x3;
	s22 =	sadd.s32 s11, s8;
	[dreg:$0x4] =	wrdreg s19  }
0x11: {  	s0 =	sadd.s32 $0x5CE00, s0;
	[dreg:$0x5] =	wrdreg s22;
	s23 =	sadd.s32 $0x280, s21  }
0x12: {  	s25 =	sadd.s32 $0x500, s21;
	s29 =	sadd.s32 $0x780, s21;
	[dreg:$0xe] =	wrdreg s0  }
0x13: {  	s19 =	sadd.s32 $0x10000, s13;
	s0 =	sshrl.u32 s10, $0x3;
	s21 =	sshrl.u32 s14, $0x3  }
0x14: {  	s22 =	sshrl.u32 s15, $0x3;
	s10 =	simm.s32 $0x100;
	[dreg:$0x10] =	wrdreg s0  }
0x15: {  	s14 =	simm.s32 $0x1;
	s15 =	simm.s32 $0x2;
	[dreg:$0x12] =	wrdreg s21  }
0x16: {  	s24 =	sadd.s32 s9, s23;
	s4 =	sadd.s32 s11, s23;
	[dreg:$0x13] =	wrdreg s22  }
0x17: {  	s26 =	sadd.s32 s9, s25;
	s7 =	sadd.s32 s11, s25;
	[dreg:$0x8] =	wrdreg s24  }
0x18: {  	s8 =	sadd.s32 s9, s29;
	s9 =	smax.u32 s3, $0x1;
	[dreg:$0x9] =	wrdreg s4  }
0x19: {  	s23 =	sshrl.u32 s16, $0x3;
	s25 =	sshrl.u32 s18, $0x3;
	[dreg:$0xa] =	wrdreg s26  }
0x1a: {  	s3 =	simm.s32 $0x2800;
	s16 =	simm.s32 $0x3;
	[dreg:$0xb] =	wrdreg s7  }
0x1b: {  	s18 =	simm.s32 $0x5;
	s21 =	simm.s32 $0x2600;
	[dreg:$0xc] =	wrdreg s8  }
0x1c: {  	s22 =	simm.s32 $0x2700;
	s4 =	sadd.s32 s11, s29;
	[dreg:$0xf] =	wrdreg s9  }
0x1d: {  	s11 =	sadd.s32 $0x4000, s13;
	[dreg:$0x14] =	wrdreg s23;
	s24 =	sshrl.u32 s17, $0x3  }
0x1e: {  	[dreg:$0x16] =	wrdreg s25;
	s26 =	sadd.s32 $0x12000, s13;
	s29 =	sshrl.u32 s19, $0x3  }
0x1f: {  	s7 =	simm.s32 $0x4800;
	s13 =	simm.s32 $0x8800;
	s17 =	simm.s32 $0x4  }
0x20: {  	s19 =	simm.s32 $0x8;
	s9 =	simm.s32 $0x2680;
	[dreg:$0xd] =	wrdreg s4  }
0x21: {  	s23 =	simm.s32 $0x2780;
	s25 =	simm.s32 $0x0;
	[dreg:$0x15] =	wrdreg s24  }
0x22: {  	s20 =	sshrl.u32 s11, $0x3;
	[dreg:$0x17] =	wrdreg s29;
	s0 =	sshrl.u32 s26, $0x3  }
0x23: {  	s11 =	simm.s32 $0x6800;
	s24 =	simm.s32 $0xA;
	[dreg:$0x11] =	wrdreg s20  }
0x24: {  	[dreg:$0x18] =	wrdreg s0;
	s0 =	simm.s32 $0x40;
	s20 =	simm.s32 $0x9  }
.LBB2_1:
0x25: {  	s4 =	simm.s32 $0x0;
	s8 =	rddreg [dreg:$0x4]  }
0x26: {  	[tilespmem:s4], [sflag:$0x6] =	stream.linear.gather [hbm4b:s8+s4], $0x1400, $0x38;
	[tilespmem:$0x1E800] =	vst v63  }
0x27: {  	s29 =	rddreg [dreg:$0x5];
	s26 =	simm.s32 $0x1400  }
0x28: {  	[tilespmem:s26], [sflag:$0x7] =	stream.linear.gather [hbm4b:s29+s4], $0x1400, $0x38;
	[tilespmem:$0x1E800] =	vst v63  }
0x29: {  	s26 =	rddreg [dreg:$0x6]  }
0x2a: {  	s26 =	sshrl.u32 s26, $0x3  }
0x2b: {  	[spmem:s26], [sflag:s28] =	dma.local [hbm:s1], $0x400  }
0x2c: {  	s29 =	rddreg [dreg:$0x10]  }
0x2d: {  	[spmem:s29], [sflag:s28] =	dma.local [hbm:s1], $0x400  }
0x2e: {  	s8 =	rddreg [dreg:$0x11]  }
0x2f: {  	[spmem:s8], [sflag:s28] =	dma.local [hbm:s1], $0x400  }
0x30: {  	s8 =	rddreg [dreg:$0x12]  }
0x31: {  	[spmem:s8], [sflag:s28] =	dma.local [hbm:s1], $0x400  }
0x32: {  	s8 =	rddreg [dreg:$0x13]  }
0x33: {  	[spmem:s8], [sflag:s28] =	dma.local [hbm:s1], $0x400  }
0x34: {  	s8 =	rddreg [dreg:$0x14]  }
0x35: {  	[spmem:s8], [sflag:s28] =	dma.local [hbm:s1], $0x400  }
0x36: {  	s8 =	rddreg [dreg:$0x15]  }
0x37: {  	[spmem:s8], [sflag:s28] =	dma.local [hbm:s1], $0x400  }
0x38: {  	s8 =	rddreg [dreg:$0x16]  }
0x39: {  	[spmem:s8], [sflag:s28] =	dma.local [hbm:s1], $0x400  }
0x3a: {  	s8 =	rddreg [dreg:$0x17]  }
0x3b: {  	[spmem:s8], [sflag:s28] =	dma.local [hbm:s1], $0x400  }
0x3c: {  	s8 =	rddreg [dreg:$0x18]  }
0x3d: {  	[spmem:s8], [sflag:s28] =	dma.local [hbm:s1], $0x400  }
0x3e: {  	_ =	swait.ge [sflag:s30], $0x1400  }
0x3f: {  	[sflag:s30] =	ssyncset.done $0x0  }
0x40: {  	[sflag:s30] =	ssyncadd.s32 $0xFFFFEC00  }
0x41: {  	_ =	swait.ge [sflag:s31], $0x1400  }
0x42: {  	[sflag:s31] =	ssyncset.done $0x0  }
0x43: {  	[sflag:s31] =	ssyncadd.s32 $0xFFFFEC00  }
0x44: {  	[tilespmem:s3], [sflag:$0x2] =	stream.indirect.gather [hbm4b:s5+s0], $0x80, s4, s0, $0xb8;
	[tilespmem:$0x1E800] =	vst v63  }
0x45: {  	_ = 	snop  }
0x46: {  	[tilespmem:s7], [sflag:$0x3] =	stream.indirect.gather [hbm4b:s5+s0], $0x80, s6, s0, $0xb8;
	[tilespmem:$0x1E800] =	vst v63  }
0x47: {  	_ = 	snop  }
0x48: {  	[tilespmem:s11], [sflag:$0x4] =	stream.indirect.gather [hbm4b:s5+s0], $0x80, s10, s0, $0xb8;
	[tilespmem:$0x1E800] =	vst v63  }
0x49: {  	_ = 	snop  }
0x4a: {  	[tilespmem:s13], [sflag:$0x5] =	stream.indirect.gather [hbm4b:s5+s0], $0x80, s12, s0, $0xb8;
	[tilespmem:$0x1E800] =	vst v63  }
0x4b: {  	_ =	swait.ge [sflag:s14], $0x400  }
0x4c: {  	[sflag:s14] =	ssyncset.done $0x0  }
0x4d: {  	[sflag:s14] =	ssyncadd.s32 $0xFFFFFC00  }
0x4e: {  	_ =	swait.ge [sflag:s14], $0x400  }
0x4f: {  	[sflag:s14] =	ssyncset.done $0x0  }
0x50: {  	[sflag:s14] =	ssyncadd.s32 $0xFFFFFC00  }
0x51: {  	_ =	swait.ge [sflag:s14], $0x400  }
0x52: {  	[sflag:s14] =	ssyncset.done $0x0  }
0x53: {  	[sflag:s14] =	ssyncadd.s32 $0xFFFFFC00  }
0x54: {  	_ =	swait.ge [sflag:s14], $0x400  }
0x55: {  	[sflag:s14] =	ssyncset.done $0x0  }
0x56: {  	[sflag:s14] =	ssyncadd.s32 $0xFFFFFC00  }
0x57: {  	_ =	swait.ge [sflag:s14], $0x400  }
0x58: {  	[sflag:s14] =	ssyncset.done $0x0  }
0x59: {  	[sflag:s14] =	ssyncadd.s32 $0xFFFFFC00  }
0x5a: {  	_ =	swait.ge [sflag:s14], $0x400  }
0x5b: {  	[sflag:s14] =	ssyncset.done $0x0  }
0x5c: {  	[sflag:s14] =	ssyncadd.s32 $0xFFFFFC00  }
0x5d: {  	_ =	swait.ge [sflag:s14], $0x400  }
0x5e: {  	[sflag:s14] =	ssyncset.done $0x0  }
0x5f: {  	[sflag:s14] =	ssyncadd.s32 $0xFFFFFC00  }
0x60: {  	_ =	swait.ge [sflag:s14], $0x400  }
0x61: {  	[sflag:s14] =	ssyncset.done $0x0  }
0x62: {  	[sflag:s14] =	ssyncadd.s32 $0xFFFFFC00  }
0x63: {  	_ =	swait.ge [sflag:s14], $0x400  }
0x64: {  	[sflag:s14] =	ssyncset.done $0x0  }
0x65: {  	[sflag:s14] =	ssyncadd.s32 $0xFFFFFC00  }
0x66: {  	_ =	swait.ge [sflag:s14], $0x400  }
0x67: {  	[sflag:s14] =	ssyncset.done $0x0  }
0x68: {  	[sflag:s14] =	ssyncadd.s32 $0xFFFFFC00  }
0x69: {  	[bflag:$0x0] =	sbarrier.arrive $0xFFFF  }
0x6a: {  	_ =	swait.ge [sflag:s15], $0x2000  }
0x6b: {  	[sflag:s15] =	ssyncset.done $0x0  }
0x6c: {  	s29 =	simm.s32 $0x1400;
	[sflag:s15] =	ssyncadd.s32 $0xFFFFE000  }
0x6d: {  	[spmem:s2] =	stream.indirect.scatter.add.f32 [tilespmem:s3], [sflag:$0x6], $0x80, s29, s0, $0xb8;
	[tilespmem:$0x1E800] =	vst v63  }
0x6e: {  	_ =	swait.ge [sflag:s16], $0x2000  }
0x6f: {  	[sflag:s16] =	ssyncset.done $0x0  }
0x70: {  	s8 =	simm.s32 $0x1480;
	[sflag:s16] =	ssyncadd.s32 $0xFFFFE000  }
0x71: {  	[spmem:s2] =	stream.indirect.scatter.add.f32 [tilespmem:s7], [sflag:$0x7], $0x80, s8, s0, $0xb8;
	[tilespmem:$0x1E800] =	vst v63  }
0x72: {  	_ =	swait.ge [sflag:s17], $0x2000  }
0x73: {  	[sflag:s17] =	ssyncset.done $0x0  }
0x74: {  	s29 =	simm.s32 $0x1500;
	[sflag:s17] =	ssyncadd.s32 $0xFFFFE000  }
0x75: {  	[spmem:s2] =	stream.indirect.scatter.add.f32 [tilespmem:s11], [sflag:$0x8], $0x80, s29, s0, $0xb8;
	[tilespmem:$0x1E800] =	vst v63  }
0x76: {  	_ =	swait.ge [sflag:s18], $0x2000  }
0x77: {  	[sflag:s18] =	ssyncset.done $0x0  }
0x78: {  	s8 =	simm.s32 $0x1580;
	[sflag:s18] =	ssyncadd.s32 $0xFFFFE000  }
0x79: {  	[spmem:s2] =	stream.indirect.scatter.add.f32 [tilespmem:s13], [sflag:$0x9], $0x80, s8, s0, $0xb8;
	[tilespmem:$0x1E800] =	vst v63  }
0x7a: {  	_ =	swait.ge [sflag:s30], $0x2000  }
0x7b: {  	[sflag:s30] =	ssyncset.done $0x0  }
0x7c: {  	s29 =	simm.s32 $0x200;
	[sflag:s30] =	ssyncadd.s32 $0xFFFFE000  }
0x7d: {  	[tilespmem:s3], [sflag:$0x2] =	stream.indirect.gather [hbm4b:s5+s0], $0x80, s29, s0, $0xb8;
	[tilespmem:$0x1E800] =	vst v63  }
0x7e: {  	_ =	swait.ge [sflag:s31], $0x2000  }
0x7f: {  	[sflag:s31] =	ssyncset.done $0x0  }
0x80: {  	s8 =	simm.s32 $0x280;
	[sflag:s31] =	ssyncadd.s32 $0xFFFFE000  }
0x81: {  	[tilespmem:s7], [sflag:$0x3] =	stream.indirect.gather [hbm4b:s5+s0], $0x80, s8, s0, $0xb8;
	[tilespmem:$0x1E800] =	vst v63  }
0x82: {  	_ =	swait.ge [sflag:s19], $0x2000  }
0x83: {  	[sflag:s19] =	ssyncset.done $0x0  }
0x84: {  	s29 =	simm.s32 $0x300;
	[sflag:s19] =	ssyncadd.s32 $0xFFFFE000  }
0x85: {  	[tilespmem:s11], [sflag:$0x4] =	stream.indirect.gather [hbm4b:s5+s0], $0x80, s29, s0, $0xb8;
	[tilespmem:$0x1E800] =	vst v63  }
0x86: {  	_ =	swait.ge [sflag:s20], $0x2000  }
0x87: {  	[sflag:s20] =	ssyncset.done $0x0  }
0x88: {  	s4 =	simm.s32 $0x380;
	s8 =	simm.s32 $0x800;
	[sflag:s20] =	ssyncadd.s32 $0xFFFFE000  }
.LBB2_2:
0x89: {  	[tilespmem:s13], [sflag:$0x5] =	stream.indirect.gather [hbm4b:s5+s0], $0x80, s4, s0, $0xb8;
	[tilespmem:$0x1E800] =	vst v63  }
0x8a: {  	s4 =	smov.u32 s8  }
0x8b: {  	p0 =	sne.s32 s8, $0x4000;
	s8 =	sadd.s32 $0x800, s8;
	_ =	swait.ge [sflag:s15], $0x2000  }
0x8c: {  	s4 =	sshra.s32 s4, $0x2;
	[sflag:s15] =	ssyncset.done $0x0  }
0x8d: {  	s29 =	sadd.s32 $0x1400, s4;
	[sflag:s15] =	ssyncadd.s32 $0xFFFFE000  }
0x8e: {  	[spmem:s2] =	stream.indirect.scatter.add.f32 [tilespmem:s3], [sflag:$0x6], $0x80, s29, s0, $0xb8;
	[tilespmem:$0x1E800] =	vst v63  }
0x8f: {  	_ =	swait.ge [sflag:s16], $0x2000  }
0x90: {  	[sflag:s16] =	ssyncset.done $0x0  }
0x91: {  	s29 =	sadd.s32 $0x1480, s4;
	[sflag:s16] =	ssyncadd.s32 $0xFFFFE000  }
0x92: {  	[spmem:s2] =	stream.indirect.scatter.add.f32 [tilespmem:s7], [sflag:$0x7], $0x80, s29, s0, $0xb8;
	[tilespmem:$0x1E800] =	vst v63  }
0x93: {  	_ =	swait.ge [sflag:s17], $0x2000  }
0x94: {  	[sflag:s17] =	ssyncset.done $0x0  }
0x95: {  	s29 =	sadd.s32 $0x1500, s4;
	[sflag:s17] =	ssyncadd.s32 $0xFFFFE000  }
0x96: {  	[spmem:s2] =	stream.indirect.scatter.add.f32 [tilespmem:s11], [sflag:$0x8], $0x80, s29, s0, $0xb8;
	[tilespmem:$0x1E800] =	vst v63  }
0x97: {  	_ =	swait.ge [sflag:s18], $0x2000  }
0x98: {  	[sflag:s18] =	ssyncset.done $0x0  }
0x99: {  	s29 =	sadd.s32 $0x1580, s4;
	[sflag:s18] =	ssyncadd.s32 $0xFFFFE000  }
0x9a: {  	[spmem:s2] =	stream.indirect.scatter.add.f32 [tilespmem:s13], [sflag:$0x9], $0x80, s29, s0, $0xb8;
	[tilespmem:$0x1E800] =	vst v63  }
0x9b: {  	_ =	swait.ge [sflag:s30], $0x2000  }
0x9c: {  	[sflag:s30] =	ssyncset.done $0x0  }
0x9d: {  	s29 =	sadd.s32 $0x200, s4;
	[sflag:s30] =	ssyncadd.s32 $0xFFFFE000  }
0x9e: {  	[tilespmem:s3], [sflag:$0x2] =	stream.indirect.gather [hbm4b:s5+s0], $0x80, s29, s0, $0xb8;
	[tilespmem:$0x1E800] =	vst v63  }
0x9f: {  	_ =	swait.ge [sflag:s31], $0x2000  }
0xa0: {  	[sflag:s31] =	ssyncset.done $0x0  }
0xa1: {  	s29 =	sadd.s32 $0x280, s4;
	[sflag:s31] =	ssyncadd.s32 $0xFFFFE000  }
0xa2: {  	[tilespmem:s7], [sflag:$0x3] =	stream.indirect.gather [hbm4b:s5+s0], $0x80, s29, s0, $0xb8;
	[tilespmem:$0x1E800] =	vst v63  }
0xa3: {  	_ =	swait.ge [sflag:s19], $0x2000  }
0xa4: {  	[sflag:s19] =	ssyncset.done $0x0  }
.Ltmp0:
0xa5: {  	s29 =	sadd.s32 $0x300, s4;
	[sflag:s19] =	ssyncadd.s32 $0xFFFFE000;
	(pc) =	sbr.rel @p0 .LBB2_2-.Ltmp0, $4  }
0xa6: {  	[tilespmem:s11], [sflag:$0x4] =	stream.indirect.gather [hbm4b:s5+s0], $0x80, s29, s0, $0xb8;
	[tilespmem:$0x1E800] =	vst v63  }
0xa7: {  	_ =	swait.ge [sflag:s20], $0x2000  }
0xa8: {  	[sflag:s20] =	ssyncset.done $0x0  }
0xa9: {  	s4 =	sadd.s32 $0x380, s4;
	[sflag:s20] =	ssyncadd.s32 $0xFFFFE000  }
0xaa: {  	[tilespmem:s13], [sflag:$0x5] =	stream.indirect.gather [hbm4b:s5+s0], $0x80, s4, s0, $0xb8;
	[tilespmem:$0x1E800] =	vst v63  }
0xab: {  	_ =	swait.ge [sflag:s15], $0x2000  }
0xac: {  	[sflag:s15] =	ssyncset.done $0x0  }
0xad: {  	[sflag:s15] =	ssyncadd.s32 $0xFFFFE000  }
0xae: {  	[spmem:s2] =	stream.indirect.scatter.add.f32 [tilespmem:s3], [sflag:$0x6], $0x80, s21, s0, $0xb8;
	[tilespmem:$0x1E800] =	vst v63  }
0xaf: {  	_ =	swait.ge [sflag:s16], $0x2000  }
0xb0: {  	[sflag:s16] =	ssyncset.done $0x0  }
0xb1: {  	[sflag:s16] =	ssyncadd.s32 $0xFFFFE000  }
0xb2: {  	[spmem:s2] =	stream.indirect.scatter.add.f32 [tilespmem:s7], [sflag:$0x7], $0x80, s9, s0, $0xb8;
	[tilespmem:$0x1E800] =	vst v63  }
0xb3: {  	_ =	swait.ge [sflag:s17], $0x2000  }
0xb4: {  	[sflag:s17] =	ssyncset.done $0x0  }
0xb5: {  	[sflag:s17] =	ssyncadd.s32 $0xFFFFE000  }
0xb6: {  	[spmem:s2] =	stream.indirect.scatter.add.f32 [tilespmem:s11], [sflag:$0x8], $0x80, s22, s0, $0xb8;
	[tilespmem:$0x1E800] =	vst v63  }
0xb7: {  	_ =	swait.ge [sflag:s18], $0x2000  }
0xb8: {  	[sflag:s18] =	ssyncset.done $0x0  }
0xb9: {  	[sflag:s18] =	ssyncadd.s32 $0xFFFFE000  }
0xba: {  	[spmem:s2] =	stream.indirect.scatter.add.f32 [tilespmem:s13], [sflag:$0x9], $0x80, s23, s0, $0xb8;
	[tilespmem:$0x1E800] =	vst v63  }
0xbb: {  	_ =	swait.ge [sflag:s30], $0x2000  }
0xbc: {  	[sflag:s30] =	ssyncset.done $0x0  }
0xbd: {  	[sflag:s30] =	ssyncadd.s32 $0xFFFFE000  }
0xbe: {  	_ =	swait.ge [sflag:s31], $0x2000  }
0xbf: {  	[sflag:s31] =	ssyncset.done $0x0  }
0xc0: {  	[sflag:s31] =	ssyncadd.s32 $0xFFFFE000  }
0xc1: {  	_ =	swait.ge [sflag:s19], $0x2000  }
0xc2: {  	[sflag:s19] =	ssyncset.done $0x0  }
0xc3: {  	[sflag:s19] =	ssyncadd.s32 $0xFFFFE000  }
0xc4: {  	_ =	swait.ge [sflag:s20], $0x2000  }
0xc5: {  	[sflag:s20] =	ssyncset.done $0x0  }
0xc6: {  	s4 =	simm.s32 $0x0;
	s8 =	rddreg [dreg:$0x8];
	[sflag:s20] =	ssyncadd.s32 $0xFFFFE000  }
0xc7: {  	[tilespmem:s4], [sflag:$0xA] =	stream.linear.gather [hbm4b:s8+s4], $0x1400, $0x38;
	[tilespmem:$0x1E800] =	vst v63  }
0xc8: {  	_ =	swait.ge [sflag:s24], $0x1400  }
0xc9: {  	[sflag:s24] =	ssyncset.done $0x0  }
0xca: {  	s29 =	simm.s32 $0x1400;
	s8 =	rddreg [dreg:$0x9];
	[sflag:s24] =	ssyncadd.s32 $0xFFFFEC00  }
0xcb: {  	[tilespmem:s29], [sflag:$0xA] =	stream.linear.gather [hbm4b:s8+s4], $0x1400, $0x38;
	[tilespmem:$0x1E800] =	vst v63  }
0xcc: {  	_ =	swait.ge [sflag:s24], $0x1400  }
0xcd: {  	[sflag:s24] =	ssyncset.done $0x0  }
0xce: {  	[sflag:s24] =	ssyncadd.s32 $0xFFFFEC00  }
0xcf: {  	[tilespmem:s3], [sflag:$0x2] =	stream.indirect.gather [hbm4b:s5+s0], $0x80, s4, s0, $0xb8;
	[tilespmem:$0x1E800] =	vst v63  }
0xd0: {  	_ = 	snop  }
0xd1: {  	[tilespmem:s7], [sflag:$0x3] =	stream.indirect.gather [hbm4b:s5+s0], $0x80, s6, s0, $0xb8;
	[tilespmem:$0x1E800] =	vst v63  }
0xd2: {  	_ = 	snop  }
0xd3: {  	[tilespmem:s11], [sflag:$0x4] =	stream.indirect.gather [hbm4b:s5+s0], $0x80, s10, s0, $0xb8;
	[tilespmem:$0x1E800] =	vst v63  }
0xd4: {  	_ = 	snop  }
0xd5: {  	[tilespmem:s13], [sflag:$0x5] =	stream.indirect.gather [hbm4b:s5+s0], $0x80, s12, s0, $0xb8;
	[tilespmem:$0x1E800] =	vst v63  }
0xd6: {  	_ =	swait.ge [sflag:s15], $0x2000  }
0xd7: {  	[sflag:s15] =	ssyncset.done $0x0  }
0xd8: {  	s29 =	simm.s32 $0x1400;
	[sflag:s15] =	ssyncadd.s32 $0xFFFFE000  }
0xd9: {  	[spmem:s2] =	stream.indirect.scatter.add.f32 [tilespmem:s3], [sflag:$0x6], $0x80, s29, s0, $0xb8;
	[tilespmem:$0x1E800] =	vst v63  }
0xda: {  	_ =	swait.ge [sflag:s16], $0x2000  }
0xdb: {  	[sflag:s16] =	ssyncset.done $0x0  }
0xdc: {  	s8 =	simm.s32 $0x1480;
	[sflag:s16] =	ssyncadd.s32 $0xFFFFE000  }
0xdd: {  	[spmem:s2] =	stream.indirect.scatter.add.f32 [tilespmem:s7], [sflag:$0x7], $0x80, s8, s0, $0xb8;
	[tilespmem:$0x1E800] =	vst v63  }
0xde: {  	_ =	swait.ge [sflag:s17], $0x2000  }
0xdf: {  	[sflag:s17] =	ssyncset.done $0x0  }
0xe0: {  	s29 =	simm.s32 $0x1500;
	[sflag:s17] =	ssyncadd.s32 $0xFFFFE000  }
0xe1: {  	[spmem:s2] =	stream.indirect.scatter.add.f32 [tilespmem:s11], [sflag:$0x8], $0x80, s29, s0, $0xb8;
	[tilespmem:$0x1E800] =	vst v63  }
0xe2: {  	_ =	swait.ge [sflag:s18], $0x2000  }
0xe3: {  	[sflag:s18] =	ssyncset.done $0x0  }
0xe4: {  	s8 =	simm.s32 $0x1580;
	[sflag:s18] =	ssyncadd.s32 $0xFFFFE000  }
0xe5: {  	[spmem:s2] =	stream.indirect.scatter.add.f32 [tilespmem:s13], [sflag:$0x9], $0x80, s8, s0, $0xb8;
	[tilespmem:$0x1E800] =	vst v63  }
0xe6: {  	_ =	swait.ge [sflag:s30], $0x2000  }
0xe7: {  	[sflag:s30] =	ssyncset.done $0x0  }
0xe8: {  	s29 =	simm.s32 $0x200;
	[sflag:s30] =	ssyncadd.s32 $0xFFFFE000  }
0xe9: {  	[tilespmem:s3], [sflag:$0x2] =	stream.indirect.gather [hbm4b:s5+s0], $0x80, s29, s0, $0xb8;
	[tilespmem:$0x1E800] =	vst v63  }
0xea: {  	_ =	swait.ge [sflag:s31], $0x2000  }
0xeb: {  	[sflag:s31] =	ssyncset.done $0x0  }
0xec: {  	s8 =	simm.s32 $0x280;
	[sflag:s31] =	ssyncadd.s32 $0xFFFFE000  }
0xed: {  	[tilespmem:s7], [sflag:$0x3] =	stream.indirect.gather [hbm4b:s5+s0], $0x80, s8, s0, $0xb8;
	[tilespmem:$0x1E800] =	vst v63  }
0xee: {  	_ =	swait.ge [sflag:s19], $0x2000  }
0xef: {  	[sflag:s19] =	ssyncset.done $0x0  }
0xf0: {  	s29 =	simm.s32 $0x300;
	[sflag:s19] =	ssyncadd.s32 $0xFFFFE000  }
0xf1: {  	[tilespmem:s11], [sflag:$0x4] =	stream.indirect.gather [hbm4b:s5+s0], $0x80, s29, s0, $0xb8;
	[tilespmem:$0x1E800] =	vst v63  }
0xf2: {  	_ =	swait.ge [sflag:s20], $0x2000  }
0xf3: {  	[sflag:s20] =	ssyncset.done $0x0  }
0xf4: {  	s4 =	simm.s32 $0x380;
	s8 =	simm.s32 $0x800;
	[sflag:s20] =	ssyncadd.s32 $0xFFFFE000  }
.LBB2_4:
0xf5: {  	[tilespmem:s13], [sflag:$0x5] =	stream.indirect.gather [hbm4b:s5+s0], $0x80, s4, s0, $0xb8;
	[tilespmem:$0x1E800] =	vst v63  }
0xf6: {  	s4 =	smov.u32 s8  }
0xf7: {  	p0 =	sne.s32 s8, $0x4000;
	s8 =	sadd.s32 $0x800, s8;
	_ =	swait.ge [sflag:s15], $0x2000  }
0xf8: {  	s4 =	sshra.s32 s4, $0x2;
	[sflag:s15] =	ssyncset.done $0x0  }
0xf9: {  	s29 =	sadd.s32 $0x1400, s4;
	[sflag:s15] =	ssyncadd.s32 $0xFFFFE000  }
0xfa: {  	[spmem:s2] =	stream.indirect.scatter.add.f32 [tilespmem:s3], [sflag:$0x6], $0x80, s29, s0, $0xb8;
	[tilespmem:$0x1E800] =	vst v63  }
0xfb: {  	_ =	swait.ge [sflag:s16], $0x2000  }
0xfc: {  	[sflag:s16] =	ssyncset.done $0x0  }
0xfd: {  	s29 =	sadd.s32 $0x1480, s4;
	[sflag:s16] =	ssyncadd.s32 $0xFFFFE000  }
0xfe: {  	[spmem:s2] =	stream.indirect.scatter.add.f32 [tilespmem:s7], [sflag:$0x7], $0x80, s29, s0, $0xb8;
	[tilespmem:$0x1E800] =	vst v63  }
0xff: {  	_ =	swait.ge [sflag:s17], $0x2000  }
0x100: {  	[sflag:s17] =	ssyncset.done $0x0  }
0x101: {  	s29 =	sadd.s32 $0x1500, s4;
	[sflag:s17] =	ssyncadd.s32 $0xFFFFE000  }
0x102: {  	[spmem:s2] =	stream.indirect.scatter.add.f32 [tilespmem:s11], [sflag:$0x8], $0x80, s29, s0, $0xb8;
	[tilespmem:$0x1E800] =	vst v63  }
0x103: {  	_ =	swait.ge [sflag:s18], $0x2000  }
0x104: {  	[sflag:s18] =	ssyncset.done $0x0  }
0x105: {  	s29 =	sadd.s32 $0x1580, s4;
	[sflag:s18] =	ssyncadd.s32 $0xFFFFE000  }
0x106: {  	[spmem:s2] =	stream.indirect.scatter.add.f32 [tilespmem:s13], [sflag:$0x9], $0x80, s29, s0, $0xb8;
	[tilespmem:$0x1E800] =	vst v63  }
0x107: {  	_ =	swait.ge [sflag:s30], $0x2000  }
0x108: {  	[sflag:s30] =	ssyncset.done $0x0  }
0x109: {  	s29 =	sadd.s32 $0x200, s4;
	[sflag:s30] =	ssyncadd.s32 $0xFFFFE000  }
0x10a: {  	[tilespmem:s3], [sflag:$0x2] =	stream.indirect.gather [hbm4b:s5+s0], $0x80, s29, s0, $0xb8;
	[tilespmem:$0x1E800] =	vst v63  }
0x10b: {  	_ =	swait.ge [sflag:s31], $0x2000  }
0x10c: {  	[sflag:s31] =	ssyncset.done $0x0  }
0x10d: {  	s29 =	sadd.s32 $0x280, s4;
	[sflag:s31] =	ssyncadd.s32 $0xFFFFE000  }
0x10e: {  	[tilespmem:s7], [sflag:$0x3] =	stream.indirect.gather [hbm4b:s5+s0], $0x80, s29, s0, $0xb8;
	[tilespmem:$0x1E800] =	vst v63  }
0x10f: {  	_ =	swait.ge [sflag:s19], $0x2000  }
0x110: {  	[sflag:s19] =	ssyncset.done $0x0  }
.Ltmp1:
0x111: {  	s29 =	sadd.s32 $0x300, s4;
	[sflag:s19] =	ssyncadd.s32 $0xFFFFE000;
	(pc) =	sbr.rel @p0 .LBB2_4-.Ltmp1, $4  }
0x112: {  	[tilespmem:s11], [sflag:$0x4] =	stream.indirect.gather [hbm4b:s5+s0], $0x80, s29, s0, $0xb8;
	[tilespmem:$0x1E800] =	vst v63  }
0x113: {  	_ =	swait.ge [sflag:s20], $0x2000  }
0x114: {  	[sflag:s20] =	ssyncset.done $0x0  }
0x115: {  	s4 =	sadd.s32 $0x380, s4;
	[sflag:s20] =	ssyncadd.s32 $0xFFFFE000  }
0x116: {  	[tilespmem:s13], [sflag:$0x5] =	stream.indirect.gather [hbm4b:s5+s0], $0x80, s4, s0, $0xb8;
	[tilespmem:$0x1E800] =	vst v63  }
0x117: {  	_ =	swait.ge [sflag:s15], $0x2000  }
0x118: {  	[sflag:s15] =	ssyncset.done $0x0  }
0x119: {  	[sflag:s15] =	ssyncadd.s32 $0xFFFFE000  }
0x11a: {  	[spmem:s2] =	stream.indirect.scatter.add.f32 [tilespmem:s3], [sflag:$0x6], $0x80, s21, s0, $0xb8;
	[tilespmem:$0x1E800] =	vst v63  }
0x11b: {  	_ =	swait.ge [sflag:s16], $0x2000  }
0x11c: {  	[sflag:s16] =	ssyncset.done $0x0  }
0x11d: {  	[sflag:s16] =	ssyncadd.s32 $0xFFFFE000  }
0x11e: {  	[spmem:s2] =	stream.indirect.scatter.add.f32 [tilespmem:s7], [sflag:$0x7], $0x80, s9, s0, $0xb8;
	[tilespmem:$0x1E800] =	vst v63  }
0x11f: {  	_ =	swait.ge [sflag:s17], $0x2000  }
0x120: {  	[sflag:s17] =	ssyncset.done $0x0  }
0x121: {  	[sflag:s17] =	ssyncadd.s32 $0xFFFFE000  }
0x122: {  	[spmem:s2] =	stream.indirect.scatter.add.f32 [tilespmem:s11], [sflag:$0x8], $0x80, s22, s0, $0xb8;
	[tilespmem:$0x1E800] =	vst v63  }
0x123: {  	_ =	swait.ge [sflag:s18], $0x2000  }
0x124: {  	[sflag:s18] =	ssyncset.done $0x0  }
0x125: {  	[sflag:s18] =	ssyncadd.s32 $0xFFFFE000  }
0x126: {  	[spmem:s2] =	stream.indirect.scatter.add.f32 [tilespmem:s13], [sflag:$0x9], $0x80, s23, s0, $0xb8;
	[tilespmem:$0x1E800] =	vst v63  }
0x127: {  	_ =	swait.ge [sflag:s30], $0x2000  }
0x128: {  	[sflag:s30] =	ssyncset.done $0x0  }
0x129: {  	[sflag:s30] =	ssyncadd.s32 $0xFFFFE000  }
0x12a: {  	_ =	swait.ge [sflag:s31], $0x2000  }
0x12b: {  	[sflag:s31] =	ssyncset.done $0x0  }
0x12c: {  	[sflag:s31] =	ssyncadd.s32 $0xFFFFE000  }
0x12d: {  	_ =	swait.ge [sflag:s19], $0x2000  }
0x12e: {  	[sflag:s19] =	ssyncset.done $0x0  }
0x12f: {  	[sflag:s19] =	ssyncadd.s32 $0xFFFFE000  }
0x130: {  	_ =	swait.ge [sflag:s20], $0x2000  }
0x131: {  	[sflag:s20] =	ssyncset.done $0x0  }
0x132: {  	s4 =	simm.s32 $0x0;
	s8 =	rddreg [dreg:$0xa];
	[sflag:s20] =	ssyncadd.s32 $0xFFFFE000  }
0x133: {  	[tilespmem:s4], [sflag:$0xA] =	stream.linear.gather [hbm4b:s8+s4], $0x1400, $0x38;
	[tilespmem:$0x1E800] =	vst v63  }
0x134: {  	_ =	swait.ge [sflag:s24], $0x1400  }
0x135: {  	[sflag:s24] =	ssyncset.done $0x0  }
0x136: {  	s29 =	simm.s32 $0x1400;
	s8 =	rddreg [dreg:$0xb];
	[sflag:s24] =	ssyncadd.s32 $0xFFFFEC00  }
0x137: {  	[tilespmem:s29], [sflag:$0xA] =	stream.linear.gather [hbm4b:s8+s4], $0x1400, $0x38;
	[tilespmem:$0x1E800] =	vst v63  }
0x138: {  	_ =	swait.ge [sflag:s24], $0x1400  }
0x139: {  	[sflag:s24] =	ssyncset.done $0x0  }
0x13a: {  	[sflag:s24] =	ssyncadd.s32 $0xFFFFEC00  }
0x13b: {  	[tilespmem:s3], [sflag:$0x2] =	stream.indirect.gather [hbm4b:s5+s0], $0x80, s4, s0, $0xb8;
	[tilespmem:$0x1E800] =	vst v63  }
0x13c: {  	_ = 	snop  }
0x13d: {  	[tilespmem:s7], [sflag:$0x3] =	stream.indirect.gather [hbm4b:s5+s0], $0x80, s6, s0, $0xb8;
	[tilespmem:$0x1E800] =	vst v63  }
0x13e: {  	_ = 	snop  }
0x13f: {  	[tilespmem:s11], [sflag:$0x4] =	stream.indirect.gather [hbm4b:s5+s0], $0x80, s10, s0, $0xb8;
	[tilespmem:$0x1E800] =	vst v63  }
0x140: {  	_ = 	snop  }
0x141: {  	[tilespmem:s13], [sflag:$0x5] =	stream.indirect.gather [hbm4b:s5+s0], $0x80, s12, s0, $0xb8;
	[tilespmem:$0x1E800] =	vst v63  }
0x142: {  	_ =	swait.ge [sflag:s15], $0x2000  }
0x143: {  	[sflag:s15] =	ssyncset.done $0x0  }
0x144: {  	s29 =	simm.s32 $0x1400;
	[sflag:s15] =	ssyncadd.s32 $0xFFFFE000  }
0x145: {  	[spmem:s2] =	stream.indirect.scatter.add.f32 [tilespmem:s3], [sflag:$0x6], $0x80, s29, s0, $0xb8;
	[tilespmem:$0x1E800] =	vst v63  }
0x146: {  	_ =	swait.ge [sflag:s16], $0x2000  }
0x147: {  	[sflag:s16] =	ssyncset.done $0x0  }
0x148: {  	s8 =	simm.s32 $0x1480;
	[sflag:s16] =	ssyncadd.s32 $0xFFFFE000  }
0x149: {  	[spmem:s2] =	stream.indirect.scatter.add.f32 [tilespmem:s7], [sflag:$0x7], $0x80, s8, s0, $0xb8;
	[tilespmem:$0x1E800] =	vst v63  }
0x14a: {  	_ =	swait.ge [sflag:s17], $0x2000  }
0x14b: {  	[sflag:s17] =	ssyncset.done $0x0  }
0x14c: {  	s29 =	simm.s32 $0x1500;
	[sflag:s17] =	ssyncadd.s32 $0xFFFFE000  }
0x14d: {  	[spmem:s2] =	stream.indirect.scatter.add.f32 [tilespmem:s11], [sflag:$0x8], $0x80, s29, s0, $0xb8;
	[tilespmem:$0x1E800] =	vst v63  }
0x14e: {  	_ =	swait.ge [sflag:s18], $0x2000  }
0x14f: {  	[sflag:s18] =	ssyncset.done $0x0  }
0x150: {  	s8 =	simm.s32 $0x1580;
	[sflag:s18] =	ssyncadd.s32 $0xFFFFE000  }
0x151: {  	[spmem:s2] =	stream.indirect.scatter.add.f32 [tilespmem:s13], [sflag:$0x9], $0x80, s8, s0, $0xb8;
	[tilespmem:$0x1E800] =	vst v63  }
0x152: {  	_ =	swait.ge [sflag:s30], $0x2000  }
0x153: {  	[sflag:s30] =	ssyncset.done $0x0  }
0x154: {  	s29 =	simm.s32 $0x200;
	[sflag:s30] =	ssyncadd.s32 $0xFFFFE000  }
0x155: {  	[tilespmem:s3], [sflag:$0x2] =	stream.indirect.gather [hbm4b:s5+s0], $0x80, s29, s0, $0xb8;
	[tilespmem:$0x1E800] =	vst v63  }
0x156: {  	_ =	swait.ge [sflag:s31], $0x2000  }
0x157: {  	[sflag:s31] =	ssyncset.done $0x0  }
0x158: {  	s8 =	simm.s32 $0x280;
	[sflag:s31] =	ssyncadd.s32 $0xFFFFE000  }
0x159: {  	[tilespmem:s7], [sflag:$0x3] =	stream.indirect.gather [hbm4b:s5+s0], $0x80, s8, s0, $0xb8;
	[tilespmem:$0x1E800] =	vst v63  }
0x15a: {  	_ =	swait.ge [sflag:s19], $0x2000  }
0x15b: {  	[sflag:s19] =	ssyncset.done $0x0  }
0x15c: {  	s29 =	simm.s32 $0x300;
	[sflag:s19] =	ssyncadd.s32 $0xFFFFE000  }
0x15d: {  	[tilespmem:s11], [sflag:$0x4] =	stream.indirect.gather [hbm4b:s5+s0], $0x80, s29, s0, $0xb8;
	[tilespmem:$0x1E800] =	vst v63  }
0x15e: {  	_ =	swait.ge [sflag:s20], $0x2000  }
0x15f: {  	[sflag:s20] =	ssyncset.done $0x0  }
0x160: {  	s4 =	simm.s32 $0x380;
	s8 =	simm.s32 $0x800;
	[sflag:s20] =	ssyncadd.s32 $0xFFFFE000  }
.LBB2_6:
0x161: {  	[tilespmem:s13], [sflag:$0x5] =	stream.indirect.gather [hbm4b:s5+s0], $0x80, s4, s0, $0xb8;
	[tilespmem:$0x1E800] =	vst v63  }
0x162: {  	s4 =	smov.u32 s8  }
0x163: {  	p0 =	sne.s32 s8, $0x4000;
	s8 =	sadd.s32 $0x800, s8;
	_ =	swait.ge [sflag:s15], $0x2000  }
0x164: {  	s4 =	sshra.s32 s4, $0x2;
	[sflag:s15] =	ssyncset.done $0x0  }
0x165: {  	s29 =	sadd.s32 $0x1400, s4;
	[sflag:s15] =	ssyncadd.s32 $0xFFFFE000  }
0x166: {  	[spmem:s2] =	stream.indirect.scatter.add.f32 [tilespmem:s3], [sflag:$0x6], $0x80, s29, s0, $0xb8;
	[tilespmem:$0x1E800] =	vst v63  }
0x167: {  	_ =	swait.ge [sflag:s16], $0x2000  }
0x168: {  	[sflag:s16] =	ssyncset.done $0x0  }
0x169: {  	s29 =	sadd.s32 $0x1480, s4;
	[sflag:s16] =	ssyncadd.s32 $0xFFFFE000  }
0x16a: {  	[spmem:s2] =	stream.indirect.scatter.add.f32 [tilespmem:s7], [sflag:$0x7], $0x80, s29, s0, $0xb8;
	[tilespmem:$0x1E800] =	vst v63  }
0x16b: {  	_ =	swait.ge [sflag:s17], $0x2000  }
0x16c: {  	[sflag:s17] =	ssyncset.done $0x0  }
0x16d: {  	s29 =	sadd.s32 $0x1500, s4;
	[sflag:s17] =	ssyncadd.s32 $0xFFFFE000  }
0x16e: {  	[spmem:s2] =	stream.indirect.scatter.add.f32 [tilespmem:s11], [sflag:$0x8], $0x80, s29, s0, $0xb8;
	[tilespmem:$0x1E800] =	vst v63  }
0x16f: {  	_ =	swait.ge [sflag:s18], $0x2000  }
0x170: {  	[sflag:s18] =	ssyncset.done $0x0  }
0x171: {  	s29 =	sadd.s32 $0x1580, s4;
	[sflag:s18] =	ssyncadd.s32 $0xFFFFE000  }
0x172: {  	[spmem:s2] =	stream.indirect.scatter.add.f32 [tilespmem:s13], [sflag:$0x9], $0x80, s29, s0, $0xb8;
	[tilespmem:$0x1E800] =	vst v63  }
0x173: {  	_ =	swait.ge [sflag:s30], $0x2000  }
0x174: {  	[sflag:s30] =	ssyncset.done $0x0  }
0x175: {  	s29 =	sadd.s32 $0x200, s4;
	[sflag:s30] =	ssyncadd.s32 $0xFFFFE000  }
0x176: {  	[tilespmem:s3], [sflag:$0x2] =	stream.indirect.gather [hbm4b:s5+s0], $0x80, s29, s0, $0xb8;
	[tilespmem:$0x1E800] =	vst v63  }
0x177: {  	_ =	swait.ge [sflag:s31], $0x2000  }
0x178: {  	[sflag:s31] =	ssyncset.done $0x0  }
0x179: {  	s29 =	sadd.s32 $0x280, s4;
	[sflag:s31] =	ssyncadd.s32 $0xFFFFE000  }
0x17a: {  	[tilespmem:s7], [sflag:$0x3] =	stream.indirect.gather [hbm4b:s5+s0], $0x80, s29, s0, $0xb8;
	[tilespmem:$0x1E800] =	vst v63  }
0x17b: {  	_ =	swait.ge [sflag:s19], $0x2000  }
0x17c: {  	[sflag:s19] =	ssyncset.done $0x0  }
.Ltmp2:
0x17d: {  	s29 =	sadd.s32 $0x300, s4;
	[sflag:s19] =	ssyncadd.s32 $0xFFFFE000;
	(pc) =	sbr.rel @p0 .LBB2_6-.Ltmp2, $4  }
0x17e: {  	[tilespmem:s11], [sflag:$0x4] =	stream.indirect.gather [hbm4b:s5+s0], $0x80, s29, s0, $0xb8;
	[tilespmem:$0x1E800] =	vst v63  }
0x17f: {  	_ =	swait.ge [sflag:s20], $0x2000  }
0x180: {  	[sflag:s20] =	ssyncset.done $0x0  }
0x181: {  	s4 =	sadd.s32 $0x380, s4;
	[sflag:s20] =	ssyncadd.s32 $0xFFFFE000  }
0x182: {  	[tilespmem:s13], [sflag:$0x5] =	stream.indirect.gather [hbm4b:s5+s0], $0x80, s4, s0, $0xb8;
	[tilespmem:$0x1E800] =	vst v63  }
0x183: {  	_ =	swait.ge [sflag:s15], $0x2000  }
0x184: {  	[sflag:s15] =	ssyncset.done $0x0  }
0x185: {  	[sflag:s15] =	ssyncadd.s32 $0xFFFFE000  }
0x186: {  	[spmem:s2] =	stream.indirect.scatter.add.f32 [tilespmem:s3], [sflag:$0x6], $0x80, s21, s0, $0xb8;
	[tilespmem:$0x1E800] =	vst v63  }
0x187: {  	_ =	swait.ge [sflag:s16], $0x2000  }
0x188: {  	[sflag:s16] =	ssyncset.done $0x0  }
0x189: {  	[sflag:s16] =	ssyncadd.s32 $0xFFFFE000  }
0x18a: {  	[spmem:s2] =	stream.indirect.scatter.add.f32 [tilespmem:s7], [sflag:$0x7], $0x80, s9, s0, $0xb8;
	[tilespmem:$0x1E800] =	vst v63  }
0x18b: {  	_ =	swait.ge [sflag:s17], $0x2000  }
0x18c: {  	[sflag:s17] =	ssyncset.done $0x0  }
0x18d: {  	[sflag:s17] =	ssyncadd.s32 $0xFFFFE000  }
0x18e: {  	[spmem:s2] =	stream.indirect.scatter.add.f32 [tilespmem:s11], [sflag:$0x8], $0x80, s22, s0, $0xb8;
	[tilespmem:$0x1E800] =	vst v63  }
0x18f: {  	_ =	swait.ge [sflag:s18], $0x2000  }
0x190: {  	[sflag:s18] =	ssyncset.done $0x0  }
0x191: {  	[sflag:s18] =	ssyncadd.s32 $0xFFFFE000  }
0x192: {  	[spmem:s2] =	stream.indirect.scatter.add.f32 [tilespmem:s13], [sflag:$0x9], $0x80, s23, s0, $0xb8;
	[tilespmem:$0x1E800] =	vst v63  }
0x193: {  	_ =	swait.ge [sflag:s30], $0x2000  }
0x194: {  	[sflag:s30] =	ssyncset.done $0x0  }
0x195: {  	[sflag:s30] =	ssyncadd.s32 $0xFFFFE000  }
0x196: {  	_ =	swait.ge [sflag:s31], $0x2000  }
0x197: {  	[sflag:s31] =	ssyncset.done $0x0  }
0x198: {  	[sflag:s31] =	ssyncadd.s32 $0xFFFFE000  }
0x199: {  	_ =	swait.ge [sflag:s19], $0x2000  }
0x19a: {  	[sflag:s19] =	ssyncset.done $0x0  }
0x19b: {  	[sflag:s19] =	ssyncadd.s32 $0xFFFFE000  }
0x19c: {  	_ =	swait.ge [sflag:s20], $0x2000  }
0x19d: {  	[sflag:s20] =	ssyncset.done $0x0  }
0x19e: {  	s4 =	simm.s32 $0x0;
	s8 =	rddreg [dreg:$0xc];
	[sflag:s20] =	ssyncadd.s32 $0xFFFFE000  }
0x19f: {  	[tilespmem:s4], [sflag:$0xA] =	stream.linear.gather [hbm4b:s8+s4], $0x1400, $0x38;
	[tilespmem:$0x1E800] =	vst v63  }
0x1a0: {  	_ =	swait.ge [sflag:s24], $0x1400  }
0x1a1: {  	[sflag:s24] =	ssyncset.done $0x0  }
0x1a2: {  	s29 =	simm.s32 $0x1400;
	s8 =	rddreg [dreg:$0xd];
	[sflag:s24] =	ssyncadd.s32 $0xFFFFEC00  }
0x1a3: {  	[tilespmem:s29], [sflag:$0xA] =	stream.linear.gather [hbm4b:s8+s4], $0x1400, $0x38;
	[tilespmem:$0x1E800] =	vst v63  }
0x1a4: {  	_ =	swait.ge [sflag:s24], $0x1400  }
0x1a5: {  	[sflag:s24] =	ssyncset.done $0x0  }
0x1a6: {  	[sflag:s24] =	ssyncadd.s32 $0xFFFFEC00  }
0x1a7: {  	[tilespmem:s3], [sflag:$0x2] =	stream.indirect.gather [hbm4b:s5+s0], $0x80, s4, s0, $0xb8;
	[tilespmem:$0x1E800] =	vst v63  }
0x1a8: {  	_ = 	snop  }
0x1a9: {  	[tilespmem:s7], [sflag:$0x3] =	stream.indirect.gather [hbm4b:s5+s0], $0x80, s6, s0, $0xb8;
	[tilespmem:$0x1E800] =	vst v63  }
0x1aa: {  	_ = 	snop  }
0x1ab: {  	[tilespmem:s11], [sflag:$0x4] =	stream.indirect.gather [hbm4b:s5+s0], $0x80, s10, s0, $0xb8;
	[tilespmem:$0x1E800] =	vst v63  }
0x1ac: {  	_ = 	snop  }
0x1ad: {  	[tilespmem:s13], [sflag:$0x5] =	stream.indirect.gather [hbm4b:s5+s0], $0x80, s12, s0, $0xb8;
	[tilespmem:$0x1E800] =	vst v63  }
0x1ae: {  	_ =	swait.ge [sflag:s15], $0x2000  }
0x1af: {  	[sflag:s15] =	ssyncset.done $0x0  }
0x1b0: {  	s29 =	simm.s32 $0x1400;
	[sflag:s15] =	ssyncadd.s32 $0xFFFFE000  }
0x1b1: {  	[spmem:s2] =	stream.indirect.scatter.add.f32 [tilespmem:s3], [sflag:$0x6], $0x80, s29, s0, $0xb8;
	[tilespmem:$0x1E800] =	vst v63  }
0x1b2: {  	_ =	swait.ge [sflag:s16], $0x2000  }
0x1b3: {  	[sflag:s16] =	ssyncset.done $0x0  }
0x1b4: {  	s8 =	simm.s32 $0x1480;
	[sflag:s16] =	ssyncadd.s32 $0xFFFFE000  }
0x1b5: {  	[spmem:s2] =	stream.indirect.scatter.add.f32 [tilespmem:s7], [sflag:$0x7], $0x80, s8, s0, $0xb8;
	[tilespmem:$0x1E800] =	vst v63  }
0x1b6: {  	_ =	swait.ge [sflag:s17], $0x2000  }
0x1b7: {  	[sflag:s17] =	ssyncset.done $0x0  }
0x1b8: {  	s29 =	simm.s32 $0x1500;
	[sflag:s17] =	ssyncadd.s32 $0xFFFFE000  }
0x1b9: {  	[spmem:s2] =	stream.indirect.scatter.add.f32 [tilespmem:s11], [sflag:$0x8], $0x80, s29, s0, $0xb8;
	[tilespmem:$0x1E800] =	vst v63  }
0x1ba: {  	_ =	swait.ge [sflag:s18], $0x2000  }
0x1bb: {  	[sflag:s18] =	ssyncset.done $0x0  }
0x1bc: {  	s8 =	simm.s32 $0x1580;
	[sflag:s18] =	ssyncadd.s32 $0xFFFFE000  }
0x1bd: {  	[spmem:s2] =	stream.indirect.scatter.add.f32 [tilespmem:s13], [sflag:$0x9], $0x80, s8, s0, $0xb8;
	[tilespmem:$0x1E800] =	vst v63  }
0x1be: {  	_ =	swait.ge [sflag:s30], $0x2000  }
0x1bf: {  	[sflag:s30] =	ssyncset.done $0x0  }
0x1c0: {  	s29 =	simm.s32 $0x200;
	[sflag:s30] =	ssyncadd.s32 $0xFFFFE000  }
0x1c1: {  	[tilespmem:s3], [sflag:$0x2] =	stream.indirect.gather [hbm4b:s5+s0], $0x80, s29, s0, $0xb8;
	[tilespmem:$0x1E800] =	vst v63  }
0x1c2: {  	_ =	swait.ge [sflag:s31], $0x2000  }
0x1c3: {  	[sflag:s31] =	ssyncset.done $0x0  }
0x1c4: {  	s8 =	simm.s32 $0x280;
	[sflag:s31] =	ssyncadd.s32 $0xFFFFE000  }
0x1c5: {  	[tilespmem:s7], [sflag:$0x3] =	stream.indirect.gather [hbm4b:s5+s0], $0x80, s8, s0, $0xb8;
	[tilespmem:$0x1E800] =	vst v63  }
0x1c6: {  	_ =	swait.ge [sflag:s19], $0x2000  }
0x1c7: {  	[sflag:s19] =	ssyncset.done $0x0  }
0x1c8: {  	s29 =	simm.s32 $0x300;
	[sflag:s19] =	ssyncadd.s32 $0xFFFFE000  }
0x1c9: {  	[tilespmem:s11], [sflag:$0x4] =	stream.indirect.gather [hbm4b:s5+s0], $0x80, s29, s0, $0xb8;
	[tilespmem:$0x1E800] =	vst v63  }
0x1ca: {  	_ =	swait.ge [sflag:s20], $0x2000  }
0x1cb: {  	[sflag:s20] =	ssyncset.done $0x0  }
0x1cc: {  	s4 =	simm.s32 $0x380;
	s8 =	simm.s32 $0x800;
	[sflag:s20] =	ssyncadd.s32 $0xFFFFE000  }
.LBB2_8:
0x1cd: {  	[tilespmem:s13], [sflag:$0x5] =	stream.indirect.gather [hbm4b:s5+s0], $0x80, s4, s0, $0xb8;
	[tilespmem:$0x1E800] =	vst v63  }
0x1ce: {  	s4 =	smov.u32 s8  }
0x1cf: {  	p0 =	sne.s32 s8, $0x4000;
	s8 =	sadd.s32 $0x800, s8;
	_ =	swait.ge [sflag:s15], $0x2000  }
0x1d0: {  	s4 =	sshra.s32 s4, $0x2;
	[sflag:s15] =	ssyncset.done $0x0  }
0x1d1: {  	s29 =	sadd.s32 $0x1400, s4;
	[sflag:s15] =	ssyncadd.s32 $0xFFFFE000  }
0x1d2: {  	[spmem:s2] =	stream.indirect.scatter.add.f32 [tilespmem:s3], [sflag:$0x6], $0x80, s29, s0, $0xb8;
	[tilespmem:$0x1E800] =	vst v63  }
0x1d3: {  	_ =	swait.ge [sflag:s16], $0x2000  }
0x1d4: {  	[sflag:s16] =	ssyncset.done $0x0  }
0x1d5: {  	s29 =	sadd.s32 $0x1480, s4;
	[sflag:s16] =	ssyncadd.s32 $0xFFFFE000  }
0x1d6: {  	[spmem:s2] =	stream.indirect.scatter.add.f32 [tilespmem:s7], [sflag:$0x7], $0x80, s29, s0, $0xb8;
	[tilespmem:$0x1E800] =	vst v63  }
0x1d7: {  	_ =	swait.ge [sflag:s17], $0x2000  }
0x1d8: {  	[sflag:s17] =	ssyncset.done $0x0  }
0x1d9: {  	s29 =	sadd.s32 $0x1500, s4;
	[sflag:s17] =	ssyncadd.s32 $0xFFFFE000  }
0x1da: {  	[spmem:s2] =	stream.indirect.scatter.add.f32 [tilespmem:s11], [sflag:$0x8], $0x80, s29, s0, $0xb8;
	[tilespmem:$0x1E800] =	vst v63  }
0x1db: {  	_ =	swait.ge [sflag:s18], $0x2000  }
0x1dc: {  	[sflag:s18] =	ssyncset.done $0x0  }
0x1dd: {  	s29 =	sadd.s32 $0x1580, s4;
	[sflag:s18] =	ssyncadd.s32 $0xFFFFE000  }
0x1de: {  	[spmem:s2] =	stream.indirect.scatter.add.f32 [tilespmem:s13], [sflag:$0x9], $0x80, s29, s0, $0xb8;
	[tilespmem:$0x1E800] =	vst v63  }
0x1df: {  	_ =	swait.ge [sflag:s30], $0x2000  }
0x1e0: {  	[sflag:s30] =	ssyncset.done $0x0  }
0x1e1: {  	s29 =	sadd.s32 $0x200, s4;
	[sflag:s30] =	ssyncadd.s32 $0xFFFFE000  }
0x1e2: {  	[tilespmem:s3], [sflag:$0x2] =	stream.indirect.gather [hbm4b:s5+s0], $0x80, s29, s0, $0xb8;
	[tilespmem:$0x1E800] =	vst v63  }
0x1e3: {  	_ =	swait.ge [sflag:s31], $0x2000  }
0x1e4: {  	[sflag:s31] =	ssyncset.done $0x0  }
0x1e5: {  	s29 =	sadd.s32 $0x280, s4;
	[sflag:s31] =	ssyncadd.s32 $0xFFFFE000  }
0x1e6: {  	[tilespmem:s7], [sflag:$0x3] =	stream.indirect.gather [hbm4b:s5+s0], $0x80, s29, s0, $0xb8;
	[tilespmem:$0x1E800] =	vst v63  }
0x1e7: {  	_ =	swait.ge [sflag:s19], $0x2000  }
0x1e8: {  	[sflag:s19] =	ssyncset.done $0x0  }
.Ltmp3:
0x1e9: {  	s29 =	sadd.s32 $0x300, s4;
	[sflag:s19] =	ssyncadd.s32 $0xFFFFE000;
	(pc) =	sbr.rel @p0 .LBB2_8-.Ltmp3, $4  }
0x1ea: {  	[tilespmem:s11], [sflag:$0x4] =	stream.indirect.gather [hbm4b:s5+s0], $0x80, s29, s0, $0xb8;
	[tilespmem:$0x1E800] =	vst v63  }
0x1eb: {  	_ =	swait.ge [sflag:s20], $0x2000  }
0x1ec: {  	[sflag:s20] =	ssyncset.done $0x0  }
0x1ed: {  	s4 =	sadd.s32 $0x380, s4;
	[sflag:s20] =	ssyncadd.s32 $0xFFFFE000  }
0x1ee: {  	[tilespmem:s13], [sflag:$0x5] =	stream.indirect.gather [hbm4b:s5+s0], $0x80, s4, s0, $0xb8;
	[tilespmem:$0x1E800] =	vst v63  }
0x1ef: {  	_ =	swait.ge [sflag:s15], $0x2000  }
0x1f0: {  	[sflag:s15] =	ssyncset.done $0x0  }
0x1f1: {  	[sflag:s15] =	ssyncadd.s32 $0xFFFFE000  }
0x1f2: {  	[spmem:s2] =	stream.indirect.scatter.add.f32 [tilespmem:s3], [sflag:$0x6], $0x80, s21, s0, $0xb8;
	[tilespmem:$0x1E800] =	vst v63  }
0x1f3: {  	_ =	swait.ge [sflag:s16], $0x2000  }
0x1f4: {  	[sflag:s16] =	ssyncset.done $0x0  }
0x1f5: {  	[sflag:s16] =	ssyncadd.s32 $0xFFFFE000  }
0x1f6: {  	[spmem:s2] =	stream.indirect.scatter.add.f32 [tilespmem:s7], [sflag:$0x7], $0x80, s9, s0, $0xb8;
	[tilespmem:$0x1E800] =	vst v63  }
0x1f7: {  	_ =	swait.ge [sflag:s17], $0x2000  }
0x1f8: {  	[sflag:s17] =	ssyncset.done $0x0  }
0x1f9: {  	[sflag:s17] =	ssyncadd.s32 $0xFFFFE000  }
0x1fa: {  	[spmem:s2] =	stream.indirect.scatter.add.f32 [tilespmem:s11], [sflag:$0x8], $0x80, s22, s0, $0xb8;
	[tilespmem:$0x1E800] =	vst v63  }
0x1fb: {  	_ =	swait.ge [sflag:s18], $0x2000  }
0x1fc: {  	[sflag:s18] =	ssyncset.done $0x0  }
0x1fd: {  	[sflag:s18] =	ssyncadd.s32 $0xFFFFE000  }
0x1fe: {  	[spmem:s2] =	stream.indirect.scatter.add.f32 [tilespmem:s13], [sflag:$0x9], $0x80, s23, s0, $0xb8;
	[tilespmem:$0x1E800] =	vst v63  }
0x1ff: {  	_ =	swait.ge [sflag:s30], $0x2000  }
0x200: {  	[sflag:s30] =	ssyncset.done $0x0  }
0x201: {  	[sflag:s30] =	ssyncadd.s32 $0xFFFFE000  }
0x202: {  	_ =	swait.ge [sflag:s31], $0x2000  }
0x203: {  	[sflag:s31] =	ssyncset.done $0x0  }
0x204: {  	[sflag:s31] =	ssyncadd.s32 $0xFFFFE000  }
0x205: {  	_ =	swait.ge [sflag:s19], $0x2000  }
0x206: {  	[sflag:s19] =	ssyncset.done $0x0  }
0x207: {  	[sflag:s19] =	ssyncadd.s32 $0xFFFFE000  }
0x208: {  	_ =	swait.ge [sflag:s20], $0x2000  }
0x209: {  	[sflag:s20] =	ssyncset.done $0x0  }
0x20a: {  	[sflag:s20] =	ssyncadd.s32 $0xFFFFE000  }
0x20b: {  	[bflag:$0x0] =	sbarrier.arrive $0xFFFF  }
0x20c: {  	s8 =	rddreg [dreg:$0x7]  }
0x20d: {  	s4 =	sor.u32 $0x1C0A, s8;
	s8 =	rddreg [dreg:$0xe]  }
0x20e: {  	[hbm:s8], [sflag:s4] =	dma.local [spmem:s26], $0x2800  }
0x20f: {  	_ =	swait.ge [sflag:s24], $0x2800  }
0x210: {  	s25 =	sadd.s32 $0x1, s25;
	s29 =	rddreg [dreg:$0xf]  }
0x211: {  	p0 =	sne.s32 s25, s29  }
.Ltmp4:
0x212: {  	_ = 	snop;
	(pc) =	sbr.rel @p0 .LBB2_1-.Ltmp4, $3  }
0x213: {  	_ =	sdelay $0x1  }
0x214: {  	[sflag:s24] =	ssyncset.done $0x0  }
0x215: {  	[sflag:s24] =	ssyncadd.s32 $0xFFFFD800  }
0x216: {  	_ =	sfence.sel $0x180000  }
0x217: {  	[bflag:$0x0] =	sbarrier.arrive $0xFFFF  }
0x218: {  	_ =	strace $0x9000004A  }
0x219: {  	s0 =	stileid.u32;
	[bflag:$0x2] =	sbarrier.arrive $0xFFFF  }
0x21a: {  	p0 =	sne.s32 s0, $0x0;
	s0 =	rddreg [dreg:$0x3]  }
0x21b: {  	s0 =	sadd.s32 @!p0 $0x100000, s0  }
0x21c: {  	[sflag:s0] =	ssyncadd.tile.s32 @!p0 $0x1;
	_ =	shalt  }
.Lfunc_end2:
_tile_overlayer_lowered:
.L_overlay_start_2:
0x21d: {  	(tag) =	ssettag $0x2  }
0x21e: {  	s0 =	rddreg [dreg:$0x0];
	s2 =	stileid.u32  }
0x21f: {  	s1 =	rddreg [dreg:$0x1];
	p0 =	sne.s32 s2, $0x0  }
0x220: {  	s3 =	rddreg [dreg:$0x2];
	[bflag:$0x3] =	sbarrier.arrive $0xFFFF;
	s2 =	simm.s32 @!p0 $0x1C0A  }
0x221: {  	[timem:s3], [sflag:s2] =	dma.local @!p0 [hbm:s0], s1  }
0x222: {  	s0 =	simm.s32 @!p0 $0xA  }
0x223: {  	_ =	swait.ge @!p0 [sflag:s0], s1  }
0x224: {  	s1 =	ssub.s32 @!p0 $0x0, s1;
	[sflag:s0] =	ssyncset.done @!p0 $0x0  }
0x225: {  	[sflag:s0] =	ssyncadd.s32 @!p0 s1  }
0x226: {  	[bflag:$0x3] =	sbarrier.arrive $0xFFFF  }
0x227: {  	_ =	shalt  }

// kernel: kernel.15.cloned.1.call-start
scs
__scs_entry_jumppad:
0x0: {  	(pc) =	sbr.rel $0x88, $3  }
0x1: {  	(tag) =	ssettag $0x0;
	lr =	simm.s32 $0x1  }
0x2: {  	[smem:$0x3F97] =	sst lr;
	_ =	strace $0xD0000000  }
0x3: {  	_ = 	snop  }
0x4: {  	_ = 	snop  }
0x5: {  	_ = 	snop  }
0x6: {  	_ = 	snop  }
0x7: {  	_ = 	snop  }
__scs_overlays_trampoline_lowered:
0x8: {  	[smem:$0x3FA6] =	sst s0  }
0x9: {  	[smem:$0x3FA7] =	sst s1  }
0xa: {  	[smem:$0x3FA8] =	sst s2  }
0xb: {  	[smem:$0x3FA9] =	sst s3  }
0xc: {  	[smem:$0x3FAA] =	sst s4  }
0xd: {  	[smem:$0x3FAB] =	sst s5  }
0xe: {  	[smem:$0x3FAC] =	sst s6  }
0xf: {  	[smem:$0x3FAD] =	sst s7  }
0x10: {  	[smem:$0x3FAE] =	sst s8  }
0x11: {  	[smem:$0x3FAF] =	sst s9;
	s0 =	simm.s32 @!p0 $0x0  }
0x12: {  	s1 =	sld [smem:$0x3F95];
	s0 =	simm.s32 @p0 $0x1  }
0x13: {  	[smem:$0x3FB0] =	sst s0;
	s0 =	simm.s32 @!p1 $0x0  }
0x14: {  	s2 =	sld [smem:$0x3F94];
	s0 =	simm.s32 @p1 $0x1  }
0x15: {  	[smem:$0x3FB1] =	sst s0;
	s0 =	simm.s32 @!p2 $0x0  }
0x16: {  	s3 =	sld [smem:$0x3FDB];
	s0 =	simm.s32 @p2 $0x1  }
0x17: {  	s4 =	simm.s32 $0x1BF5;
	[smem:$0x3FB3] =	sst s0  }
0x18: {  	s0 =	sld [smem:$0x3F96];
	_ =	swait.ge [sflag:s4], $0x0  }
0x19: {  	s7 =	sld [smem:$0x3F97]  }
0x1a: {  	s8 =	sadd.s32 $0xFFFFE003, lr  }
0x1b: {  	s9 =	sadd.s32 $0xFFFFFEF7, lr;
	s5 =	simm.s32 $0xFFFFFFFF;
	p2 =	slt.u32 s8, $0xFFFFF086  }
0x1c: {  	p1 =	slt.u32 s9, $0xF7A;
	s5 =	simm.s32 @!p2 $0x0  }
0x1d: {  	s5 =	simm.s32 @p1 $0x1;
	p0 =	seq.s32 s7, s2  }
0x1e: {  	s7 =	smul.u32 @!p0 $0xF7A, s2;
	p2 =	seq.s32 @!p0 s5, $0x0  }
0x1f: {  	s9 =	smul.u32 $0xF7A, s1;
	s8 =	simm.s32 @!p0 $0x1BF5;
	p2 =	por !p2, p0  }
0x20: {  	[sflag:s8] =	ssyncset.s32 @!p0 $0xFFFFF086;
	s6 =	sadd.s32 @!p0 s3, s7;
	s7 =	simm.s32 @!p0 $0x108  }
0x21: {  	s3 =	sadd.s32 s3, s9;
	s6 =	sadd.s32 @!p0 $0x88, s6;
	s7 =	simm.s32 @p2 $0x1082  }
0x22: {  	[simem:s7], [sflag:s8] =	dma.local @!p0 [hbm:s6], $0xF7A  }
0x23: {  	s9 =	sor.u32 $0xD0000000, s2;
	s6 =	simm.s32 $0x108;
	_ =	swait.ge @!p0 [sflag:s8], $0x0  }
0x24: {  	s3 =	sadd.s32 $0x88, s3;
	s6 =	simm.s32 @!p1 $0x1082;
	[sflag:s4] =	ssyncset.s32 $0xFFFFF086  }
0x25: {  	[simem:s6], [sflag:s4] =	dma.local [hbm:s3], $0xF7A  }
0x26: {  	[smem:$0x3F97] =	sst s1;
	(tag) =	ssettag s2;
	_ =	strace s9  }
0x27: {  	s1 =	sld [smem:$0x3FA7]  }
0x28: {  	s2 =	sld [smem:$0x3FA8]  }
0x29: {  	s4 =	sld [smem:$0x3FAA]  }
0x2a: {  	p0 =	seq.s32 s5, $0x0;
	s5 =	sld [smem:$0x3FAB]  }
0x2b: {  	s6 =	sld [smem:$0x3FAC]  }
0x2c: {  	s7 =	sld [smem:$0x3FAD]  }
0x2d: {  	s3 =	simm.s32 $0x108;
	s8 =	sld [smem:$0x3FAE]  }
0x2e: {  	s3 =	simm.s32 @!p0 $0x1082;
	s9 =	sld [smem:$0x3FAF]  }
0x2f: {  	lr =	sadd.s32 s0, s3;
	s0 =	sld [smem:$0x3FA6]  }
0x30: {  	s3 =	sld [smem:$0x3FA9]  }
0x31: {  	[smem:$0x3FB2] =	sst s10  }
0x32: {  	s10 =	sld [smem:$0x3FB0];
	_ =	sdelay $0x3  }
0x33: {  	p0 =	seq.s32 s10, $0x1;
	s10 =	sld [smem:$0x3FB2];
	_ =	sdelay $0x3  }
0x34: {  	[smem:$0x3FB2] =	sst s10  }
0x35: {  	s10 =	sld [smem:$0x3FB1];
	_ =	sdelay $0x3  }
0x36: {  	p1 =	seq.s32 s10, $0x1;
	s10 =	sld [smem:$0x3FB2];
	_ =	sdelay $0x3  }
0x37: {  	[smem:$0x3FB2] =	sst s10  }
0x38: {  	s10 =	sld [smem:$0x3FB3]  }
0x39: {  	_ = 	snop;
	(pc) =	sbr.ind lr, $3  }
0x3a: {  	_ = 	snop  }
0x3b: {  	_ = 	snop  }
0x3c: {  	p2 =	seq.s32 s10, $0x1;
	s10 =	sld [smem:$0x3FB2]  }
0x3d: {  	_ =	shalt  }
0x3e: {  	_ =	shalt  }
0x3f: {  	_ =	shalt  }
0x40: {  	_ =	shalt  }
0x41: {  	_ =	shalt  }
0x42: {  	_ =	shalt  }
0x43: {  	_ =	shalt  }
0x44: {  	_ =	shalt  }
0x45: {  	_ =	shalt  }
0x46: {  	_ =	shalt  }
0x47: {  	_ =	shalt  }
0x48: {  	_ =	shalt  }
0x49: {  	_ =	shalt  }
0x4a: {  	_ =	shalt  }
0x4b: {  	_ =	shalt  }
0x4c: {  	_ =	shalt  }
0x4d: {  	_ =	shalt  }
0x4e: {  	_ =	shalt  }
0x4f: {  	_ =	shalt  }
0x50: {  	_ =	shalt  }
0x51: {  	_ =	shalt  }
0x52: {  	_ =	shalt  }
0x53: {  	_ =	shalt  }
0x54: {  	_ =	shalt  }
0x55: {  	_ =	shalt  }
0x56: {  	_ =	shalt  }
0x57: {  	_ =	shalt  }
0x58: {  	_ =	shalt  }
0x59: {  	_ =	shalt  }
0x5a: {  	_ =	shalt  }
0x5b: {  	_ =	shalt  }
0x5c: {  	_ =	shalt  }
0x5d: {  	_ =	shalt  }
0x5e: {  	_ =	shalt  }
0x5f: {  	_ =	shalt  }
0x60: {  	_ =	shalt  }
0x61: {  	_ =	shalt  }
0x62: {  	_ =	shalt  }
0x63: {  	_ =	shalt  }
0x64: {  	_ =	shalt  }
0x65: {  	_ =	shalt  }
0x66: {  	_ =	shalt  }
0x67: {  	_ =	shalt  }
0x68: {  	_ =	shalt  }
0x69: {  	_ =	shalt  }
0x6a: {  	_ =	shalt  }
0x6b: {  	_ =	shalt  }
0x6c: {  	_ =	shalt  }
0x6d: {  	_ =	shalt  }
0x6e: {  	_ =	shalt  }
0x6f: {  	_ =	shalt  }
0x70: {  	_ =	shalt  }
0x71: {  	_ =	shalt  }
0x72: {  	_ =	shalt  }
0x73: {  	_ =	shalt  }
0x74: {  	_ =	shalt  }
0x75: {  	_ =	shalt  }
0x76: {  	_ =	shalt  }
0x77: {  	_ =	shalt  }
0x78: {  	_ =	shalt  }
0x79: {  	_ =	shalt  }
0x7a: {  	_ =	shalt  }
0x7b: {  	_ =	shalt  }
0x7c: {  	_ =	shalt  }
0x7d: {  	_ =	shalt  }
0x7e: {  	_ =	shalt  }
0x7f: {  	_ =	shalt  }
0x80: {  	_ =	shalt  }
0x81: {  	_ =	shalt  }
0x82: {  	_ =	shalt  }
0x83: {  	_ =	shalt  }
0x84: {  	_ =	shalt  }
0x85: {  	_ =	shalt  }
0x86: {  	_ =	shalt  }
0x87: {  	_ =	shalt  }
.Lfunc_end0:
.L_simem_size_0:
called_computation.2_lowered:
.L_overlay_start_0:
0x88: {  	s2 =	sld [smem:$0x3FD9]  }
0x89: {  	s3 =	sld [smem:$0x3FFE];
	_ =	sdelay $0x1  }
0x8a: {  	s1 =	srdreg.scid  }
0x8b: {  	s0 =	sand.u32 $0x1, s1  }
0x8c: {  	s14 =	sshll.u32 s0, $0xA;
	s2 =	sadd.s32 s3, s2  }
0x8d: {  	s2 =	sadd.s32 s2, s14  }
0x8e: {  	[smem:$0x3FBE] =	sst s2  }
0x8f: {  	_ = 	snop  }
0x90: {  	s2 =	sld [smem:$0x3FD0];
	_ =	sdelay $0x2  }
0x91: {  	s15 =	simm.s32 $0xA;
	s4 =	simm.s32 $0x10  }
0x92: {  	[smem:s4], [sflag:s15] =	dma.local [hbm:s2], $0x1  }
0x93: {  	_ =	swait.eq [sflag:s15], $0x1  }
0x94: {  	[sflag:s15] =	ssyncset.done $0x0  }
0x95: {  	[sflag:s15] =	ssyncadd.s32 $0xFFFFFFFF  }
0x96: {  	s16 =	sld [smem:$0x11];
	(tm) =	ssettm $0x1  }
0x97: {  	s17 =	sld [smem:$0x3FFB];
	_ =	sdelay $0x3  }
0x98: {  	_ =	strace s17  }
0x99: {  	s3 =	sld [smem:$0x3FFC];
	_ =	sdelay $0x3  }
0x9a: {  	_ =	strace s3  }
0x9b: {  	s3 =	sld [smem:$0x3FFD];
	_ =	sdelay $0x3  }
0x9c: {  	_ =	strace s3  }
0x9d: {  	_ =	strace $0x8FFFFFFF  }
0x9e: {  	s18 =	sld [smem:$0x3FDB];
	_ =	sdelay $0x1  }
0x9f: {  	s19 =	simm.s32 $_scs_section_size  }
0xa0: {  	s5 =	simm.s32 $_size__tile_overlayer_lowered;
	s6 =	simm.s32 $_tile_overlayer_lowered  }
0xa1: {  	s22 =	simm.s32 $0x1BFF;
	s21 =	sshll.u32 s6, $0x1;
	s3 =	sadd.s32 s19, s18  }
0xa2: {  	s7 =	simm.s32 $0x0;
	s20 =	sshll.u32 s5, $0x1;
	s5 =	sadd.s32 s21, s3  }
0xa3: {  	[timem:s7], [sflag:s22] =	dma.local [hbm:s5], s20  }
0xa4: {  	_ =	swait.ge [sflag:s22], s20  }
0xa5: {  	s4 =	ssub.s32 $0x0, s20;
	[sflag:s22] =	ssyncset.done $0x0  }
0xa6: {  	[sflag:s22] =	ssyncadd.s32 s4;
	_ =	sdelay $0x1  }
0xa7: {  	s23 =	simm.s32 $0x1B8B  }
0xa8: {  	_ =	swait.ge [sflag:s23], $0x1  }
0xa9: {  	[sflag:s23] =	ssyncset.done $0x0  }
0xaa: {  	s25 =	simm.s32 $0x1B8E;
	s24 =	sld [smem:$0x3FFE];
	[sflag:s23] =	ssyncadd.s32 $0xFFFFFFFF  }
0xab: {  	s26 =	simm.s32 $execute0_lowered;
	[smem:$0x3FD2] =	sst s25  }
0xac: {  	s5 =	sshll.u32 s26, $0x1;
	_ =	strace $0x8000004C;
	[dreg:$0x1] =	wrdreg $0xFFFFFFFF  }
0xad: {  	s28 =	simm.s32 $_size_execute0_lowered;
	s3 =	sadd.s32 s3, s5;
	[dreg:$0x0] =	wrdreg $0x0  }
0xae: {  	s5 =	sshll.u32 s28, $0x1;
	[dreg:$0x2] =	wrdreg s3  }
0xaf: {  	[dreg:$0x3] =	wrdreg s5  }
0xb0: {  	[dreg:$0x4] =	wrdreg $0xC0  }
0xb1: {  	_ =	task [dreg:s7], $0x5FFFF  }
0xb2: {  	[dreg:$0x1] =	wrdreg $0xFFFFFFFF  }
0xb3: {  	[dreg:$0x0] =	wrdreg $0x60  }
0xb4: {  	[dreg:$0x2] =	wrdreg s24  }
0xb5: {  	[dreg:$0x3] =	wrdreg s16  }
0xb6: {  	[dreg:$0x4] =	wrdreg $0xA8000  }
0xb7: {  	[dreg:$0x5] =	wrdreg $0x9  }
0xb8: {  	_ =	task.clear_ibuf [dreg:s7], $0x6FFFF;
	_ =	strace $0x9000004C  }
0xb9: {  	s29 =	simm.s32 $0x9;
	_ =	strace $0x8000004E  }
0xba: {  	_ =	swait.ge [sflag:s29], $0x1  }
0xbb: {  	[sflag:s29] =	ssyncadd.s32 $0xFFFFFFFF  }
0xbc: {  	_ =	strace $0x9000004E  }
0xbd: {  	_ =	sfence  }
0xbe: {  	s30 =	sld [smem:$0x0];
	_ =	sdelay $0x2  }
0xbf: {  	s31 =	sshll.u32 s1, $0xD;
	s1 =	sshrl.u32 s1, $0x2  }
0xc0: {  	s3 =	sand.u32 $0x4000, s31;
	s1 =	sadd.s32 s1, s30  }
0xc1: {  	s0 =	sor.u32 s3, s0;
	s1 =	sshll.u32 s1, $0x11  }
0xc2: {  	s0 =	sor.u32 s1, s0  }
0xc3: {  	s0 =	sadd.s32 $0x8F2B, s0  }
0xc4: {  	[sflag:s0] =	ssyncadd.remote.s32 $0x1  }
0xc5: {  	_ =	sfence.sel $0xFFFF  }
0xc6: {  	[dreg:$0x0] =	wrdreg $0xFFFFFFFF;
	(pc) =	sbr.abs _section_cstart, $3  }
0xc7: {  	[dreg:$0x1] =	wrdreg $0xFFFFFFFF  }
0xc8: {  	_ =	task.clear_ibuf [dreg:s7], $0x2FFFF;
	_ =	strace $0x9FFFFFFF  }
0xc9: {  	(tm) =	ssettm $0x7FFFFFFF  }
tec
execute0_lowered:
.L_overlay_start_1:
0x0: {  	(tag) =	ssettag $0x1  }
0x1: {  	s0 =	rddreg [dreg:$0x0]  }
0x2: {  	s1 =	rddreg [dreg:$0x1]  }
0x3: {  	s2 =	rddreg [dreg:$0x2];
	s3 =	srdreg.scid;
	s6 =	simm.s32 $0x0  }
0x4: {  	s12 =	stileid.u32;
	s30 =	simm.s32 $0x6;
	s31 =	simm.s32 $0x7  }
0x5: {  	s3 =	sand.u32 $0x1, s3;
	[smem:$0x7FF] =	sst s6;
	s17 =	smul.u32 $0x2800, s12  }
0x6: {  	s9 =	sadd.s32 $0x21C00, s0;
	s10 =	smul.u32 $0x50000, s12;
	s11 =	sadd.s32 $0xDC00, s0  }
0x7: {  	s6 =	simm.s32 $0x80;
	s4 =	smul.u32 $0x28000, s3;
	s5 =	sshll.u32 s3, $0x4  }
0x8: {  	_ =	strace $0x8000004D;
	s3 =	ssub.s32 $0x2, s3;
	s7 =	sor.u32 s12, s5  }
0x9: {  	s5 =	sadd.s32 $0x35C00, s0;
	s18 =	sshrl.u32 s3, $0x1;
	s20 =	sshrl.u32 s10, $0x2  }
0xa: {  	s12 =	sshll.u32 s12, $0x6;
	s8 =	smul.u32 $0xA00, s7;
	s4 =	sadd.s32 s17, s4  }
0xb: {  	s7 =	smul.u32 $0x5000, s7;
	s3 =	ssub.s32 s3, s18;
	s13 =	sadd.s32 s20, s2  }
0xc: {  	[dreg:$0x7] =	wrdreg s12;
	s28 =	sor.u32 $0x1C01, s12;
	s12 =	simm.s32 $0x180  }
0xd: {  	s0 =	sadd.s32 s4, s0;
	s10 =	sadd.s32 $0x2000, s13;
	s14 =	sadd.s32 $0x6000, s13  }
0xe: {  	s15 =	sadd.s32 $0x8000, s13;
	s16 =	sadd.s32 $0xA000, s13;
	s17 =	sadd.s32 $0xC000, s13  }
0xf: {  	s18 =	sadd.s32 $0xE000, s13;
	[dreg:$0x6] =	wrdreg s13;
	s19 =	sadd.s32 s9, s8  }
0x10: {  	s21 =	sshrl.u32 s7, $0x3;
	s22 =	sadd.s32 s11, s8;
	[dreg:$0x4] =	wrdreg s19  }
0x11: {  	s0 =	sadd.s32 $0x5CE00, s0;
	[dreg:$0x5] =	wrdreg s22;
	s23 =	sadd.s32 $0x280, s21  }
0x12: {  	s25 =	sadd.s32 $0x500, s21;
	s29 =	sadd.s32 $0x780, s21;
	[dreg:$0xe] =	wrdreg s0  }
0x13: {  	s19 =	sadd.s32 $0x10000, s13;
	s0 =	sshrl.u32 s10, $0x3;
	s21 =	sshrl.u32 s14, $0x3  }
0x14: {  	s22 =	sshrl.u32 s15, $0x3;
	s10 =	simm.s32 $0x100;
	[dreg:$0x10] =	wrdreg s0  }
0x15: {  	s14 =	simm.s32 $0x1;
	s15 =	simm.s32 $0x2;
	[dreg:$0x12] =	wrdreg s21  }
0x16: {  	s24 =	sadd.s32 s9, s23;
	s4 =	sadd.s32 s11, s23;
	[dreg:$0x13] =	wrdreg s22  }
0x17: {  	s26 =	sadd.s32 s9, s25;
	s7 =	sadd.s32 s11, s25;
	[dreg:$0x8] =	wrdreg s24  }
0x18: {  	s8 =	sadd.s32 s9, s29;
	s9 =	smax.u32 s3, $0x1;
	[dreg:$0x9] =	wrdreg s4  }
0x19: {  	s23 =	sshrl.u32 s16, $0x3;
	s25 =	sshrl.u32 s18, $0x3;
	[dreg:$0xa] =	wrdreg s26  }
0x1a: {  	s3 =	simm.s32 $0x2800;
	s16 =	simm.s32 $0x3;
	[dreg:$0xb] =	wrdreg s7  }
0x1b: {  	s18 =	simm.s32 $0x5;
	s21 =	simm.s32 $0x2600;
	[dreg:$0xc] =	wrdreg s8  }
0x1c: {  	s22 =	simm.s32 $0x2700;
	s4 =	sadd.s32 s11, s29;
	[dreg:$0xf] =	wrdreg s9  }
0x1d: {  	s11 =	sadd.s32 $0x4000, s13;
	[dreg:$0x14] =	wrdreg s23;
	s24 =	sshrl.u32 s17, $0x3  }
0x1e: {  	[dreg:$0x16] =	wrdreg s25;
	s26 =	sadd.s32 $0x12000, s13;
	s29 =	sshrl.u32 s19, $0x3  }
0x1f: {  	s7 =	simm.s32 $0x4800;
	s13 =	simm.s32 $0x8800;
	s17 =	simm.s32 $0x4  }
0x20: {  	s19 =	simm.s32 $0x8;
	s9 =	simm.s32 $0x2680;
	[dreg:$0xd] =	wrdreg s4  }
0x21: {  	s23 =	simm.s32 $0x2780;
	s25 =	simm.s32 $0x0;
	[dreg:$0x15] =	wrdreg s24  }
0x22: {  	s20 =	sshrl.u32 s11, $0x3;
	[dreg:$0x17] =	wrdreg s29;
	s0 =	sshrl.u32 s26, $0x3  }
0x23: {  	s11 =	simm.s32 $0x6800;
	s24 =	simm.s32 $0xA;
	[dreg:$0x11] =	wrdreg s20  }
0x24: {  	[dreg:$0x18] =	wrdreg s0;
	s0 =	simm.s32 $0x40;
	s20 =	simm.s32 $0x9  }
.LBB2_1:
0x25: {  	s4 =	simm.s32 $0x0;
	s8 =	rddreg [dreg:$0x4]  }
0x26: {  	[tilespmem:s4], [sflag:$0x6] =	stream.linear.gather [hbm4b:s8+s4], $0x1400, $0x38;
	[tilespmem:$0x1E800] =	vst v63  }
0x27: {  	s29 =	rddreg [dreg:$0x5];
	s26 =	simm.s32 $0x1400  }
0x28: {  	[tilespmem:s26], [sflag:$0x7] =	stream.linear.gather [hbm4b:s29+s4], $0x1400, $0x38;
	[tilespmem:$0x1E800] =	vst v63  }
0x29: {  	s26 =	rddreg [dreg:$0x6]  }
0x2a: {  	s26 =	sshrl.u32 s26, $0x3  }
0x2b: {  	[spmem:s26], [sflag:s28] =	dma.local [hbm:s1], $0x400  }
0x2c: {  	s29 =	rddreg [dreg:$0x10]  }
0x2d: {  	[spmem:s29], [sflag:s28] =	dma.local [hbm:s1], $0x400  }
0x2e: {  	s8 =	rddreg [dreg:$0x11]  }
0x2f: {  	[spmem:s8], [sflag:s28] =	dma.local [hbm:s1], $0x400  }
0x30: {  	s8 =	rddreg [dreg:$0x12]  }
0x31: {  	[spmem:s8], [sflag:s28] =	dma.local [hbm:s1], $0x400  }
0x32: {  	s8 =	rddreg [dreg:$0x13]  }
0x33: {  	[spmem:s8], [sflag:s28] =	dma.local [hbm:s1], $0x400  }
0x34: {  	s8 =	rddreg [dreg:$0x14]  }
0x35: {  	[spmem:s8], [sflag:s28] =	dma.local [hbm:s1], $0x400  }
0x36: {  	s8 =	rddreg [dreg:$0x15]  }
0x37: {  	[spmem:s8], [sflag:s28] =	dma.local [hbm:s1], $0x400  }
0x38: {  	s8 =	rddreg [dreg:$0x16]  }
0x39: {  	[spmem:s8], [sflag:s28] =	dma.local [hbm:s1], $0x400  }
0x3a: {  	s8 =	rddreg [dreg:$0x17]  }
0x3b: {  	[spmem:s8], [sflag:s28] =	dma.local [hbm:s1], $0x400  }
0x3c: {  	s8 =	rddreg [dreg:$0x18]  }
0x3d: {  	[spmem:s8], [sflag:s28] =	dma.local [hbm:s1], $0x400  }
0x3e: {  	_ =	swait.ge [sflag:s30], $0x1400  }
0x3f: {  	[sflag:s30] =	ssyncset.done $0x0  }
0x40: {  	[sflag:s30] =	ssyncadd.s32 $0xFFFFEC00  }
0x41: {  	_ =	swait.ge [sflag:s31], $0x1400  }
0x42: {  	[sflag:s31] =	ssyncset.done $0x0  }
0x43: {  	[sflag:s31] =	ssyncadd.s32 $0xFFFFEC00  }
0x44: {  	[tilespmem:s3], [sflag:$0x2] =	stream.indirect.gather [hbm4b:s5+s0], $0x80, s4, s0, $0xb8;
	[tilespmem:$0x1E800] =	vst v63  }
0x45: {  	_ = 	snop  }
0x46: {  	[tilespmem:s7], [sflag:$0x3] =	stream.indirect.gather [hbm4b:s5+s0], $0x80, s6, s0, $0xb8;
	[tilespmem:$0x1E800] =	vst v63  }
0x47: {  	_ = 	snop  }
0x48: {  	[tilespmem:s11], [sflag:$0x4] =	stream.indirect.gather [hbm4b:s5+s0], $0x80, s10, s0, $0xb8;
	[tilespmem:$0x1E800] =	vst v63  }
0x49: {  	_ = 	snop  }
0x4a: {  	[tilespmem:s13], [sflag:$0x5] =	stream.indirect.gather [hbm4b:s5+s0], $0x80, s12, s0, $0xb8;
	[tilespmem:$0x1E800] =	vst v63  }
0x4b: {  	_ =	swait.ge [sflag:s14], $0x400  }
0x4c: {  	[sflag:s14] =	ssyncset.done $0x0  }
0x4d: {  	[sflag:s14] =	ssyncadd.s32 $0xFFFFFC00  }
0x4e: {  	_ =	swait.ge [sflag:s14], $0x400  }
0x4f: {  	[sflag:s14] =	ssyncset.done $0x0  }
0x50: {  	[sflag:s14] =	ssyncadd.s32 $0xFFFFFC00  }
0x51: {  	_ =	swait.ge [sflag:s14], $0x400  }
0x52: {  	[sflag:s14] =	ssyncset.done $0x0  }
0x53: {  	[sflag:s14] =	ssyncadd.s32 $0xFFFFFC00  }
0x54: {  	_ =	swait.ge [sflag:s14], $0x400  }
0x55: {  	[sflag:s14] =	ssyncset.done $0x0  }
0x56: {  	[sflag:s14] =	ssyncadd.s32 $0xFFFFFC00  }
0x57: {  	_ =	swait.ge [sflag:s14], $0x400  }
0x58: {  	[sflag:s14] =	ssyncset.done $0x0  }
0x59: {  	[sflag:s14] =	ssyncadd.s32 $0xFFFFFC00  }
0x5a: {  	_ =	swait.ge [sflag:s14], $0x400  }
0x5b: {  	[sflag:s14] =	ssyncset.done $0x0  }
0x5c: {  	[sflag:s14] =	ssyncadd.s32 $0xFFFFFC00  }
0x5d: {  	_ =	swait.ge [sflag:s14], $0x400  }
0x5e: {  	[sflag:s14] =	ssyncset.done $0x0  }
0x5f: {  	[sflag:s14] =	ssyncadd.s32 $0xFFFFFC00  }
0x60: {  	_ =	swait.ge [sflag:s14], $0x400  }
0x61: {  	[sflag:s14] =	ssyncset.done $0x0  }
0x62: {  	[sflag:s14] =	ssyncadd.s32 $0xFFFFFC00  }
0x63: {  	_ =	swait.ge [sflag:s14], $0x400  }
0x64: {  	[sflag:s14] =	ssyncset.done $0x0  }
0x65: {  	[sflag:s14] =	ssyncadd.s32 $0xFFFFFC00  }
0x66: {  	_ =	swait.ge [sflag:s14], $0x400  }
0x67: {  	[sflag:s14] =	ssyncset.done $0x0  }
0x68: {  	[sflag:s14] =	ssyncadd.s32 $0xFFFFFC00  }
0x69: {  	[bflag:$0x0] =	sbarrier.arrive $0xFFFF  }
0x6a: {  	_ =	swait.ge [sflag:s15], $0x2000  }
0x6b: {  	[sflag:s15] =	ssyncset.done $0x0  }
0x6c: {  	s29 =	simm.s32 $0x1400;
	[sflag:s15] =	ssyncadd.s32 $0xFFFFE000  }
0x6d: {  	[spmem:s2] =	stream.indirect.scatter.add.f32 [tilespmem:s3], [sflag:$0x6], $0x80, s29, s0, $0xb8;
	[tilespmem:$0x1E800] =	vst v63  }
0x6e: {  	_ =	swait.ge [sflag:s16], $0x2000  }
0x6f: {  	[sflag:s16] =	ssyncset.done $0x0  }
0x70: {  	s8 =	simm.s32 $0x1480;
	[sflag:s16] =	ssyncadd.s32 $0xFFFFE000  }
0x71: {  	[spmem:s2] =	stream.indirect.scatter.add.f32 [tilespmem:s7], [sflag:$0x7], $0x80, s8, s0, $0xb8;
	[tilespmem:$0x1E800] =	vst v63  }
0x72: {  	_ =	swait.ge [sflag:s17], $0x2000  }
0x73: {  	[sflag:s17] =	ssyncset.done $0x0  }
0x74: {  	s29 =	simm.s32 $0x1500;
	[sflag:s17] =	ssyncadd.s32 $0xFFFFE000  }
0x75: {  	[spmem:s2] =	stream.indirect.scatter.add.f32 [tilespmem:s11], [sflag:$0x8], $0x80, s29, s0, $0xb8;
	[tilespmem:$0x1E800] =	vst v63  }
0x76: {  	_ =	swait.ge [sflag:s18], $0x2000  }
0x77: {  	[sflag:s18] =	ssyncset.done $0x0  }
0x78: {  	s8 =	simm.s32 $0x1580;
	[sflag:s18] =	ssyncadd.s32 $0xFFFFE000  }
0x79: {  	[spmem:s2] =	stream.indirect.scatter.add.f32 [tilespmem:s13], [sflag:$0x9], $0x80, s8, s0, $0xb8;
	[tilespmem:$0x1E800] =	vst v63  }
0x7a: {  	_ =	swait.ge [sflag:s30], $0x2000  }
0x7b: {  	[sflag:s30] =	ssyncset.done $0x0  }
0x7c: {  	s29 =	simm.s32 $0x200;
	[sflag:s30] =	ssyncadd.s32 $0xFFFFE000  }
0x7d: {  	[tilespmem:s3], [sflag:$0x2] =	stream.indirect.gather [hbm4b:s5+s0], $0x80, s29, s0, $0xb8;
	[tilespmem:$0x1E800] =	vst v63  }
0x7e: {  	_ =	swait.ge [sflag:s31], $0x2000  }
0x7f: {  	[sflag:s31] =	ssyncset.done $0x0  }
0x80: {  	s8 =	simm.s32 $0x280;
	[sflag:s31] =	ssyncadd.s32 $0xFFFFE000  }
0x81: {  	[tilespmem:s7], [sflag:$0x3] =	stream.indirect.gather [hbm4b:s5+s0], $0x80, s8, s0, $0xb8;
	[tilespmem:$0x1E800] =	vst v63  }
0x82: {  	_ =	swait.ge [sflag:s19], $0x2000  }
0x83: {  	[sflag:s19] =	ssyncset.done $0x0  }
0x84: {  	s29 =	simm.s32 $0x300;
	[sflag:s19] =	ssyncadd.s32 $0xFFFFE000  }
0x85: {  	[tilespmem:s11], [sflag:$0x4] =	stream.indirect.gather [hbm4b:s5+s0], $0x80, s29, s0, $0xb8;
	[tilespmem:$0x1E800] =	vst v63  }
0x86: {  	_ =	swait.ge [sflag:s20], $0x2000  }
0x87: {  	[sflag:s20] =	ssyncset.done $0x0  }
0x88: {  	s4 =	simm.s32 $0x380;
	s8 =	simm.s32 $0x800;
	[sflag:s20] =	ssyncadd.s32 $0xFFFFE000  }
.LBB2_2:
0x89: {  	[tilespmem:s13], [sflag:$0x5] =	stream.indirect.gather [hbm4b:s5+s0], $0x80, s4, s0, $0xb8;
	[tilespmem:$0x1E800] =	vst v63  }
0x8a: {  	s4 =	smov.u32 s8  }
0x8b: {  	p0 =	sne.s32 s8, $0x4000;
	s8 =	sadd.s32 $0x800, s8;
	_ =	swait.ge [sflag:s15], $0x2000  }
0x8c: {  	s4 =	sshra.s32 s4, $0x2;
	[sflag:s15] =	ssyncset.done $0x0  }
0x8d: {  	s29 =	sadd.s32 $0x1400, s4;
	[sflag:s15] =	ssyncadd.s32 $0xFFFFE000  }
0x8e: {  	[spmem:s2] =	stream.indirect.scatter.add.f32 [tilespmem:s3], [sflag:$0x6], $0x80, s29, s0, $0xb8;
	[tilespmem:$0x1E800] =	vst v63  }
0x8f: {  	_ =	swait.ge [sflag:s16], $0x2000  }
0x90: {  	[sflag:s16] =	ssyncset.done $0x0  }
0x91: {  	s29 =	sadd.s32 $0x1480, s4;
	[sflag:s16] =	ssyncadd.s32 $0xFFFFE000  }
0x92: {  	[spmem:s2] =	stream.indirect.scatter.add.f32 [tilespmem:s7], [sflag:$0x7], $0x80, s29, s0, $0xb8;
	[tilespmem:$0x1E800] =	vst v63  }
0x93: {  	_ =	swait.ge [sflag:s17], $0x2000  }
0x94: {  	[sflag:s17] =	ssyncset.done $0x0  }
0x95: {  	s29 =	sadd.s32 $0x1500, s4;
	[sflag:s17] =	ssyncadd.s32 $0xFFFFE000  }
0x96: {  	[spmem:s2] =	stream.indirect.scatter.add.f32 [tilespmem:s11], [sflag:$0x8], $0x80, s29, s0, $0xb8;
	[tilespmem:$0x1E800] =	vst v63  }
0x97: {  	_ =	swait.ge [sflag:s18], $0x2000  }
0x98: {  	[sflag:s18] =	ssyncset.done $0x0  }
0x99: {  	s29 =	sadd.s32 $0x1580, s4;
	[sflag:s18] =	ssyncadd.s32 $0xFFFFE000  }
0x9a: {  	[spmem:s2] =	stream.indirect.scatter.add.f32 [tilespmem:s13], [sflag:$0x9], $0x80, s29, s0, $0xb8;
	[tilespmem:$0x1E800] =	vst v63  }
0x9b: {  	_ =	swait.ge [sflag:s30], $0x2000  }
0x9c: {  	[sflag:s30] =	ssyncset.done $0x0  }
0x9d: {  	s29 =	sadd.s32 $0x200, s4;
	[sflag:s30] =	ssyncadd.s32 $0xFFFFE000  }
0x9e: {  	[tilespmem:s3], [sflag:$0x2] =	stream.indirect.gather [hbm4b:s5+s0], $0x80, s29, s0, $0xb8;
	[tilespmem:$0x1E800] =	vst v63  }
0x9f: {  	_ =	swait.ge [sflag:s31], $0x2000  }
0xa0: {  	[sflag:s31] =	ssyncset.done $0x0  }
0xa1: {  	s29 =	sadd.s32 $0x280, s4;
	[sflag:s31] =	ssyncadd.s32 $0xFFFFE000  }
0xa2: {  	[tilespmem:s7], [sflag:$0x3] =	stream.indirect.gather [hbm4b:s5+s0], $0x80, s29, s0, $0xb8;
	[tilespmem:$0x1E800] =	vst v63  }
0xa3: {  	_ =	swait.ge [sflag:s19], $0x2000  }
0xa4: {  	[sflag:s19] =	ssyncset.done $0x0  }
.Ltmp0:
0xa5: {  	s29 =	sadd.s32 $0x300, s4;
	[sflag:s19] =	ssyncadd.s32 $0xFFFFE000;
	(pc) =	sbr.rel @p0 .LBB2_2-.Ltmp0, $4  }
0xa6: {  	[tilespmem:s11], [sflag:$0x4] =	stream.indirect.gather [hbm4b:s5+s0], $0x80, s29, s0, $0xb8;
	[tilespmem:$0x1E800] =	vst v63  }
0xa7: {  	_ =	swait.ge [sflag:s20], $0x2000  }
0xa8: {  	[sflag:s20] =	ssyncset.done $0x0  }
0xa9: {  	s4 =	sadd.s32 $0x380, s4;
	[sflag:s20] =	ssyncadd.s32 $0xFFFFE000  }
0xaa: {  	[tilespmem:s13], [sflag:$0x5] =	stream.indirect.gather [hbm4b:s5+s0], $0x80, s4, s0, $0xb8;
	[tilespmem:$0x1E800] =	vst v63  }
0xab: {  	_ =	swait.ge [sflag:s15], $0x2000  }
0xac: {  	[sflag:s15] =	ssyncset.done $0x0  }
0xad: {  	[sflag:s15] =	ssyncadd.s32 $0xFFFFE000  }
0xae: {  	[spmem:s2] =	stream.indirect.scatter.add.f32 [tilespmem:s3], [sflag:$0x6], $0x80, s21, s0, $0xb8;
	[tilespmem:$0x1E800] =	vst v63  }
0xaf: {  	_ =	swait.ge [sflag:s16], $0x2000  }
0xb0: {  	[sflag:s16] =	ssyncset.done $0x0  }
0xb1: {  	[sflag:s16] =	ssyncadd.s32 $0xFFFFE000  }
0xb2: {  	[spmem:s2] =	stream.indirect.scatter.add.f32 [tilespmem:s7], [sflag:$0x7], $0x80, s9, s0, $0xb8;
	[tilespmem:$0x1E800] =	vst v63  }
0xb3: {  	_ =	swait.ge [sflag:s17], $0x2000  }
0xb4: {  	[sflag:s17] =	ssyncset.done $0x0  }
0xb5: {  	[sflag:s17] =	ssyncadd.s32 $0xFFFFE000  }
0xb6: {  	[spmem:s2] =	stream.indirect.scatter.add.f32 [tilespmem:s11], [sflag:$0x8], $0x80, s22, s0, $0xb8;
	[tilespmem:$0x1E800] =	vst v63  }
0xb7: {  	_ =	swait.ge [sflag:s18], $0x2000  }
0xb8: {  	[sflag:s18] =	ssyncset.done $0x0  }
0xb9: {  	[sflag:s18] =	ssyncadd.s32 $0xFFFFE000  }
0xba: {  	[spmem:s2] =	stream.indirect.scatter.add.f32 [tilespmem:s13], [sflag:$0x9], $0x80, s23, s0, $0xb8;
	[tilespmem:$0x1E800] =	vst v63  }
0xbb: {  	_ =	swait.ge [sflag:s30], $0x2000  }
0xbc: {  	[sflag:s30] =	ssyncset.done $0x0  }
0xbd: {  	[sflag:s30] =	ssyncadd.s32 $0xFFFFE000  }
0xbe: {  	_ =	swait.ge [sflag:s31], $0x2000  }
0xbf: {  	[sflag:s31] =	ssyncset.done $0x0  }
0xc0: {  	[sflag:s31] =	ssyncadd.s32 $0xFFFFE000  }
0xc1: {  	_ =	swait.ge [sflag:s19], $0x2000  }
0xc2: {  	[sflag:s19] =	ssyncset.done $0x0  }
0xc3: {  	[sflag:s19] =	ssyncadd.s32 $0xFFFFE000  }
0xc4: {  	_ =	swait.ge [sflag:s20], $0x2000  }
0xc5: {  	[sflag:s20] =	ssyncset.done $0x0  }
0xc6: {  	s4 =	simm.s32 $0x0;
	s8 =	rddreg [dreg:$0x8];
	[sflag:s20] =	ssyncadd.s32 $0xFFFFE000  }
0xc7: {  	[tilespmem:s4], [sflag:$0xA] =	stream.linear.gather [hbm4b:s8+s4], $0x1400, $0x38;
	[tilespmem:$0x1E800] =	vst v63  }
0xc8: {  	_ =	swait.ge [sflag:s24], $0x1400  }
0xc9: {  	[sflag:s24] =	ssyncset.done $0x0  }
0xca: {  	s29 =	simm.s32 $0x1400;
	s8 =	rddreg [dreg:$0x9];
	[sflag:s24] =	ssyncadd.s32 $0xFFFFEC00  }
0xcb: {  	[tilespmem:s29], [sflag:$0xA] =	stream.linear.gather [hbm4b:s8+s4], $0x1400, $0x38;
	[tilespmem:$0x1E800] =	vst v63  }
0xcc: {  	_ =	swait.ge [sflag:s24], $0x1400  }
0xcd: {  	[sflag:s24] =	ssyncset.done $0x0  }
0xce: {  	[sflag:s24] =	ssyncadd.s32 $0xFFFFEC00  }
0xcf: {  	[tilespmem:s3], [sflag:$0x2] =	stream.indirect.gather [hbm4b:s5+s0], $0x80, s4, s0, $0xb8;
	[tilespmem:$0x1E800] =	vst v63  }
0xd0: {  	_ = 	snop  }
0xd1: {  	[tilespmem:s7], [sflag:$0x3] =	stream.indirect.gather [hbm4b:s5+s0], $0x80, s6, s0, $0xb8;
	[tilespmem:$0x1E800] =	vst v63  }
0xd2: {  	_ = 	snop  }
0xd3: {  	[tilespmem:s11], [sflag:$0x4] =	stream.indirect.gather [hbm4b:s5+s0], $0x80, s10, s0, $0xb8;
	[tilespmem:$0x1E800] =	vst v63  }
0xd4: {  	_ = 	snop  }
0xd5: {  	[tilespmem:s13], [sflag:$0x5] =	stream.indirect.gather [hbm4b:s5+s0], $0x80, s12, s0, $0xb8;
	[tilespmem:$0x1E800] =	vst v63  }
0xd6: {  	_ =	swait.ge [sflag:s15], $0x2000  }
0xd7: {  	[sflag:s15] =	ssyncset.done $0x0  }
0xd8: {  	s29 =	simm.s32 $0x1400;
	[sflag:s15] =	ssyncadd.s32 $0xFFFFE000  }
0xd9: {  	[spmem:s2] =	stream.indirect.scatter.add.f32 [tilespmem:s3], [sflag:$0x6], $0x80, s29, s0, $0xb8;
	[tilespmem:$0x1E800] =	vst v63  }
0xda: {  	_ =	swait.ge [sflag:s16], $0x2000  }
0xdb: {  	[sflag:s16] =	ssyncset.done $0x0  }
0xdc: {  	s8 =	simm.s32 $0x1480;
	[sflag:s16] =	ssyncadd.s32 $0xFFFFE000  }
0xdd: {  	[spmem:s2] =	stream.indirect.scatter.add.f32 [tilespmem:s7], [sflag:$0x7], $0x80, s8, s0, $0xb8;
	[tilespmem:$0x1E800] =	vst v63  }
0xde: {  	_ =	swait.ge [sflag:s17], $0x2000  }
0xdf: {  	[sflag:s17] =	ssyncset.done $0x0  }
0xe0: {  	s29 =	simm.s32 $0x1500;
	[sflag:s17] =	ssyncadd.s32 $0xFFFFE000  }
0xe1: {  	[spmem:s2] =	stream.indirect.scatter.add.f32 [tilespmem:s11], [sflag:$0x8], $0x80, s29, s0, $0xb8;
	[tilespmem:$0x1E800] =	vst v63  }
0xe2: {  	_ =	swait.ge [sflag:s18], $0x2000  }
0xe3: {  	[sflag:s18] =	ssyncset.done $0x0  }
0xe4: {  	s8 =	simm.s32 $0x1580;
	[sflag:s18] =	ssyncadd.s32 $0xFFFFE000  }
0xe5: {  	[spmem:s2] =	stream.indirect.scatter.add.f32 [tilespmem:s13], [sflag:$0x9], $0x80, s8, s0, $0xb8;
	[tilespmem:$0x1E800] =	vst v63  }
0xe6: {  	_ =	swait.ge [sflag:s30], $0x2000  }
0xe7: {  	[sflag:s30] =	ssyncset.done $0x0  }
0xe8: {  	s29 =	simm.s32 $0x200;
	[sflag:s30] =	ssyncadd.s32 $0xFFFFE000  }
0xe9: {  	[tilespmem:s3], [sflag:$0x2] =	stream.indirect.gather [hbm4b:s5+s0], $0x80, s29, s0, $0xb8;
	[tilespmem:$0x1E800] =	vst v63  }
0xea: {  	_ =	swait.ge [sflag:s31], $0x2000  }
0xeb: {  	[sflag:s31] =	ssyncset.done $0x0  }
0xec: {  	s8 =	simm.s32 $0x280;
	[sflag:s31] =	ssyncadd.s32 $0xFFFFE000  }
0xed: {  	[tilespmem:s7], [sflag:$0x3] =	stream.indirect.gather [hbm4b:s5+s0], $0x80, s8, s0, $0xb8;
	[tilespmem:$0x1E800] =	vst v63  }
0xee: {  	_ =	swait.ge [sflag:s19], $0x2000  }
0xef: {  	[sflag:s19] =	ssyncset.done $0x0  }
0xf0: {  	s29 =	simm.s32 $0x300;
	[sflag:s19] =	ssyncadd.s32 $0xFFFFE000  }
0xf1: {  	[tilespmem:s11], [sflag:$0x4] =	stream.indirect.gather [hbm4b:s5+s0], $0x80, s29, s0, $0xb8;
	[tilespmem:$0x1E800] =	vst v63  }
0xf2: {  	_ =	swait.ge [sflag:s20], $0x2000  }
0xf3: {  	[sflag:s20] =	ssyncset.done $0x0  }
0xf4: {  	s4 =	simm.s32 $0x380;
	s8 =	simm.s32 $0x800;
	[sflag:s20] =	ssyncadd.s32 $0xFFFFE000  }
.LBB2_4:
0xf5: {  	[tilespmem:s13], [sflag:$0x5] =	stream.indirect.gather [hbm4b:s5+s0], $0x80, s4, s0, $0xb8;
	[tilespmem:$0x1E800] =	vst v63  }
0xf6: {  	s4 =	smov.u32 s8  }
0xf7: {  	p0 =	sne.s32 s8, $0x4000;
	s8 =	sadd.s32 $0x800, s8;
	_ =	swait.ge [sflag:s15], $0x2000  }
0xf8: {  	s4 =	sshra.s32 s4, $0x2;
	[sflag:s15] =	ssyncset.done $0x0  }
0xf9: {  	s29 =	sadd.s32 $0x1400, s4;
	[sflag:s15] =	ssyncadd.s32 $0xFFFFE000  }
0xfa: {  	[spmem:s2] =	stream.indirect.scatter.add.f32 [tilespmem:s3], [sflag:$0x6], $0x80, s29, s0, $0xb8;
	[tilespmem:$0x1E800] =	vst v63  }
0xfb: {  	_ =	swait.ge [sflag:s16], $0x2000  }
0xfc: {  	[sflag:s16] =	ssyncset.done $0x0  }
0xfd: {  	s29 =	sadd.s32 $0x1480, s4;
	[sflag:s16] =	ssyncadd.s32 $0xFFFFE000  }
0xfe: {  	[spmem:s2] =	stream.indirect.scatter.add.f32 [tilespmem:s7], [sflag:$0x7], $0x80, s29, s0, $0xb8;
	[tilespmem:$0x1E800] =	vst v63  }
0xff: {  	_ =	swait.ge [sflag:s17], $0x2000  }
0x100: {  	[sflag:s17] =	ssyncset.done $0x0  }
0x101: {  	s29 =	sadd.s32 $0x1500, s4;
	[sflag:s17] =	ssyncadd.s32 $0xFFFFE000  }
0x102: {  	[spmem:s2] =	stream.indirect.scatter.add.f32 [tilespmem:s11], [sflag:$0x8], $0x80, s29, s0, $0xb8;
	[tilespmem:$0x1E800] =	vst v63  }
0x103: {  	_ =	swait.ge [sflag:s18], $0x2000  }
0x104: {  	[sflag:s18] =	ssyncset.done $0x0  }
0x105: {  	s29 =	sadd.s32 $0x1580, s4;
	[sflag:s18] =	ssyncadd.s32 $0xFFFFE000  }
0x106: {  	[spmem:s2] =	stream.indirect.scatter.add.f32 [tilespmem:s13], [sflag:$0x9], $0x80, s29, s0, $0xb8;
	[tilespmem:$0x1E800] =	vst v63  }
0x107: {  	_ =	swait.ge [sflag:s30], $0x2000  }
0x108: {  	[sflag:s30] =	ssyncset.done $0x0  }
0x109: {  	s29 =	sadd.s32 $0x200, s4;
	[sflag:s30] =	ssyncadd.s32 $0xFFFFE000  }
0x10a: {  	[tilespmem:s3], [sflag:$0x2] =	stream.indirect.gather [hbm4b:s5+s0], $0x80, s29, s0, $0xb8;
	[tilespmem:$0x1E800] =	vst v63  }
0x10b: {  	_ =	swait.ge [sflag:s31], $0x2000  }
0x10c: {  	[sflag:s31] =	ssyncset.done $0x0  }
0x10d: {  	s29 =	sadd.s32 $0x280, s4;
	[sflag:s31] =	ssyncadd.s32 $0xFFFFE000  }
0x10e: {  	[tilespmem:s7], [sflag:$0x3] =	stream.indirect.gather [hbm4b:s5+s0], $0x80, s29, s0, $0xb8;
	[tilespmem:$0x1E800] =	vst v63  }
0x10f: {  	_ =	swait.ge [sflag:s19], $0x2000  }
0x110: {  	[sflag:s19] =	ssyncset.done $0x0  }
.Ltmp1:
0x111: {  	s29 =	sadd.s32 $0x300, s4;
	[sflag:s19] =	ssyncadd.s32 $0xFFFFE000;
	(pc) =	sbr.rel @p0 .LBB2_4-.Ltmp1, $4  }
0x112: {  	[tilespmem:s11], [sflag:$0x4] =	stream.indirect.gather [hbm4b:s5+s0], $0x80, s29, s0, $0xb8;
	[tilespmem:$0x1E800] =	vst v63  }
0x113: {  	_ =	swait.ge [sflag:s20], $0x2000  }
0x114: {  	[sflag:s20] =	ssyncset.done $0x0  }
0x115: {  	s4 =	sadd.s32 $0x380, s4;
	[sflag:s20] =	ssyncadd.s32 $0xFFFFE000  }
0x116: {  	[tilespmem:s13], [sflag:$0x5] =	stream.indirect.gather [hbm4b:s5+s0], $0x80, s4, s0, $0xb8;
	[tilespmem:$0x1E800] =	vst v63  }
0x117: {  	_ =	swait.ge [sflag:s15], $0x2000  }
0x118: {  	[sflag:s15] =	ssyncset.done $0x0  }
0x119: {  	[sflag:s15] =	ssyncadd.s32 $0xFFFFE000  }
0x11a: {  	[spmem:s2] =	stream.indirect.scatter.add.f32 [tilespmem:s3], [sflag:$0x6], $0x80, s21, s0, $0xb8;
	[tilespmem:$0x1E800] =	vst v63  }
0x11b: {  	_ =	swait.ge [sflag:s16], $0x2000  }
0x11c: {  	[sflag:s16] =	ssyncset.done $0x0  }
0x11d: {  	[sflag:s16] =	ssyncadd.s32 $0xFFFFE000  }
0x11e: {  	[spmem:s2] =	stream.indirect.scatter.add.f32 [tilespmem:s7], [sflag:$0x7], $0x80, s9, s0, $0xb8;
	[tilespmem:$0x1E800] =	vst v63  }
0x11f: {  	_ =	swait.ge [sflag:s17], $0x2000  }
0x120: {  	[sflag:s17] =	ssyncset.done $0x0  }
0x121: {  	[sflag:s17] =	ssyncadd.s32 $0xFFFFE000  }
0x122: {  	[spmem:s2] =	stream.indirect.scatter.add.f32 [tilespmem:s11], [sflag:$0x8], $0x80, s22, s0, $0xb8;
	[tilespmem:$0x1E800] =	vst v63  }
0x123: {  	_ =	swait.ge [sflag:s18], $0x2000  }
0x124: {  	[sflag:s18] =	ssyncset.done $0x0  }
0x125: {  	[sflag:s18] =	ssyncadd.s32 $0xFFFFE000  }
0x126: {  	[spmem:s2] =	stream.indirect.scatter.add.f32 [tilespmem:s13], [sflag:$0x9], $0x80, s23, s0, $0xb8;
	[tilespmem:$0x1E800] =	vst v63  }
0x127: {  	_ =	swait.ge [sflag:s30], $0x2000  }
0x128: {  	[sflag:s30] =	ssyncset.done $0x0  }
0x129: {  	[sflag:s30] =	ssyncadd.s32 $0xFFFFE000  }
0x12a: {  	_ =	swait.ge [sflag:s31], $0x2000  }
0x12b: {  	[sflag:s31] =	ssyncset.done $0x0  }
0x12c: {  	[sflag:s31] =	ssyncadd.s32 $0xFFFFE000  }
0x12d: {  	_ =	swait.ge [sflag:s19], $0x2000  }
0x12e: {  	[sflag:s19] =	ssyncset.done $0x0  }
0x12f: {  	[sflag:s19] =	ssyncadd.s32 $0xFFFFE000  }
0x130: {  	_ =	swait.ge [sflag:s20], $0x2000  }
0x131: {  	[sflag:s20] =	ssyncset.done $0x0  }
0x132: {  	s4 =	simm.s32 $0x0;
	s8 =	rddreg [dreg:$0xa];
	[sflag:s20] =	ssyncadd.s32 $0xFFFFE000  }
0x133: {  	[tilespmem:s4], [sflag:$0xA] =	stream.linear.gather [hbm4b:s8+s4], $0x1400, $0x38;
	[tilespmem:$0x1E800] =	vst v63  }
0x134: {  	_ =	swait.ge [sflag:s24], $0x1400  }
0x135: {  	[sflag:s24] =	ssyncset.done $0x0  }
0x136: {  	s29 =	simm.s32 $0x1400;
	s8 =	rddreg [dreg:$0xb];
	[sflag:s24] =	ssyncadd.s32 $0xFFFFEC00  }
0x137: {  	[tilespmem:s29], [sflag:$0xA] =	stream.linear.gather [hbm4b:s8+s4], $0x1400, $0x38;
	[tilespmem:$0x1E800] =	vst v63  }
0x138: {  	_ =	swait.ge [sflag:s24], $0x1400  }
0x139: {  	[sflag:s24] =	ssyncset.done $0x0  }
0x13a: {  	[sflag:s24] =	ssyncadd.s32 $0xFFFFEC00  }
0x13b: {  	[tilespmem:s3], [sflag:$0x2] =	stream.indirect.gather [hbm4b:s5+s0], $0x80, s4, s0, $0xb8;
	[tilespmem:$0x1E800] =	vst v63  }
0x13c: {  	_ = 	snop  }
0x13d: {  	[tilespmem:s7], [sflag:$0x3] =	stream.indirect.gather [hbm4b:s5+s0], $0x80, s6, s0, $0xb8;
	[tilespmem:$0x1E800] =	vst v63  }
0x13e: {  	_ = 	snop  }
0x13f: {  	[tilespmem:s11], [sflag:$0x4] =	stream.indirect.gather [hbm4b:s5+s0], $0x80, s10, s0, $0xb8;
	[tilespmem:$0x1E800] =	vst v63  }
0x140: {  	_ = 	snop  }
0x141: {  	[tilespmem:s13], [sflag:$0x5] =	stream.indirect.gather [hbm4b:s5+s0], $0x80, s12, s0, $0xb8;
	[tilespmem:$0x1E800] =	vst v63  }
0x142: {  	_ =	swait.ge [sflag:s15], $0x2000  }
0x143: {  	[sflag:s15] =	ssyncset.done $0x0  }
0x144: {  	s29 =	simm.s32 $0x1400;
	[sflag:s15] =	ssyncadd.s32 $0xFFFFE000  }
0x145: {  	[spmem:s2] =	stream.indirect.scatter.add.f32 [tilespmem:s3], [sflag:$0x6], $0x80, s29, s0, $0xb8;
	[tilespmem:$0x1E800] =	vst v63  }
0x146: {  	_ =	swait.ge [sflag:s16], $0x2000  }
0x147: {  	[sflag:s16] =	ssyncset.done $0x0  }
0x148: {  	s8 =	simm.s32 $0x1480;
	[sflag:s16] =	ssyncadd.s32 $0xFFFFE000  }
0x149: {  	[spmem:s2] =	stream.indirect.scatter.add.f32 [tilespmem:s7], [sflag:$0x7], $0x80, s8, s0, $0xb8;
	[tilespmem:$0x1E800] =	vst v63  }
0x14a: {  	_ =	swait.ge [sflag:s17], $0x2000  }
0x14b: {  	[sflag:s17] =	ssyncset.done $0x0  }
0x14c: {  	s29 =	simm.s32 $0x1500;
	[sflag:s17] =	ssyncadd.s32 $0xFFFFE000  }
0x14d: {  	[spmem:s2] =	stream.indirect.scatter.add.f32 [tilespmem:s11], [sflag:$0x8], $0x80, s29, s0, $0xb8;
	[tilespmem:$0x1E800] =	vst v63  }
0x14e: {  	_ =	swait.ge [sflag:s18], $0x2000  }
0x14f: {  	[sflag:s18] =	ssyncset.done $0x0  }
0x150: {  	s8 =	simm.s32 $0x1580;
	[sflag:s18] =	ssyncadd.s32 $0xFFFFE000  }
0x151: {  	[spmem:s2] =	stream.indirect.scatter.add.f32 [tilespmem:s13], [sflag:$0x9], $0x80, s8, s0, $0xb8;
	[tilespmem:$0x1E800] =	vst v63  }
0x152: {  	_ =	swait.ge [sflag:s30], $0x2000  }
0x153: {  	[sflag:s30] =	ssyncset.done $0x0  }
0x154: {  	s29 =	simm.s32 $0x200;
	[sflag:s30] =	ssyncadd.s32 $0xFFFFE000  }
0x155: {  	[tilespmem:s3], [sflag:$0x2] =	stream.indirect.gather [hbm4b:s5+s0], $0x80, s29, s0, $0xb8;
	[tilespmem:$0x1E800] =	vst v63  }
0x156: {  	_ =	swait.ge [sflag:s31], $0x2000  }
0x157: {  	[sflag:s31] =	ssyncset.done $0x0  }
0x158: {  	s8 =	simm.s32 $0x280;
	[sflag:s31] =	ssyncadd.s32 $0xFFFFE000  }
0x159: {  	[tilespmem:s7], [sflag:$0x3] =	stream.indirect.gather [hbm4b:s5+s0], $0x80, s8, s0, $0xb8;
	[tilespmem:$0x1E800] =	vst v63  }
0x15a: {  	_ =	swait.ge [sflag:s19], $0x2000  }
0x15b: {  	[sflag:s19] =	ssyncset.done $0x0  }
0x15c: {  	s29 =	simm.s32 $0x300;
	[sflag:s19] =	ssyncadd.s32 $0xFFFFE000  }
0x15d: {  	[tilespmem:s11], [sflag:$0x4] =	stream.indirect.gather [hbm4b:s5+s0], $0x80, s29, s0, $0xb8;
	[tilespmem:$0x1E800] =	vst v63  }
0x15e: {  	_ =	swait.ge [sflag:s20], $0x2000  }
0x15f: {  	[sflag:s20] =	ssyncset.done $0x0  }
0x160: {  	s4 =	simm.s32 $0x380;
	s8 =	simm.s32 $0x800;
	[sflag:s20] =	ssyncadd.s32 $0xFFFFE000  }
.LBB2_6:
0x161: {  	[tilespmem:s13], [sflag:$0x5] =	stream.indirect.gather [hbm4b:s5+s0], $0x80, s4, s0, $0xb8;
	[tilespmem:$0x1E800] =	vst v63  }
0x162: {  	s4 =	smov.u32 s8  }
0x163: {  	p0 =	sne.s32 s8, $0x4000;
	s8 =	sadd.s32 $0x800, s8;
	_ =	swait.ge [sflag:s15], $0x2000  }
0x164: {  	s4 =	sshra.s32 s4, $0x2;
	[sflag:s15] =	ssyncset.done $0x0  }
0x165: {  	s29 =	sadd.s32 $0x1400, s4;
	[sflag:s15] =	ssyncadd.s32 $0xFFFFE000  }
0x166: {  	[spmem:s2] =	stream.indirect.scatter.add.f32 [tilespmem:s3], [sflag:$0x6], $0x80, s29, s0, $0xb8;
	[tilespmem:$0x1E800] =	vst v63  }
0x167: {  	_ =	swait.ge [sflag:s16], $0x2000  }
0x168: {  	[sflag:s16] =	ssyncset.done $0x0  }
0x169: {  	s29 =	sadd.s32 $0x1480, s4;
	[sflag:s16] =	ssyncadd.s32 $0xFFFFE000  }
0x16a: {  	[spmem:s2] =	stream.indirect.scatter.add.f32 [tilespmem:s7], [sflag:$0x7], $0x80, s29, s0, $0xb8;
	[tilespmem:$0x1E800] =	vst v63  }
0x16b: {  	_ =	swait.ge [sflag:s17], $0x2000  }
0x16c: {  	[sflag:s17] =	ssyncset.done $0x0  }
0x16d: {  	s29 =	sadd.s32 $0x1500, s4;
	[sflag:s17] =	ssyncadd.s32 $0xFFFFE000  }
0x16e: {  	[spmem:s2] =	stream.indirect.scatter.add.f32 [tilespmem:s11], [sflag:$0x8], $0x80, s29, s0, $0xb8;
	[tilespmem:$0x1E800] =	vst v63  }
0x16f: {  	_ =	swait.ge [sflag:s18], $0x2000  }
0x170: {  	[sflag:s18] =	ssyncset.done $0x0  }
0x171: {  	s29 =	sadd.s32 $0x1580, s4;
	[sflag:s18] =	ssyncadd.s32 $0xFFFFE000  }
0x172: {  	[spmem:s2] =	stream.indirect.scatter.add.f32 [tilespmem:s13], [sflag:$0x9], $0x80, s29, s0, $0xb8;
	[tilespmem:$0x1E800] =	vst v63  }
0x173: {  	_ =	swait.ge [sflag:s30], $0x2000  }
0x174: {  	[sflag:s30] =	ssyncset.done $0x0  }
0x175: {  	s29 =	sadd.s32 $0x200, s4;
	[sflag:s30] =	ssyncadd.s32 $0xFFFFE000  }
0x176: {  	[tilespmem:s3], [sflag:$0x2] =	stream.indirect.gather [hbm4b:s5+s0], $0x80, s29, s0, $0xb8;
	[tilespmem:$0x1E800] =	vst v63  }
0x177: {  	_ =	swait.ge [sflag:s31], $0x2000  }
0x178: {  	[sflag:s31] =	ssyncset.done $0x0  }
0x179: {  	s29 =	sadd.s32 $0x280, s4;
	[sflag:s31] =	ssyncadd.s32 $0xFFFFE000  }
0x17a: {  	[tilespmem:s7], [sflag:$0x3] =	stream.indirect.gather [hbm4b:s5+s0], $0x80, s29, s0, $0xb8;
	[tilespmem:$0x1E800] =	vst v63  }
0x17b: {  	_ =	swait.ge [sflag:s19], $0x2000  }
0x17c: {  	[sflag:s19] =	ssyncset.done $0x0  }
.Ltmp2:
0x17d: {  	s29 =	sadd.s32 $0x300, s4;
	[sflag:s19] =	ssyncadd.s32 $0xFFFFE000;
	(pc) =	sbr.rel @p0 .LBB2_6-.Ltmp2, $4  }
0x17e: {  	[tilespmem:s11], [sflag:$0x4] =	stream.indirect.gather [hbm4b:s5+s0], $0x80, s29, s0, $0xb8;
	[tilespmem:$0x1E800] =	vst v63  }
0x17f: {  	_ =	swait.ge [sflag:s20], $0x2000  }
0x180: {  	[sflag:s20] =	ssyncset.done $0x0  }
0x181: {  	s4 =	sadd.s32 $0x380, s4;
	[sflag:s20] =	ssyncadd.s32 $0xFFFFE000  }
0x182: {  	[tilespmem:s13], [sflag:$0x5] =	stream.indirect.gather [hbm4b:s5+s0], $0x80, s4, s0, $0xb8;
	[tilespmem:$0x1E800] =	vst v63  }
0x183: {  	_ =	swait.ge [sflag:s15], $0x2000  }
0x184: {  	[sflag:s15] =	ssyncset.done $0x0  }
0x185: {  	[sflag:s15] =	ssyncadd.s32 $0xFFFFE000  }
0x186: {  	[spmem:s2] =	stream.indirect.scatter.add.f32 [tilespmem:s3], [sflag:$0x6], $0x80, s21, s0, $0xb8;
	[tilespmem:$0x1E800] =	vst v63  }
0x187: {  	_ =	swait.ge [sflag:s16], $0x2000  }
0x188: {  	[sflag:s16] =	ssyncset.done $0x0  }
0x189: {  	[sflag:s16] =	ssyncadd.s32 $0xFFFFE000  }
0x18a: {  	[spmem:s2] =	stream.indirect.scatter.add.f32 [tilespmem:s7], [sflag:$0x7], $0x80, s9, s0, $0xb8;
	[tilespmem:$0x1E800] =	vst v63  }
0x18b: {  	_ =	swait.ge [sflag:s17], $0x2000  }
0x18c: {  	[sflag:s17] =	ssyncset.done $0x0  }
0x18d: {  	[sflag:s17] =	ssyncadd.s32 $0xFFFFE000  }
0x18e: {  	[spmem:s2] =	stream.indirect.scatter.add.f32 [tilespmem:s11], [sflag:$0x8], $0x80, s22, s0, $0xb8;
	[tilespmem:$0x1E800] =	vst v63  }
0x18f: {  	_ =	swait.ge [sflag:s18], $0x2000  }
0x190: {  	[sflag:s18] =	ssyncset.done $0x0  }
0x191: {  	[sflag:s18] =	ssyncadd.s32 $0xFFFFE000  }
0x192: {  	[spmem:s2] =	stream.indirect.scatter.add.f32 [tilespmem:s13], [sflag:$0x9], $0x80, s23, s0, $0xb8;
	[tilespmem:$0x1E800] =	vst v63  }
0x193: {  	_ =	swait.ge [sflag:s30], $0x2000  }
0x194: {  	[sflag:s30] =	ssyncset.done $0x0  }
0x195: {  	[sflag:s30] =	ssyncadd.s32 $0xFFFFE000  }
0x196: {  	_ =	swait.ge [sflag:s31], $0x2000  }
0x197: {  	[sflag:s31] =	ssyncset.done $0x0  }
0x198: {  	[sflag:s31] =	ssyncadd.s32 $0xFFFFE000  }
0x199: {  	_ =	swait.ge [sflag:s19], $0x2000  }
0x19a: {  	[sflag:s19] =	ssyncset.done $0x0  }
0x19b: {  	[sflag:s19] =	ssyncadd.s32 $0xFFFFE000  }
0x19c: {  	_ =	swait.ge [sflag:s20], $0x2000  }
0x19d: {  	[sflag:s20] =	ssyncset.done $0x0  }
0x19e: {  	s4 =	simm.s32 $0x0;
	s8 =	rddreg [dreg:$0xc];
	[sflag:s20] =	ssyncadd.s32 $0xFFFFE000  }
0x19f: {  	[tilespmem:s4], [sflag:$0xA] =	stream.linear.gather [hbm4b:s8+s4], $0x1400, $0x38;
	[tilespmem:$0x1E800] =	vst v63  }
0x1a0: {  	_ =	swait.ge [sflag:s24], $0x1400  }
0x1a1: {  	[sflag:s24] =	ssyncset.done $0x0  }
0x1a2: {  	s29 =	simm.s32 $0x1400;
	s8 =	rddreg [dreg:$0xd];
	[sflag:s24] =	ssyncadd.s32 $0xFFFFEC00  }
0x1a3: {  	[tilespmem:s29], [sflag:$0xA] =	stream.linear.gather [hbm4b:s8+s4], $0x1400, $0x38;
	[tilespmem:$0x1E800] =	vst v63  }
0x1a4: {  	_ =	swait.ge [sflag:s24], $0x1400  }
0x1a5: {  	[sflag:s24] =	ssyncset.done $0x0  }
0x1a6: {  	[sflag:s24] =	ssyncadd.s32 $0xFFFFEC00  }
0x1a7: {  	[tilespmem:s3], [sflag:$0x2] =	stream.indirect.gather [hbm4b:s5+s0], $0x80, s4, s0, $0xb8;
	[tilespmem:$0x1E800] =	vst v63  }
0x1a8: {  	_ = 	snop  }
0x1a9: {  	[tilespmem:s7], [sflag:$0x3] =	stream.indirect.gather [hbm4b:s5+s0], $0x80, s6, s0, $0xb8;
	[tilespmem:$0x1E800] =	vst v63  }
0x1aa: {  	_ = 	snop  }
0x1ab: {  	[tilespmem:s11], [sflag:$0x4] =	stream.indirect.gather [hbm4b:s5+s0], $0x80, s10, s0, $0xb8;
	[tilespmem:$0x1E800] =	vst v63  }
0x1ac: {  	_ = 	snop  }
0x1ad: {  	[tilespmem:s13], [sflag:$0x5] =	stream.indirect.gather [hbm4b:s5+s0], $0x80, s12, s0, $0xb8;
	[tilespmem:$0x1E800] =	vst v63  }
0x1ae: {  	_ =	swait.ge [sflag:s15], $0x2000  }
0x1af: {  	[sflag:s15] =	ssyncset.done $0x0  }
0x1b0: {  	s29 =	simm.s32 $0x1400;
	[sflag:s15] =	ssyncadd.s32 $0xFFFFE000  }
0x1b1: {  	[spmem:s2] =	stream.indirect.scatter.add.f32 [tilespmem:s3], [sflag:$0x6], $0x80, s29, s0, $0xb8;
	[tilespmem:$0x1E800] =	vst v63  }
0x1b2: {  	_ =	swait.ge [sflag:s16], $0x2000  }
0x1b3: {  	[sflag:s16] =	ssyncset.done $0x0  }
0x1b4: {  	s8 =	simm.s32 $0x1480;
	[sflag:s16] =	ssyncadd.s32 $0xFFFFE000  }
0x1b5: {  	[spmem:s2] =	stream.indirect.scatter.add.f32 [tilespmem:s7], [sflag:$0x7], $0x80, s8, s0, $0xb8;
	[tilespmem:$0x1E800] =	vst v63  }
0x1b6: {  	_ =	swait.ge [sflag:s17], $0x2000  }
0x1b7: {  	[sflag:s17] =	ssyncset.done $0x0  }
0x1b8: {  	s29 =	simm.s32 $0x1500;
	[sflag:s17] =	ssyncadd.s32 $0xFFFFE000  }
0x1b9: {  	[spmem:s2] =	stream.indirect.scatter.add.f32 [tilespmem:s11], [sflag:$0x8], $0x80, s29, s0, $0xb8;
	[tilespmem:$0x1E800] =	vst v63  }
0x1ba: {  	_ =	swait.ge [sflag:s18], $0x2000  }
0x1bb: {  	[sflag:s18] =	ssyncset.done $0x0  }
0x1bc: {  	s8 =	simm.s32 $0x1580;
	[sflag:s18] =	ssyncadd.s32 $0xFFFFE000  }
0x1bd: {  	[spmem:s2] =	stream.indirect.scatter.add.f32 [tilespmem:s13], [sflag:$0x9], $0x80, s8, s0, $0xb8;
	[tilespmem:$0x1E800] =	vst v63  }
0x1be: {  	_ =	swait.ge [sflag:s30], $0x2000  }
0x1bf: {  	[sflag:s30] =	ssyncset.done $0x0  }
0x1c0: {  	s29 =	simm.s32 $0x200;
	[sflag:s30] =	ssyncadd.s32 $0xFFFFE000  }
0x1c1: {  	[tilespmem:s3], [sflag:$0x2] =	stream.indirect.gather [hbm4b:s5+s0], $0x80, s29, s0, $0xb8;
	[tilespmem:$0x1E800] =	vst v63  }
0x1c2: {  	_ =	swait.ge [sflag:s31], $0x2000  }
0x1c3: {  	[sflag:s31] =	ssyncset.done $0x0  }
0x1c4: {  	s8 =	simm.s32 $0x280;
	[sflag:s31] =	ssyncadd.s32 $0xFFFFE000  }
0x1c5: {  	[tilespmem:s7], [sflag:$0x3] =	stream.indirect.gather [hbm4b:s5+s0], $0x80, s8, s0, $0xb8;
	[tilespmem:$0x1E800] =	vst v63  }
0x1c6: {  	_ =	swait.ge [sflag:s19], $0x2000  }
0x1c7: {  	[sflag:s19] =	ssyncset.done $0x0  }
0x1c8: {  	s29 =	simm.s32 $0x300;
	[sflag:s19] =	ssyncadd.s32 $0xFFFFE000  }
0x1c9: {  	[tilespmem:s11], [sflag:$0x4] =	stream.indirect.gather [hbm4b:s5+s0], $0x80, s29, s0, $0xb8;
	[tilespmem:$0x1E800] =	vst v63  }
0x1ca: {  	_ =	swait.ge [sflag:s20], $0x2000  }
0x1cb: {  	[sflag:s20] =	ssyncset.done $0x0  }
0x1cc: {  	s4 =	simm.s32 $0x380;
	s8 =	simm.s32 $0x800;
	[sflag:s20] =	ssyncadd.s32 $0xFFFFE000  }
.LBB2_8:
0x1cd: {  	[tilespmem:s13], [sflag:$0x5] =	stream.indirect.gather [hbm4b:s5+s0], $0x80, s4, s0, $0xb8;
	[tilespmem:$0x1E800] =	vst v63  }
0x1ce: {  	s4 =	smov.u32 s8  }
0x1cf: {  	p0 =	sne.s32 s8, $0x4000;
	s8 =	sadd.s32 $0x800, s8;
	_ =	swait.ge [sflag:s15], $0x2000  }
0x1d0: {  	s4 =	sshra.s32 s4, $0x2;
	[sflag:s15] =	ssyncset.done $0x0  }
0x1d1: {  	s29 =	sadd.s32 $0x1400, s4;
	[sflag:s15] =	ssyncadd.s32 $0xFFFFE000  }
0x1d2: {  	[spmem:s2] =	stream.indirect.scatter.add.f32 [tilespmem:s3], [sflag:$0x6], $0x80, s29, s0, $0xb8;
	[tilespmem:$0x1E800] =	vst v63  }
0x1d3: {  	_ =	swait.ge [sflag:s16], $0x2000  }
0x1d4: {  	[sflag:s16] =	ssyncset.done $0x0  }
0x1d5: {  	s29 =	sadd.s32 $0x1480, s4;
	[sflag:s16] =	ssyncadd.s32 $0xFFFFE000  }
0x1d6: {  	[spmem:s2] =	stream.indirect.scatter.add.f32 [tilespmem:s7], [sflag:$0x7], $0x80, s29, s0, $0xb8;
	[tilespmem:$0x1E800] =	vst v63  }
0x1d7: {  	_ =	swait.ge [sflag:s17], $0x2000  }
0x1d8: {  	[sflag:s17] =	ssyncset.done $0x0  }
0x1d9: {  	s29 =	sadd.s32 $0x1500, s4;
	[sflag:s17] =	ssyncadd.s32 $0xFFFFE000  }
0x1da: {  	[spmem:s2] =	stream.indirect.scatter.add.f32 [tilespmem:s11], [sflag:$0x8], $0x80, s29, s0, $0xb8;
	[tilespmem:$0x1E800] =	vst v63  }
0x1db: {  	_ =	swait.ge [sflag:s18], $0x2000  }
0x1dc: {  	[sflag:s18] =	ssyncset.done $0x0  }
0x1dd: {  	s29 =	sadd.s32 $0x1580, s4;
	[sflag:s18] =	ssyncadd.s32 $0xFFFFE000  }
0x1de: {  	[spmem:s2] =	stream.indirect.scatter.add.f32 [tilespmem:s13], [sflag:$0x9], $0x80, s29, s0, $0xb8;
	[tilespmem:$0x1E800] =	vst v63  }
0x1df: {  	_ =	swait.ge [sflag:s30], $0x2000  }
0x1e0: {  	[sflag:s30] =	ssyncset.done $0x0  }
0x1e1: {  	s29 =	sadd.s32 $0x200, s4;
	[sflag:s30] =	ssyncadd.s32 $0xFFFFE000  }
0x1e2: {  	[tilespmem:s3], [sflag:$0x2] =	stream.indirect.gather [hbm4b:s5+s0], $0x80, s29, s0, $0xb8;
	[tilespmem:$0x1E800] =	vst v63  }
0x1e3: {  	_ =	swait.ge [sflag:s31], $0x2000  }
0x1e4: {  	[sflag:s31] =	ssyncset.done $0x0  }
0x1e5: {  	s29 =	sadd.s32 $0x280, s4;
	[sflag:s31] =	ssyncadd.s32 $0xFFFFE000  }
0x1e6: {  	[tilespmem:s7], [sflag:$0x3] =	stream.indirect.gather [hbm4b:s5+s0], $0x80, s29, s0, $0xb8;
	[tilespmem:$0x1E800] =	vst v63  }
0x1e7: {  	_ =	swait.ge [sflag:s19], $0x2000  }
0x1e8: {  	[sflag:s19] =	ssyncset.done $0x0  }
.Ltmp3:
0x1e9: {  	s29 =	sadd.s32 $0x300, s4;
	[sflag:s19] =	ssyncadd.s32 $0xFFFFE000;
	(pc) =	sbr.rel @p0 .LBB2_8-.Ltmp3, $4  }
0x1ea: {  	[tilespmem:s11], [sflag:$0x4] =	stream.indirect.gather [hbm4b:s5+s0], $0x80, s29, s0, $0xb8;
	[tilespmem:$0x1E800] =	vst v63  }
0x1eb: {  	_ =	swait.ge [sflag:s20], $0x2000  }
0x1ec: {  	[sflag:s20] =	ssyncset.done $0x0  }
0x1ed: {  	s4 =	sadd.s32 $0x380, s4;
	[sflag:s20] =	ssyncadd.s32 $0xFFFFE000  }
0x1ee: {  	[tilespmem:s13], [sflag:$0x5] =	stream.indirect.gather [hbm4b:s5+s0], $0x80, s4, s0, $0xb8;
	[tilespmem:$0x1E800] =	vst v63  }
0x1ef: {  	_ =	swait.ge [sflag:s15], $0x2000  }
0x1f0: {  	[sflag:s15] =	ssyncset.done $0x0  }
0x1f1: {  	[sflag:s15] =	ssyncadd.s32 $0xFFFFE000  }
0x1f2: {  	[spmem:s2] =	stream.indirect.scatter.add.f32 [tilespmem:s3], [sflag:$0x6], $0x80, s21, s0, $0xb8;
	[tilespmem:$0x1E800] =	vst v63  }
0x1f3: {  	_ =	swait.ge [sflag:s16], $0x2000  }
0x1f4: {  	[sflag:s16] =	ssyncset.done $0x0  }
0x1f5: {  	[sflag:s16] =	ssyncadd.s32 $0xFFFFE000  }
0x1f6: {  	[spmem:s2] =	stream.indirect.scatter.add.f32 [tilespmem:s7], [sflag:$0x7], $0x80, s9, s0, $0xb8;
	[tilespmem:$0x1E800] =	vst v63  }
0x1f7: {  	_ =	swait.ge [sflag:s17], $0x2000  }
0x1f8: {  	[sflag:s17] =	ssyncset.done $0x0  }
0x1f9: {  	[sflag:s17] =	ssyncadd.s32 $0xFFFFE000  }
0x1fa: {  	[spmem:s2] =	stream.indirect.scatter.add.f32 [tilespmem:s11], [sflag:$0x8], $0x80, s22, s0, $0xb8;
	[tilespmem:$0x1E800] =	vst v63  }
0x1fb: {  	_ =	swait.ge [sflag:s18], $0x2000  }
0x1fc: {  	[sflag:s18] =	ssyncset.done $0x0  }
0x1fd: {  	[sflag:s18] =	ssyncadd.s32 $0xFFFFE000  }
0x1fe: {  	[spmem:s2] =	stream.indirect.scatter.add.f32 [tilespmem:s13], [sflag:$0x9], $0x80, s23, s0, $0xb8;
	[tilespmem:$0x1E800] =	vst v63  }
0x1ff: {  	_ =	swait.ge [sflag:s30], $0x2000  }
0x200: {  	[sflag:s30] =	ssyncset.done $0x0  }
0x201: {  	[sflag:s30] =	ssyncadd.s32 $0xFFFFE000  }
0x202: {  	_ =	swait.ge [sflag:s31], $0x2000  }
0x203: {  	[sflag:s31] =	ssyncset.done $0x0  }
0x204: {  	[sflag:s31] =	ssyncadd.s32 $0xFFFFE000  }
0x205: {  	_ =	swait.ge [sflag:s19], $0x2000  }
0x206: {  	[sflag:s19] =	ssyncset.done $0x0  }
0x207: {  	[sflag:s19] =	ssyncadd.s32 $0xFFFFE000  }
0x208: {  	_ =	swait.ge [sflag:s20], $0x2000  }
0x209: {  	[sflag:s20] =	ssyncset.done $0x0  }
0x20a: {  	[sflag:s20] =	ssyncadd.s32 $0xFFFFE000  }
0x20b: {  	[bflag:$0x0] =	sbarrier.arrive $0xFFFF  }
0x20c: {  	s8 =	rddreg [dreg:$0x7]  }
0x20d: {  	s4 =	sor.u32 $0x1C0A, s8;
	s8 =	rddreg [dreg:$0xe]  }
0x20e: {  	[hbm:s8], [sflag:s4] =	dma.local [spmem:s26], $0x2800  }
0x20f: {  	_ =	swait.ge [sflag:s24], $0x2800  }
0x210: {  	s25 =	sadd.s32 $0x1, s25;
	s29 =	rddreg [dreg:$0xf]  }
0x211: {  	p0 =	sne.s32 s25, s29  }
.Ltmp4:
0x212: {  	_ = 	snop;
	(pc) =	sbr.rel @p0 .LBB2_1-.Ltmp4, $3  }
0x213: {  	_ =	sdelay $0x1  }
0x214: {  	[sflag:s24] =	ssyncset.done $0x0  }
0x215: {  	[sflag:s24] =	ssyncadd.s32 $0xFFFFD800  }
0x216: {  	_ =	sfence.sel $0x180000  }
0x217: {  	[bflag:$0x0] =	sbarrier.arrive $0xFFFF  }
0x218: {  	_ =	strace $0x9000004D  }
0x219: {  	s0 =	stileid.u32;
	[bflag:$0x2] =	sbarrier.arrive $0xFFFF  }
0x21a: {  	p0 =	sne.s32 s0, $0x0;
	s0 =	rddreg [dreg:$0x3]  }
0x21b: {  	s0 =	sadd.s32 @!p0 $0x100000, s0  }
0x21c: {  	[sflag:s0] =	ssyncadd.tile.s32 @!p0 $0x1;
	_ =	shalt  }
.Lfunc_end2:
_tile_overlayer_lowered:
.L_overlay_start_2:
0x21d: {  	(tag) =	ssettag $0x2  }
0x21e: {  	s0 =	rddreg [dreg:$0x0];
	s2 =	stileid.u32  }
0x21f: {  	s1 =	rddreg [dreg:$0x1];
	p0 =	sne.s32 s2, $0x0  }
0x220: {  	s3 =	rddreg [dreg:$0x2];
	[bflag:$0x3] =	sbarrier.arrive $0xFFFF;
	s2 =	simm.s32 @!p0 $0x1C0A  }
0x221: {  	[timem:s3], [sflag:s2] =	dma.local @!p0 [hbm:s0], s1  }
0x222: {  	s0 =	simm.s32 @!p0 $0xA  }
0x223: {  	_ =	swait.ge @!p0 [sflag:s0], s1  }
0x224: {  	s1 =	ssub.s32 @!p0 $0x0, s1;
	[sflag:s0] =	ssyncset.done @!p0 $0x0  }
0x225: {  	[sflag:s0] =	ssyncadd.s32 @!p0 s1  }
0x226: {  	[bflag:$0x3] =	sbarrier.arrive $0xFFFF  }
0x227: {  	_ =	shalt  }

// kernel: kernel.9.cloned.1.call-start
scs
__scs_entry_jumppad:
0x0: {  	(pc) =	sbr.rel $0x88, $3  }
0x1: {  	(tag) =	ssettag $0x0;
	lr =	simm.s32 $0x1  }
0x2: {  	[smem:$0x3F97] =	sst lr;
	_ =	strace $0xD0000000  }
0x3: {  	_ = 	snop  }
0x4: {  	_ = 	snop  }
0x5: {  	_ = 	snop  }
0x6: {  	_ = 	snop  }
0x7: {  	_ = 	snop  }
__scs_overlays_trampoline_lowered:
0x8: {  	[smem:$0x3FA6] =	sst s0  }
0x9: {  	[smem:$0x3FA7] =	sst s1  }
0xa: {  	[smem:$0x3FA8] =	sst s2  }
0xb: {  	[smem:$0x3FA9] =	sst s3  }
0xc: {  	[smem:$0x3FAA] =	sst s4  }
0xd: {  	[smem:$0x3FAB] =	sst s5  }
0xe: {  	[smem:$0x3FAC] =	sst s6  }
0xf: {  	[smem:$0x3FAD] =	sst s7  }
0x10: {  	[smem:$0x3FAE] =	sst s8  }
0x11: {  	[smem:$0x3FAF] =	sst s9;
	s0 =	simm.s32 @!p0 $0x0  }
0x12: {  	s1 =	sld [smem:$0x3F95];
	s0 =	simm.s32 @p0 $0x1  }
0x13: {  	[smem:$0x3FB0] =	sst s0;
	s0 =	simm.s32 @!p1 $0x0  }
0x14: {  	s2 =	sld [smem:$0x3F94];
	s0 =	simm.s32 @p1 $0x1  }
0x15: {  	[smem:$0x3FB1] =	sst s0;
	s0 =	simm.s32 @!p2 $0x0  }
0x16: {  	s3 =	sld [smem:$0x3FDB];
	s0 =	simm.s32 @p2 $0x1  }
0x17: {  	s4 =	simm.s32 $0x1BF5;
	[smem:$0x3FB3] =	sst s0  }
0x18: {  	s0 =	sld [smem:$0x3F96];
	_ =	swait.ge [sflag:s4], $0x0  }
0x19: {  	s7 =	sld [smem:$0x3F97]  }
0x1a: {  	s8 =	sadd.s32 $0xFFFFE003, lr  }
0x1b: {  	s9 =	sadd.s32 $0xFFFFFEF7, lr;
	s5 =	simm.s32 $0xFFFFFFFF;
	p2 =	slt.u32 s8, $0xFFFFF086  }
0x1c: {  	p1 =	slt.u32 s9, $0xF7A;
	s5 =	simm.s32 @!p2 $0x0  }
0x1d: {  	s5 =	simm.s32 @p1 $0x1;
	p0 =	seq.s32 s7, s2  }
0x1e: {  	s7 =	smul.u32 @!p0 $0xF7A, s2;
	p2 =	seq.s32 @!p0 s5, $0x0  }
0x1f: {  	s9 =	smul.u32 $0xF7A, s1;
	s8 =	simm.s32 @!p0 $0x1BF5;
	p2 =	por !p2, p0  }
0x20: {  	[sflag:s8] =	ssyncset.s32 @!p0 $0xFFFFF086;
	s6 =	sadd.s32 @!p0 s3, s7;
	s7 =	simm.s32 @!p0 $0x108  }
0x21: {  	s3 =	sadd.s32 s3, s9;
	s6 =	sadd.s32 @!p0 $0x88, s6;
	s7 =	simm.s32 @p2 $0x1082  }
0x22: {  	[simem:s7], [sflag:s8] =	dma.local @!p0 [hbm:s6], $0xF7A  }
0x23: {  	s9 =	sor.u32 $0xD0000000, s2;
	s6 =	simm.s32 $0x108;
	_ =	swait.ge @!p0 [sflag:s8], $0x0  }
0x24: {  	s3 =	sadd.s32 $0x88, s3;
	s6 =	simm.s32 @!p1 $0x1082;
	[sflag:s4] =	ssyncset.s32 $0xFFFFF086  }
0x25: {  	[simem:s6], [sflag:s4] =	dma.local [hbm:s3], $0xF7A  }
0x26: {  	[smem:$0x3F97] =	sst s1;
	(tag) =	ssettag s2;
	_ =	strace s9  }
0x27: {  	s1 =	sld [smem:$0x3FA7]  }
0x28: {  	s2 =	sld [smem:$0x3FA8]  }
0x29: {  	s4 =	sld [smem:$0x3FAA]  }
0x2a: {  	p0 =	seq.s32 s5, $0x0;
	s5 =	sld [smem:$0x3FAB]  }
0x2b: {  	s6 =	sld [smem:$0x3FAC]  }
0x2c: {  	s7 =	sld [smem:$0x3FAD]  }
0x2d: {  	s3 =	simm.s32 $0x108;
	s8 =	sld [smem:$0x3FAE]  }
0x2e: {  	s3 =	simm.s32 @!p0 $0x1082;
	s9 =	sld [smem:$0x3FAF]  }
0x2f: {  	lr =	sadd.s32 s0, s3;
	s0 =	sld [smem:$0x3FA6]  }
0x30: {  	s3 =	sld [smem:$0x3FA9]  }
0x31: {  	[smem:$0x3FB2] =	sst s10  }
0x32: {  	s10 =	sld [smem:$0x3FB0];
	_ =	sdelay $0x3  }
0x33: {  	p0 =	seq.s32 s10, $0x1;
	s10 =	sld [smem:$0x3FB2];
	_ =	sdelay $0x3  }
0x34: {  	[smem:$0x3FB2] =	sst s10  }
0x35: {  	s10 =	sld [smem:$0x3FB1];
	_ =	sdelay $0x3  }
0x36: {  	p1 =	seq.s32 s10, $0x1;
	s10 =	sld [smem:$0x3FB2];
	_ =	sdelay $0x3  }
0x37: {  	[smem:$0x3FB2] =	sst s10  }
0x38: {  	s10 =	sld [smem:$0x3FB3]  }
0x39: {  	_ = 	snop;
	(pc) =	sbr.ind lr, $3  }
0x3a: {  	_ = 	snop  }
0x3b: {  	_ = 	snop  }
0x3c: {  	p2 =	seq.s32 s10, $0x1;
	s10 =	sld [smem:$0x3FB2]  }
0x3d: {  	_ =	shalt  }
0x3e: {  	_ =	shalt  }
0x3f: {  	_ =	shalt  }
0x40: {  	_ =	shalt  }
0x41: {  	_ =	shalt  }
0x42: {  	_ =	shalt  }
0x43: {  	_ =	shalt  }
0x44: {  	_ =	shalt  }
0x45: {  	_ =	shalt  }
0x46: {  	_ =	shalt  }
0x47: {  	_ =	shalt  }
0x48: {  	_ =	shalt  }
0x49: {  	_ =	shalt  }
0x4a: {  	_ =	shalt  }
0x4b: {  	_ =	shalt  }
0x4c: {  	_ =	shalt  }
0x4d: {  	_ =	shalt  }
0x4e: {  	_ =	shalt  }
0x4f: {  	_ =	shalt  }
0x50: {  	_ =	shalt  }
0x51: {  	_ =	shalt  }
0x52: {  	_ =	shalt  }
0x53: {  	_ =	shalt  }
0x54: {  	_ =	shalt  }
0x55: {  	_ =	shalt  }
0x56: {  	_ =	shalt  }
0x57: {  	_ =	shalt  }
0x58: {  	_ =	shalt  }
0x59: {  	_ =	shalt  }
0x5a: {  	_ =	shalt  }
0x5b: {  	_ =	shalt  }
0x5c: {  	_ =	shalt  }
0x5d: {  	_ =	shalt  }
0x5e: {  	_ =	shalt  }
0x5f: {  	_ =	shalt  }
0x60: {  	_ =	shalt  }
0x61: {  	_ =	shalt  }
0x62: {  	_ =	shalt  }
0x63: {  	_ =	shalt  }
0x64: {  	_ =	shalt  }
0x65: {  	_ =	shalt  }
0x66: {  	_ =	shalt  }
0x67: {  	_ =	shalt  }
0x68: {  	_ =	shalt  }
0x69: {  	_ =	shalt  }
0x6a: {  	_ =	shalt  }
0x6b: {  	_ =	shalt  }
0x6c: {  	_ =	shalt  }
0x6d: {  	_ =	shalt  }
0x6e: {  	_ =	shalt  }
0x6f: {  	_ =	shalt  }
0x70: {  	_ =	shalt  }
0x71: {  	_ =	shalt  }
0x72: {  	_ =	shalt  }
0x73: {  	_ =	shalt  }
0x74: {  	_ =	shalt  }
0x75: {  	_ =	shalt  }
0x76: {  	_ =	shalt  }
0x77: {  	_ =	shalt  }
0x78: {  	_ =	shalt  }
0x79: {  	_ =	shalt  }
0x7a: {  	_ =	shalt  }
0x7b: {  	_ =	shalt  }
0x7c: {  	_ =	shalt  }
0x7d: {  	_ =	shalt  }
0x7e: {  	_ =	shalt  }
0x7f: {  	_ =	shalt  }
0x80: {  	_ =	shalt  }
0x81: {  	_ =	shalt  }
0x82: {  	_ =	shalt  }
0x83: {  	_ =	shalt  }
0x84: {  	_ =	shalt  }
0x85: {  	_ =	shalt  }
0x86: {  	_ =	shalt  }
0x87: {  	_ =	shalt  }
.Lfunc_end0:
.L_simem_size_0:
called_computation_lowered:
.L_overlay_start_0:
0x88: {  	s2 =	sld [smem:$0x3FD9]  }
0x89: {  	s3 =	sld [smem:$0x3FFE];
	_ =	sdelay $0x1  }
0x8a: {  	s1 =	srdreg.scid  }
0x8b: {  	s0 =	sand.u32 $0x1, s1  }
0x8c: {  	s16 =	sshll.u32 s0, $0xA;
	s2 =	sadd.s32 s3, s2  }
0x8d: {  	s2 =	sadd.s32 s2, s16  }
0x8e: {  	[smem:$0x3FBE] =	sst s2  }
0x8f: {  	_ = 	snop  }
0x90: {  	(tm) =	ssettm $0x1  }
0x91: {  	s17 =	sld [smem:$0x3FFB];
	_ =	sdelay $0x3  }
0x92: {  	_ =	strace s17  }
0x93: {  	s2 =	sld [smem:$0x3FFC];
	_ =	sdelay $0x3  }
0x94: {  	_ =	strace s2  }
0x95: {  	s2 =	sld [smem:$0x3FFD];
	_ =	sdelay $0x3  }
0x96: {  	_ =	strace s2  }
0x97: {  	_ =	strace $0x8FFFFFFF  }
0x98: {  	s18 =	sld [smem:$0x3FDB];
	_ =	sdelay $0x1  }
0x99: {  	s19 =	simm.s32 $_scs_section_size  }
0x9a: {  	s4 =	simm.s32 $_size__tile_overlayer_lowered;
	s5 =	simm.s32 $_tile_overlayer_lowered  }
0x9b: {  	s22 =	simm.s32 $0x1BFF;
	s21 =	sshll.u32 s5, $0x1;
	s2 =	sadd.s32 s19, s18  }
0x9c: {  	s6 =	simm.s32 $0x0;
	s20 =	sshll.u32 s4, $0x1;
	s4 =	sadd.s32 s21, s2  }
0x9d: {  	[timem:s6], [sflag:s22] =	dma.local [hbm:s4], s20  }
0x9e: {  	_ =	swait.ge [sflag:s22], s20  }
0x9f: {  	s3 =	ssub.s32 $0x0, s20;
	[sflag:s22] =	ssyncset.done $0x0  }
0xa0: {  	[sflag:s22] =	ssyncadd.s32 s3;
	_ =	sdelay $0x1  }
0xa1: {  	s23 =	simm.s32 $0x1B8B  }
0xa2: {  	_ =	swait.ge [sflag:s23], $0x1  }
0xa3: {  	[sflag:s23] =	ssyncset.done $0x0  }
0xa4: {  	s25 =	simm.s32 $0x1B8E;
	s24 =	sld [smem:$0x3FFE];
	[sflag:s23] =	ssyncadd.s32 $0xFFFFFFFF  }
0xa5: {  	s26 =	simm.s32 $execute0_lowered;
	[smem:$0x3FD2] =	sst s25  }
0xa6: {  	s4 =	sshll.u32 s26, $0x1;
	_ =	strace $0x80000046;
	[dreg:$0x1] =	wrdreg $0xFFFFFFFF  }
0xa7: {  	s28 =	simm.s32 $_size_execute0_lowered;
	s2 =	sadd.s32 s2, s4;
	[dreg:$0x0] =	wrdreg $0x0  }
0xa8: {  	s4 =	sshll.u32 s28, $0x1;
	[dreg:$0x2] =	wrdreg s2  }
0xa9: {  	[dreg:$0x3] =	wrdreg s4  }
0xaa: {  	[dreg:$0x4] =	wrdreg $0xC0  }
0xab: {  	_ =	task [dreg:s6], $0x5FFFF  }
0xac: {  	[dreg:$0x1] =	wrdreg $0xFFFFFFFF  }
0xad: {  	[dreg:$0x0] =	wrdreg $0x60  }
0xae: {  	[dreg:$0x2] =	wrdreg s24  }
0xaf: {  	[dreg:$0x3] =	wrdreg $0x54800  }
0xb0: {  	[dreg:$0x4] =	wrdreg $0x9  }
0xb1: {  	_ =	task.clear_ibuf [dreg:s6], $0x5FFFF;
	_ =	strace $0x90000046  }
0xb2: {  	s29 =	simm.s32 $0x9;
	_ =	strace $0x80000048  }
0xb3: {  	_ =	swait.ge [sflag:s29], $0x1  }
0xb4: {  	[sflag:s29] =	ssyncadd.s32 $0xFFFFFFFF  }
0xb5: {  	_ =	strace $0x90000048  }
0xb6: {  	_ =	sfence  }
0xb7: {  	s30 =	sld [smem:$0x0];
	_ =	sdelay $0x2  }
0xb8: {  	s31 =	sshll.u32 s1, $0xD;
	s1 =	sshrl.u32 s1, $0x2  }
0xb9: {  	s3 =	sand.u32 $0x4000, s31;
	s1 =	sadd.s32 s1, s30  }
0xba: {  	s0 =	sor.u32 s3, s0;
	s1 =	sshll.u32 s1, $0x11  }
0xbb: {  	s0 =	sor.u32 s1, s0  }
0xbc: {  	s0 =	sadd.s32 $0x8F2B, s0  }
0xbd: {  	[sflag:s0] =	ssyncadd.remote.s32 $0x1  }
0xbe: {  	_ =	sfence.sel $0xFFFF  }
0xbf: {  	[dreg:$0x0] =	wrdreg $0xFFFFFFFF;
	(pc) =	sbr.abs _section_cstart, $3  }
0xc0: {  	[dreg:$0x1] =	wrdreg $0xFFFFFFFF  }
0xc1: {  	_ =	task.clear_ibuf [dreg:s6], $0x2FFFF;
	_ =	strace $0x9FFFFFFF  }
0xc2: {  	(tm) =	ssettm $0x7FFFFFFF  }
0xc3: {  	_ =	shalt  }
tec
execute0_lowered:
.L_overlay_start_1:
0x0: {  	(tag) =	ssettag $0x1  }
0x1: {  	s4 =	rddreg [dreg:$0x0]  }
0x2: {  	s2 =	rddreg [dreg:$0x1]  }
0x3: {  	s1 =	srdreg.scid;
	s0 =	rddreg [dreg:$0x2];
	s3 =	simm.s32 $0x0  }
0x4: {  	s10 =	simm.s32 $0x50;
	s11 =	simm.s32 $0x5400;
	s12 =	simm.s32 $0x2  }
0x5: {  	s15 =	simm.s32 $0x0;
	s5 =	sand.u32 $0x1, s1;
	s1 =	stileid.u32  }
0x6: {  	[smem:$0x7FF] =	sst s3;
	s6 =	sshll.u32 s5, $0x4;
	s7 =	smul.u32 $0x2800, s5  }
0x7: {  	s8 =	sshll.u32 s1, $0xA;
	_ =	strace $0x80000047;
	s5 =	ssub.s32 $0x2, s5  }
0x8: {  	p0 =	sgt.u32 s1, $0x9;
	s6 =	sor.u32 s1, s6;
	s31 =	sshrl.u32 s5, $0x1  }
0x9: {  	s13 =	sshll.u32 @!p0 s1, $0x6;
	s6 =	smul.u32 $0x500, s6;
	s7 =	sadd.s32 s7, s8  }
0xa: {  	s9 =	ssub.s32 s5, s31;
	s5 =	sadd.s32 s8, s2;
	s8 =	simm.s32 $0x1  }
0xb: {  	v0 =	vlaneseq.u32;
	s13 =	sor.u32 @!p0 $0x1C02, s13;
	s7 =	sshrl.u32 s7, $0x3;
	s6 =	sadd.s32 s6, s4  }
0xc: {  	v1 =	vimm.f32 $0.0e+00;
	v2 =	vor.u32 $0x10, v0;
	s14 =	sshrl.u32 @!p0 s5, $0x3;
	s7 =	sadd.s32 s7, s4;
	s4 =	sadd.s32 $0x3200, s6  }
0xd: {  	v3 =	vor.u32 $0x20, v0;
	v4 =	vor.u32 $0x30, v0;
	v5 =	vor.u32 $0x40, v0;
	s6 =	sadd.s32 $0xD200, s7;
	s7 =	smax.u32 s9, $0x1;
	s9 =	simm.s32 $0x2800  }
.LBB2_1:
0xe: {  	[tilespmem:s3], [sflag:$0x1] =	stream.linear.gather [hbm4b:s4+s3], $0x2800, $0x38;
	[tilespmem:$0x5700] =	vst v63  }
0xf: {  	s16 =	simm.s32 $0x70;
	s17 =	simm.s32 $0x3C0  }
.LBB2_2:
0x10: {  	p1 =	sne.s32 s17, $0x9FC0;
	[tilespmem:s16+$0x2800] =	vst v1  }
0x11: {  	[tilespmem:s16+$0x2790] =	vst v1  }
0x12: {  	[tilespmem:s16+$0x27A0] =	vst v1  }
.Ltmp0:
0x13: {  	[tilespmem:s16+$0x27B0] =	vst v1;
	(pc) =	sbr.rel @p1 .LBB2_2-.Ltmp0, $4  }
0x14: {  	[tilespmem:s16+$0x27C0] =	vst v1  }
0x15: {  	[tilespmem:s16+$0x27D0] =	vst v1  }
0x16: {  	[tilespmem:s16+$0x27E0] =	vst v1  }
0x17: {  	[tilespmem:s16+$0x27F0] =	vst v1;
	s16 =	sshra.s32 s17, $0x2;
	s17 =	sadd.s32 $0x200, s17  }
0x18: {  	[tilespmem:s16+$0x2800] =	vst v1  }
0x19: {  	[tilespmem:s16+$0x2790] =	vst v1  }
0x1a: {  	[tilespmem:s16+$0x27A0] =	vst v1  }
0x1b: {  	[tilespmem:s16+$0x27B0] =	vst v1  }
0x1c: {  	[tilespmem:s16+$0x27C0] =	vst v1  }
0x1d: {  	[tilespmem:s16+$0x27D0] =	vst v1  }
0x1e: {  	[tilespmem:s16+$0x27E0] =	vst v1  }
0x1f: {  	[tilespmem:s16+$0x27F0] =	vst v1  }
0x20: {  	[tilespmem:$0x5000] =	vst v1  }
0x21: {  	[tilespmem:$0x5010] =	vst v1  }
0x22: {  	[tilespmem:$0x5020] =	vst v1  }
0x23: {  	[tilespmem:$0x5030] =	vst v1  }
0x24: {  	[tilespmem:$0x5040] =	vst v1  }
0x25: {  	[tilespmem:$0x5050] =	vst v1  }
0x26: {  	[tilespmem:$0x5060] =	vst v1  }
0x27: {  	[tilespmem:$0x5070] =	vst v1  }
0x28: {  	[tilespmem:$0x5080] =	vst v1  }
0x29: {  	[tilespmem:$0x5090] =	vst v1  }
0x2a: {  	[tilespmem:$0x50A0] =	vst v1  }
0x2b: {  	[tilespmem:$0x50B0] =	vst v1  }
0x2c: {  	[tilespmem:$0x50C0] =	vst v1  }
0x2d: {  	[tilespmem:$0x50D0] =	vst v1  }
0x2e: {  	[tilespmem:$0x50E0] =	vst v1  }
0x2f: {  	[tilespmem:$0x50F0] =	vst v1  }
0x30: {  	[tilespmem:$0x5100] =	vst v1  }
0x31: {  	[tilespmem:$0x5110] =	vst v1  }
0x32: {  	[tilespmem:$0x5120] =	vst v1  }
0x33: {  	[tilespmem:$0x5130] =	vst v1  }
0x34: {  	[tilespmem:$0x5140] =	vst v1  }
0x35: {  	[tilespmem:$0x5150] =	vst v1  }
0x36: {  	[tilespmem:$0x5160] =	vst v1  }
0x37: {  	[tilespmem:$0x5170] =	vst v1  }
0x38: {  	[tilespmem:$0x5180] =	vst v1  }
0x39: {  	[tilespmem:$0x5190] =	vst v1  }
0x3a: {  	[tilespmem:$0x51A0] =	vst v1  }
0x3b: {  	[tilespmem:$0x51B0] =	vst v1  }
0x3c: {  	[tilespmem:$0x51C0] =	vst v1  }
0x3d: {  	[tilespmem:$0x51D0] =	vst v1  }
0x3e: {  	[tilespmem:$0x51E0] =	vst v1  }
0x3f: {  	[tilespmem:$0x51F0] =	vst v1  }
0x40: {  	[tilespmem:$0x5200] =	vst v1  }
0x41: {  	[tilespmem:$0x5210] =	vst v1  }
0x42: {  	[tilespmem:$0x5220] =	vst v1  }
0x43: {  	[tilespmem:$0x5230] =	vst v1  }
0x44: {  	[tilespmem:$0x5240] =	vst v1  }
0x45: {  	[tilespmem:$0x5250] =	vst v1  }
0x46: {  	[tilespmem:$0x5260] =	vst v1  }
0x47: {  	[tilespmem:$0x5270] =	vst v1  }
0x48: {  	[tilespmem:$0x5280] =	vst v1  }
0x49: {  	[tilespmem:$0x5290] =	vst v1  }
0x4a: {  	[tilespmem:$0x52A0] =	vst v1  }
0x4b: {  	[tilespmem:$0x52B0] =	vst v1  }
0x4c: {  	[tilespmem:$0x52C0] =	vst v1  }
0x4d: {  	[tilespmem:$0x52D0] =	vst v1  }
0x4e: {  	[tilespmem:$0x52E0] =	vst v1  }
0x4f: {  	[tilespmem:$0x52F0] =	vst v1  }
0x50: {  	[tilespmem:$0x5300] =	vst v1  }
0x51: {  	[tilespmem:$0x5310] =	vst v1  }
0x52: {  	[tilespmem:$0x5320] =	vst v1  }
0x53: {  	[tilespmem:$0x5330] =	vst v1  }
0x54: {  	[tilespmem:$0x5340] =	vst v1  }
0x55: {  	[tilespmem:$0x5350] =	vst v1  }
0x56: {  	[tilespmem:$0x5360] =	vst v1  }
0x57: {  	[tilespmem:$0x5370] =	vst v1  }
0x58: {  	[tilespmem:$0x5380] =	vst v1  }
0x59: {  	[tilespmem:$0x5390] =	vst v1  }
0x5a: {  	[tilespmem:$0x53A0] =	vst v1  }
0x5b: {  	[tilespmem:$0x53B0] =	vst v1  }
0x5c: {  	[tilespmem:$0x53C0] =	vst v1  }
0x5d: {  	[tilespmem:$0x53D0] =	vst v1  }
0x5e: {  	[tilespmem:$0x53E0] =	vst v1  }
0x5f: {  	[tilespmem:$0x53F0] =	vst v1  }
0x60: {  	[tilespmem:$0x5400] =	vst v0  }
0x61: {  	[tilespmem:$0x5410] =	vst v2  }
0x62: {  	[tilespmem:$0x5420] =	vst v3  }
0x63: {  	[tilespmem:$0x5430] =	vst v4  }
0x64: {  	s16 =	simm.s32 @!p0 $0x5000;
	[tilespmem:$0x5440] =	vst v5  }
0x65: {  	[spmem:s5] =	stream.linear.scatter @!p0 [tilespmem:s16], [sflag:$0x2], $0x400, $0x38;
	[tilespmem:$0x5700] =	vst v63  }
0x66: {  	s16 =	simm.s32 @!p0 $0x2  }
0x67: {  	_ =	swait.ge @!p0 [sflag:s16], $0x400  }
0x68: {  	[sflag:s16] =	ssyncset.done @!p0 $0x0  }
0x69: {  	[sflag:s16] =	ssyncadd.s32 @!p0 $0xFFFFFC00  }
0x6a: {  	_ =	swait.ge [sflag:s8], $0x2800  }
0x6b: {  	[sflag:s8] =	ssyncset.done $0x0  }
0x6c: {  	[sflag:s8] =	ssyncadd.s32 $0xFFFFD800  }
0x6d: {  	s16 =	simm.s32 $0x1C0;
	[bflag:$0x0] =	sbarrier.arrive $0xFFFF  }
.LBB2_4:
0x6e: {  	s17 =	sshra.s32 s16, $0x2  }
0x6f: {  	v6 =	vld [tilespmem:s17+$0xFFFFFF90];
	_ =	sdelay $0x4  }
0x70: {  	(xrf1) =	vunique.msk.u32 $0xffff, v6;
	_ =	sdelay $0xd  }
0x71: {  	_, v7, vm0 =	vpop (xrf1);
	_ =	sdelay $0x3  }
0x72: {  	v7 =	vcvt.s32.f32 v7;
	_ =	sdelay $0x1  }
0x73: {  	[tilespmem:v6+s9+$0x0] =	vst.idx.add.f32.msk vm0, v7  }
0x74: {  	v6 =	vld [tilespmem:s17+$0xFFFFFFA0];
	_ =	sdelay $0x4  }
0x75: {  	(xrf1) =	vunique.msk.u32 $0xffff, v6;
	_ =	sdelay $0xd  }
0x76: {  	_, v7, vm0 =	vpop (xrf1);
	_ =	sdelay $0x3  }
0x77: {  	v7 =	vcvt.s32.f32 v7;
	_ =	sdelay $0x1  }
0x78: {  	[tilespmem:v6+s9+$0x0] =	vst.idx.add.f32.msk vm0, v7  }
0x79: {  	v6 =	vld [tilespmem:s17+$0xFFFFFFB0];
	_ =	sdelay $0x4  }
0x7a: {  	(xrf1) =	vunique.msk.u32 $0xffff, v6;
	_ =	sdelay $0xd  }
0x7b: {  	_, v7, vm0 =	vpop (xrf1);
	_ =	sdelay $0x3  }
0x7c: {  	v7 =	vcvt.s32.f32 v7;
	_ =	sdelay $0x1  }
0x7d: {  	[tilespmem:v6+s9+$0x0] =	vst.idx.add.f32.msk vm0, v7  }
0x7e: {  	v6 =	vld [tilespmem:s17+$0xFFFFFFC0];
	_ =	sdelay $0x4  }
0x7f: {  	(xrf1) =	vunique.msk.u32 $0xffff, v6;
	_ =	sdelay $0xd  }
0x80: {  	_, v7, vm0 =	vpop (xrf1);
	_ =	sdelay $0x3  }
0x81: {  	v7 =	vcvt.s32.f32 v7;
	_ =	sdelay $0x1  }
0x82: {  	[tilespmem:v6+s9+$0x0] =	vst.idx.add.f32.msk vm0, v7  }
0x83: {  	v6 =	vld [tilespmem:s17+$0xFFFFFFD0];
	_ =	sdelay $0x4  }
0x84: {  	(xrf1) =	vunique.msk.u32 $0xffff, v6;
	_ =	sdelay $0xd  }
0x85: {  	_, v7, vm0 =	vpop (xrf1);
	_ =	sdelay $0x3  }
0x86: {  	v7 =	vcvt.s32.f32 v7;
	_ =	sdelay $0x1  }
0x87: {  	[tilespmem:v6+s9+$0x0] =	vst.idx.add.f32.msk vm0, v7  }
0x88: {  	v6 =	vld [tilespmem:s17+$0xFFFFFFE0];
	_ =	sdelay $0x4  }
0x89: {  	(xrf1) =	vunique.msk.u32 $0xffff, v6;
	_ =	sdelay $0xd  }
0x8a: {  	_, v7, vm0 =	vpop (xrf1);
	_ =	sdelay $0x3  }
0x8b: {  	v7 =	vcvt.s32.f32 v7;
	_ =	sdelay $0x1  }
0x8c: {  	[tilespmem:v6+s9+$0x0] =	vst.idx.add.f32.msk vm0, v7  }
0x8d: {  	v6 =	vld [tilespmem:s17+$0xFFFFFFF0];
	_ =	sdelay $0x4  }
0x8e: {  	(xrf1) =	vunique.msk.u32 $0xffff, v6;
	_ =	sdelay $0xd  }
0x8f: {  	_, v7, vm0 =	vpop (xrf1);
	_ =	sdelay $0x3  }
0x90: {  	v7 =	vcvt.s32.f32 v7;
	_ =	sdelay $0x1  }
0x91: {  	[tilespmem:v6+s9+$0x0] =	vst.idx.add.f32.msk vm0, v7  }
0x92: {  	v6 =	vld [tilespmem:s17+$0x0];
	_ =	sdelay $0x4  }
0x93: {  	(xrf1) =	vunique.msk.u32 $0xffff, v6;
	_ =	sdelay $0xd  }
0x94: {  	_, v7, vm0 =	vpop (xrf1)  }
0x95: {  	p1 =	sne.s32 s16, $0x9FC0  }
.Ltmp1:
0x96: {  	_ = 	snop;
	(pc) =	sbr.rel @p1 .LBB2_4-.Ltmp1, $3  }
0x97: {  	_ = 	snop  }
0x98: {  	v7 =	vcvt.s32.f32 v7;
	_ =	sdelay $0x1  }
0x99: {  	s16 =	sadd.s32 $0x200, s16;
	[tilespmem:v6+s9+$0x0] =	vst.idx.add.f32.msk vm0, v7  }
0x9a: {  	[spmem:s2] =	stream.indirect.scatter.add.f32 [tilespmem:s9], [sflag:$0x2], $0x80, s11, s10, $0xb8;
	[tilespmem:$0x5700] =	vst v63  }
0x9b: {  	_ =	swait.ge [sflag:s12], $0x2800  }
0x9c: {  	s15 =	sadd.s32 $0x1, s15;
	[sflag:s12] =	ssyncset.done $0x0  }
0x9d: {  	p1 =	sne.s32 s15, s7;
	[sflag:s12] =	ssyncadd.s32 $0xFFFFD800  }
.Ltmp2:
0x9e: {  	s16 =	simm.s32 @!p0 $0x2;
	[bflag:$0x0] =	sbarrier.arrive $0xFFFF;
	(pc) =	sbr.rel @p1 .LBB2_1-.Ltmp2, $4  }
0x9f: {  	[hbm:s6], [sflag:s13] =	dma.local @!p0 [spmem:s14], $0x80  }
0xa0: {  	_ =	swait.ge @!p0 [sflag:s16], $0x80  }
0xa1: {  	[sflag:s16] =	ssyncset.done @!p0 $0x0  }
0xa2: {  	[sflag:s16] =	ssyncadd.s32 @!p0 $0xFFFFFF80  }
0xa3: {  	_ =	sfence.sel $0x180000  }
0xa4: {  	[bflag:$0x0] =	sbarrier.arrive $0xFFFF  }
0xa5: {  	p0 =	sne.s32 s1, $0x0;
	_ =	strace $0x90000047  }
0xa6: {  	s0 =	sadd.s32 @!p0 $0x100000, s0;
	[bflag:$0x2] =	sbarrier.arrive $0xFFFF  }
0xa7: {  	[sflag:s0] =	ssyncadd.tile.s32 @!p0 $0x1;
	_ =	shalt  }
.Lfunc_end2:
_tile_overlayer_lowered:
.L_overlay_start_2:
0xa8: {  	(tag) =	ssettag $0x2  }
0xa9: {  	s0 =	rddreg [dreg:$0x0];
	s2 =	stileid.u32  }
0xaa: {  	s1 =	rddreg [dreg:$0x1];
	p0 =	sne.s32 s2, $0x0  }
0xab: {  	s3 =	rddreg [dreg:$0x2];
	[bflag:$0x3] =	sbarrier.arrive $0xFFFF;
	s2 =	simm.s32 @!p0 $0x1C02  }
0xac: {  	[timem:s3], [sflag:s2] =	dma.local @!p0 [hbm:s0], s1  }
0xad: {  	s0 =	simm.s32 @!p0 $0x2  }
0xae: {  	_ =	swait.ge @!p0 [sflag:s0], s1  }
0xaf: {  	s1 =	ssub.s32 @!p0 $0x0, s1;
	[sflag:s0] =	ssyncset.done @!p0 $0x0  }
0xb0: {  	[sflag:s0] =	ssyncadd.s32 @!p0 s1  }
0xb1: {  	[bflag:$0x3] =	sbarrier.arrive $0xFFFF  }
0xb2: {  	_ =	shalt  }

</sc_bundles>
